<compile_context>
chip_gen: v7x
topology: tpu7x:2x2x1
jax: 0.10.2.dev20260603
libtpu: 0.0.44.dev20260713+nightly
codegen_flags: <defaults>
</compile_context>

<pallas_src>
import functools
import jax
import jax.numpy as jnp
from jax import lax
from jax.experimental import pallas as pl
from jax.experimental.pallas import tpu as pltpu
from jax.experimental.pallas import tpu_sc as plsc

N = 10000
E = 320000
F = 128
G = 64

_NC = 2
_NS = 16
_K = 128
_EP = E // _NS
_NCHUNK = 156
_KT = _EP - _NCHUNK * _K
_TOFF = _NCHUNK * _K
_RT = 624
_CZ = 104
_NCOPY = _RT // _CZ
_TAIL = N - _NS * _RT


def _sc_segsum_body(with_cnt,
                    x_sc, x_fc, src_sc, dst_sc, src_fc, dst_fc,
                    out_sum, out_cnt,
                    idx0, idx1, dst0, dst1, rows0, rows1,
                    idxT, dstT, rowsT, zc1_v, ones1_v,
                    acc_sh, cnt_sh,
                    gsem0, gsem1, ssem0, ssem1, isem0, isem1, csem0, csem1):
  c = lax.axis_index("c")
  s = lax.axis_index("s")

  def _init_rows(i, _):
    def _init_lane(j, _):
      rows0[i, pl.ds(j * 16, 16)] = jnp.zeros((16,), jnp.float32)
      return 0
    lax.fori_loop(0, F // 16, _init_lane, 0)
    return 0
  lax.fori_loop(0, _CZ, _init_rows, 0)

  def _init_1d(i, _):
    zc1_v[pl.ds(i * 16, 16)] = jnp.zeros((16,), jnp.float32)
    return 0
  lax.fori_loop(0, _RT // 16, _init_1d, 0)

  if with_cnt:
    def _init_ones(i, _):
      ones1_v[pl.ds(i * 16, 16)] = jnp.ones((16,), jnp.float32)
      return 0
    lax.fori_loop(0, _K // 16, _init_ones, 0)

  for j in range(_NCOPY):
    r0 = s * _RT + j * _CZ
    pltpu.sync_copy(rows0.at[pl.ds(0, _CZ)], acc_sh.at[pl.ds(r0, _CZ)])
  if with_cnt:
    pltpu.sync_copy(zc1_v, cnt_sh.at[pl.ds(s * _RT, _RT)])

  @pl.when(s == 0)
  def _():
    pltpu.sync_copy(rows0.at[pl.ds(0, _TAIL)],
                    acc_sh.at[pl.ds(_NS * _RT, _TAIL)])
    if with_cnt:
      pltpu.sync_copy(zc1_v.at[pl.ds(0, _TAIL)],
                      cnt_sh.at[pl.ds(_NS * _RT, _TAIL)])

  plsc.subcore_barrier()

  def _process(x_ref, src_ref, dst_ref):
    bufs = ((idx0, dst0, rows0, gsem0, ssem0, isem0, csem0),
            (idx1, dst1, rows1, gsem1, ssem1, isem1, csem1))

    def idx_start(chunk, b):
      iv, dv, _, _, _, isem, _ = bufs[b]
      off = s * _EP + chunk * _K
      pltpu.async_copy(src_ref.at[pl.ds(off, _K)], iv, isem)
      pltpu.async_copy(dst_ref.at[pl.ds(off, _K)], dv, isem)

    def idx_wait(b):
      iv, dv, _, _, _, isem, _ = bufs[b]
      pltpu.make_async_copy(src_ref.at[pl.ds(0, _K)], iv, isem).wait()
      pltpu.make_async_copy(dst_ref.at[pl.ds(0, _K)], dv, isem).wait()

    def g_start(b):
      iv, _, rv, gsem, _, _, _ = bufs[b]
      pltpu.async_copy(x_ref.at[iv], rv, gsem)

    def g_wait(b):
      iv, _, rv, gsem, _, _, _ = bufs[b]
      pltpu.make_async_copy(x_ref.at[iv], rv, gsem).wait()

    def s_start(b):
      _, dv, rv, _, ssem, _, csem = bufs[b]
      pltpu.async_copy(rv, acc_sh.at[dv], ssem, add=True)
      if with_cnt:
        pltpu.async_copy(ones1_v, cnt_sh.at[dv], csem, add=True)

    def s_wait(b):
      _, dv, rv, _, ssem, _, csem = bufs[b]
      pltpu.make_async_copy(rv, acc_sh.at[dv], ssem).wait()
      if with_cnt:
        pltpu.make_async_copy(ones1_v, cnt_sh.at[dv], csem).wait()

    idx_start(0, 0)
    idx_wait(0)
    idx_start(1, 1)
    g_start(0)

    def body(j, _):
      g_wait(0)
      s_start(0)
      idx_wait(1)
      g_start(1)
      s_wait(0)

      @pl.when(2 * j + 2 < _NCHUNK)
      def _():
        idx_start(2 * j + 2, 0)

      g_wait(1)
      s_start(1)

      @pl.when(2 * j + 2 < _NCHUNK)
      def _():
        idx_wait(0)
        g_start(0)

      s_wait(1)

      @pl.when(2 * j + 3 < _NCHUNK)
      def _():
        idx_start(2 * j + 3, 1)

      return 0
    lax.fori_loop(0, _NCHUNK // 2, body, 0)

    offT = s * _EP + _TOFF
    pltpu.sync_copy(src_ref.at[pl.ds(offT, _KT)], idxT)
    pltpu.sync_copy(dst_ref.at[pl.ds(offT, _KT)], dstT)
    pltpu.async_copy(x_ref.at[idxT], rowsT, gsem0).wait()
    pltpu.sync_copy(rowsT, acc_sh.at[dstT], add=True)
    if with_cnt:
      pltpu.sync_copy(ones1_v.at[pl.ds(0, _KT)], cnt_sh.at[dstT], add=True)

  @pl.when(c == 0)
  def _():
    _process(x_sc, src_sc, dst_sc)

  @pl.when(c == 1)
  def _():
    _process(x_fc, src_fc, dst_fc)

  plsc.subcore_barrier()

  for j in range(_NCOPY):
    r0 = s * _RT + j * _CZ
    pltpu.sync_copy(acc_sh.at[pl.ds(r0, _CZ)], rows0.at[pl.ds(0, _CZ)])
    pltpu.sync_copy(rows0.at[pl.ds(0, _CZ)], out_sum.at[c, pl.ds(r0, _CZ)])
  if with_cnt:
    pltpu.sync_copy(cnt_sh.at[pl.ds(s * _RT, _RT)], zc1_v)
    pltpu.sync_copy(zc1_v, out_cnt.at[pl.ds(c * N + s * _RT, _RT)])

  @pl.when(s == 0)
  def _():
    r0 = _NS * _RT
    pltpu.sync_copy(acc_sh.at[pl.ds(r0, _TAIL)], rows0.at[pl.ds(0, _TAIL)])
    pltpu.sync_copy(rows0.at[pl.ds(0, _TAIL)], out_sum.at[c, pl.ds(r0, _TAIL)])
    if with_cnt:
      pltpu.sync_copy(cnt_sh.at[pl.ds(r0, _TAIL)], zc1_v.at[pl.ds(0, _TAIL)])
      pltpu.sync_copy(zc1_v.at[pl.ds(0, _TAIL)],
                      out_cnt.at[pl.ds(c * N + r0, _TAIL)])


def _sc_segsum(x_sc, x_fc, src_sc, dst_sc, src_fc, dst_fc, with_cnt=True):
  mesh = plsc.VectorSubcoreMesh(core_axis_name="c", subcore_axis_name="s",
                                num_cores=_NC, num_subcores=_NS)
  f = pl.kernel(
      functools.partial(_sc_segsum_body, with_cnt),
      mesh=mesh,
      out_type=[
          jax.ShapeDtypeStruct((_NC, N, F), jnp.float32),
          jax.ShapeDtypeStruct((_NC * N,), jnp.float32),
      ],
      scratch_types=[
          pltpu.VMEM((_K,), jnp.int32),
          pltpu.VMEM((_K,), jnp.int32),
          pltpu.VMEM((_K,), jnp.int32),
          pltpu.VMEM((_K,), jnp.int32),
          pltpu.VMEM((_K, F), jnp.float32),
          pltpu.VMEM((_K, F), jnp.float32),
          pltpu.VMEM((_KT,), jnp.int32),
          pltpu.VMEM((_KT,), jnp.int32),
          pltpu.VMEM((_KT, F), jnp.float32),
          pltpu.VMEM((_RT,), jnp.float32),
          pltpu.VMEM((_K,), jnp.float32),
          pltpu.VMEM_SHARED((N, F), jnp.float32),
          pltpu.VMEM_SHARED((N,), jnp.float32),
          pltpu.SemaphoreType.DMA,
          pltpu.SemaphoreType.DMA,
          pltpu.SemaphoreType.DMA,
          pltpu.SemaphoreType.DMA,
          pltpu.SemaphoreType.DMA,
          pltpu.SemaphoreType.DMA,
          pltpu.SemaphoreType.DMA,
          pltpu.SemaphoreType.DMA,
      ],
  )
  return f(x_sc, x_fc, src_sc, dst_sc, src_fc, dst_fc)



_R = 5000
_GRID = N // _R


def _tc_layer_body(batch_ref, x_sc_ref, x_fc_ref, sum_ref, cnt_ref,
                   wrel_sc_ref, wroot_sc_ref, brel_sc_ref,
                   wrel_fc_ref, wroot_fc_ref, brel_fc_ref,
                   h_sc_ref, h_fc_ref, p_sc_ref, p_fc_ref):
  step = pl.program_id(0)
  batch = batch_ref[0, 0, :]
  onehot = (jax.lax.broadcasted_iota(jnp.int32, (G, _R), 0)
            == batch[None, :]).astype(jnp.float32)

  for b, (x_ref, wrel_ref, wroot_ref, brel_ref, h_ref, p_ref) in enumerate([
      (x_sc_ref, wrel_sc_ref, wroot_sc_ref, brel_sc_ref, h_sc_ref, p_sc_ref),
      (x_fc_ref, wrel_fc_ref, wroot_fc_ref, brel_fc_ref, h_fc_ref, p_fc_ref),
  ]):
    cnt = jnp.maximum(cnt_ref[b, :, 0], 1.0)[:, None]
    agg = sum_ref[b] / cnt
    x = x_ref[...]
    h = jnp.dot(agg, wrel_ref[...], preferred_element_type=jnp.float32)
    h = h + jnp.dot(x, wroot_ref[...], preferred_element_type=jnp.float32)
    h = jnp.maximum(h + brel_ref[...][None, :], 0.0)
    h_ref[...] = h
    part = jnp.dot(onehot, h, preferred_element_type=jnp.float32)

    @pl.when(step == 0)
    def _():
      p_ref[...] = part

    @pl.when(step != 0)
    def _():
      p_ref[...] += part


def _tc_layer(batch3, x_sc, x_fc, sums, cnts,
              wrel_sc, wroot_sc, brel_sc, wrel_fc, wroot_fc, brel_fc):
  full = lambda shape: pl.BlockSpec(shape, lambda i: tuple(0 for _ in shape))
  return pl.pallas_call(
      _tc_layer_body,
      grid=(_GRID,),
      in_specs=[
          pl.BlockSpec((1, 1, _R), lambda i: (i, 0, 0)),
          pl.BlockSpec((_R, F), lambda i: (i, 0)),
          pl.BlockSpec((_R, F), lambda i: (i, 0)),
          pl.BlockSpec((_NC, _R, F), lambda i: (0, i, 0)),
          pl.BlockSpec((_NC, _R, 1), lambda i: (0, i, 0)),
          full((F, F)), full((F, F)), full((F,)),
          full((F, F)), full((F, F)), full((F,)),
      ],
      out_specs=[
          pl.BlockSpec((_R, F), lambda i: (i, 0)),
          pl.BlockSpec((_R, F), lambda i: (i, 0)),
          pl.BlockSpec((G, F), lambda i: (0, 0)),
          pl.BlockSpec((G, F), lambda i: (0, 0)),
      ],
      out_shape=[
          jax.ShapeDtypeStruct((N, F), jnp.float32),
          jax.ShapeDtypeStruct((N, F), jnp.float32),
          jax.ShapeDtypeStruct((G, F), jnp.float32),
          jax.ShapeDtypeStruct((G, F), jnp.float32),
      ],
  )(batch3, x_sc, x_fc, sums, cnts,
    wrel_sc, wroot_sc, brel_sc, wrel_fc, wroot_fc, brel_fc)


def _tc_layer2_body(batch_ref, x_sc_ref, x_fc_ref, sum_ref, cnt_ref,
                    wrel_sc_ref, wroot_sc_ref, brel_sc_ref,
                    wrel_fc_ref, wroot_fc_ref, brel_fc_ref,
                    p1s_ref, p1f_ref,
                    w1_ref, b1_ref, w2_ref, b2_ref, w3_ref, b3_ref,
                    out_ref, p_sc_ref, p_fc_ref):
  step = pl.program_id(0)
  batch = batch_ref[0, 0, :]
  onehot = (jax.lax.broadcasted_iota(jnp.int32, (G, _R), 0)
            == batch[None, :]).astype(jnp.float32)

  for b, (x_ref, wrel_ref, wroot_ref, brel_ref, p_ref) in enumerate([
      (x_sc_ref, wrel_sc_ref, wroot_sc_ref, brel_sc_ref, p_sc_ref),
      (x_fc_ref, wrel_fc_ref, wroot_fc_ref, brel_fc_ref, p_fc_ref),
  ]):
    cnt = jnp.maximum(cnt_ref[b, :, 0], 1.0)[:, None]
    agg = sum_ref[b] / cnt
    x = x_ref[...]
    h = jnp.dot(agg, wrel_ref[...], preferred_element_type=jnp.float32)
    h = h + jnp.dot(x, wroot_ref[...], preferred_element_type=jnp.float32)
    h = jnp.maximum(h + brel_ref[...][None, :], 0.0)
    part = jnp.dot(onehot, h, preferred_element_type=jnp.float32)

    @pl.when(step == 0)
    def _():
      p_ref[...] = part

    @pl.when(step != 0)
    def _():
      p_ref[...] += part

  @pl.when(step == _GRID - 1)
  def _():
    xcat = jnp.concatenate(
        [p1s_ref[...], p_sc_ref[...], p1f_ref[...], p_fc_ref[...]], axis=1)
    x = jnp.maximum(
        jnp.dot(xcat, w1_ref[...], preferred_element_type=jnp.float32)
        + b1_ref[...][None, :], 0.0)
    x = jnp.maximum(
        jnp.dot(x, w2_ref[...], preferred_element_type=jnp.float32)
        + b2_ref[...][None, :], 0.0)
    x = (jnp.dot(x, w3_ref[...], preferred_element_type=jnp.float32)
         + b3_ref[...][None, :])
    m = jnp.max(x, axis=-1, keepdims=True)
    lse = m + jnp.log(jnp.sum(jnp.exp(x - m), axis=-1, keepdims=True))
    out_ref[...] = x - lse


def _tc_layer2(batch3, x_sc, x_fc, sums, cnts,
               wrel_sc, wroot_sc, brel_sc, wrel_fc, wroot_fc, brel_fc,
               p1s, p1f, w1, b1, w2, b2, w3, b3):
  full = lambda shape: pl.BlockSpec(shape, lambda i: tuple(0 for _ in shape))
  out, _, _ = pl.pallas_call(
      _tc_layer2_body,
      grid=(_GRID,),
      in_specs=[
          pl.BlockSpec((1, 1, _R), lambda i: (i, 0, 0)),
          pl.BlockSpec((_R, F), lambda i: (i, 0)),
          pl.BlockSpec((_R, F), lambda i: (i, 0)),
          pl.BlockSpec((_NC, _R, F), lambda i: (0, i, 0)),
          pl.BlockSpec((_NC, _R, 1), lambda i: (0, i, 0)),
          full((F, F)), full((F, F)), full((F,)),
          full((F, F)), full((F, F)), full((F,)),
          full((G, F)), full((G, F)),
          full((2 * 2 * F, F)), full((F,)),
          full((F, F // 2)), full((F // 2,)),
          full((F // 2, 2)), full((2,)),
      ],
      out_specs=[
          pl.BlockSpec((G, 2), lambda i: (0, 0)),
          pl.BlockSpec((G, F), lambda i: (0, 0)),
          pl.BlockSpec((G, F), lambda i: (0, 0)),
      ],
      out_shape=[
          jax.ShapeDtypeStruct((G, 2), jnp.float32),
          jax.ShapeDtypeStruct((G, F), jnp.float32),
          jax.ShapeDtypeStruct((G, F), jnp.float32),
      ],
  )(batch3, x_sc, x_fc, sums, cnts,
    wrel_sc, wroot_sc, brel_sc, wrel_fc, wroot_fc, brel_fc,
    p1s, p1f, w1, b1, w2, b2, w3, b3)
  return out


@jax.jit
def kernel(sc_x, fc_x, sc_edge_index, fc_edge_index, batch,
           sc1_Wrel, sc1_brel, sc1_Wroot, sc2_Wrel, sc2_brel, sc2_Wroot,
           fc1_Wrel, fc1_brel, fc1_Wroot, fc2_Wrel, fc2_brel, fc2_Wroot,
           W1, b1, W2, b2, W3, b3):
  src_sc, dst_sc = sc_edge_index[0], sc_edge_index[1]
  src_fc, dst_fc = fc_edge_index[0], fc_edge_index[1]
  batch3 = batch.reshape(_GRID, 1, _R)

  sums1, cnt_flat = _sc_segsum(sc_x, fc_x, src_sc, dst_sc, src_fc, dst_fc)
  cnts = cnt_flat.reshape(_NC, N, 1)
  h1_sc, h1_fc, p1_sc, p1_fc = _tc_layer(
      batch3, sc_x, fc_x, sums1, cnts,
      sc1_Wrel, sc1_Wroot, sc1_brel, fc1_Wrel, fc1_Wroot, fc1_brel)

  sums2, _ = _sc_segsum(h1_sc, h1_fc, src_sc, dst_sc, src_fc, dst_fc,
                        with_cnt=False)
  return _tc_layer2(
      batch3, h1_sc, h1_fc, sums2, cnts,
      sc2_Wrel, sc2_Wroot, sc2_brel, fc2_Wrel, fc2_Wroot, fc2_brel,
      p1_sc, p1_fc, W1, b1, W2, b2, W3, b3)

# --- scband reference (transcript-rebuilt; emitter-appended) ---
"""Pipeline reference for scband-graph-unet-18657337933856 (READ-ONLY COPY).

The authoritative reference and input builder live on the scoring server;
editing this copy changes nothing except your own understanding.
"""

import jax, jax.numpy as jnp
import numpy as np

N = 10000
E = 320000
F_FEAT = 128
H = 128
G = 64
C = 2

def _lin_init(key, shape):
    scale = 1.0 / np.sqrt(shape[0])
    return jax.random.uniform(key, shape, jnp.float32, -scale, scale)

def _graph_conv_mean(x, edge_index, Wrel, brel, Wroot):
    # PyG GraphConv with aggr='mean': out = lin_rel(mean_{j->i} x_j) + lin_root(x_i)
    src = edge_index[0]
    dst = edge_index[1]
    agg = jax.ops.segment_sum(x[src], dst, num_segments=x.shape[0])
    cnt = jax.ops.segment_sum(jnp.ones((edge_index.shape[1],), x.dtype), dst, num_segments=x.shape[0])
    agg = agg / jnp.maximum(cnt, 1.0)[:, None]
    return agg @ Wrel + brel + x @ Wroot

def setup_inputs(seed: int = 0):
    key = jax.random.key(seed)
    ks = jax.random.split(key, 24)
    inp = {}
    inp['sc_x'] = jax.random.normal(ks[0], (N, F_FEAT), jnp.float32)
    inp['fc_x'] = jax.random.normal(ks[1], (N, F_FEAT), jnp.float32)
    inp['sc_edge_index'] = jax.random.randint(ks[2], (2, E), 0, N, jnp.int32)
    inp['fc_edge_index'] = jax.random.randint(ks[3], (2, E), 0, N, jnp.int32)
    inp['batch'] = jnp.sort(jax.random.randint(ks[4], (N,), 0, G, jnp.int32))
    i = 5
    for nm, di, do in [('sc1', F_FEAT, H), ('sc2', H, H), ('fc1', F_FEAT, H), ('fc2', H, H)]:
        inp[nm + '_Wrel'] = _lin_init(ks[i], (di, do)); i += 1
        inp[nm + '_brel'] = jnp.zeros((do,), jnp.float32)
        inp[nm + '_Wroot'] = _lin_init(ks[i], (di, do)); i += 1
    inp['W1'] = _lin_init(ks[i], (2 * 2 * H, H)); i += 1  # num_layers * hidden * 2
    inp['b1'] = jnp.zeros((H,), jnp.float32)
    inp['W2'] = _lin_init(ks[i], (H, H // 2)); i += 1
    inp['b2'] = jnp.zeros((H // 2,), jnp.float32)
    inp['W3'] = _lin_init(ks[i], (H // 2, C)); i += 1
    inp['b3'] = jnp.zeros((C,), jnp.float32)
    return inp

def reference(sc_x, fc_x, sc_edge_index, fc_edge_index, batch,
              sc1_Wrel, sc1_brel, sc1_Wroot, sc2_Wrel, sc2_brel, sc2_Wroot,
              fc1_Wrel, fc1_brel, fc1_Wroot, fc2_Wrel, fc2_brel, fc2_Wroot,
              W1, b1, W2, b2, W3, b3):
    # num_layers=2 => the TopKPooling condition (i % 2 == 0 and i < len(convs)-1) is never true,
    # so batch/edge_index are never coarsened; JumpingKnowledge(mode='cat') over per-layer global_add_pool.
    def branch(x, ei, p1, p2):
        h = jax.nn.relu(_graph_conv_mean(x, ei, *p1))
        xs = [jax.ops.segment_sum(h, batch, num_segments=G)]
        h = jax.nn.relu(_graph_conv_mean(h, ei, *p2))
        xs.append(jax.ops.segment_sum(h, batch, num_segments=G))
        return jnp.concatenate(xs, axis=1)
    sc_out = branch(sc_x, sc_edge_index, (sc1_Wrel, sc1_brel, sc1_Wroot), (sc2_Wrel, sc2_brel, sc2_Wroot))
    fc_out = branch(fc_x, fc_edge_index, (fc1_Wrel, fc1_brel, fc1_Wroot), (fc2_Wrel, fc2_brel, fc2_Wroot))
    x = jnp.concatenate([sc_out, fc_out], axis=1)
    x = jax.nn.relu(x @ W1 + b1)
    # dropout is identity in eval mode
    x = jax.nn.relu(x @ W2 + b2)
    x = x @ W3 + b3
    return jax.nn.log_softmax(x, axis=-1)

if __name__ == "__main__":
    import jax
    _d = setup_inputs()
    print(jax.jit(kernel)(*tuple(_d.values())))

</pallas_src>

<mosaic_0001>
#map = affine_map<(d0, d1) -> (0, 0)>
#map1 = affine_map<(d0, d1) -> (0)>
#map2 = affine_map<(d0, d1) -> (0, 0, 0)>
module attributes {stable_mosaic.version = 14 : i64} {
  func.func @_sc_segsum_body(%arg0: i32, %arg1: i32, %arg2: memref<10000x128xf32, #tpu.memory_space<hbm>>, %arg3: memref<10000x128xf32, #tpu.memory_space<hbm>>, %arg4: memref<320000xi32, #tpu.memory_space<hbm>>, %arg5: memref<320000xi32, #tpu.memory_space<hbm>>, %arg6: memref<320000xi32, #tpu.memory_space<hbm>>, %arg7: memref<320000xi32, #tpu.memory_space<hbm>>, %arg8: memref<2x10000x128xf32, #tpu.memory_space<hbm>>, %arg9: memref<20000xf32, #tpu.memory_space<hbm>>, %arg10: memref<128xi32, #tpu.memory_space<vmem>>, %arg11: memref<128xi32, #tpu.memory_space<vmem>>, %arg12: memref<128xi32, #tpu.memory_space<vmem>>, %arg13: memref<128xi32, #tpu.memory_space<vmem>>, %arg14: memref<128x128xf32, #tpu.memory_space<vmem>>, %arg15: memref<128x128xf32, #tpu.memory_space<vmem>>, %arg16: memref<32xi32, #tpu.memory_space<vmem>>, %arg17: memref<32xi32, #tpu.memory_space<vmem>>, %arg18: memref<32x128xf32, #tpu.memory_space<vmem>>, %arg19: memref<624xf32, #tpu.memory_space<vmem>>, %arg20: memref<128xf32, #tpu.memory_space<vmem>>, %arg21: memref<10000x128xf32, #tpu.memory_space<vmem_shared>>, %arg22: memref<10000xf32, #tpu.memory_space<vmem_shared>>, %arg23: memref<!tpu.dma_semaphore, #tpu.memory_space<semaphore_mem>>, %arg24: memref<!tpu.dma_semaphore, #tpu.memory_space<semaphore_mem>>, %arg25: memref<!tpu.dma_semaphore, #tpu.memory_space<semaphore_mem>>, %arg26: memref<!tpu.dma_semaphore, #tpu.memory_space<semaphore_mem>>, %arg27: memref<!tpu.dma_semaphore, #tpu.memory_space<semaphore_mem>>, %arg28: memref<!tpu.dma_semaphore, #tpu.memory_space<semaphore_mem>>, %arg29: memref<!tpu.dma_semaphore, #tpu.memory_space<semaphore_mem>>, %arg30: memref<!tpu.dma_semaphore, #tpu.memory_space<semaphore_mem>>) attributes {dimension_semantics = [#tpu.dimension_semantics<core_parallel>, #tpu.dimension_semantics<subcore_parallel>], iteration_bounds = array<i64: 2, 16>, scalar_prefetch = 0 : i64, scratch_operands = 21 : i64, tpu.core_type = #tpu.core_type<sc_vector_subcore>, window_params = [{transform_indices = #map}, {transform_indices = #map}, {transform_indices = #map1}, {transform_indices = #map1}, {transform_indices = #map1}, {transform_indices = #map1}, {transform_indices = #map2}, {transform_indices = #map1}]} {
    %scan3A = arith.constant 0 : i32
    %scan3A_0 = arith.constant 0 : i32
    %scan3A_1 = arith.constant 104 : i32
    %scan3A_2 = arith.addi %scan3A_0, %scan3A_1 : i32
    %scan3A_3 = arith.constant 1 : i32
    %scan3A_4 = scf.for %scan3A_93 = %scan3A_0 to %scan3A_2 step %scan3A_3 iter_args(%scan3A_94 = %scan3A) -> (i32)  : i32 {
      %scan3A_95 = arith.constant 0 : i32
      %scan3A_96 = arith.constant 0 : i32
      %scan3A_97 = arith.constant 8 : i32
      %scan3A_98 = arith.addi %scan3A_96, %scan3A_97 : i32
      %scan3A_99 = arith.constant 1 : i32
      %scan3A_100 = scf.for %scan3A_103 = %scan3A_96 to %scan3A_98 step %scan3A_99 iter_args(%scan3A_104 = %scan3A_95) -> (i32)  : i32 {
        %broadcast_in_dim3A = arith.constant 0.000000e+00 : f32
        %broadcast_in_dim3A_105 = vector.broadcast %broadcast_in_dim3A : f32 to vector<16xf32>
        %mul3A_106 = arith.constant 16 : i32
        %mul3A_107 = arith.muli %scan3A_103, %mul3A_106 : i32
        %swap3A = arith.index_cast %scan3A_93 : i32 to index
        %swap3A_108 = arith.index_cast %mul3A_107 : i32 to index
        %swap3A_109 = tpu.vector_load %arg14[%swap3A, %swap3A_108] {strides = array<i32>} : memref<128x128xf32, #tpu.memory_space<vmem>>, vector<1x16xf32>,
        %swap3A_110 = vector.shape_cast %swap3A_109 : vector<1x16xf32> to vector<16xf32>
        %swap3A_111 = vector.shape_cast %broadcast_in_dim3A_105 : vector<16xf32> to vector<1x16xf32>
        tpu.vector_store %arg14[%swap3A, %swap3A_108], %swap3A_111 {strides = array<i32>} : memref<128x128xf32, #tpu.memory_space<vmem>>, vector<1x16xf32>,
        %scan3A_112 = arith.constant 0 : i32
        scf.yield %scan3A_112 : i32
      }
      %scan3A_101 = arith.constant 8 : i32
      %scan3A_102 = arith.constant 0 : i32
      scf.yield %scan3A_102 : i32
    }
    %scan3A_5 = arith.constant 104 : i32
    %scan3A_6 = arith.constant 0 : i32
    %scan3A_7 = arith.constant 0 : i32
    %scan3A_8 = arith.constant 39 : i32
    %scan3A_9 = arith.addi %scan3A_7, %scan3A_8 : i32
    %scan3A_10 = arith.constant 1 : i32
    %scan3A_11 = scf.for %scan3A_93 = %scan3A_7 to %scan3A_9 step %scan3A_10 iter_args(%scan3A_94 = %scan3A_6) -> (i32)  : i32 {
      %broadcast_in_dim3A = arith.constant 0.000000e+00 : f32
      %broadcast_in_dim3A_95 = vector.broadcast %broadcast_in_dim3A : f32 to vector<16xf32>
      %mul3A_96 = arith.constant 16 : i32
      %mul3A_97 = arith.muli %scan3A_93, %mul3A_96 : i32
      %swap3A = arith.index_cast %mul3A_97 : i32 to index
      %swap3A_98 = tpu.vector_load %arg19[%swap3A] {strides = array<i32>} : memref<624xf32, #tpu.memory_space<vmem>>, vector<16xf32>,
      %swap3A_99 = vector.shape_cast %swap3A_98 : vector<16xf32> to vector<16xf32>
      %swap3A_100 = vector.shape_cast %broadcast_in_dim3A_95 : vector<16xf32> to vector<16xf32>
      tpu.vector_store %arg19[%swap3A], %swap3A_100 {strides = array<i32>} : memref<624xf32, #tpu.memory_space<vmem>>, vector<16xf32>,
      %scan3A_101 = arith.constant 0 : i32
      scf.yield %scan3A_101 : i32
    }
    %scan3A_12 = arith.constant 39 : i32
    %scan3A_13 = arith.constant 0 : i32
    %scan3A_14 = arith.constant 0 : i32
    %scan3A_15 = arith.constant 8 : i32
    %scan3A_16 = arith.addi %scan3A_14, %scan3A_15 : i32
    %scan3A_17 = arith.constant 1 : i32
    %scan3A_18 = scf.for %scan3A_93 = %scan3A_14 to %scan3A_16 step %scan3A_17 iter_args(%scan3A_94 = %scan3A_13) -> (i32)  : i32 {
      %broadcast_in_dim3A = arith.constant 1.000000e+00 : f32
      %broadcast_in_dim3A_95 = vector.broadcast %broadcast_in_dim3A : f32 to vector<16xf32>
      %mul3A_96 = arith.constant 16 : i32
      %mul3A_97 = arith.muli %scan3A_93, %mul3A_96 : i32
      %swap3A = arith.index_cast %mul3A_97 : i32 to index
      %swap3A_98 = tpu.vector_load %arg20[%swap3A] {strides = array<i32>} : memref<128xf32, #tpu.memory_space<vmem>>, vector<16xf32>,
      %swap3A_99 = vector.shape_cast %swap3A_98 : vector<16xf32> to vector<16xf32>
      %swap3A_100 = vector.shape_cast %broadcast_in_dim3A_95 : vector<16xf32> to vector<16xf32>
      tpu.vector_store %arg20[%swap3A], %swap3A_100 {strides = array<i32>} : memref<128xf32, #tpu.memory_space<vmem>>, vector<16xf32>,
      %scan3A_101 = arith.constant 0 : i32
      scf.yield %scan3A_101 : i32
    }
    %scan3A_19 = arith.constant 8 : i32
    %mul3A = arith.constant 624 : i32
    %mul3A_20 = arith.muli %arg1, %mul3A : i32
    %add3A = arith.constant 0 : i32
    %add3A_21 = arith.addi %mul3A_20, %add3A : i32
    "tpu.region"() ({
      %run_scoped3A = tpu.sem_alloc : memref<!tpu.dma_semaphore, #tpu.memory_space<semaphore_mem>>
      %dma_start3A = arith.constant 0 : i32
      %dma_start3A_93 = arith.constant 0 : i32
      %dma_start3A_94 = tpu.memref_slice %arg14[%dma_start3A, %dma_start3A_93] : memref<128x128xf32, #tpu.memory_space<vmem>> -> memref<104x128xf32, #tpu.memory_space<vmem>>
      %dma_start3A_95 = arith.constant 0 : i32
      %dma_start3A_96 = tpu.memref_slice %arg21[%add3A_21, %dma_start3A_95] : memref<10000x128xf32, #tpu.memory_space<vmem_shared>> -> memref<104x128xf32, #tpu.memory_space<vmem_shared>>
      %dma_start3A_97 = arith.constant 0 : i32
      %dma_start3A_98 = tpu.memref_slice %arg21[%add3A_21, %dma_start3A_97] : memref<10000x128xf32, #tpu.memory_space<vmem_shared>> -> memref<104x128xf32, #tpu.memory_space<vmem_shared>>
      %dma_start3A_99 = arith.constant 0 : i32
      %dma_start3A_100 = arith.constant 0 : i32
      %dma_start3A_101 = tpu.memref_slice %arg14[%dma_start3A_99, %dma_start3A_100] : memref<128x128xf32, #tpu.memory_space<vmem>> -> memref<104x128xf32, #tpu.memory_space<vmem>>
      tpu.enqueue_dma source(%dma_start3A_101 : memref<104x128xf32, #tpu.memory_space<vmem>>) target(%dma_start3A_98 : memref<104x128xf32, #tpu.memory_space<vmem_shared>>) target_semaphore(%run_scoped3A : memref<!tpu.dma_semaphore, #tpu.memory_space<semaphore_mem>>)
      %dma_wait3A = arith.constant 0 : i32
      %dma_wait3A_102 = arith.constant 0 : i32
      %dma_wait3A_103 = tpu.memref_slice %arg14[%dma_wait3A, %dma_wait3A_102] : memref<128x128xf32, #tpu.memory_space<vmem>> -> memref<104x128xf32, #tpu.memory_space<vmem>>
      %dma_wait3A_104 = arith.constant 0 : i32
      %dma_wait3A_105 = tpu.memref_slice %arg21[%add3A_21, %dma_wait3A_104] : memref<10000x128xf32, #tpu.memory_space<vmem_shared>> -> memref<104x128xf32, #tpu.memory_space<vmem_shared>>
      %dma_wait3A_106 = arith.constant 0 : i32
      %dma_wait3A_107 = tpu.memref_slice %arg21[%add3A_21, %dma_wait3A_106] : memref<10000x128xf32, #tpu.memory_space<vmem_shared>> -> memref<104x128xf32, #tpu.memory_space<vmem_shared>>
      %dma_wait3A_108 = arith.constant 0 : i32
      %dma_wait3A_109 = arith.constant 0 : i32
      %dma_wait3A_110 = tpu.memref_slice %arg14[%dma_wait3A_108, %dma_wait3A_109] : memref<128x128xf32, #tpu.memory_space<vmem>> -> memref<104x128xf32, #tpu.memory_space<vmem>>
      tpu.wait_dma2 semaphore(%run_scoped3A : memref<!tpu.dma_semaphore, #tpu.memory_space<semaphore_mem>>) src(%dma_wait3A_110 : memref<104x128xf32, #tpu.memory_space<vmem>>) dst(%dma_wait3A_107 : memref<104x128xf32, #tpu.memory_space<vmem_shared>>)
      tpu.yield
    }) : () -> ()
    %mul3A_22 = arith.constant 624 : i32
    %mul3A_23 = arith.muli %arg1, %mul3A_22 : i32
    %add3A_24 = arith.constant 104 : i32
    %add3A_25 = arith.addi %mul3A_23, %add3A_24 : i32
    "tpu.region"() ({
      %run_scoped3A = tpu.sem_alloc : memref<!tpu.dma_semaphore, #tpu.memory_space<semaphore_mem>>
      %dma_start3A = arith.constant 0 : i32
      %dma_start3A_93 = arith.constant 0 : i32
      %dma_start3A_94 = tpu.memref_slice %arg14[%dma_start3A, %dma_start3A_93] : memref<128x128xf32, #tpu.memory_space<vmem>> -> memref<104x128xf32, #tpu.memory_space<vmem>>
      %dma_start3A_95 = arith.constant 0 : i32
      %dma_start3A_96 = tpu.memref_slice %arg21[%add3A_25, %dma_start3A_95] : memref<10000x128xf32, #tpu.memory_space<vmem_shared>> -> memref<104x128xf32, #tpu.memory_space<vmem_shared>>
      %dma_start3A_97 = arith.constant 0 : i32
      %dma_start3A_98 = tpu.memref_slice %arg21[%add3A_25, %dma_start3A_97] : memref<10000x128xf32, #tpu.memory_space<vmem_shared>> -> memref<104x128xf32, #tpu.memory_space<vmem_shared>>
      %dma_start3A_99 = arith.constant 0 : i32
      %dma_start3A_100 = arith.constant 0 : i32
      %dma_start3A_101 = tpu.memref_slice %arg14[%dma_start3A_99, %dma_start3A_100] : memref<128x128xf32, #tpu.memory_space<vmem>> -> memref<104x128xf32, #tpu.memory_space<vmem>>
      tpu.enqueue_dma source(%dma_start3A_101 : memref<104x128xf32, #tpu.memory_space<vmem>>) target(%dma_start3A_98 : memref<104x128xf32, #tpu.memory_space<vmem_shared>>) target_semaphore(%run_scoped3A : memref<!tpu.dma_semaphore, #tpu.memory_space<semaphore_mem>>)
      %dma_wait3A = arith.constant 0 : i32
      %dma_wait3A_102 = arith.constant 0 : i32
      %dma_wait3A_103 = tpu.memref_slice %arg14[%dma_wait3A, %dma_wait3A_102] : memref<128x128xf32, #tpu.memory_space<vmem>> -> memref<104x128xf32, #tpu.memory_space<vmem>>
      %dma_wait3A_104 = arith.constant 0 : i32
      %dma_wait3A_105 = tpu.memref_slice %arg21[%add3A_25, %dma_wait3A_104] : memref<10000x128xf32, #tpu.memory_space<vmem_shared>> -> memref<104x128xf32, #tpu.memory_space<vmem_shared>>
      %dma_wait3A_106 = arith.constant 0 : i32
      %dma_wait3A_107 = tpu.memref_slice %arg21[%add3A_25, %dma_wait3A_106] : memref<10000x128xf32, #tpu.memory_space<vmem_shared>> -> memref<104x128xf32, #tpu.memory_space<vmem_shared>>
      %dma_wait3A_108 = arith.constant 0 : i32
      %dma_wait3A_109 = arith.constant 0 : i32
      %dma_wait3A_110 = tpu.memref_slice %arg14[%dma_wait3A_108, %dma_wait3A_109] : memref<128x128xf32, #tpu.memory_space<vmem>> -> memref<104x128xf32, #tpu.memory_space<vmem>>
      tpu.wait_dma2 semaphore(%run_scoped3A : memref<!tpu.dma_semaphore, #tpu.memory_space<semaphore_mem>>) src(%dma_wait3A_110 : memref<104x128xf32, #tpu.memory_space<vmem>>) dst(%dma_wait3A_107 : memref<104x128xf32, #tpu.memory_space<vmem_shared>>)
      tpu.yield
    }) : () -> ()
    %mul3A_26 = arith.constant 624 : i32
    %mul3A_27 = arith.muli %arg1, %mul3A_26 : i32
    %add3A_28 = arith.constant 208 : i32
    %add3A_29 = arith.addi %mul3A_27, %add3A_28 : i32
    "tpu.region"() ({
      %run_scoped3A = tpu.sem_alloc : memref<!tpu.dma_semaphore, #tpu.memory_space<semaphore_mem>>
      %dma_start3A = arith.constant 0 : i32
      %dma_start3A_93 = arith.constant 0 : i32
      %dma_start3A_94 = tpu.memref_slice %arg14[%dma_start3A, %dma_start3A_93] : memref<128x128xf32, #tpu.memory_space<vmem>> -> memref<104x128xf32, #tpu.memory_space<vmem>>
      %dma_start3A_95 = arith.constant 0 : i32
      %dma_start3A_96 = tpu.memref_slice %arg21[%add3A_29, %dma_start3A_95] : memref<10000x128xf32, #tpu.memory_space<vmem_shared>> -> memref<104x128xf32, #tpu.memory_space<vmem_shared>>
      %dma_start3A_97 = arith.constant 0 : i32
      %dma_start3A_98 = tpu.memref_slice %arg21[%add3A_29, %dma_start3A_97] : memref<10000x128xf32, #tpu.memory_space<vmem_shared>> -> memref<104x128xf32, #tpu.memory_space<vmem_shared>>
      %dma_start3A_99 = arith.constant 0 : i32
      %dma_start3A_100 = arith.constant 0 : i32
      %dma_start3A_101 = tpu.memref_slice %arg14[%dma_start3A_99, %dma_start3A_100] : memref<128x128xf32, #tpu.memory_space<vmem>> -> memref<104x128xf32, #tpu.memory_space<vmem>>
      tpu.enqueue_dma source(%dma_start3A_101 : memref<104x128xf32, #tpu.memory_space<vmem>>) target(%dma_start3A_98 : memref<104x128xf32, #tpu.memory_space<vmem_shared>>) target_semaphore(%run_scoped3A : memref<!tpu.dma_semaphore, #tpu.memory_space<semaphore_mem>>)
      %dma_wait3A = arith.constant 0 : i32
      %dma_wait3A_102 = arith.constant 0 : i32
      %dma_wait3A_103 = tpu.memref_slice %arg14[%dma_wait3A, %dma_wait3A_102] : memref<128x128xf32, #tpu.memory_space<vmem>> -> memref<104x128xf32, #tpu.memory_space<vmem>>
      %dma_wait3A_104 = arith.constant 0 : i32
      %dma_wait3A_105 = tpu.memref_slice %arg21[%add3A_29, %dma_wait3A_104] : memref<10000x128xf32, #tpu.memory_space<vmem_shared>> -> memref<104x128xf32, #tpu.memory_space<vmem_shared>>
      %dma_wait3A_106 = arith.constant 0 : i32
      %dma_wait3A_107 = tpu.memref_slice %arg21[%add3A_29, %dma_wait3A_106] : memref<10000x128xf32, #tpu.memory_space<vmem_shared>> -> memref<104x128xf32, #tpu.memory_space<vmem_shared>>
      %dma_wait3A_108 = arith.constant 0 : i32
      %dma_wait3A_109 = arith.constant 0 : i32
      %dma_wait3A_110 = tpu.memref_slice %arg14[%dma_wait3A_108, %dma_wait3A_109] : memref<128x128xf32, #tpu.memory_space<vmem>> -> memref<104x128xf32, #tpu.memory_space<vmem>>
      tpu.wait_dma2 semaphore(%run_scoped3A : memref<!tpu.dma_semaphore, #tpu.memory_space<semaphore_mem>>) src(%dma_wait3A_110 : memref<104x128xf32, #tpu.memory_space<vmem>>) dst(%dma_wait3A_107 : memref<104x128xf32, #tpu.memory_space<vmem_shared>>)
      tpu.yield
    }) : () -> ()
    %mul3A_30 = arith.constant 624 : i32
    %mul3A_31 = arith.muli %arg1, %mul3A_30 : i32
    %add3A_32 = arith.constant 312 : i32
    %add3A_33 = arith.addi %mul3A_31, %add3A_32 : i32
    "tpu.region"() ({
      %run_scoped3A = tpu.sem_alloc : memref<!tpu.dma_semaphore, #tpu.memory_space<semaphore_mem>>
      %dma_start3A = arith.constant 0 : i32
      %dma_start3A_93 = arith.constant 0 : i32
      %dma_start3A_94 = tpu.memref_slice %arg14[%dma_start3A, %dma_start3A_93] : memref<128x128xf32, #tpu.memory_space<vmem>> -> memref<104x128xf32, #tpu.memory_space<vmem>>
      %dma_start3A_95 = arith.constant 0 : i32
      %dma_start3A_96 = tpu.memref_slice %arg21[%add3A_33, %dma_start3A_95] : memref<10000x128xf32, #tpu.memory_space<vmem_shared>> -> memref<104x128xf32, #tpu.memory_space<vmem_shared>>
      %dma_start3A_97 = arith.constant 0 : i32
      %dma_start3A_98 = tpu.memref_slice %arg21[%add3A_33, %dma_start3A_97] : memref<10000x128xf32, #tpu.memory_space<vmem_shared>> -> memref<104x128xf32, #tpu.memory_space<vmem_shared>>
      %dma_start3A_99 = arith.constant 0 : i32
      %dma_start3A_100 = arith.constant 0 : i32
      %dma_start3A_101 = tpu.memref_slice %arg14[%dma_start3A_99, %dma_start3A_100] : memref<128x128xf32, #tpu.memory_space<vmem>> -> memref<104x128xf32, #tpu.memory_space<vmem>>
      tpu.enqueue_dma source(%dma_start3A_101 : memref<104x128xf32, #tpu.memory_space<vmem>>) target(%dma_start3A_98 : memref<104x128xf32, #tpu.memory_space<vmem_shared>>) target_semaphore(%run_scoped3A : memref<!tpu.dma_semaphore, #tpu.memory_space<semaphore_mem>>)
      %dma_wait3A = arith.constant 0 : i32
      %dma_wait3A_102 = arith.constant 0 : i32
      %dma_wait3A_103 = tpu.memref_slice %arg14[%dma_wait3A, %dma_wait3A_102] : memref<128x128xf32, #tpu.memory_space<vmem>> -> memref<104x128xf32, #tpu.memory_space<vmem>>
      %dma_wait3A_104 = arith.constant 0 : i32
      %dma_wait3A_105 = tpu.memref_slice %arg21[%add3A_33, %dma_wait3A_104] : memref<10000x128xf32, #tpu.memory_space<vmem_shared>> -> memref<104x128xf32, #tpu.memory_space<vmem_shared>>
      %dma_wait3A_106 = arith.constant 0 : i32
      %dma_wait3A_107 = tpu.memref_slice %arg21[%add3A_33, %dma_wait3A_106] : memref<10000x128xf32, #tpu.memory_space<vmem_shared>> -> memref<104x128xf32, #tpu.memory_space<vmem_shared>>
      %dma_wait3A_108 = arith.constant 0 : i32
      %dma_wait3A_109 = arith.constant 0 : i32
      %dma_wait3A_110 = tpu.memref_slice %arg14[%dma_wait3A_108, %dma_wait3A_109] : memref<128x128xf32, #tpu.memory_space<vmem>> -> memref<104x128xf32, #tpu.memory_space<vmem>>
      tpu.wait_dma2 semaphore(%run_scoped3A : memref<!tpu.dma_semaphore, #tpu.memory_space<semaphore_mem>>) src(%dma_wait3A_110 : memref<104x128xf32, #tpu.memory_space<vmem>>) dst(%dma_wait3A_107 : memref<104x128xf32, #tpu.memory_space<vmem_shared>>)
      tpu.yield
    }) : () -> ()
    %mul3A_34 = arith.constant 624 : i32
    %mul3A_35 = arith.muli %arg1, %mul3A_34 : i32
    %add3A_36 = arith.constant 416 : i32
    %add3A_37 = arith.addi %mul3A_35, %add3A_36 : i32
    "tpu.region"() ({
      %run_scoped3A = tpu.sem_alloc : memref<!tpu.dma_semaphore, #tpu.memory_space<semaphore_mem>>
      %dma_start3A = arith.constant 0 : i32
      %dma_start3A_93 = arith.constant 0 : i32
      %dma_start3A_94 = tpu.memref_slice %arg14[%dma_start3A, %dma_start3A_93] : memref<128x128xf32, #tpu.memory_space<vmem>> -> memref<104x128xf32, #tpu.memory_space<vmem>>
      %dma_start3A_95 = arith.constant 0 : i32
      %dma_start3A_96 = tpu.memref_slice %arg21[%add3A_37, %dma_start3A_95] : memref<10000x128xf32, #tpu.memory_space<vmem_shared>> -> memref<104x128xf32, #tpu.memory_space<vmem_shared>>
      %dma_start3A_97 = arith.constant 0 : i32
      %dma_start3A_98 = tpu.memref_slice %arg21[%add3A_37, %dma_start3A_97] : memref<10000x128xf32, #tpu.memory_space<vmem_shared>> -> memref<104x128xf32, #tpu.memory_space<vmem_shared>>
      %dma_start3A_99 = arith.constant 0 : i32
      %dma_start3A_100 = arith.constant 0 : i32
      %dma_start3A_101 = tpu.memref_slice %arg14[%dma_start3A_99, %dma_start3A_100] : memref<128x128xf32, #tpu.memory_space<vmem>> -> memref<104x128xf32, #tpu.memory_space<vmem>>
      tpu.enqueue_dma source(%dma_start3A_101 : memref<104x128xf32, #tpu.memory_space<vmem>>) target(%dma_start3A_98 : memref<104x128xf32, #tpu.memory_space<vmem_shared>>) target_semaphore(%run_scoped3A : memref<!tpu.dma_semaphore, #tpu.memory_space<semaphore_mem>>)
      %dma_wait3A = arith.constant 0 : i32
      %dma_wait3A_102 = arith.constant 0 : i32
      %dma_wait3A_103 = tpu.memref_slice %arg14[%dma_wait3A, %dma_wait3A_102] : memref<128x128xf32, #tpu.memory_space<vmem>> -> memref<104x128xf32, #tpu.memory_space<vmem>>
      %dma_wait3A_104 = arith.constant 0 : i32
      %dma_wait3A_105 = tpu.memref_slice %arg21[%add3A_37, %dma_wait3A_104] : memref<10000x128xf32, #tpu.memory_space<vmem_shared>> -> memref<104x128xf32, #tpu.memory_space<vmem_shared>>
      %dma_wait3A_106 = arith.constant 0 : i32
      %dma_wait3A_107 = tpu.memref_slice %arg21[%add3A_37, %dma_wait3A_106] : memref<10000x128xf32, #tpu.memory_space<vmem_shared>> -> memref<104x128xf32, #tpu.memory_space<vmem_shared>>
      %dma_wait3A_108 = arith.constant 0 : i32
      %dma_wait3A_109 = arith.constant 0 : i32
      %dma_wait3A_110 = tpu.memref_slice %arg14[%dma_wait3A_108, %dma_wait3A_109] : memref<128x128xf32, #tpu.memory_space<vmem>> -> memref<104x128xf32, #tpu.memory_space<vmem>>
      tpu.wait_dma2 semaphore(%run_scoped3A : memref<!tpu.dma_semaphore, #tpu.memory_space<semaphore_mem>>) src(%dma_wait3A_110 : memref<104x128xf32, #tpu.memory_space<vmem>>) dst(%dma_wait3A_107 : memref<104x128xf32, #tpu.memory_space<vmem_shared>>)
      tpu.yield
    }) : () -> ()
    %mul3A_38 = arith.constant 624 : i32
    %mul3A_39 = arith.muli %arg1, %mul3A_38 : i32
    %add3A_40 = arith.constant 520 : i32
    %add3A_41 = arith.addi %mul3A_39, %add3A_40 : i32
    "tpu.region"() ({
      %run_scoped3A = tpu.sem_alloc : memref<!tpu.dma_semaphore, #tpu.memory_space<semaphore_mem>>
      %dma_start3A = arith.constant 0 : i32
      %dma_start3A_93 = arith.constant 0 : i32
      %dma_start3A_94 = tpu.memref_slice %arg14[%dma_start3A, %dma_start3A_93] : memref<128x128xf32, #tpu.memory_space<vmem>> -> memref<104x128xf32, #tpu.memory_space<vmem>>
      %dma_start3A_95 = arith.constant 0 : i32
      %dma_start3A_96 = tpu.memref_slice %arg21[%add3A_41, %dma_start3A_95] : memref<10000x128xf32, #tpu.memory_space<vmem_shared>> -> memref<104x128xf32, #tpu.memory_space<vmem_shared>>
      %dma_start3A_97 = arith.constant 0 : i32
      %dma_start3A_98 = tpu.memref_slice %arg21[%add3A_41, %dma_start3A_97] : memref<10000x128xf32, #tpu.memory_space<vmem_shared>> -> memref<104x128xf32, #tpu.memory_space<vmem_shared>>
      %dma_start3A_99 = arith.constant 0 : i32
      %dma_start3A_100 = arith.constant 0 : i32
      %dma_start3A_101 = tpu.memref_slice %arg14[%dma_start3A_99, %dma_start3A_100] : memref<128x128xf32, #tpu.memory_space<vmem>> -> memref<104x128xf32, #tpu.memory_space<vmem>>
      tpu.enqueue_dma source(%dma_start3A_101 : memref<104x128xf32, #tpu.memory_space<vmem>>) target(%dma_start3A_98 : memref<104x128xf32, #tpu.memory_space<vmem_shared>>) target_semaphore(%run_scoped3A : memref<!tpu.dma_semaphore, #tpu.memory_space<semaphore_mem>>)
      %dma_wait3A = arith.constant 0 : i32
      %dma_wait3A_102 = arith.constant 0 : i32
      %dma_wait3A_103 = tpu.memref_slice %arg14[%dma_wait3A, %dma_wait3A_102] : memref<128x128xf32, #tpu.memory_space<vmem>> -> memref<104x128xf32, #tpu.memory_space<vmem>>
      %dma_wait3A_104 = arith.constant 0 : i32
      %dma_wait3A_105 = tpu.memref_slice %arg21[%add3A_41, %dma_wait3A_104] : memref<10000x128xf32, #tpu.memory_space<vmem_shared>> -> memref<104x128xf32, #tpu.memory_space<vmem_shared>>
      %dma_wait3A_106 = arith.constant 0 : i32
      %dma_wait3A_107 = tpu.memref_slice %arg21[%add3A_41, %dma_wait3A_106] : memref<10000x128xf32, #tpu.memory_space<vmem_shared>> -> memref<104x128xf32, #tpu.memory_space<vmem_shared>>
      %dma_wait3A_108 = arith.constant 0 : i32
      %dma_wait3A_109 = arith.constant 0 : i32
      %dma_wait3A_110 = tpu.memref_slice %arg14[%dma_wait3A_108, %dma_wait3A_109] : memref<128x128xf32, #tpu.memory_space<vmem>> -> memref<104x128xf32, #tpu.memory_space<vmem>>
      tpu.wait_dma2 semaphore(%run_scoped3A : memref<!tpu.dma_semaphore, #tpu.memory_space<semaphore_mem>>) src(%dma_wait3A_110 : memref<104x128xf32, #tpu.memory_space<vmem>>) dst(%dma_wait3A_107 : memref<104x128xf32, #tpu.memory_space<vmem_shared>>)
      tpu.yield
    }) : () -> ()
    %mul3A_42 = arith.constant 624 : i32
    %mul3A_43 = arith.muli %arg1, %mul3A_42 : i32
    "tpu.region"() ({
      %run_scoped3A = tpu.sem_alloc : memref<!tpu.dma_semaphore, #tpu.memory_space<semaphore_mem>>
      %dma_start3A = tpu.memref_slice %arg22[%mul3A_43] : memref<10000xf32, #tpu.memory_space<vmem_shared>> -> memref<624xf32, #tpu.memory_space<vmem_shared>>
      %dma_start3A_93 = tpu.memref_slice %arg22[%mul3A_43] : memref<10000xf32, #tpu.memory_space<vmem_shared>> -> memref<624xf32, #tpu.memory_space<vmem_shared>>
      tpu.enqueue_dma source(%arg19 : memref<624xf32, #tpu.memory_space<vmem>>) target(%dma_start3A_93 : memref<624xf32, #tpu.memory_space<vmem_shared>>) target_semaphore(%run_scoped3A : memref<!tpu.dma_semaphore, #tpu.memory_space<semaphore_mem>>)
      %dma_wait3A = tpu.memref_slice %arg22[%mul3A_43] : memref<10000xf32, #tpu.memory_space<vmem_shared>> -> memref<624xf32, #tpu.memory_space<vmem_shared>>
      %dma_wait3A_94 = tpu.memref_slice %arg22[%mul3A_43] : memref<10000xf32, #tpu.memory_space<vmem_shared>> -> memref<624xf32, #tpu.memory_space<vmem_shared>>
      tpu.wait_dma2 semaphore(%run_scoped3A : memref<!tpu.dma_semaphore, #tpu.memory_space<semaphore_mem>>) src(%arg19 : memref<624xf32, #tpu.memory_space<vmem>>) dst(%dma_wait3A_94 : memref<624xf32, #tpu.memory_space<vmem_shared>>)
      tpu.yield
    }) : () -> ()
    %eq3A = arith.constant 0 : i32
    %eq3A_44 = arith.cmpi eq, %arg1, %eq3A : i32
    %convert_element_type3A = arith.extui %eq3A_44 : i1 to i32
    %cond3A = arith.constant 0 : i32
    %cond3A_45 = arith.cmpi ne, %convert_element_type3A, %cond3A : i32
    scf.if %cond3A_45 {
      "tpu.region"() ({
        %run_scoped3A = tpu.sem_alloc : memref<!tpu.dma_semaphore, #tpu.memory_space<semaphore_mem>>
        %dma_start3A = arith.constant 0 : i32
        %dma_start3A_93 = arith.constant 0 : i32
        %dma_start3A_94 = tpu.memref_slice %arg14[%dma_start3A, %dma_start3A_93] : memref<128x128xf32, #tpu.memory_space<vmem>> -> memref<16x128xf32, #tpu.memory_space<vmem>>
        %dma_start3A_95 = arith.constant 9984 : i32
        %dma_start3A_96 = arith.constant 0 : i32
        %dma_start3A_97 = tpu.memref_slice %arg21[%dma_start3A_95, %dma_start3A_96] : memref<10000x128xf32, #tpu.memory_space<vmem_shared>> -> memref<16x128xf32, #tpu.memory_space<vmem_shared>>
        %dma_start3A_98 = arith.constant 9984 : i32
        %dma_start3A_99 = arith.constant 0 : i32
        %dma_start3A_100 = tpu.memref_slice %arg21[%dma_start3A_98, %dma_start3A_99] : memref<10000x128xf32, #tpu.memory_space<vmem_shared>> -> memref<16x128xf32, #tpu.memory_space<vmem_shared>>
        %dma_start3A_101 = arith.constant 0 : i32
        %dma_start3A_102 = arith.constant 0 : i32
        %dma_start3A_103 = tpu.memref_slice %arg14[%dma_start3A_101, %dma_start3A_102] : memref<128x128xf32, #tpu.memory_space<vmem>> -> memref<16x128xf32, #tpu.memory_space<vmem>>
        tpu.enqueue_dma source(%dma_start3A_103 : memref<16x128xf32, #tpu.memory_space<vmem>>) target(%dma_start3A_100 : memref<16x128xf32, #tpu.memory_space<vmem_shared>>) target_semaphore(%run_scoped3A : memref<!tpu.dma_semaphore, #tpu.memory_space<semaphore_mem>>)
        %dma_wait3A = arith.constant 0 : i32
        %dma_wait3A_104 = arith.constant 0 : i32
        %dma_wait3A_105 = tpu.memref_slice %arg14[%dma_wait3A, %dma_wait3A_104] : memref<128x128xf32, #tpu.memory_space<vmem>> -> memref<16x128xf32, #tpu.memory_space<vmem>>
        %dma_wait3A_106 = arith.constant 9984 : i32
        %dma_wait3A_107 = arith.constant 0 : i32
        %dma_wait3A_108 = tpu.memref_slice %arg21[%dma_wait3A_106, %dma_wait3A_107] : memref<10000x128xf32, #tpu.memory_space<vmem_shared>> -> memref<16x128xf32, #tpu.memory_space<vmem_shared>>
        %dma_wait3A_109 = arith.constant 9984 : i32
        %dma_wait3A_110 = arith.constant 0 : i32
        %dma_wait3A_111 = tpu.memref_slice %arg21[%dma_wait3A_109, %dma_wait3A_110] : memref<10000x128xf32, #tpu.memory_space<vmem_shared>> -> memref<16x128xf32, #tpu.memory_space<vmem_shared>>
        %dma_wait3A_112 = arith.constant 0 : i32
        %dma_wait3A_113 = arith.constant 0 : i32
        %dma_wait3A_114 = tpu.memref_slice %arg14[%dma_wait3A_112, %dma_wait3A_113] : memref<128x128xf32, #tpu.memory_space<vmem>> -> memref<16x128xf32, #tpu.memory_space<vmem>>
        tpu.wait_dma2 semaphore(%run_scoped3A : memref<!tpu.dma_semaphore, #tpu.memory_space<semaphore_mem>>) src(%dma_wait3A_114 : memref<16x128xf32, #tpu.memory_space<vmem>>) dst(%dma_wait3A_111 : memref<16x128xf32, #tpu.memory_space<vmem_shared>>)
        tpu.yield
      }) : () -> ()
      "tpu.region"() ({
        %run_scoped3A = tpu.sem_alloc : memref<!tpu.dma_semaphore, #tpu.memory_space<semaphore_mem>>
        %dma_start3A = arith.constant 0 : i32
        %dma_start3A_93 = tpu.memref_slice %arg19[%dma_start3A] : memref<624xf32, #tpu.memory_space<vmem>> -> memref<16xf32, #tpu.memory_space<vmem>>
        %dma_start3A_94 = arith.constant 9984 : i32
        %dma_start3A_95 = tpu.memref_slice %arg22[%dma_start3A_94] : memref<10000xf32, #tpu.memory_space<vmem_shared>> -> memref<16xf32, #tpu.memory_space<vmem_shared>>
        %dma_start3A_96 = arith.constant 9984 : i32
        %dma_start3A_97 = tpu.memref_slice %arg22[%dma_start3A_96] : memref<10000xf32, #tpu.memory_space<vmem_shared>> -> memref<16xf32, #tpu.memory_space<vmem_shared>>
        %dma_start3A_98 = arith.constant 0 : i32
        %dma_start3A_99 = tpu.memref_slice %arg19[%dma_start3A_98] : memref<624xf32, #tpu.memory_space<vmem>> -> memref<16xf32, #tpu.memory_space<vmem>>
        tpu.enqueue_dma source(%dma_start3A_99 : memref<16xf32, #tpu.memory_space<vmem>>) target(%dma_start3A_97 : memref<16xf32, #tpu.memory_space<vmem_shared>>) target_semaphore(%run_scoped3A : memref<!tpu.dma_semaphore, #tpu.memory_space<semaphore_mem>>)
        %dma_wait3A = arith.constant 0 : i32
        %dma_wait3A_100 = tpu.memref_slice %arg19[%dma_wait3A] : memref<624xf32, #tpu.memory_space<vmem>> -> memref<16xf32, #tpu.memory_space<vmem>>
        %dma_wait3A_101 = arith.constant 9984 : i32
        %dma_wait3A_102 = tpu.memref_slice %arg22[%dma_wait3A_101] : memref<10000xf32, #tpu.memory_space<vmem_shared>> -> memref<16xf32, #tpu.memory_space<vmem_shared>>
        %dma_wait3A_103 = arith.constant 9984 : i32
        %dma_wait3A_104 = tpu.memref_slice %arg22[%dma_wait3A_103] : memref<10000xf32, #tpu.memory_space<vmem_shared>> -> memref<16xf32, #tpu.memory_space<vmem_shared>>
        %dma_wait3A_105 = arith.constant 0 : i32
        %dma_wait3A_106 = tpu.memref_slice %arg19[%dma_wait3A_105] : memref<624xf32, #tpu.memory_space<vmem>> -> memref<16xf32, #tpu.memory_space<vmem>>
        tpu.wait_dma2 semaphore(%run_scoped3A : memref<!tpu.dma_semaphore, #tpu.memory_space<semaphore_mem>>) src(%dma_wait3A_106 : memref<16xf32, #tpu.memory_space<vmem>>) dst(%dma_wait3A_104 : memref<16xf32, #tpu.memory_space<vmem_shared>>)
        tpu.yield
      }) : () -> ()
    } else {
    }
    %barrier3A = arith.constant 0 : index
    tpu.barrier barrier_id(%barrier3A)
    %eq3A_46 = arith.constant 0 : i32
    %eq3A_47 = arith.cmpi eq, %arg0, %eq3A_46 : i32
    %convert_element_type3A_48 = arith.extui %eq3A_47 : i1 to i32
    %cond3A_49 = arith.constant 0 : i32
    %cond3A_50 = arith.cmpi ne, %convert_element_type3A_48, %cond3A_49 : i32
    scf.if %cond3A_50 {
      %mul3A_93 = arith.constant 20000 : i32
      %mul3A_94 = arith.muli %arg1, %mul3A_93 : i32
      %add3A_95 = arith.constant 0 : i32
      %add3A_96 = arith.addi %mul3A_94, %add3A_95 : i32
      %dma_start3A = tpu.memref_slice %arg4[%add3A_96] : memref<320000xi32, #tpu.memory_space<hbm>> -> memref<128xi32, #tpu.memory_space<hbm>>
      %dma_start3A_97 = tpu.memref_slice %arg4[%add3A_96] : memref<320000xi32, #tpu.memory_space<hbm>> -> memref<128xi32, #tpu.memory_space<hbm>>
      tpu.enqueue_dma source(%dma_start3A_97 : memref<128xi32, #tpu.memory_space<hbm>>) target(%arg10 : memref<128xi32, #tpu.memory_space<vmem>>) target_semaphore(%arg27 : memref<!tpu.dma_semaphore, #tpu.memory_space<semaphore_mem>>)
      %dma_start3A_98 = tpu.memref_slice %arg5[%add3A_96] : memref<320000xi32, #tpu.memory_space<hbm>> -> memref<128xi32, #tpu.memory_space<hbm>>
      %dma_start3A_99 = tpu.memref_slice %arg5[%add3A_96] : memref<320000xi32, #tpu.memory_space<hbm>> -> memref<128xi32, #tpu.memory_space<hbm>>
      tpu.enqueue_dma source(%dma_start3A_99 : memref<128xi32, #tpu.memory_space<hbm>>) target(%arg12 : memref<128xi32, #tpu.memory_space<vmem>>) target_semaphore(%arg27 : memref<!tpu.dma_semaphore, #tpu.memory_space<semaphore_mem>>)
      %dma_wait3A = arith.constant 0 : i32
      %dma_wait3A_100 = tpu.memref_slice %arg4[%dma_wait3A] : memref<320000xi32, #tpu.memory_space<hbm>> -> memref<128xi32, #tpu.memory_space<hbm>>
      %dma_wait3A_101 = arith.constant 0 : i32
      %dma_wait3A_102 = tpu.memref_slice %arg4[%dma_wait3A_101] : memref<320000xi32, #tpu.memory_space<hbm>> -> memref<128xi32, #tpu.memory_space<hbm>>
      tpu.wait_dma2 semaphore(%arg27 : memref<!tpu.dma_semaphore, #tpu.memory_space<semaphore_mem>>) src(%dma_wait3A_102 : memref<128xi32, #tpu.memory_space<hbm>>) dst(%arg10 : memref<128xi32, #tpu.memory_space<vmem>>)
      %dma_wait3A_103 = arith.constant 0 : i32
      %dma_wait3A_104 = tpu.memref_slice %arg5[%dma_wait3A_103] : memref<320000xi32, #tpu.memory_space<hbm>> -> memref<128xi32, #tpu.memory_space<hbm>>
      %dma_wait3A_105 = arith.constant 0 : i32
      %dma_wait3A_106 = tpu.memref_slice %arg5[%dma_wait3A_105] : memref<320000xi32, #tpu.memory_space<hbm>> -> memref<128xi32, #tpu.memory_space<hbm>>
      tpu.wait_dma2 semaphore(%arg27 : memref<!tpu.dma_semaphore, #tpu.memory_space<semaphore_mem>>) src(%dma_wait3A_106 : memref<128xi32, #tpu.memory_space<hbm>>) dst(%arg12 : memref<128xi32, #tpu.memory_space<vmem>>)
      %mul3A_107 = arith.constant 20000 : i32
      %mul3A_108 = arith.muli %arg1, %mul3A_107 : i32
      %add3A_109 = arith.constant 128 : i32
      %add3A_110 = arith.addi %mul3A_108, %add3A_109 : i32
      %dma_start3A_111 = tpu.memref_slice %arg4[%add3A_110] : memref<320000xi32, #tpu.memory_space<hbm>> -> memref<128xi32, #tpu.memory_space<hbm>>
      %dma_start3A_112 = tpu.memref_slice %arg4[%add3A_110] : memref<320000xi32, #tpu.memory_space<hbm>> -> memref<128xi32, #tpu.memory_space<hbm>>
      tpu.enqueue_dma source(%dma_start3A_112 : memref<128xi32, #tpu.memory_space<hbm>>) target(%arg11 : memref<128xi32, #tpu.memory_space<vmem>>) target_semaphore(%arg28 : memref<!tpu.dma_semaphore, #tpu.memory_space<semaphore_mem>>)
      %dma_start3A_113 = tpu.memref_slice %arg5[%add3A_110] : memref<320000xi32, #tpu.memory_space<hbm>> -> memref<128xi32, #tpu.memory_space<hbm>>
      %dma_start3A_114 = tpu.memref_slice %arg5[%add3A_110] : memref<320000xi32, #tpu.memory_space<hbm>> -> memref<128xi32, #tpu.memory_space<hbm>>
      tpu.enqueue_dma source(%dma_start3A_114 : memref<128xi32, #tpu.memory_space<hbm>>) target(%arg13 : memref<128xi32, #tpu.memory_space<vmem>>) target_semaphore(%arg28 : memref<!tpu.dma_semaphore, #tpu.memory_space<semaphore_mem>>)
      %dma_start3A_115 = arith.constant 0 : i32
      %dma_start3A_116 = arith.constant 0 : i32
      %dma_start3A_117 = tpu.memref_slice %arg2[%dma_start3A_115, %dma_start3A_116] : memref<10000x128xf32, #tpu.memory_space<hbm>> -> memref<10000x128xf32, #tpu.memory_space<hbm>>
      tpu.enqueue_indirect_dma source(%dma_start3A_117 : memref<10000x128xf32, #tpu.memory_space<hbm>>) target(%arg14 : memref<128x128xf32, #tpu.memory_space<vmem>>) offsets(%arg10 : memref<128xi32, #tpu.memory_space<vmem>>) semaphore(%arg23 : memref<!tpu.dma_semaphore, #tpu.memory_space<semaphore_mem>>)
      %scan3A_118 = arith.constant 0 : i32
      %scan3A_119 = arith.constant 0 : i32
      %scan3A_120 = arith.constant 78 : i32
      %scan3A_121 = arith.addi %scan3A_119, %scan3A_120 : i32
      %scan3A_122 = arith.constant 1 : i32
      %scan3A_123 = scf.for %scan3A_135 = %scan3A_119 to %scan3A_121 step %scan3A_122 iter_args(%scan3A_136 = %scan3A_118) -> (i32)  : i32 {
        %dma_wait3A_137 = arith.constant 0 : i32
        %dma_wait3A_138 = arith.constant 0 : i32
        %dma_wait3A_139 = tpu.memref_slice %arg2[%dma_wait3A_137, %dma_wait3A_138] : memref<10000x128xf32, #tpu.memory_space<hbm>> -> memref<10000x128xf32, #tpu.memory_space<hbm>>
        tpu.wait_indirect_dma semaphore(%arg23 : memref<!tpu.dma_semaphore, #tpu.memory_space<semaphore_mem>>) src(%dma_wait3A_139 : memref<10000x128xf32, #tpu.memory_space<hbm>>) dst(%arg14 : memref<128x128xf32, #tpu.memory_space<vmem>>)
        %dma_start3A_140 = arith.constant 0 : i32
        %dma_start3A_141 = arith.constant 0 : i32
        %dma_start3A_142 = tpu.memref_slice %arg21[%dma_start3A_140, %dma_start3A_141] : memref<10000x128xf32, #tpu.memory_space<vmem_shared>> -> memref<10000x128xf32, #tpu.memory_space<vmem_shared>>
        tpu.enqueue_indirect_dma source(%arg14 : memref<128x128xf32, #tpu.memory_space<vmem>>) target(%dma_start3A_142 : memref<10000x128xf32, #tpu.memory_space<vmem_shared>>) offsets(%arg12 : memref<128xi32, #tpu.memory_space<vmem>>) semaphore(%arg25 : memref<!tpu.dma_semaphore, #tpu.memory_space<semaphore_mem>>) {add = true}
        %dma_start3A_143 = arith.constant 0 : i32
        %dma_start3A_144 = tpu.memref_slice %arg22[%dma_start3A_143] : memref<10000xf32, #tpu.memory_space<vmem_shared>> -> memref<10000xf32, #tpu.memory_space<vmem_shared>>
        tpu.enqueue_indirect_dma source(%arg20 : memref<128xf32, #tpu.memory_space<vmem>>) target(%dma_start3A_144 : memref<10000xf32, #tpu.memory_space<vmem_shared>>) offsets(%arg12 : memref<128xi32, #tpu.memory_space<vmem>>) semaphore(%arg29 : memref<!tpu.dma_semaphore, #tpu.memory_space<semaphore_mem>>) {add = true}
        %dma_wait3A_145 = arith.constant 0 : i32
        %dma_wait3A_146 = tpu.memref_slice %arg4[%dma_wait3A_145] : memref<320000xi32, #tpu.memory_space<hbm>> -> memref<128xi32, #tpu.memory_space<hbm>>
        %dma_wait3A_147 = arith.constant 0 : i32
        %dma_wait3A_148 = tpu.memref_slice %arg4[%dma_wait3A_147] : memref<320000xi32, #tpu.memory_space<hbm>> -> memref<128xi32, #tpu.memory_space<hbm>>
        tpu.wait_dma2 semaphore(%arg28 : memref<!tpu.dma_semaphore, #tpu.memory_space<semaphore_mem>>) src(%dma_wait3A_148 : memref<128xi32, #tpu.memory_space<hbm>>) dst(%arg11 : memref<128xi32, #tpu.memory_space<vmem>>)
        %dma_wait3A_149 = arith.constant 0 : i32
        %dma_wait3A_150 = tpu.memref_slice %arg5[%dma_wait3A_149] : memref<320000xi32, #tpu.memory_space<hbm>> -> memref<128xi32, #tpu.memory_space<hbm>>
        %dma_wait3A_151 = arith.constant 0 : i32
        %dma_wait3A_152 = tpu.memref_slice %arg5[%dma_wait3A_151] : memref<320000xi32, #tpu.memory_space<hbm>> -> memref<128xi32, #tpu.memory_space<hbm>>
        tpu.wait_dma2 semaphore(%arg28 : memref<!tpu.dma_semaphore, #tpu.memory_space<semaphore_mem>>) src(%dma_wait3A_152 : memref<128xi32, #tpu.memory_space<hbm>>) dst(%arg13 : memref<128xi32, #tpu.memory_space<vmem>>)
        %dma_start3A_153 = arith.constant 0 : i32
        %dma_start3A_154 = arith.constant 0 : i32
        %dma_start3A_155 = tpu.memref_slice %arg2[%dma_start3A_153, %dma_start3A_154] : memref<10000x128xf32, #tpu.memory_space<hbm>> -> memref<10000x128xf32, #tpu.memory_space<hbm>>
        tpu.enqueue_indirect_dma source(%dma_start3A_155 : memref<10000x128xf32, #tpu.memory_space<hbm>>) target(%arg15 : memref<128x128xf32, #tpu.memory_space<vmem>>) offsets(%arg11 : memref<128xi32, #tpu.memory_space<vmem>>) semaphore(%arg24 : memref<!tpu.dma_semaphore, #tpu.memory_space<semaphore_mem>>)
        %dma_wait3A_156 = arith.constant 0 : i32
        %dma_wait3A_157 = arith.constant 0 : i32
        %dma_wait3A_158 = tpu.memref_slice %arg21[%dma_wait3A_156, %dma_wait3A_157] : memref<10000x128xf32, #tpu.memory_space<vmem_shared>> -> memref<10000x128xf32, #tpu.memory_space<vmem_shared>>
        tpu.wait_indirect_dma semaphore(%arg25 : memref<!tpu.dma_semaphore, #tpu.memory_space<semaphore_mem>>) src(%arg14 : memref<128x128xf32, #tpu.memory_space<vmem>>) dst(%dma_wait3A_158 : memref<10000x128xf32, #tpu.memory_space<vmem_shared>>)
        %dma_wait3A_159 = arith.constant 0 : i32
        %dma_wait3A_160 = tpu.memref_slice %arg22[%dma_wait3A_159] : memref<10000xf32, #tpu.memory_space<vmem_shared>> -> memref<10000xf32, #tpu.memory_space<vmem_shared>>
        tpu.wait_indirect_dma semaphore(%arg29 : memref<!tpu.dma_semaphore, #tpu.memory_space<semaphore_mem>>) src(%arg20 : memref<128xf32, #tpu.memory_space<vmem>>) dst(%dma_wait3A_160 : memref<10000xf32, #tpu.memory_space<vmem_shared>>)
        %mul3A_161 = arith.constant 2 : i32
        %mul3A_162 = arith.muli %mul3A_161, %scan3A_135 : i32
        %add3A_163 = arith.constant 2 : i32
        %add3A_164 = arith.addi %mul3A_162, %add3A_163 : i32
        %lt3A = arith.constant 156 : i32
        %lt3A_165 = arith.cmpi slt, %add3A_164, %lt3A : i32
        %convert_element_type3A_166 = arith.extui %lt3A_165 : i1 to i32
        %cond3A_167 = arith.constant 0 : i32
        %cond3A_168 = arith.cmpi ne, %convert_element_type3A_166, %cond3A_167 : i32
        scf.if %cond3A_168 {
          %mul3A_201 = arith.constant 2 : i32
          %mul3A_202 = arith.muli %mul3A_201, %scan3A_135 : i32
          %add3A_203 = arith.constant 2 : i32
          %add3A_204 = arith.addi %mul3A_202, %add3A_203 : i32
          %mul3A_205 = arith.constant 20000 : i32
          %mul3A_206 = arith.muli %arg1, %mul3A_205 : i32
          %mul3A_207 = arith.constant 128 : i32
          %mul3A_208 = arith.muli %add3A_204, %mul3A_207 : i32
          %add3A_209 = arith.addi %mul3A_206, %mul3A_208 : i32
          %dma_start3A_210 = tpu.memref_slice %arg4[%add3A_209] : memref<320000xi32, #tpu.memory_space<hbm>> -> memref<128xi32, #tpu.memory_space<hbm>>
          %dma_start3A_211 = tpu.memref_slice %arg4[%add3A_209] : memref<320000xi32, #tpu.memory_space<hbm>> -> memref<128xi32, #tpu.memory_space<hbm>>
          tpu.enqueue_dma source(%dma_start3A_211 : memref<128xi32, #tpu.memory_space<hbm>>) target(%arg10 : memref<128xi32, #tpu.memory_space<vmem>>) target_semaphore(%arg27 : memref<!tpu.dma_semaphore, #tpu.memory_space<semaphore_mem>>)
          %dma_start3A_212 = tpu.memref_slice %arg5[%add3A_209] : memref<320000xi32, #tpu.memory_space<hbm>> -> memref<128xi32, #tpu.memory_space<hbm>>
          %dma_start3A_213 = tpu.memref_slice %arg5[%add3A_209] : memref<320000xi32, #tpu.memory_space<hbm>> -> memref<128xi32, #tpu.memory_space<hbm>>
          tpu.enqueue_dma source(%dma_start3A_213 : memref<128xi32, #tpu.memory_space<hbm>>) target(%arg12 : memref<128xi32, #tpu.memory_space<vmem>>) target_semaphore(%arg27 : memref<!tpu.dma_semaphore, #tpu.memory_space<semaphore_mem>>)
        } else {
        }
        %dma_wait3A_169 = arith.constant 0 : i32
        %dma_wait3A_170 = arith.constant 0 : i32
        %dma_wait3A_171 = tpu.memref_slice %arg2[%dma_wait3A_169, %dma_wait3A_170] : memref<10000x128xf32, #tpu.memory_space<hbm>> -> memref<10000x128xf32, #tpu.memory_space<hbm>>
        tpu.wait_indirect_dma semaphore(%arg24 : memref<!tpu.dma_semaphore, #tpu.memory_space<semaphore_mem>>) src(%dma_wait3A_171 : memref<10000x128xf32, #tpu.memory_space<hbm>>) dst(%arg15 : memref<128x128xf32, #tpu.memory_space<vmem>>)
        %dma_start3A_172 = arith.constant 0 : i32
        %dma_start3A_173 = arith.constant 0 : i32
        %dma_start3A_174 = tpu.memref_slice %arg21[%dma_start3A_172, %dma_start3A_173] : memref<10000x128xf32, #tpu.memory_space<vmem_shared>> -> memref<10000x128xf32, #tpu.memory_space<vmem_shared>>
        tpu.enqueue_indirect_dma source(%arg15 : memref<128x128xf32, #tpu.memory_space<vmem>>) target(%dma_start3A_174 : memref<10000x128xf32, #tpu.memory_space<vmem_shared>>) offsets(%arg13 : memref<128xi32, #tpu.memory_space<vmem>>) semaphore(%arg26 : memref<!tpu.dma_semaphore, #tpu.memory_space<semaphore_mem>>) {add = true}
        %dma_start3A_175 = arith.constant 0 : i32
        %dma_start3A_176 = tpu.memref_slice %arg22[%dma_start3A_175] : memref<10000xf32, #tpu.memory_space<vmem_shared>> -> memref<10000xf32, #tpu.memory_space<vmem_shared>>
        tpu.enqueue_indirect_dma source(%arg20 : memref<128xf32, #tpu.memory_space<vmem>>) target(%dma_start3A_176 : memref<10000xf32, #tpu.memory_space<vmem_shared>>) offsets(%arg13 : memref<128xi32, #tpu.memory_space<vmem>>) semaphore(%arg30 : memref<!tpu.dma_semaphore, #tpu.memory_space<semaphore_mem>>) {add = true}
        %mul3A_177 = arith.constant 2 : i32
        %mul3A_178 = arith.muli %mul3A_177, %scan3A_135 : i32
        %add3A_179 = arith.constant 2 : i32
        %add3A_180 = arith.addi %mul3A_178, %add3A_179 : i32
        %lt3A_181 = arith.constant 156 : i32
        %lt3A_182 = arith.cmpi slt, %add3A_180, %lt3A_181 : i32
        %convert_element_type3A_183 = arith.extui %lt3A_182 : i1 to i32
        %cond3A_184 = arith.constant 0 : i32
        %cond3A_185 = arith.cmpi ne, %convert_element_type3A_183, %cond3A_184 : i32
        scf.if %cond3A_185 {
          %dma_wait3A_201 = arith.constant 0 : i32
          %dma_wait3A_202 = tpu.memref_slice %arg4[%dma_wait3A_201] : memref<320000xi32, #tpu.memory_space<hbm>> -> memref<128xi32, #tpu.memory_space<hbm>>
          %dma_wait3A_203 = arith.constant 0 : i32
          %dma_wait3A_204 = tpu.memref_slice %arg4[%dma_wait3A_203] : memref<320000xi32, #tpu.memory_space<hbm>> -> memref<128xi32, #tpu.memory_space<hbm>>
          tpu.wait_dma2 semaphore(%arg27 : memref<!tpu.dma_semaphore, #tpu.memory_space<semaphore_mem>>) src(%dma_wait3A_204 : memref<128xi32, #tpu.memory_space<hbm>>) dst(%arg10 : memref<128xi32, #tpu.memory_space<vmem>>)
          %dma_wait3A_205 = arith.constant 0 : i32
          %dma_wait3A_206 = tpu.memref_slice %arg5[%dma_wait3A_205] : memref<320000xi32, #tpu.memory_space<hbm>> -> memref<128xi32, #tpu.memory_space<hbm>>
          %dma_wait3A_207 = arith.constant 0 : i32
          %dma_wait3A_208 = tpu.memref_slice %arg5[%dma_wait3A_207] : memref<320000xi32, #tpu.memory_space<hbm>> -> memref<128xi32, #tpu.memory_space<hbm>>
          tpu.wait_dma2 semaphore(%arg27 : memref<!tpu.dma_semaphore, #tpu.memory_space<semaphore_mem>>) src(%dma_wait3A_208 : memref<128xi32, #tpu.memory_space<hbm>>) dst(%arg12 : memref<128xi32, #tpu.memory_space<vmem>>)
          %dma_start3A_209 = arith.constant 0 : i32
          %dma_start3A_210 = arith.constant 0 : i32
          %dma_start3A_211 = tpu.memref_slice %arg2[%dma_start3A_209, %dma_start3A_210] : memref<10000x128xf32, #tpu.memory_space<hbm>> -> memref<10000x128xf32, #tpu.memory_space<hbm>>
          tpu.enqueue_indirect_dma source(%dma_start3A_211 : memref<10000x128xf32, #tpu.memory_space<hbm>>) target(%arg14 : memref<128x128xf32, #tpu.memory_space<vmem>>) offsets(%arg10 : memref<128xi32, #tpu.memory_space<vmem>>) semaphore(%arg23 : memref<!tpu.dma_semaphore, #tpu.memory_space<semaphore_mem>>)
        } else {
        }
        %dma_wait3A_186 = arith.constant 0 : i32
        %dma_wait3A_187 = arith.constant 0 : i32
        %dma_wait3A_188 = tpu.memref_slice %arg21[%dma_wait3A_186, %dma_wait3A_187] : memref<10000x128xf32, #tpu.memory_space<vmem_shared>> -> memref<10000x128xf32, #tpu.memory_space<vmem_shared>>
        tpu.wait_indirect_dma semaphore(%arg26 : memref<!tpu.dma_semaphore, #tpu.memory_space<semaphore_mem>>) src(%arg15 : memref<128x128xf32, #tpu.memory_space<vmem>>) dst(%dma_wait3A_188 : memref<10000x128xf32, #tpu.memory_space<vmem_shared>>)
        %dma_wait3A_189 = arith.constant 0 : i32
        %dma_wait3A_190 = tpu.memref_slice %arg22[%dma_wait3A_189] : memref<10000xf32, #tpu.memory_space<vmem_shared>> -> memref<10000xf32, #tpu.memory_space<vmem_shared>>
        tpu.wait_indirect_dma semaphore(%arg30 : memref<!tpu.dma_semaphore, #tpu.memory_space<semaphore_mem>>) src(%arg20 : memref<128xf32, #tpu.memory_space<vmem>>) dst(%dma_wait3A_190 : memref<10000xf32, #tpu.memory_space<vmem_shared>>)
        %mul3A_191 = arith.constant 2 : i32
        %mul3A_192 = arith.muli %mul3A_191, %scan3A_135 : i32
        %add3A_193 = arith.constant 3 : i32
        %add3A_194 = arith.addi %mul3A_192, %add3A_193 : i32
        %lt3A_195 = arith.constant 156 : i32
        %lt3A_196 = arith.cmpi slt, %add3A_194, %lt3A_195 : i32
        %convert_element_type3A_197 = arith.extui %lt3A_196 : i1 to i32
        %cond3A_198 = arith.constant 0 : i32
        %cond3A_199 = arith.cmpi ne, %convert_element_type3A_197, %cond3A_198 : i32
        scf.if %cond3A_199 {
          %mul3A_201 = arith.constant 2 : i32
          %mul3A_202 = arith.muli %mul3A_201, %scan3A_135 : i32
          %add3A_203 = arith.constant 3 : i32
          %add3A_204 = arith.addi %mul3A_202, %add3A_203 : i32
          %mul3A_205 = arith.constant 20000 : i32
          %mul3A_206 = arith.muli %arg1, %mul3A_205 : i32
          %mul3A_207 = arith.constant 128 : i32
          %mul3A_208 = arith.muli %add3A_204, %mul3A_207 : i32
          %add3A_209 = arith.addi %mul3A_206, %mul3A_208 : i32
          %dma_start3A_210 = tpu.memref_slice %arg4[%add3A_209] : memref<320000xi32, #tpu.memory_space<hbm>> -> memref<128xi32, #tpu.memory_space<hbm>>
          %dma_start3A_211 = tpu.memref_slice %arg4[%add3A_209] : memref<320000xi32, #tpu.memory_space<hbm>> -> memref<128xi32, #tpu.memory_space<hbm>>
          tpu.enqueue_dma source(%dma_start3A_211 : memref<128xi32, #tpu.memory_space<hbm>>) target(%arg11 : memref<128xi32, #tpu.memory_space<vmem>>) target_semaphore(%arg28 : memref<!tpu.dma_semaphore, #tpu.memory_space<semaphore_mem>>)
          %dma_start3A_212 = tpu.memref_slice %arg5[%add3A_209] : memref<320000xi32, #tpu.memory_space<hbm>> -> memref<128xi32, #tpu.memory_space<hbm>>
          %dma_start3A_213 = tpu.memref_slice %arg5[%add3A_209] : memref<320000xi32, #tpu.memory_space<hbm>> -> memref<128xi32, #tpu.memory_space<hbm>>
          tpu.enqueue_dma source(%dma_start3A_213 : memref<128xi32, #tpu.memory_space<hbm>>) target(%arg13 : memref<128xi32, #tpu.memory_space<vmem>>) target_semaphore(%arg28 : memref<!tpu.dma_semaphore, #tpu.memory_space<semaphore_mem>>)
        } else {
        }
        %scan3A_200 = arith.constant 0 : i32
        scf.yield %scan3A_200 : i32
      }
      %scan3A_124 = arith.constant 78 : i32
      %mul3A_125 = arith.constant 20000 : i32
      %mul3A_126 = arith.muli %arg1, %mul3A_125 : i32
      %add3A_127 = arith.constant 19968 : i32
      %add3A_128 = arith.addi %mul3A_126, %add3A_127 : i32
      "tpu.region"() ({
        %run_scoped3A = tpu.sem_alloc : memref<!tpu.dma_semaphore, #tpu.memory_space<semaphore_mem>>
        %dma_start3A_135 = tpu.memref_slice %arg4[%add3A_128] : memref<320000xi32, #tpu.memory_space<hbm>> -> memref<32xi32, #tpu.memory_space<hbm>>
        %dma_start3A_136 = tpu.memref_slice %arg4[%add3A_128] : memref<320000xi32, #tpu.memory_space<hbm>> -> memref<32xi32, #tpu.memory_space<hbm>>
        tpu.enqueue_dma source(%dma_start3A_136 : memref<32xi32, #tpu.memory_space<hbm>>) target(%arg16 : memref<32xi32, #tpu.memory_space<vmem>>) target_semaphore(%run_scoped3A : memref<!tpu.dma_semaphore, #tpu.memory_space<semaphore_mem>>)
        %dma_wait3A_137 = tpu.memref_slice %arg4[%add3A_128] : memref<320000xi32, #tpu.memory_space<hbm>> -> memref<32xi32, #tpu.memory_space<hbm>>
        %dma_wait3A_138 = tpu.memref_slice %arg4[%add3A_128] : memref<320000xi32, #tpu.memory_space<hbm>> -> memref<32xi32, #tpu.memory_space<hbm>>
        tpu.wait_dma2 semaphore(%run_scoped3A : memref<!tpu.dma_semaphore, #tpu.memory_space<semaphore_mem>>) src(%dma_wait3A_138 : memref<32xi32, #tpu.memory_space<hbm>>) dst(%arg16 : memref<32xi32, #tpu.memory_space<vmem>>)
        tpu.yield
      }) : () -> ()
      "tpu.region"() ({
        %run_scoped3A = tpu.sem_alloc : memref<!tpu.dma_semaphore, #tpu.memory_space<semaphore_mem>>
        %dma_start3A_135 = tpu.memref_slice %arg5[%add3A_128] : memref<320000xi32, #tpu.memory_space<hbm>> -> memref<32xi32, #tpu.memory_space<hbm>>
        %dma_start3A_136 = tpu.memref_slice %arg5[%add3A_128] : memref<320000xi32, #tpu.memory_space<hbm>> -> memref<32xi32, #tpu.memory_space<hbm>>
        tpu.enqueue_dma source(%dma_start3A_136 : memref<32xi32, #tpu.memory_space<hbm>>) target(%arg17 : memref<32xi32, #tpu.memory_space<vmem>>) target_semaphore(%run_scoped3A : memref<!tpu.dma_semaphore, #tpu.memory_space<semaphore_mem>>)
        %dma_wait3A_137 = tpu.memref_slice %arg5[%add3A_128] : memref<320000xi32, #tpu.memory_space<hbm>> -> memref<32xi32, #tpu.memory_space<hbm>>
        %dma_wait3A_138 = tpu.memref_slice %arg5[%add3A_128] : memref<320000xi32, #tpu.memory_space<hbm>> -> memref<32xi32, #tpu.memory_space<hbm>>
        tpu.wait_dma2 semaphore(%run_scoped3A : memref<!tpu.dma_semaphore, #tpu.memory_space<semaphore_mem>>) src(%dma_wait3A_138 : memref<32xi32, #tpu.memory_space<hbm>>) dst(%arg17 : memref<32xi32, #tpu.memory_space<vmem>>)
        tpu.yield
      }) : () -> ()
      %dma_start3A_129 = arith.constant 0 : i32
      %dma_start3A_130 = arith.constant 0 : i32
      %dma_start3A_131 = tpu.memref_slice %arg2[%dma_start3A_129, %dma_start3A_130] : memref<10000x128xf32, #tpu.memory_space<hbm>> -> memref<10000x128xf32, #tpu.memory_space<hbm>>
      tpu.enqueue_indirect_dma source(%dma_start3A_131 : memref<10000x128xf32, #tpu.memory_space<hbm>>) target(%arg18 : memref<32x128xf32, #tpu.memory_space<vmem>>) offsets(%arg16 : memref<32xi32, #tpu.memory_space<vmem>>) semaphore(%arg23 : memref<!tpu.dma_semaphore, #tpu.memory_space<semaphore_mem>>)
      %dma_wait3A_132 = arith.constant 0 : i32
      %dma_wait3A_133 = arith.constant 0 : i32
      %dma_wait3A_134 = tpu.memref_slice %arg2[%dma_wait3A_132, %dma_wait3A_133] : memref<10000x128xf32, #tpu.memory_space<hbm>> -> memref<10000x128xf32, #tpu.memory_space<hbm>>
      tpu.wait_indirect_dma semaphore(%arg23 : memref<!tpu.dma_semaphore, #tpu.memory_space<semaphore_mem>>) src(%dma_wait3A_134 : memref<10000x128xf32, #tpu.memory_space<hbm>>) dst(%arg18 : memref<32x128xf32, #tpu.memory_space<vmem>>)
      "tpu.region"() ({
        %run_scoped3A = tpu.sem_alloc : memref<!tpu.dma_semaphore, #tpu.memory_space<semaphore_mem>>
        %dma_start3A_135 = arith.constant 0 : i32
        %dma_start3A_136 = arith.constant 0 : i32
        %dma_start3A_137 = tpu.memref_slice %arg21[%dma_start3A_135, %dma_start3A_136] : memref<10000x128xf32, #tpu.memory_space<vmem_shared>> -> memref<10000x128xf32, #tpu.memory_space<vmem_shared>>
        tpu.enqueue_indirect_dma source(%arg18 : memref<32x128xf32, #tpu.memory_space<vmem>>) target(%dma_start3A_137 : memref<10000x128xf32, #tpu.memory_space<vmem_shared>>) offsets(%arg17 : memref<32xi32, #tpu.memory_space<vmem>>) semaphore(%run_scoped3A : memref<!tpu.dma_semaphore, #tpu.memory_space<semaphore_mem>>) {add = true}
        %dma_wait3A_138 = arith.constant 0 : i32
        %dma_wait3A_139 = arith.constant 0 : i32
        %dma_wait3A_140 = tpu.memref_slice %arg21[%dma_wait3A_138, %dma_wait3A_139] : memref<10000x128xf32, #tpu.memory_space<vmem_shared>> -> memref<10000x128xf32, #tpu.memory_space<vmem_shared>>
        tpu.wait_indirect_dma semaphore(%run_scoped3A : memref<!tpu.dma_semaphore, #tpu.memory_space<semaphore_mem>>) src(%arg18 : memref<32x128xf32, #tpu.memory_space<vmem>>) dst(%dma_wait3A_140 : memref<10000x128xf32, #tpu.memory_space<vmem_shared>>)
        tpu.yield
      }) : () -> ()
      "tpu.region"() ({
        %run_scoped3A = tpu.sem_alloc : memref<!tpu.dma_semaphore, #tpu.memory_space<semaphore_mem>>
        %dma_start3A_135 = arith.constant 0 : i32
        %dma_start3A_136 = tpu.memref_slice %arg20[%dma_start3A_135] : memref<128xf32, #tpu.memory_space<vmem>> -> memref<32xf32, #tpu.memory_space<vmem>>
        %dma_start3A_137 = arith.constant 0 : i32
        %dma_start3A_138 = tpu.memref_slice %arg22[%dma_start3A_137] : memref<10000xf32, #tpu.memory_space<vmem_shared>> -> memref<10000xf32, #tpu.memory_space<vmem_shared>>
        tpu.enqueue_indirect_dma source(%dma_start3A_136 : memref<32xf32, #tpu.memory_space<vmem>>) target(%dma_start3A_138 : memref<10000xf32, #tpu.memory_space<vmem_shared>>) offsets(%arg17 : memref<32xi32, #tpu.memory_space<vmem>>) semaphore(%run_scoped3A : memref<!tpu.dma_semaphore, #tpu.memory_space<semaphore_mem>>) {add = true}
        %dma_wait3A_139 = arith.constant 0 : i32
        %dma_wait3A_140 = tpu.memref_slice %arg20[%dma_wait3A_139] : memref<128xf32, #tpu.memory_space<vmem>> -> memref<32xf32, #tpu.memory_space<vmem>>
        %dma_wait3A_141 = arith.constant 0 : i32
        %dma_wait3A_142 = tpu.memref_slice %arg22[%dma_wait3A_141] : memref<10000xf32, #tpu.memory_space<vmem_shared>> -> memref<10000xf32, #tpu.memory_space<vmem_shared>>
        tpu.wait_indirect_dma semaphore(%run_scoped3A : memref<!tpu.dma_semaphore, #tpu.memory_space<semaphore_mem>>) src(%dma_wait3A_140 : memref<32xf32, #tpu.memory_space<vmem>>) dst(%dma_wait3A_142 : memref<10000xf32, #tpu.memory_space<vmem_shared>>)
        tpu.yield
      }) : () -> ()
    } else {
    }
    %eq3A_51 = arith.constant 1 : i32
    %eq3A_52 = arith.cmpi eq, %arg0, %eq3A_51 : i32
    %convert_element_type3A_53 = arith.extui %eq3A_52 : i1 to i32
    %cond3A_54 = arith.constant 0 : i32
    %cond3A_55 = arith.cmpi ne, %convert_element_type3A_53, %cond3A_54 : i32
    scf.if %cond3A_55 {
      %mul3A_93 = arith.constant 20000 : i32
      %mul3A_94 = arith.muli %arg1, %mul3A_93 : i32
      %add3A_95 = arith.constant 0 : i32
      %add3A_96 = arith.addi %mul3A_94, %add3A_95 : i32
      %dma_start3A = tpu.memref_slice %arg6[%add3A_96] : memref<320000xi32, #tpu.memory_space<hbm>> -> memref<128xi32, #tpu.memory_space<hbm>>
      %dma_start3A_97 = tpu.memref_slice %arg6[%add3A_96] : memref<320000xi32, #tpu.memory_space<hbm>> -> memref<128xi32, #tpu.memory_space<hbm>>
      tpu.enqueue_dma source(%dma_start3A_97 : memref<128xi32, #tpu.memory_space<hbm>>) target(%arg10 : memref<128xi32, #tpu.memory_space<vmem>>) target_semaphore(%arg27 : memref<!tpu.dma_semaphore, #tpu.memory_space<semaphore_mem>>)
      %dma_start3A_98 = tpu.memref_slice %arg7[%add3A_96] : memref<320000xi32, #tpu.memory_space<hbm>> -> memref<128xi32, #tpu.memory_space<hbm>>
      %dma_start3A_99 = tpu.memref_slice %arg7[%add3A_96] : memref<320000xi32, #tpu.memory_space<hbm>> -> memref<128xi32, #tpu.memory_space<hbm>>
      tpu.enqueue_dma source(%dma_start3A_99 : memref<128xi32, #tpu.memory_space<hbm>>) target(%arg12 : memref<128xi32, #tpu.memory_space<vmem>>) target_semaphore(%arg27 : memref<!tpu.dma_semaphore, #tpu.memory_space<semaphore_mem>>)
      %dma_wait3A = arith.constant 0 : i32
      %dma_wait3A_100 = tpu.memref_slice %arg6[%dma_wait3A] : memref<320000xi32, #tpu.memory_space<hbm>> -> memref<128xi32, #tpu.memory_space<hbm>>
      %dma_wait3A_101 = arith.constant 0 : i32
      %dma_wait3A_102 = tpu.memref_slice %arg6[%dma_wait3A_101] : memref<320000xi32, #tpu.memory_space<hbm>> -> memref<128xi32, #tpu.memory_space<hbm>>
      tpu.wait_dma2 semaphore(%arg27 : memref<!tpu.dma_semaphore, #tpu.memory_space<semaphore_mem>>) src(%dma_wait3A_102 : memref<128xi32, #tpu.memory_space<hbm>>) dst(%arg10 : memref<128xi32, #tpu.memory_space<vmem>>)
      %dma_wait3A_103 = arith.constant 0 : i32
      %dma_wait3A_104 = tpu.memref_slice %arg7[%dma_wait3A_103] : memref<320000xi32, #tpu.memory_space<hbm>> -> memref<128xi32, #tpu.memory_space<hbm>>
      %dma_wait3A_105 = arith.constant 0 : i32
      %dma_wait3A_106 = tpu.memref_slice %arg7[%dma_wait3A_105] : memref<320000xi32, #tpu.memory_space<hbm>> -> memref<128xi32, #tpu.memory_space<hbm>>
      tpu.wait_dma2 semaphore(%arg27 : memref<!tpu.dma_semaphore, #tpu.memory_space<semaphore_mem>>) src(%dma_wait3A_106 : memref<128xi32, #tpu.memory_space<hbm>>) dst(%arg12 : memref<128xi32, #tpu.memory_space<vmem>>)
      %mul3A_107 = arith.constant 20000 : i32
      %mul3A_108 = arith.muli %arg1, %mul3A_107 : i32
      %add3A_109 = arith.constant 128 : i32
      %add3A_110 = arith.addi %mul3A_108, %add3A_109 : i32
      %dma_start3A_111 = tpu.memref_slice %arg6[%add3A_110] : memref<320000xi32, #tpu.memory_space<hbm>> -> memref<128xi32, #tpu.memory_space<hbm>>
      %dma_start3A_112 = tpu.memref_slice %arg6[%add3A_110] : memref<320000xi32, #tpu.memory_space<hbm>> -> memref<128xi32, #tpu.memory_space<hbm>>
      tpu.enqueue_dma source(%dma_start3A_112 : memref<128xi32, #tpu.memory_space<hbm>>) target(%arg11 : memref<128xi32, #tpu.memory_space<vmem>>) target_semaphore(%arg28 : memref<!tpu.dma_semaphore, #tpu.memory_space<semaphore_mem>>)
      %dma_start3A_113 = tpu.memref_slice %arg7[%add3A_110] : memref<320000xi32, #tpu.memory_space<hbm>> -> memref<128xi32, #tpu.memory_space<hbm>>
      %dma_start3A_114 = tpu.memref_slice %arg7[%add3A_110] : memref<320000xi32, #tpu.memory_space<hbm>> -> memref<128xi32, #tpu.memory_space<hbm>>
      tpu.enqueue_dma source(%dma_start3A_114 : memref<128xi32, #tpu.memory_space<hbm>>) target(%arg13 : memref<128xi32, #tpu.memory_space<vmem>>) target_semaphore(%arg28 : memref<!tpu.dma_semaphore, #tpu.memory_space<semaphore_mem>>)
      %dma_start3A_115 = arith.constant 0 : i32
      %dma_start3A_116 = arith.constant 0 : i32
      %dma_start3A_117 = tpu.memref_slice %arg3[%dma_start3A_115, %dma_start3A_116] : memref<10000x128xf32, #tpu.memory_space<hbm>> -> memref<10000x128xf32, #tpu.memory_space<hbm>>
      tpu.enqueue_indirect_dma source(%dma_start3A_117 : memref<10000x128xf32, #tpu.memory_space<hbm>>) target(%arg14 : memref<128x128xf32, #tpu.memory_space<vmem>>) offsets(%arg10 : memref<128xi32, #tpu.memory_space<vmem>>) semaphore(%arg23 : memref<!tpu.dma_semaphore, #tpu.memory_space<semaphore_mem>>)
      %scan3A_118 = arith.constant 0 : i32
      %scan3A_119 = arith.constant 0 : i32
      %scan3A_120 = arith.constant 78 : i32
      %scan3A_121 = arith.addi %scan3A_119, %scan3A_120 : i32
      %scan3A_122 = arith.constant 1 : i32
      %scan3A_123 = scf.for %scan3A_135 = %scan3A_119 to %scan3A_121 step %scan3A_122 iter_args(%scan3A_136 = %scan3A_118) -> (i32)  : i32 {
        %dma_wait3A_137 = arith.constant 0 : i32
        %dma_wait3A_138 = arith.constant 0 : i32
        %dma_wait3A_139 = tpu.memref_slice %arg3[%dma_wait3A_137, %dma_wait3A_138] : memref<10000x128xf32, #tpu.memory_space<hbm>> -> memref<10000x128xf32, #tpu.memory_space<hbm>>
        tpu.wait_indirect_dma semaphore(%arg23 : memref<!tpu.dma_semaphore, #tpu.memory_space<semaphore_mem>>) src(%dma_wait3A_139 : memref<10000x128xf32, #tpu.memory_space<hbm>>) dst(%arg14 : memref<128x128xf32, #tpu.memory_space<vmem>>)
        %dma_start3A_140 = arith.constant 0 : i32
        %dma_start3A_141 = arith.constant 0 : i32
        %dma_start3A_142 = tpu.memref_slice %arg21[%dma_start3A_140, %dma_start3A_141] : memref<10000x128xf32, #tpu.memory_space<vmem_shared>> -> memref<10000x128xf32, #tpu.memory_space<vmem_shared>>
        tpu.enqueue_indirect_dma source(%arg14 : memref<128x128xf32, #tpu.memory_space<vmem>>) target(%dma_start3A_142 : memref<10000x128xf32, #tpu.memory_space<vmem_shared>>) offsets(%arg12 : memref<128xi32, #tpu.memory_space<vmem>>) semaphore(%arg25 : memref<!tpu.dma_semaphore, #tpu.memory_space<semaphore_mem>>) {add = true}
        %dma_start3A_143 = arith.constant 0 : i32
        %dma_start3A_144 = tpu.memref_slice %arg22[%dma_start3A_143] : memref<10000xf32, #tpu.memory_space<vmem_shared>> -> memref<10000xf32, #tpu.memory_space<vmem_shared>>
        tpu.enqueue_indirect_dma source(%arg20 : memref<128xf32, #tpu.memory_space<vmem>>) target(%dma_start3A_144 : memref<10000xf32, #tpu.memory_space<vmem_shared>>) offsets(%arg12 : memref<128xi32, #tpu.memory_space<vmem>>) semaphore(%arg29 : memref<!tpu.dma_semaphore, #tpu.memory_space<semaphore_mem>>) {add = true}
        %dma_wait3A_145 = arith.constant 0 : i32
        %dma_wait3A_146 = tpu.memref_slice %arg6[%dma_wait3A_145] : memref<320000xi32, #tpu.memory_space<hbm>> -> memref<128xi32, #tpu.memory_space<hbm>>
        %dma_wait3A_147 = arith.constant 0 : i32
        %dma_wait3A_148 = tpu.memref_slice %arg6[%dma_wait3A_147] : memref<320000xi32, #tpu.memory_space<hbm>> -> memref<128xi32, #tpu.memory_space<hbm>>
        tpu.wait_dma2 semaphore(%arg28 : memref<!tpu.dma_semaphore, #tpu.memory_space<semaphore_mem>>) src(%dma_wait3A_148 : memref<128xi32, #tpu.memory_space<hbm>>) dst(%arg11 : memref<128xi32, #tpu.memory_space<vmem>>)
        %dma_wait3A_149 = arith.constant 0 : i32
        %dma_wait3A_150 = tpu.memref_slice %arg7[%dma_wait3A_149] : memref<320000xi32, #tpu.memory_space<hbm>> -> memref<128xi32, #tpu.memory_space<hbm>>
        %dma_wait3A_151 = arith.constant 0 : i32
        %dma_wait3A_152 = tpu.memref_slice %arg7[%dma_wait3A_151] : memref<320000xi32, #tpu.memory_space<hbm>> -> memref<128xi32, #tpu.memory_space<hbm>>
        tpu.wait_dma2 semaphore(%arg28 : memref<!tpu.dma_semaphore, #tpu.memory_space<semaphore_mem>>) src(%dma_wait3A_152 : memref<128xi32, #tpu.memory_space<hbm>>) dst(%arg13 : memref<128xi32, #tpu.memory_space<vmem>>)
        %dma_start3A_153 = arith.constant 0 : i32
        %dma_start3A_154 = arith.constant 0 : i32
        %dma_start3A_155 = tpu.memref_slice %arg3[%dma_start3A_153, %dma_start3A_154] : memref<10000x128xf32, #tpu.memory_space<hbm>> -> memref<10000x128xf32, #tpu.memory_space<hbm>>
        tpu.enqueue_indirect_dma source(%dma_start3A_155 : memref<10000x128xf32, #tpu.memory_space<hbm>>) target(%arg15 : memref<128x128xf32, #tpu.memory_space<vmem>>) offsets(%arg11 : memref<128xi32, #tpu.memory_space<vmem>>) semaphore(%arg24 : memref<!tpu.dma_semaphore, #tpu.memory_space<semaphore_mem>>)
        %dma_wait3A_156 = arith.constant 0 : i32
        %dma_wait3A_157 = arith.constant 0 : i32
        %dma_wait3A_158 = tpu.memref_slice %arg21[%dma_wait3A_156, %dma_wait3A_157] : memref<10000x128xf32, #tpu.memory_space<vmem_shared>> -> memref<10000x128xf32, #tpu.memory_space<vmem_shared>>
        tpu.wait_indirect_dma semaphore(%arg25 : memref<!tpu.dma_semaphore, #tpu.memory_space<semaphore_mem>>) src(%arg14 : memref<128x128xf32, #tpu.memory_space<vmem>>) dst(%dma_wait3A_158 : memref<10000x128xf32, #tpu.memory_space<vmem_shared>>)
        %dma_wait3A_159 = arith.constant 0 : i32
        %dma_wait3A_160 = tpu.memref_slice %arg22[%dma_wait3A_159] : memref<10000xf32, #tpu.memory_space<vmem_shared>> -> memref<10000xf32, #tpu.memory_space<vmem_shared>>
        tpu.wait_indirect_dma semaphore(%arg29 : memref<!tpu.dma_semaphore, #tpu.memory_space<semaphore_mem>>) src(%arg20 : memref<128xf32, #tpu.memory_space<vmem>>) dst(%dma_wait3A_160 : memref<10000xf32, #tpu.memory_space<vmem_shared>>)
        %mul3A_161 = arith.constant 2 : i32
        %mul3A_162 = arith.muli %mul3A_161, %scan3A_135 : i32
        %add3A_163 = arith.constant 2 : i32
        %add3A_164 = arith.addi %mul3A_162, %add3A_163 : i32
        %lt3A = arith.constant 156 : i32
        %lt3A_165 = arith.cmpi slt, %add3A_164, %lt3A : i32
        %convert_element_type3A_166 = arith.extui %lt3A_165 : i1 to i32
        %cond3A_167 = arith.constant 0 : i32
        %cond3A_168 = arith.cmpi ne, %convert_element_type3A_166, %cond3A_167 : i32
        scf.if %cond3A_168 {
          %mul3A_201 = arith.constant 2 : i32
          %mul3A_202 = arith.muli %mul3A_201, %scan3A_135 : i32
          %add3A_203 = arith.constant 2 : i32
          %add3A_204 = arith.addi %mul3A_202, %add3A_203 : i32
          %mul3A_205 = arith.constant 20000 : i32
          %mul3A_206 = arith.muli %arg1, %mul3A_205 : i32
          %mul3A_207 = arith.constant 128 : i32
          %mul3A_208 = arith.muli %add3A_204, %mul3A_207 : i32
          %add3A_209 = arith.addi %mul3A_206, %mul3A_208 : i32
          %dma_start3A_210 = tpu.memref_slice %arg6[%add3A_209] : memref<320000xi32, #tpu.memory_space<hbm>> -> memref<128xi32, #tpu.memory_space<hbm>>
          %dma_start3A_211 = tpu.memref_slice %arg6[%add3A_209] : memref<320000xi32, #tpu.memory_space<hbm>> -> memref<128xi32, #tpu.memory_space<hbm>>
          tpu.enqueue_dma source(%dma_start3A_211 : memref<128xi32, #tpu.memory_space<hbm>>) target(%arg10 : memref<128xi32, #tpu.memory_space<vmem>>) target_semaphore(%arg27 : memref<!tpu.dma_semaphore, #tpu.memory_space<semaphore_mem>>)
          %dma_start3A_212 = tpu.memref_slice %arg7[%add3A_209] : memref<320000xi32, #tpu.memory_space<hbm>> -> memref<128xi32, #tpu.memory_space<hbm>>
          %dma_start3A_213 = tpu.memref_slice %arg7[%add3A_209] : memref<320000xi32, #tpu.memory_space<hbm>> -> memref<128xi32, #tpu.memory_space<hbm>>
          tpu.enqueue_dma source(%dma_start3A_213 : memref<128xi32, #tpu.memory_space<hbm>>) target(%arg12 : memref<128xi32, #tpu.memory_space<vmem>>) target_semaphore(%arg27 : memref<!tpu.dma_semaphore, #tpu.memory_space<semaphore_mem>>)
        } else {
        }
        %dma_wait3A_169 = arith.constant 0 : i32
        %dma_wait3A_170 = arith.constant 0 : i32
        %dma_wait3A_171 = tpu.memref_slice %arg3[%dma_wait3A_169, %dma_wait3A_170] : memref<10000x128xf32, #tpu.memory_space<hbm>> -> memref<10000x128xf32, #tpu.memory_space<hbm>>
        tpu.wait_indirect_dma semaphore(%arg24 : memref<!tpu.dma_semaphore, #tpu.memory_space<semaphore_mem>>) src(%dma_wait3A_171 : memref<10000x128xf32, #tpu.memory_space<hbm>>) dst(%arg15 : memref<128x128xf32, #tpu.memory_space<vmem>>)
        %dma_start3A_172 = arith.constant 0 : i32
        %dma_start3A_173 = arith.constant 0 : i32
        %dma_start3A_174 = tpu.memref_slice %arg21[%dma_start3A_172, %dma_start3A_173] : memref<10000x128xf32, #tpu.memory_space<vmem_shared>> -> memref<10000x128xf32, #tpu.memory_space<vmem_shared>>
        tpu.enqueue_indirect_dma source(%arg15 : memref<128x128xf32, #tpu.memory_space<vmem>>) target(%dma_start3A_174 : memref<10000x128xf32, #tpu.memory_space<vmem_shared>>) offsets(%arg13 : memref<128xi32, #tpu.memory_space<vmem>>) semaphore(%arg26 : memref<!tpu.dma_semaphore, #tpu.memory_space<semaphore_mem>>) {add = true}
        %dma_start3A_175 = arith.constant 0 : i32
        %dma_start3A_176 = tpu.memref_slice %arg22[%dma_start3A_175] : memref<10000xf32, #tpu.memory_space<vmem_shared>> -> memref<10000xf32, #tpu.memory_space<vmem_shared>>
        tpu.enqueue_indirect_dma source(%arg20 : memref<128xf32, #tpu.memory_space<vmem>>) target(%dma_start3A_176 : memref<10000xf32, #tpu.memory_space<vmem_shared>>) offsets(%arg13 : memref<128xi32, #tpu.memory_space<vmem>>) semaphore(%arg30 : memref<!tpu.dma_semaphore, #tpu.memory_space<semaphore_mem>>) {add = true}
        %mul3A_177 = arith.constant 2 : i32
        %mul3A_178 = arith.muli %mul3A_177, %scan3A_135 : i32
        %add3A_179 = arith.constant 2 : i32
        %add3A_180 = arith.addi %mul3A_178, %add3A_179 : i32
        %lt3A_181 = arith.constant 156 : i32
        %lt3A_182 = arith.cmpi slt, %add3A_180, %lt3A_181 : i32
        %convert_element_type3A_183 = arith.extui %lt3A_182 : i1 to i32
        %cond3A_184 = arith.constant 0 : i32
        %cond3A_185 = arith.cmpi ne, %convert_element_type3A_183, %cond3A_184 : i32
        scf.if %cond3A_185 {
          %dma_wait3A_201 = arith.constant 0 : i32
          %dma_wait3A_202 = tpu.memref_slice %arg6[%dma_wait3A_201] : memref<320000xi32, #tpu.memory_space<hbm>> -> memref<128xi32, #tpu.memory_space<hbm>>
          %dma_wait3A_203 = arith.constant 0 : i32
          %dma_wait3A_204 = tpu.memref_slice %arg6[%dma_wait3A_203] : memref<320000xi32, #tpu.memory_space<hbm>> -> memref<128xi32, #tpu.memory_space<hbm>>
          tpu.wait_dma2 semaphore(%arg27 : memref<!tpu.dma_semaphore, #tpu.memory_space<semaphore_mem>>) src(%dma_wait3A_204 : memref<128xi32, #tpu.memory_space<hbm>>) dst(%arg10 : memref<128xi32, #tpu.memory_space<vmem>>)
          %dma_wait3A_205 = arith.constant 0 : i32
          %dma_wait3A_206 = tpu.memref_slice %arg7[%dma_wait3A_205] : memref<320000xi32, #tpu.memory_space<hbm>> -> memref<128xi32, #tpu.memory_space<hbm>>
          %dma_wait3A_207 = arith.constant 0 : i32
          %dma_wait3A_208 = tpu.memref_slice %arg7[%dma_wait3A_207] : memref<320000xi32, #tpu.memory_space<hbm>> -> memref<128xi32, #tpu.memory_space<hbm>>
          tpu.wait_dma2 semaphore(%arg27 : memref<!tpu.dma_semaphore, #tpu.memory_space<semaphore_mem>>) src(%dma_wait3A_208 : memref<128xi32, #tpu.memory_space<hbm>>) dst(%arg12 : memref<128xi32, #tpu.memory_space<vmem>>)
          %dma_start3A_209 = arith.constant 0 : i32
          %dma_start3A_210 = arith.constant 0 : i32
          %dma_start3A_211 = tpu.memref_slice %arg3[%dma_start3A_209, %dma_start3A_210] : memref<10000x128xf32, #tpu.memory_space<hbm>> -> memref<10000x128xf32, #tpu.memory_space<hbm>>
          tpu.enqueue_indirect_dma source(%dma_start3A_211 : memref<10000x128xf32, #tpu.memory_space<hbm>>) target(%arg14 : memref<128x128xf32, #tpu.memory_space<vmem>>) offsets(%arg10 : memref<128xi32, #tpu.memory_space<vmem>>) semaphore(%arg23 : memref<!tpu.dma_semaphore, #tpu.memory_space<semaphore_mem>>)
        } else {
        }
        %dma_wait3A_186 = arith.constant 0 : i32
        %dma_wait3A_187 = arith.constant 0 : i32
        %dma_wait3A_188 = tpu.memref_slice %arg21[%dma_wait3A_186, %dma_wait3A_187] : memref<10000x128xf32, #tpu.memory_space<vmem_shared>> -> memref<10000x128xf32, #tpu.memory_space<vmem_shared>>
        tpu.wait_indirect_dma semaphore(%arg26 : memref<!tpu.dma_semaphore, #tpu.memory_space<semaphore_mem>>) src(%arg15 : memref<128x128xf32, #tpu.memory_space<vmem>>) dst(%dma_wait3A_188 : memref<10000x128xf32, #tpu.memory_space<vmem_shared>>)
        %dma_wait3A_189 = arith.constant 0 : i32
        %dma_wait3A_190 = tpu.memref_slice %arg22[%dma_wait3A_189] : memref<10000xf32, #tpu.memory_space<vmem_shared>> -> memref<10000xf32, #tpu.memory_space<vmem_shared>>
        tpu.wait_indirect_dma semaphore(%arg30 : memref<!tpu.dma_semaphore, #tpu.memory_space<semaphore_mem>>) src(%arg20 : memref<128xf32, #tpu.memory_space<vmem>>) dst(%dma_wait3A_190 : memref<10000xf32, #tpu.memory_space<vmem_shared>>)
        %mul3A_191 = arith.constant 2 : i32
        %mul3A_192 = arith.muli %mul3A_191, %scan3A_135 : i32
        %add3A_193 = arith.constant 3 : i32
        %add3A_194 = arith.addi %mul3A_192, %add3A_193 : i32
        %lt3A_195 = arith.constant 156 : i32
        %lt3A_196 = arith.cmpi slt, %add3A_194, %lt3A_195 : i32
        %convert_element_type3A_197 = arith.extui %lt3A_196 : i1 to i32
        %cond3A_198 = arith.constant 0 : i32
        %cond3A_199 = arith.cmpi ne, %convert_element_type3A_197, %cond3A_198 : i32
        scf.if %cond3A_199 {
          %mul3A_201 = arith.constant 2 : i32
          %mul3A_202 = arith.muli %mul3A_201, %scan3A_135 : i32
          %add3A_203 = arith.constant 3 : i32
          %add3A_204 = arith.addi %mul3A_202, %add3A_203 : i32
          %mul3A_205 = arith.constant 20000 : i32
          %mul3A_206 = arith.muli %arg1, %mul3A_205 : i32
          %mul3A_207 = arith.constant 128 : i32
          %mul3A_208 = arith.muli %add3A_204, %mul3A_207 : i32
          %add3A_209 = arith.addi %mul3A_206, %mul3A_208 : i32
          %dma_start3A_210 = tpu.memref_slice %arg6[%add3A_209] : memref<320000xi32, #tpu.memory_space<hbm>> -> memref<128xi32, #tpu.memory_space<hbm>>
          %dma_start3A_211 = tpu.memref_slice %arg6[%add3A_209] : memref<320000xi32, #tpu.memory_space<hbm>> -> memref<128xi32, #tpu.memory_space<hbm>>
          tpu.enqueue_dma source(%dma_start3A_211 : memref<128xi32, #tpu.memory_space<hbm>>) target(%arg11 : memref<128xi32, #tpu.memory_space<vmem>>) target_semaphore(%arg28 : memref<!tpu.dma_semaphore, #tpu.memory_space<semaphore_mem>>)
          %dma_start3A_212 = tpu.memref_slice %arg7[%add3A_209] : memref<320000xi32, #tpu.memory_space<hbm>> -> memref<128xi32, #tpu.memory_space<hbm>>
          %dma_start3A_213 = tpu.memref_slice %arg7[%add3A_209] : memref<320000xi32, #tpu.memory_space<hbm>> -> memref<128xi32, #tpu.memory_space<hbm>>
          tpu.enqueue_dma source(%dma_start3A_213 : memref<128xi32, #tpu.memory_space<hbm>>) target(%arg13 : memref<128xi32, #tpu.memory_space<vmem>>) target_semaphore(%arg28 : memref<!tpu.dma_semaphore, #tpu.memory_space<semaphore_mem>>)
        } else {
        }
        %scan3A_200 = arith.constant 0 : i32
        scf.yield %scan3A_200 : i32
      }
      %scan3A_124 = arith.constant 78 : i32
      %mul3A_125 = arith.constant 20000 : i32
      %mul3A_126 = arith.muli %arg1, %mul3A_125 : i32
      %add3A_127 = arith.constant 19968 : i32
      %add3A_128 = arith.addi %mul3A_126, %add3A_127 : i32
      "tpu.region"() ({
        %run_scoped3A = tpu.sem_alloc : memref<!tpu.dma_semaphore, #tpu.memory_space<semaphore_mem>>
        %dma_start3A_135 = tpu.memref_slice %arg6[%add3A_128] : memref<320000xi32, #tpu.memory_space<hbm>> -> memref<32xi32, #tpu.memory_space<hbm>>
        %dma_start3A_136 = tpu.memref_slice %arg6[%add3A_128] : memref<320000xi32, #tpu.memory_space<hbm>> -> memref<32xi32, #tpu.memory_space<hbm>>
        tpu.enqueue_dma source(%dma_start3A_136 : memref<32xi32, #tpu.memory_space<hbm>>) target(%arg16 : memref<32xi32, #tpu.memory_space<vmem>>) target_semaphore(%run_scoped3A : memref<!tpu.dma_semaphore, #tpu.memory_space<semaphore_mem>>)
        %dma_wait3A_137 = tpu.memref_slice %arg6[%add3A_128] : memref<320000xi32, #tpu.memory_space<hbm>> -> memref<32xi32, #tpu.memory_space<hbm>>
        %dma_wait3A_138 = tpu.memref_slice %arg6[%add3A_128] : memref<320000xi32, #tpu.memory_space<hbm>> -> memref<32xi32, #tpu.memory_space<hbm>>
        tpu.wait_dma2 semaphore(%run_scoped3A : memref<!tpu.dma_semaphore, #tpu.memory_space<semaphore_mem>>) src(%dma_wait3A_138 : memref<32xi32, #tpu.memory_space<hbm>>) dst(%arg16 : memref<32xi32, #tpu.memory_space<vmem>>)
        tpu.yield
      }) : () -> ()
      "tpu.region"() ({
        %run_scoped3A = tpu.sem_alloc : memref<!tpu.dma_semaphore, #tpu.memory_space<semaphore_mem>>
        %dma_start3A_135 = tpu.memref_slice %arg7[%add3A_128] : memref<320000xi32, #tpu.memory_space<hbm>> -> memref<32xi32, #tpu.memory_space<hbm>>
        %dma_start3A_136 = tpu.memref_slice %arg7[%add3A_128] : memref<320000xi32, #tpu.memory_space<hbm>> -> memref<32xi32, #tpu.memory_space<hbm>>
        tpu.enqueue_dma source(%dma_start3A_136 : memref<32xi32, #tpu.memory_space<hbm>>) target(%arg17 : memref<32xi32, #tpu.memory_space<vmem>>) target_semaphore(%run_scoped3A : memref<!tpu.dma_semaphore, #tpu.memory_space<semaphore_mem>>)
        %dma_wait3A_137 = tpu.memref_slice %arg7[%add3A_128] : memref<320000xi32, #tpu.memory_space<hbm>> -> memref<32xi32, #tpu.memory_space<hbm>>
        %dma_wait3A_138 = tpu.memref_slice %arg7[%add3A_128] : memref<320000xi32, #tpu.memory_space<hbm>> -> memref<32xi32, #tpu.memory_space<hbm>>
        tpu.wait_dma2 semaphore(%run_scoped3A : memref<!tpu.dma_semaphore, #tpu.memory_space<semaphore_mem>>) src(%dma_wait3A_138 : memref<32xi32, #tpu.memory_space<hbm>>) dst(%arg17 : memref<32xi32, #tpu.memory_space<vmem>>)
        tpu.yield
      }) : () -> ()
      %dma_start3A_129 = arith.constant 0 : i32
      %dma_start3A_130 = arith.constant 0 : i32
      %dma_start3A_131 = tpu.memref_slice %arg3[%dma_start3A_129, %dma_start3A_130] : memref<10000x128xf32, #tpu.memory_space<hbm>> -> memref<10000x128xf32, #tpu.memory_space<hbm>>
      tpu.enqueue_indirect_dma source(%dma_start3A_131 : memref<10000x128xf32, #tpu.memory_space<hbm>>) target(%arg18 : memref<32x128xf32, #tpu.memory_space<vmem>>) offsets(%arg16 : memref<32xi32, #tpu.memory_space<vmem>>) semaphore(%arg23 : memref<!tpu.dma_semaphore, #tpu.memory_space<semaphore_mem>>)
      %dma_wait3A_132 = arith.constant 0 : i32
      %dma_wait3A_133 = arith.constant 0 : i32
      %dma_wait3A_134 = tpu.memref_slice %arg3[%dma_wait3A_132, %dma_wait3A_133] : memref<10000x128xf32, #tpu.memory_space<hbm>> -> memref<10000x128xf32, #tpu.memory_space<hbm>>
      tpu.wait_indirect_dma semaphore(%arg23 : memref<!tpu.dma_semaphore, #tpu.memory_space<semaphore_mem>>) src(%dma_wait3A_134 : memref<10000x128xf32, #tpu.memory_space<hbm>>) dst(%arg18 : memref<32x128xf32, #tpu.memory_space<vmem>>)
      "tpu.region"() ({
        %run_scoped3A = tpu.sem_alloc : memref<!tpu.dma_semaphore, #tpu.memory_space<semaphore_mem>>
        %dma_start3A_135 = arith.constant 0 : i32
        %dma_start3A_136 = arith.constant 0 : i32
        %dma_start3A_137 = tpu.memref_slice %arg21[%dma_start3A_135, %dma_start3A_136] : memref<10000x128xf32, #tpu.memory_space<vmem_shared>> -> memref<10000x128xf32, #tpu.memory_space<vmem_shared>>
        tpu.enqueue_indirect_dma source(%arg18 : memref<32x128xf32, #tpu.memory_space<vmem>>) target(%dma_start3A_137 : memref<10000x128xf32, #tpu.memory_space<vmem_shared>>) offsets(%arg17 : memref<32xi32, #tpu.memory_space<vmem>>) semaphore(%run_scoped3A : memref<!tpu.dma_semaphore, #tpu.memory_space<semaphore_mem>>) {add = true}
        %dma_wait3A_138 = arith.constant 0 : i32
        %dma_wait3A_139 = arith.constant 0 : i32
        %dma_wait3A_140 = tpu.memref_slice %arg21[%dma_wait3A_138, %dma_wait3A_139] : memref<10000x128xf32, #tpu.memory_space<vmem_shared>> -> memref<10000x128xf32, #tpu.memory_space<vmem_shared>>
        tpu.wait_indirect_dma semaphore(%run_scoped3A : memref<!tpu.dma_semaphore, #tpu.memory_space<semaphore_mem>>) src(%arg18 : memref<32x128xf32, #tpu.memory_space<vmem>>) dst(%dma_wait3A_140 : memref<10000x128xf32, #tpu.memory_space<vmem_shared>>)
        tpu.yield
      }) : () -> ()
      "tpu.region"() ({
        %run_scoped3A = tpu.sem_alloc : memref<!tpu.dma_semaphore, #tpu.memory_space<semaphore_mem>>
        %dma_start3A_135 = arith.constant 0 : i32
        %dma_start3A_136 = tpu.memref_slice %arg20[%dma_start3A_135] : memref<128xf32, #tpu.memory_space<vmem>> -> memref<32xf32, #tpu.memory_space<vmem>>
        %dma_start3A_137 = arith.constant 0 : i32
        %dma_start3A_138 = tpu.memref_slice %arg22[%dma_start3A_137] : memref<10000xf32, #tpu.memory_space<vmem_shared>> -> memref<10000xf32, #tpu.memory_space<vmem_shared>>
        tpu.enqueue_indirect_dma source(%dma_start3A_136 : memref<32xf32, #tpu.memory_space<vmem>>) target(%dma_start3A_138 : memref<10000xf32, #tpu.memory_space<vmem_shared>>) offsets(%arg17 : memref<32xi32, #tpu.memory_space<vmem>>) semaphore(%run_scoped3A : memref<!tpu.dma_semaphore, #tpu.memory_space<semaphore_mem>>) {add = true}
        %dma_wait3A_139 = arith.constant 0 : i32
        %dma_wait3A_140 = tpu.memref_slice %arg20[%dma_wait3A_139] : memref<128xf32, #tpu.memory_space<vmem>> -> memref<32xf32, #tpu.memory_space<vmem>>
        %dma_wait3A_141 = arith.constant 0 : i32
        %dma_wait3A_142 = tpu.memref_slice %arg22[%dma_wait3A_141] : memref<10000xf32, #tpu.memory_space<vmem_shared>> -> memref<10000xf32, #tpu.memory_space<vmem_shared>>
        tpu.wait_indirect_dma semaphore(%run_scoped3A : memref<!tpu.dma_semaphore, #tpu.memory_space<semaphore_mem>>) src(%dma_wait3A_140 : memref<32xf32, #tpu.memory_space<vmem>>) dst(%dma_wait3A_142 : memref<10000xf32, #tpu.memory_space<vmem_shared>>)
        tpu.yield
      }) : () -> ()
    } else {
    }
    %barrier3A_56 = arith.constant 0 : index
    tpu.barrier barrier_id(%barrier3A_56)
    %mul3A_57 = arith.constant 624 : i32
    %mul3A_58 = arith.muli %arg1, %mul3A_57 : i32
    %add3A_59 = arith.constant 0 : i32
    %add3A_60 = arith.addi %mul3A_58, %add3A_59 : i32
    "tpu.region"() ({
      %run_scoped3A = tpu.sem_alloc : memref<!tpu.dma_semaphore, #tpu.memory_space<semaphore_mem>>
      %dma_start3A = arith.constant 0 : i32
      %dma_start3A_93 = arith.constant 0 : i32
      %dma_start3A_94 = tpu.memref_slice %arg14[%dma_start3A, %dma_start3A_93] : memref<128x128xf32, #tpu.memory_space<vmem>> -> memref<104x128xf32, #tpu.memory_space<vmem>>
      %dma_start3A_95 = arith.constant 0 : i32
      %dma_start3A_96 = tpu.memref_slice %arg21[%add3A_60, %dma_start3A_95] : memref<10000x128xf32, #tpu.memory_space<vmem_shared>> -> memref<104x128xf32, #tpu.memory_space<vmem_shared>>
      %dma_start3A_97 = arith.constant 0 : i32
      %dma_start3A_98 = arith.constant 0 : i32
      %dma_start3A_99 = tpu.memref_slice %arg14[%dma_start3A_97, %dma_start3A_98] : memref<128x128xf32, #tpu.memory_space<vmem>> -> memref<104x128xf32, #tpu.memory_space<vmem>>
      %dma_start3A_100 = arith.constant 0 : i32
      %dma_start3A_101 = tpu.memref_slice %arg21[%add3A_60, %dma_start3A_100] : memref<10000x128xf32, #tpu.memory_space<vmem_shared>> -> memref<104x128xf32, #tpu.memory_space<vmem_shared>>
      tpu.enqueue_dma source(%dma_start3A_101 : memref<104x128xf32, #tpu.memory_space<vmem_shared>>) target(%dma_start3A_99 : memref<104x128xf32, #tpu.memory_space<vmem>>) target_semaphore(%run_scoped3A : memref<!tpu.dma_semaphore, #tpu.memory_space<semaphore_mem>>)
      %dma_wait3A = arith.constant 0 : i32
      %dma_wait3A_102 = arith.constant 0 : i32
      %dma_wait3A_103 = tpu.memref_slice %arg14[%dma_wait3A, %dma_wait3A_102] : memref<128x128xf32, #tpu.memory_space<vmem>> -> memref<104x128xf32, #tpu.memory_space<vmem>>
      %dma_wait3A_104 = arith.constant 0 : i32
      %dma_wait3A_105 = tpu.memref_slice %arg21[%add3A_60, %dma_wait3A_104] : memref<10000x128xf32, #tpu.memory_space<vmem_shared>> -> memref<104x128xf32, #tpu.memory_space<vmem_shared>>
      %dma_wait3A_106 = arith.constant 0 : i32
      %dma_wait3A_107 = arith.constant 0 : i32
      %dma_wait3A_108 = tpu.memref_slice %arg14[%dma_wait3A_106, %dma_wait3A_107] : memref<128x128xf32, #tpu.memory_space<vmem>> -> memref<104x128xf32, #tpu.memory_space<vmem>>
      %dma_wait3A_109 = arith.constant 0 : i32
      %dma_wait3A_110 = tpu.memref_slice %arg21[%add3A_60, %dma_wait3A_109] : memref<10000x128xf32, #tpu.memory_space<vmem_shared>> -> memref<104x128xf32, #tpu.memory_space<vmem_shared>>
      tpu.wait_dma2 semaphore(%run_scoped3A : memref<!tpu.dma_semaphore, #tpu.memory_space<semaphore_mem>>) src(%dma_wait3A_110 : memref<104x128xf32, #tpu.memory_space<vmem_shared>>) dst(%dma_wait3A_108 : memref<104x128xf32, #tpu.memory_space<vmem>>)
      tpu.yield
    }) : () -> ()
    "tpu.region"() ({
      %run_scoped3A = tpu.sem_alloc : memref<!tpu.dma_semaphore, #tpu.memory_space<semaphore_mem>>
      %dma_start3A = arith.constant 0 : i32
      %dma_start3A_93 = arith.constant 0 : i32
      %dma_start3A_94 = tpu.memref_slice %arg14[%dma_start3A, %dma_start3A_93] : memref<128x128xf32, #tpu.memory_space<vmem>> -> memref<104x128xf32, #tpu.memory_space<vmem>>
      %dma_start3A_95 = arith.constant 0 : i32
      %dma_start3A_96 = tpu.memref_slice %arg8[%arg0, %add3A_60, %dma_start3A_95] : memref<2x10000x128xf32, #tpu.memory_space<hbm>> -> memref<1x104x128xf32, #tpu.memory_space<hbm>>
      %dma_start3A_97 = tpu.memref_squeeze %dma_start3A_96 : memref<1x104x128xf32, #tpu.memory_space<hbm>> -> memref<104x128xf32, #tpu.memory_space<hbm>>
      %dma_start3A_98 = arith.constant 0 : i32
      %dma_start3A_99 = tpu.memref_slice %arg8[%arg0, %add3A_60, %dma_start3A_98] : memref<2x10000x128xf32, #tpu.memory_space<hbm>> -> memref<1x104x128xf32, #tpu.memory_space<hbm>>
      %dma_start3A_100 = tpu.memref_squeeze %dma_start3A_99 : memref<1x104x128xf32, #tpu.memory_space<hbm>> -> memref<104x128xf32, #tpu.memory_space<hbm>>
      %dma_start3A_101 = arith.constant 0 : i32
      %dma_start3A_102 = arith.constant 0 : i32
      %dma_start3A_103 = tpu.memref_slice %arg14[%dma_start3A_101, %dma_start3A_102] : memref<128x128xf32, #tpu.memory_space<vmem>> -> memref<104x128xf32, #tpu.memory_space<vmem>>
      tpu.enqueue_dma source(%dma_start3A_103 : memref<104x128xf32, #tpu.memory_space<vmem>>) target(%dma_start3A_100 : memref<104x128xf32, #tpu.memory_space<hbm>>) target_semaphore(%run_scoped3A : memref<!tpu.dma_semaphore, #tpu.memory_space<semaphore_mem>>)
      %dma_wait3A = arith.constant 0 : i32
      %dma_wait3A_104 = arith.constant 0 : i32
      %dma_wait3A_105 = tpu.memref_slice %arg14[%dma_wait3A, %dma_wait3A_104] : memref<128x128xf32, #tpu.memory_space<vmem>> -> memref<104x128xf32, #tpu.memory_space<vmem>>
      %dma_wait3A_106 = arith.constant 0 : i32
      %dma_wait3A_107 = tpu.memref_slice %arg8[%arg0, %add3A_60, %dma_wait3A_106] : memref<2x10000x128xf32, #tpu.memory_space<hbm>> -> memref<1x104x128xf32, #tpu.memory_space<hbm>>
      %dma_wait3A_108 = tpu.memref_squeeze %dma_wait3A_107 : memref<1x104x128xf32, #tpu.memory_space<hbm>> -> memref<104x128xf32, #tpu.memory_space<hbm>>
      %dma_wait3A_109 = arith.constant 0 : i32
      %dma_wait3A_110 = tpu.memref_slice %arg8[%arg0, %add3A_60, %dma_wait3A_109] : memref<2x10000x128xf32, #tpu.memory_space<hbm>> -> memref<1x104x128xf32, #tpu.memory_space<hbm>>
      %dma_wait3A_111 = tpu.memref_squeeze %dma_wait3A_110 : memref<1x104x128xf32, #tpu.memory_space<hbm>> -> memref<104x128xf32, #tpu.memory_space<hbm>>
      %dma_wait3A_112 = arith.constant 0 : i32
      %dma_wait3A_113 = arith.constant 0 : i32
      %dma_wait3A_114 = tpu.memref_slice %arg14[%dma_wait3A_112, %dma_wait3A_113] : memref<128x128xf32, #tpu.memory_space<vmem>> -> memref<104x128xf32, #tpu.memory_space<vmem>>
      tpu.wait_dma2 semaphore(%run_scoped3A : memref<!tpu.dma_semaphore, #tpu.memory_space<semaphore_mem>>) src(%dma_wait3A_114 : memref<104x128xf32, #tpu.memory_space<vmem>>) dst(%dma_wait3A_111 : memref<104x128xf32, #tpu.memory_space<hbm>>)
      tpu.yield
    }) : () -> ()
    %mul3A_61 = arith.constant 624 : i32
    %mul3A_62 = arith.muli %arg1, %mul3A_61 : i32
    %add3A_63 = arith.constant 104 : i32
    %add3A_64 = arith.addi %mul3A_62, %add3A_63 : i32
    "tpu.region"() ({
      %run_scoped3A = tpu.sem_alloc : memref<!tpu.dma_semaphore, #tpu.memory_space<semaphore_mem>>
      %dma_start3A = arith.constant 0 : i32
      %dma_start3A_93 = arith.constant 0 : i32
      %dma_start3A_94 = tpu.memref_slice %arg14[%dma_start3A, %dma_start3A_93] : memref<128x128xf32, #tpu.memory_space<vmem>> -> memref<104x128xf32, #tpu.memory_space<vmem>>
      %dma_start3A_95 = arith.constant 0 : i32
      %dma_start3A_96 = tpu.memref_slice %arg21[%add3A_64, %dma_start3A_95] : memref<10000x128xf32, #tpu.memory_space<vmem_shared>> -> memref<104x128xf32, #tpu.memory_space<vmem_shared>>
      %dma_start3A_97 = arith.constant 0 : i32
      %dma_start3A_98 = arith.constant 0 : i32
      %dma_start3A_99 = tpu.memref_slice %arg14[%dma_start3A_97, %dma_start3A_98] : memref<128x128xf32, #tpu.memory_space<vmem>> -> memref<104x128xf32, #tpu.memory_space<vmem>>
      %dma_start3A_100 = arith.constant 0 : i32
      %dma_start3A_101 = tpu.memref_slice %arg21[%add3A_64, %dma_start3A_100] : memref<10000x128xf32, #tpu.memory_space<vmem_shared>> -> memref<104x128xf32, #tpu.memory_space<vmem_shared>>
      tpu.enqueue_dma source(%dma_start3A_101 : memref<104x128xf32, #tpu.memory_space<vmem_shared>>) target(%dma_start3A_99 : memref<104x128xf32, #tpu.memory_space<vmem>>) target_semaphore(%run_scoped3A : memref<!tpu.dma_semaphore, #tpu.memory_space<semaphore_mem>>)
      %dma_wait3A = arith.constant 0 : i32
      %dma_wait3A_102 = arith.constant 0 : i32
      %dma_wait3A_103 = tpu.memref_slice %arg14[%dma_wait3A, %dma_wait3A_102] : memref<128x128xf32, #tpu.memory_space<vmem>> -> memref<104x128xf32, #tpu.memory_space<vmem>>
      %dma_wait3A_104 = arith.constant 0 : i32
      %dma_wait3A_105 = tpu.memref_slice %arg21[%add3A_64, %dma_wait3A_104] : memref<10000x128xf32, #tpu.memory_space<vmem_shared>> -> memref<104x128xf32, #tpu.memory_space<vmem_shared>>
      %dma_wait3A_106 = arith.constant 0 : i32
      %dma_wait3A_107 = arith.constant 0 : i32
      %dma_wait3A_108 = tpu.memref_slice %arg14[%dma_wait3A_106, %dma_wait3A_107] : memref<128x128xf32, #tpu.memory_space<vmem>> -> memref<104x128xf32, #tpu.memory_space<vmem>>
      %dma_wait3A_109 = arith.constant 0 : i32
      %dma_wait3A_110 = tpu.memref_slice %arg21[%add3A_64, %dma_wait3A_109] : memref<10000x128xf32, #tpu.memory_space<vmem_shared>> -> memref<104x128xf32, #tpu.memory_space<vmem_shared>>
      tpu.wait_dma2 semaphore(%run_scoped3A : memref<!tpu.dma_semaphore, #tpu.memory_space<semaphore_mem>>) src(%dma_wait3A_110 : memref<104x128xf32, #tpu.memory_space<vmem_shared>>) dst(%dma_wait3A_108 : memref<104x128xf32, #tpu.memory_space<vmem>>)
      tpu.yield
    }) : () -> ()
    "tpu.region"() ({
      %run_scoped3A = tpu.sem_alloc : memref<!tpu.dma_semaphore, #tpu.memory_space<semaphore_mem>>
      %dma_start3A = arith.constant 0 : i32
      %dma_start3A_93 = arith.constant 0 : i32
      %dma_start3A_94 = tpu.memref_slice %arg14[%dma_start3A, %dma_start3A_93] : memref<128x128xf32, #tpu.memory_space<vmem>> -> memref<104x128xf32, #tpu.memory_space<vmem>>
      %dma_start3A_95 = arith.constant 0 : i32
      %dma_start3A_96 = tpu.memref_slice %arg8[%arg0, %add3A_64, %dma_start3A_95] : memref<2x10000x128xf32, #tpu.memory_space<hbm>> -> memref<1x104x128xf32, #tpu.memory_space<hbm>>
      %dma_start3A_97 = tpu.memref_squeeze %dma_start3A_96 : memref<1x104x128xf32, #tpu.memory_space<hbm>> -> memref<104x128xf32, #tpu.memory_space<hbm>>
      %dma_start3A_98 = arith.constant 0 : i32
      %dma_start3A_99 = tpu.memref_slice %arg8[%arg0, %add3A_64, %dma_start3A_98] : memref<2x10000x128xf32, #tpu.memory_space<hbm>> -> memref<1x104x128xf32, #tpu.memory_space<hbm>>
      %dma_start3A_100 = tpu.memref_squeeze %dma_start3A_99 : memref<1x104x128xf32, #tpu.memory_space<hbm>> -> memref<104x128xf32, #tpu.memory_space<hbm>>
      %dma_start3A_101 = arith.constant 0 : i32
      %dma_start3A_102 = arith.constant 0 : i32
      %dma_start3A_103 = tpu.memref_slice %arg14[%dma_start3A_101, %dma_start3A_102] : memref<128x128xf32, #tpu.memory_space<vmem>> -> memref<104x128xf32, #tpu.memory_space<vmem>>
      tpu.enqueue_dma source(%dma_start3A_103 : memref<104x128xf32, #tpu.memory_space<vmem>>) target(%dma_start3A_100 : memref<104x128xf32, #tpu.memory_space<hbm>>) target_semaphore(%run_scoped3A : memref<!tpu.dma_semaphore, #tpu.memory_space<semaphore_mem>>)
      %dma_wait3A = arith.constant 0 : i32
      %dma_wait3A_104 = arith.constant 0 : i32
      %dma_wait3A_105 = tpu.memref_slice %arg14[%dma_wait3A, %dma_wait3A_104] : memref<128x128xf32, #tpu.memory_space<vmem>> -> memref<104x128xf32, #tpu.memory_space<vmem>>
      %dma_wait3A_106 = arith.constant 0 : i32
      %dma_wait3A_107 = tpu.memref_slice %arg8[%arg0, %add3A_64, %dma_wait3A_106] : memref<2x10000x128xf32, #tpu.memory_space<hbm>> -> memref<1x104x128xf32, #tpu.memory_space<hbm>>
      %dma_wait3A_108 = tpu.memref_squeeze %dma_wait3A_107 : memref<1x104x128xf32, #tpu.memory_space<hbm>> -> memref<104x128xf32, #tpu.memory_space<hbm>>
      %dma_wait3A_109 = arith.constant 0 : i32
      %dma_wait3A_110 = tpu.memref_slice %arg8[%arg0, %add3A_64, %dma_wait3A_109] : memref<2x10000x128xf32, #tpu.memory_space<hbm>> -> memref<1x104x128xf32, #tpu.memory_space<hbm>>
      %dma_wait3A_111 = tpu.memref_squeeze %dma_wait3A_110 : memref<1x104x128xf32, #tpu.memory_space<hbm>> -> memref<104x128xf32, #tpu.memory_space<hbm>>
      %dma_wait3A_112 = arith.constant 0 : i32
      %dma_wait3A_113 = arith.constant 0 : i32
      %dma_wait3A_114 = tpu.memref_slice %arg14[%dma_wait3A_112, %dma_wait3A_113] : memref<128x128xf32, #tpu.memory_space<vmem>> -> memref<104x128xf32, #tpu.memory_space<vmem>>
      tpu.wait_dma2 semaphore(%run_scoped3A : memref<!tpu.dma_semaphore, #tpu.memory_space<semaphore_mem>>) src(%dma_wait3A_114 : memref<104x128xf32, #tpu.memory_space<vmem>>) dst(%dma_wait3A_111 : memref<104x128xf32, #tpu.memory_space<hbm>>)
      tpu.yield
    }) : () -> ()
    %mul3A_65 = arith.constant 624 : i32
    %mul3A_66 = arith.muli %arg1, %mul3A_65 : i32
    %add3A_67 = arith.constant 208 : i32
    %add3A_68 = arith.addi %mul3A_66, %add3A_67 : i32
    "tpu.region"() ({
      %run_scoped3A = tpu.sem_alloc : memref<!tpu.dma_semaphore, #tpu.memory_space<semaphore_mem>>
      %dma_start3A = arith.constant 0 : i32
      %dma_start3A_93 = arith.constant 0 : i32
      %dma_start3A_94 = tpu.memref_slice %arg14[%dma_start3A, %dma_start3A_93] : memref<128x128xf32, #tpu.memory_space<vmem>> -> memref<104x128xf32, #tpu.memory_space<vmem>>
      %dma_start3A_95 = arith.constant 0 : i32
      %dma_start3A_96 = tpu.memref_slice %arg21[%add3A_68, %dma_start3A_95] : memref<10000x128xf32, #tpu.memory_space<vmem_shared>> -> memref<104x128xf32, #tpu.memory_space<vmem_shared>>
      %dma_start3A_97 = arith.constant 0 : i32
      %dma_start3A_98 = arith.constant 0 : i32
      %dma_start3A_99 = tpu.memref_slice %arg14[%dma_start3A_97, %dma_start3A_98] : memref<128x128xf32, #tpu.memory_space<vmem>> -> memref<104x128xf32, #tpu.memory_space<vmem>>
      %dma_start3A_100 = arith.constant 0 : i32
      %dma_start3A_101 = tpu.memref_slice %arg21[%add3A_68, %dma_start3A_100] : memref<10000x128xf32, #tpu.memory_space<vmem_shared>> -> memref<104x128xf32, #tpu.memory_space<vmem_shared>>
      tpu.enqueue_dma source(%dma_start3A_101 : memref<104x128xf32, #tpu.memory_space<vmem_shared>>) target(%dma_start3A_99 : memref<104x128xf32, #tpu.memory_space<vmem>>) target_semaphore(%run_scoped3A : memref<!tpu.dma_semaphore, #tpu.memory_space<semaphore_mem>>)
      %dma_wait3A = arith.constant 0 : i32
      %dma_wait3A_102 = arith.constant 0 : i32
      %dma_wait3A_103 = tpu.memref_slice %arg14[%dma_wait3A, %dma_wait3A_102] : memref<128x128xf32, #tpu.memory_space<vmem>> -> memref<104x128xf32, #tpu.memory_space<vmem>>
      %dma_wait3A_104 = arith.constant 0 : i32
      %dma_wait3A_105 = tpu.memref_slice %arg21[%add3A_68, %dma_wait3A_104] : memref<10000x128xf32, #tpu.memory_space<vmem_shared>> -> memref<104x128xf32, #tpu.memory_space<vmem_shared>>
      %dma_wait3A_106 = arith.constant 0 : i32
      %dma_wait3A_107 = arith.constant 0 : i32
      %dma_wait3A_108 = tpu.memref_slice %arg14[%dma_wait3A_106, %dma_wait3A_107] : memref<128x128xf32, #tpu.memory_space<vmem>> -> memref<104x128xf32, #tpu.memory_space<vmem>>
      %dma_wait3A_109 = arith.constant 0 : i32
      %dma_wait3A_110 = tpu.memref_slice %arg21[%add3A_68, %dma_wait3A_109] : memref<10000x128xf32, #tpu.memory_space<vmem_shared>> -> memref<104x128xf32, #tpu.memory_space<vmem_shared>>
      tpu.wait_dma2 semaphore(%run_scoped3A : memref<!tpu.dma_semaphore, #tpu.memory_space<semaphore_mem>>) src(%dma_wait3A_110 : memref<104x128xf32, #tpu.memory_space<vmem_shared>>) dst(%dma_wait3A_108 : memref<104x128xf32, #tpu.memory_space<vmem>>)
      tpu.yield
    }) : () -> ()
    "tpu.region"() ({
      %run_scoped3A = tpu.sem_alloc : memref<!tpu.dma_semaphore, #tpu.memory_space<semaphore_mem>>
      %dma_start3A = arith.constant 0 : i32
      %dma_start3A_93 = arith.constant 0 : i32
      %dma_start3A_94 = tpu.memref_slice %arg14[%dma_start3A, %dma_start3A_93] : memref<128x128xf32, #tpu.memory_space<vmem>> -> memref<104x128xf32, #tpu.memory_space<vmem>>
      %dma_start3A_95 = arith.constant 0 : i32
      %dma_start3A_96 = tpu.memref_slice %arg8[%arg0, %add3A_68, %dma_start3A_95] : memref<2x10000x128xf32, #tpu.memory_space<hbm>> -> memref<1x104x128xf32, #tpu.memory_space<hbm>>
      %dma_start3A_97 = tpu.memref_squeeze %dma_start3A_96 : memref<1x104x128xf32, #tpu.memory_space<hbm>> -> memref<104x128xf32, #tpu.memory_space<hbm>>
      %dma_start3A_98 = arith.constant 0 : i32
      %dma_start3A_99 = tpu.memref_slice %arg8[%arg0, %add3A_68, %dma_start3A_98] : memref<2x10000x128xf32, #tpu.memory_space<hbm>> -> memref<1x104x128xf32, #tpu.memory_space<hbm>>
      %dma_start3A_100 = tpu.memref_squeeze %dma_start3A_99 : memref<1x104x128xf32, #tpu.memory_space<hbm>> -> memref<104x128xf32, #tpu.memory_space<hbm>>
      %dma_start3A_101 = arith.constant 0 : i32
      %dma_start3A_102 = arith.constant 0 : i32
      %dma_start3A_103 = tpu.memref_slice %arg14[%dma_start3A_101, %dma_start3A_102] : memref<128x128xf32, #tpu.memory_space<vmem>> -> memref<104x128xf32, #tpu.memory_space<vmem>>
      tpu.enqueue_dma source(%dma_start3A_103 : memref<104x128xf32, #tpu.memory_space<vmem>>) target(%dma_start3A_100 : memref<104x128xf32, #tpu.memory_space<hbm>>) target_semaphore(%run_scoped3A : memref<!tpu.dma_semaphore, #tpu.memory_space<semaphore_mem>>)
      %dma_wait3A = arith.constant 0 : i32
      %dma_wait3A_104 = arith.constant 0 : i32
      %dma_wait3A_105 = tpu.memref_slice %arg14[%dma_wait3A, %dma_wait3A_104] : memref<128x128xf32, #tpu.memory_space<vmem>> -> memref<104x128xf32, #tpu.memory_space<vmem>>
      %dma_wait3A_106 = arith.constant 0 : i32
      %dma_wait3A_107 = tpu.memref_slice %arg8[%arg0, %add3A_68, %dma_wait3A_106] : memref<2x10000x128xf32, #tpu.memory_space<hbm>> -> memref<1x104x128xf32, #tpu.memory_space<hbm>>
      %dma_wait3A_108 = tpu.memref_squeeze %dma_wait3A_107 : memref<1x104x128xf32, #tpu.memory_space<hbm>> -> memref<104x128xf32, #tpu.memory_space<hbm>>
      %dma_wait3A_109 = arith.constant 0 : i32
      %dma_wait3A_110 = tpu.memref_slice %arg8[%arg0, %add3A_68, %dma_wait3A_109] : memref<2x10000x128xf32, #tpu.memory_space<hbm>> -> memref<1x104x128xf32, #tpu.memory_space<hbm>>
      %dma_wait3A_111 = tpu.memref_squeeze %dma_wait3A_110 : memref<1x104x128xf32, #tpu.memory_space<hbm>> -> memref<104x128xf32, #tpu.memory_space<hbm>>
      %dma_wait3A_112 = arith.constant 0 : i32
      %dma_wait3A_113 = arith.constant 0 : i32
      %dma_wait3A_114 = tpu.memref_slice %arg14[%dma_wait3A_112, %dma_wait3A_113] : memref<128x128xf32, #tpu.memory_space<vmem>> -> memref<104x128xf32, #tpu.memory_space<vmem>>
      tpu.wait_dma2 semaphore(%run_scoped3A : memref<!tpu.dma_semaphore, #tpu.memory_space<semaphore_mem>>) src(%dma_wait3A_114 : memref<104x128xf32, #tpu.memory_space<vmem>>) dst(%dma_wait3A_111 : memref<104x128xf32, #tpu.memory_space<hbm>>)
      tpu.yield
    }) : () -> ()
    %mul3A_69 = arith.constant 624 : i32
    %mul3A_70 = arith.muli %arg1, %mul3A_69 : i32
    %add3A_71 = arith.constant 312 : i32
    %add3A_72 = arith.addi %mul3A_70, %add3A_71 : i32
    "tpu.region"() ({
      %run_scoped3A = tpu.sem_alloc : memref<!tpu.dma_semaphore, #tpu.memory_space<semaphore_mem>>
      %dma_start3A = arith.constant 0 : i32
      %dma_start3A_93 = arith.constant 0 : i32
      %dma_start3A_94 = tpu.memref_slice %arg14[%dma_start3A, %dma_start3A_93] : memref<128x128xf32, #tpu.memory_space<vmem>> -> memref<104x128xf32, #tpu.memory_space<vmem>>
      %dma_start3A_95 = arith.constant 0 : i32
      %dma_start3A_96 = tpu.memref_slice %arg21[%add3A_72, %dma_start3A_95] : memref<10000x128xf32, #tpu.memory_space<vmem_shared>> -> memref<104x128xf32, #tpu.memory_space<vmem_shared>>
      %dma_start3A_97 = arith.constant 0 : i32
      %dma_start3A_98 = arith.constant 0 : i32
      %dma_start3A_99 = tpu.memref_slice %arg14[%dma_start3A_97, %dma_start3A_98] : memref<128x128xf32, #tpu.memory_space<vmem>> -> memref<104x128xf32, #tpu.memory_space<vmem>>
      %dma_start3A_100 = arith.constant 0 : i32
      %dma_start3A_101 = tpu.memref_slice %arg21[%add3A_72, %dma_start3A_100] : memref<10000x128xf32, #tpu.memory_space<vmem_shared>> -> memref<104x128xf32, #tpu.memory_space<vmem_shared>>
      tpu.enqueue_dma source(%dma_start3A_101 : memref<104x128xf32, #tpu.memory_space<vmem_shared>>) target(%dma_start3A_99 : memref<104x128xf32, #tpu.memory_space<vmem>>) target_semaphore(%run_scoped3A : memref<!tpu.dma_semaphore, #tpu.memory_space<semaphore_mem>>)
      %dma_wait3A = arith.constant 0 : i32
      %dma_wait3A_102 = arith.constant 0 : i32
      %dma_wait3A_103 = tpu.memref_slice %arg14[%dma_wait3A, %dma_wait3A_102] : memref<128x128xf32, #tpu.memory_space<vmem>> -> memref<104x128xf32, #tpu.memory_space<vmem>>
      %dma_wait3A_104 = arith.constant 0 : i32
      %dma_wait3A_105 = tpu.memref_slice %arg21[%add3A_72, %dma_wait3A_104] : memref<10000x128xf32, #tpu.memory_space<vmem_shared>> -> memref<104x128xf32, #tpu.memory_space<vmem_shared>>
      %dma_wait3A_106 = arith.constant 0 : i32
      %dma_wait3A_107 = arith.constant 0 : i32
      %dma_wait3A_108 = tpu.memref_slice %arg14[%dma_wait3A_106, %dma_wait3A_107] : memref<128x128xf32, #tpu.memory_space<vmem>> -> memref<104x128xf32, #tpu.memory_space<vmem>>
      %dma_wait3A_109 = arith.constant 0 : i32
      %dma_wait3A_110 = tpu.memref_slice %arg21[%add3A_72, %dma_wait3A_109] : memref<10000x128xf32, #tpu.memory_space<vmem_shared>> -> memref<104x128xf32, #tpu.memory_space<vmem_shared>>
      tpu.wait_dma2 semaphore(%run_scoped3A : memref<!tpu.dma_semaphore, #tpu.memory_space<semaphore_mem>>) src(%dma_wait3A_110 : memref<104x128xf32, #tpu.memory_space<vmem_shared>>) dst(%dma_wait3A_108 : memref<104x128xf32, #tpu.memory_space<vmem>>)
      tpu.yield
    }) : () -> ()
    "tpu.region"() ({
      %run_scoped3A = tpu.sem_alloc : memref<!tpu.dma_semaphore, #tpu.memory_space<semaphore_mem>>
      %dma_start3A = arith.constant 0 : i32
      %dma_start3A_93 = arith.constant 0 : i32
      %dma_start3A_94 = tpu.memref_slice %arg14[%dma_start3A, %dma_start3A_93] : memref<128x128xf32, #tpu.memory_space<vmem>> -> memref<104x128xf32, #tpu.memory_space<vmem>>
      %dma_start3A_95 = arith.constant 0 : i32
      %dma_start3A_96 = tpu.memref_slice %arg8[%arg0, %add3A_72, %dma_start3A_95] : memref<2x10000x128xf32, #tpu.memory_space<hbm>> -> memref<1x104x128xf32, #tpu.memory_space<hbm>>
      %dma_start3A_97 = tpu.memref_squeeze %dma_start3A_96 : memref<1x104x128xf32, #tpu.memory_space<hbm>> -> memref<104x128xf32, #tpu.memory_space<hbm>>
      %dma_start3A_98 = arith.constant 0 : i32
      %dma_start3A_99 = tpu.memref_slice %arg8[%arg0, %add3A_72, %dma_start3A_98] : memref<2x10000x128xf32, #tpu.memory_space<hbm>> -> memref<1x104x128xf32, #tpu.memory_space<hbm>>
      %dma_start3A_100 = tpu.memref_squeeze %dma_start3A_99 : memref<1x104x128xf32, #tpu.memory_space<hbm>> -> memref<104x128xf32, #tpu.memory_space<hbm>>
      %dma_start3A_101 = arith.constant 0 : i32
      %dma_start3A_102 = arith.constant 0 : i32
      %dma_start3A_103 = tpu.memref_slice %arg14[%dma_start3A_101, %dma_start3A_102] : memref<128x128xf32, #tpu.memory_space<vmem>> -> memref<104x128xf32, #tpu.memory_space<vmem>>
      tpu.enqueue_dma source(%dma_start3A_103 : memref<104x128xf32, #tpu.memory_space<vmem>>) target(%dma_start3A_100 : memref<104x128xf32, #tpu.memory_space<hbm>>) target_semaphore(%run_scoped3A : memref<!tpu.dma_semaphore, #tpu.memory_space<semaphore_mem>>)
      %dma_wait3A = arith.constant 0 : i32
      %dma_wait3A_104 = arith.constant 0 : i32
      %dma_wait3A_105 = tpu.memref_slice %arg14[%dma_wait3A, %dma_wait3A_104] : memref<128x128xf32, #tpu.memory_space<vmem>> -> memref<104x128xf32, #tpu.memory_space<vmem>>
      %dma_wait3A_106 = arith.constant 0 : i32
      %dma_wait3A_107 = tpu.memref_slice %arg8[%arg0, %add3A_72, %dma_wait3A_106] : memref<2x10000x128xf32, #tpu.memory_space<hbm>> -> memref<1x104x128xf32, #tpu.memory_space<hbm>>
      %dma_wait3A_108 = tpu.memref_squeeze %dma_wait3A_107 : memref<1x104x128xf32, #tpu.memory_space<hbm>> -> memref<104x128xf32, #tpu.memory_space<hbm>>
      %dma_wait3A_109 = arith.constant 0 : i32
      %dma_wait3A_110 = tpu.memref_slice %arg8[%arg0, %add3A_72, %dma_wait3A_109] : memref<2x10000x128xf32, #tpu.memory_space<hbm>> -> memref<1x104x128xf32, #tpu.memory_space<hbm>>
      %dma_wait3A_111 = tpu.memref_squeeze %dma_wait3A_110 : memref<1x104x128xf32, #tpu.memory_space<hbm>> -> memref<104x128xf32, #tpu.memory_space<hbm>>
      %dma_wait3A_112 = arith.constant 0 : i32
      %dma_wait3A_113 = arith.constant 0 : i32
      %dma_wait3A_114 = tpu.memref_slice %arg14[%dma_wait3A_112, %dma_wait3A_113] : memref<128x128xf32, #tpu.memory_space<vmem>> -> memref<104x128xf32, #tpu.memory_space<vmem>>
      tpu.wait_dma2 semaphore(%run_scoped3A : memref<!tpu.dma_semaphore, #tpu.memory_space<semaphore_mem>>) src(%dma_wait3A_114 : memref<104x128xf32, #tpu.memory_space<vmem>>) dst(%dma_wait3A_111 : memref<104x128xf32, #tpu.memory_space<hbm>>)
      tpu.yield
    }) : () -> ()
    %mul3A_73 = arith.constant 624 : i32
    %mul3A_74 = arith.muli %arg1, %mul3A_73 : i32
    %add3A_75 = arith.constant 416 : i32
    %add3A_76 = arith.addi %mul3A_74, %add3A_75 : i32
    "tpu.region"() ({
      %run_scoped3A = tpu.sem_alloc : memref<!tpu.dma_semaphore, #tpu.memory_space<semaphore_mem>>
      %dma_start3A = arith.constant 0 : i32
      %dma_start3A_93 = arith.constant 0 : i32
      %dma_start3A_94 = tpu.memref_slice %arg14[%dma_start3A, %dma_start3A_93] : memref<128x128xf32, #tpu.memory_space<vmem>> -> memref<104x128xf32, #tpu.memory_space<vmem>>
      %dma_start3A_95 = arith.constant 0 : i32
      %dma_start3A_96 = tpu.memref_slice %arg21[%add3A_76, %dma_start3A_95] : memref<10000x128xf32, #tpu.memory_space<vmem_shared>> -> memref<104x128xf32, #tpu.memory_space<vmem_shared>>
      %dma_start3A_97 = arith.constant 0 : i32
      %dma_start3A_98 = arith.constant 0 : i32
      %dma_start3A_99 = tpu.memref_slice %arg14[%dma_start3A_97, %dma_start3A_98] : memref<128x128xf32, #tpu.memory_space<vmem>> -> memref<104x128xf32, #tpu.memory_space<vmem>>
      %dma_start3A_100 = arith.constant 0 : i32
      %dma_start3A_101 = tpu.memref_slice %arg21[%add3A_76, %dma_start3A_100] : memref<10000x128xf32, #tpu.memory_space<vmem_shared>> -> memref<104x128xf32, #tpu.memory_space<vmem_shared>>
      tpu.enqueue_dma source(%dma_start3A_101 : memref<104x128xf32, #tpu.memory_space<vmem_shared>>) target(%dma_start3A_99 : memref<104x128xf32, #tpu.memory_space<vmem>>) target_semaphore(%run_scoped3A : memref<!tpu.dma_semaphore, #tpu.memory_space<semaphore_mem>>)
      %dma_wait3A = arith.constant 0 : i32
      %dma_wait3A_102 = arith.constant 0 : i32
      %dma_wait3A_103 = tpu.memref_slice %arg14[%dma_wait3A, %dma_wait3A_102] : memref<128x128xf32, #tpu.memory_space<vmem>> -> memref<104x128xf32, #tpu.memory_space<vmem>>
      %dma_wait3A_104 = arith.constant 0 : i32
      %dma_wait3A_105 = tpu.memref_slice %arg21[%add3A_76, %dma_wait3A_104] : memref<10000x128xf32, #tpu.memory_space<vmem_shared>> -> memref<104x128xf32, #tpu.memory_space<vmem_shared>>
      %dma_wait3A_106 = arith.constant 0 : i32
      %dma_wait3A_107 = arith.constant 0 : i32
      %dma_wait3A_108 = tpu.memref_slice %arg14[%dma_wait3A_106, %dma_wait3A_107] : memref<128x128xf32, #tpu.memory_space<vmem>> -> memref<104x128xf32, #tpu.memory_space<vmem>>
      %dma_wait3A_109 = arith.constant 0 : i32
      %dma_wait3A_110 = tpu.memref_slice %arg21[%add3A_76, %dma_wait3A_109] : memref<10000x128xf32, #tpu.memory_space<vmem_shared>> -> memref<104x128xf32, #tpu.memory_space<vmem_shared>>
      tpu.wait_dma2 semaphore(%run_scoped3A : memref<!tpu.dma_semaphore, #tpu.memory_space<semaphore_mem>>) src(%dma_wait3A_110 : memref<104x128xf32, #tpu.memory_space<vmem_shared>>) dst(%dma_wait3A_108 : memref<104x128xf32, #tpu.memory_space<vmem>>)
      tpu.yield
    }) : () -> ()
    "tpu.region"() ({
      %run_scoped3A = tpu.sem_alloc : memref<!tpu.dma_semaphore, #tpu.memory_space<semaphore_mem>>
      %dma_start3A = arith.constant 0 : i32
      %dma_start3A_93 = arith.constant 0 : i32
      %dma_start3A_94 = tpu.memref_slice %arg14[%dma_start3A, %dma_start3A_93] : memref<128x128xf32, #tpu.memory_space<vmem>> -> memref<104x128xf32, #tpu.memory_space<vmem>>
      %dma_start3A_95 = arith.constant 0 : i32
      %dma_start3A_96 = tpu.memref_slice %arg8[%arg0, %add3A_76, %dma_start3A_95] : memref<2x10000x128xf32, #tpu.memory_space<hbm>> -> memref<1x104x128xf32, #tpu.memory_space<hbm>>
      %dma_start3A_97 = tpu.memref_squeeze %dma_start3A_96 : memref<1x104x128xf32, #tpu.memory_space<hbm>> -> memref<104x128xf32, #tpu.memory_space<hbm>>
      %dma_start3A_98 = arith.constant 0 : i32
      %dma_start3A_99 = tpu.memref_slice %arg8[%arg0, %add3A_76, %dma_start3A_98] : memref<2x10000x128xf32, #tpu.memory_space<hbm>> -> memref<1x104x128xf32, #tpu.memory_space<hbm>>
      %dma_start3A_100 = tpu.memref_squeeze %dma_start3A_99 : memref<1x104x128xf32, #tpu.memory_space<hbm>> -> memref<104x128xf32, #tpu.memory_space<hbm>>
      %dma_start3A_101 = arith.constant 0 : i32
      %dma_start3A_102 = arith.constant 0 : i32
      %dma_start3A_103 = tpu.memref_slice %arg14[%dma_start3A_101, %dma_start3A_102] : memref<128x128xf32, #tpu.memory_space<vmem>> -> memref<104x128xf32, #tpu.memory_space<vmem>>
      tpu.enqueue_dma source(%dma_start3A_103 : memref<104x128xf32, #tpu.memory_space<vmem>>) target(%dma_start3A_100 : memref<104x128xf32, #tpu.memory_space<hbm>>) target_semaphore(%run_scoped3A : memref<!tpu.dma_semaphore, #tpu.memory_space<semaphore_mem>>)
      %dma_wait3A = arith.constant 0 : i32
      %dma_wait3A_104 = arith.constant 0 : i32
      %dma_wait3A_105 = tpu.memref_slice %arg14[%dma_wait3A, %dma_wait3A_104] : memref<128x128xf32, #tpu.memory_space<vmem>> -> memref<104x128xf32, #tpu.memory_space<vmem>>
      %dma_wait3A_106 = arith.constant 0 : i32
      %dma_wait3A_107 = tpu.memref_slice %arg8[%arg0, %add3A_76, %dma_wait3A_106] : memref<2x10000x128xf32, #tpu.memory_space<hbm>> -> memref<1x104x128xf32, #tpu.memory_space<hbm>>
      %dma_wait3A_108 = tpu.memref_squeeze %dma_wait3A_107 : memref<1x104x128xf32, #tpu.memory_space<hbm>> -> memref<104x128xf32, #tpu.memory_space<hbm>>
      %dma_wait3A_109 = arith.constant 0 : i32
      %dma_wait3A_110 = tpu.memref_slice %arg8[%arg0, %add3A_76, %dma_wait3A_109] : memref<2x10000x128xf32, #tpu.memory_space<hbm>> -> memref<1x104x128xf32, #tpu.memory_space<hbm>>
      %dma_wait3A_111 = tpu.memref_squeeze %dma_wait3A_110 : memref<1x104x128xf32, #tpu.memory_space<hbm>> -> memref<104x128xf32, #tpu.memory_space<hbm>>
      %dma_wait3A_112 = arith.constant 0 : i32
      %dma_wait3A_113 = arith.constant 0 : i32
      %dma_wait3A_114 = tpu.memref_slice %arg14[%dma_wait3A_112, %dma_wait3A_113] : memref<128x128xf32, #tpu.memory_space<vmem>> -> memref<104x128xf32, #tpu.memory_space<vmem>>
      tpu.wait_dma2 semaphore(%run_scoped3A : memref<!tpu.dma_semaphore, #tpu.memory_space<semaphore_mem>>) src(%dma_wait3A_114 : memref<104x128xf32, #tpu.memory_space<vmem>>) dst(%dma_wait3A_111 : memref<104x128xf32, #tpu.memory_space<hbm>>)
      tpu.yield
    }) : () -> ()
    %mul3A_77 = arith.constant 624 : i32
    %mul3A_78 = arith.muli %arg1, %mul3A_77 : i32
    %add3A_79 = arith.constant 520 : i32
    %add3A_80 = arith.addi %mul3A_78, %add3A_79 : i32
    "tpu.region"() ({
      %run_scoped3A = tpu.sem_alloc : memref<!tpu.dma_semaphore, #tpu.memory_space<semaphore_mem>>
      %dma_start3A = arith.constant 0 : i32
      %dma_start3A_93 = arith.constant 0 : i32
      %dma_start3A_94 = tpu.memref_slice %arg14[%dma_start3A, %dma_start3A_93] : memref<128x128xf32, #tpu.memory_space<vmem>> -> memref<104x128xf32, #tpu.memory_space<vmem>>
      %dma_start3A_95 = arith.constant 0 : i32
      %dma_start3A_96 = tpu.memref_slice %arg21[%add3A_80, %dma_start3A_95] : memref<10000x128xf32, #tpu.memory_space<vmem_shared>> -> memref<104x128xf32, #tpu.memory_space<vmem_shared>>
      %dma_start3A_97 = arith.constant 0 : i32
      %dma_start3A_98 = arith.constant 0 : i32
      %dma_start3A_99 = tpu.memref_slice %arg14[%dma_start3A_97, %dma_start3A_98] : memref<128x128xf32, #tpu.memory_space<vmem>> -> memref<104x128xf32, #tpu.memory_space<vmem>>
      %dma_start3A_100 = arith.constant 0 : i32
      %dma_start3A_101 = tpu.memref_slice %arg21[%add3A_80, %dma_start3A_100] : memref<10000x128xf32, #tpu.memory_space<vmem_shared>> -> memref<104x128xf32, #tpu.memory_space<vmem_shared>>
      tpu.enqueue_dma source(%dma_start3A_101 : memref<104x128xf32, #tpu.memory_space<vmem_shared>>) target(%dma_start3A_99 : memref<104x128xf32, #tpu.memory_space<vmem>>) target_semaphore(%run_scoped3A : memref<!tpu.dma_semaphore, #tpu.memory_space<semaphore_mem>>)
      %dma_wait3A = arith.constant 0 : i32
      %dma_wait3A_102 = arith.constant 0 : i32
      %dma_wait3A_103 = tpu.memref_slice %arg14[%dma_wait3A, %dma_wait3A_102] : memref<128x128xf32, #tpu.memory_space<vmem>> -> memref<104x128xf32, #tpu.memory_space<vmem>>
      %dma_wait3A_104 = arith.constant 0 : i32
      %dma_wait3A_105 = tpu.memref_slice %arg21[%add3A_80, %dma_wait3A_104] : memref<10000x128xf32, #tpu.memory_space<vmem_shared>> -> memref<104x128xf32, #tpu.memory_space<vmem_shared>>
      %dma_wait3A_106 = arith.constant 0 : i32
      %dma_wait3A_107 = arith.constant 0 : i32
      %dma_wait3A_108 = tpu.memref_slice %arg14[%dma_wait3A_106, %dma_wait3A_107] : memref<128x128xf32, #tpu.memory_space<vmem>> -> memref<104x128xf32, #tpu.memory_space<vmem>>
      %dma_wait3A_109 = arith.constant 0 : i32
      %dma_wait3A_110 = tpu.memref_slice %arg21[%add3A_80, %dma_wait3A_109] : memref<10000x128xf32, #tpu.memory_space<vmem_shared>> -> memref<104x128xf32, #tpu.memory_space<vmem_shared>>
      tpu.wait_dma2 semaphore(%run_scoped3A : memref<!tpu.dma_semaphore, #tpu.memory_space<semaphore_mem>>) src(%dma_wait3A_110 : memref<104x128xf32, #tpu.memory_space<vmem_shared>>) dst(%dma_wait3A_108 : memref<104x128xf32, #tpu.memory_space<vmem>>)
      tpu.yield
    }) : () -> ()
    "tpu.region"() ({
      %run_scoped3A = tpu.sem_alloc : memref<!tpu.dma_semaphore, #tpu.memory_space<semaphore_mem>>
      %dma_start3A = arith.constant 0 : i32
      %dma_start3A_93 = arith.constant 0 : i32
      %dma_start3A_94 = tpu.memref_slice %arg14[%dma_start3A, %dma_start3A_93] : memref<128x128xf32, #tpu.memory_space<vmem>> -> memref<104x128xf32, #tpu.memory_space<vmem>>
      %dma_start3A_95 = arith.constant 0 : i32
      %dma_start3A_96 = tpu.memref_slice %arg8[%arg0, %add3A_80, %dma_start3A_95] : memref<2x10000x128xf32, #tpu.memory_space<hbm>> -> memref<1x104x128xf32, #tpu.memory_space<hbm>>
      %dma_start3A_97 = tpu.memref_squeeze %dma_start3A_96 : memref<1x104x128xf32, #tpu.memory_space<hbm>> -> memref<104x128xf32, #tpu.memory_space<hbm>>
      %dma_start3A_98 = arith.constant 0 : i32
      %dma_start3A_99 = tpu.memref_slice %arg8[%arg0, %add3A_80, %dma_start3A_98] : memref<2x10000x128xf32, #tpu.memory_space<hbm>> -> memref<1x104x128xf32, #tpu.memory_space<hbm>>
      %dma_start3A_100 = tpu.memref_squeeze %dma_start3A_99 : memref<1x104x128xf32, #tpu.memory_space<hbm>> -> memref<104x128xf32, #tpu.memory_space<hbm>>
      %dma_start3A_101 = arith.constant 0 : i32
      %dma_start3A_102 = arith.constant 0 : i32
      %dma_start3A_103 = tpu.memref_slice %arg14[%dma_start3A_101, %dma_start3A_102] : memref<128x128xf32, #tpu.memory_space<vmem>> -> memref<104x128xf32, #tpu.memory_space<vmem>>
      tpu.enqueue_dma source(%dma_start3A_103 : memref<104x128xf32, #tpu.memory_space<vmem>>) target(%dma_start3A_100 : memref<104x128xf32, #tpu.memory_space<hbm>>) target_semaphore(%run_scoped3A : memref<!tpu.dma_semaphore, #tpu.memory_space<semaphore_mem>>)
      %dma_wait3A = arith.constant 0 : i32
      %dma_wait3A_104 = arith.constant 0 : i32
      %dma_wait3A_105 = tpu.memref_slice %arg14[%dma_wait3A, %dma_wait3A_104] : memref<128x128xf32, #tpu.memory_space<vmem>> -> memref<104x128xf32, #tpu.memory_space<vmem>>
      %dma_wait3A_106 = arith.constant 0 : i32
      %dma_wait3A_107 = tpu.memref_slice %arg8[%arg0, %add3A_80, %dma_wait3A_106] : memref<2x10000x128xf32, #tpu.memory_space<hbm>> -> memref<1x104x128xf32, #tpu.memory_space<hbm>>
      %dma_wait3A_108 = tpu.memref_squeeze %dma_wait3A_107 : memref<1x104x128xf32, #tpu.memory_space<hbm>> -> memref<104x128xf32, #tpu.memory_space<hbm>>
      %dma_wait3A_109 = arith.constant 0 : i32
      %dma_wait3A_110 = tpu.memref_slice %arg8[%arg0, %add3A_80, %dma_wait3A_109] : memref<2x10000x128xf32, #tpu.memory_space<hbm>> -> memref<1x104x128xf32, #tpu.memory_space<hbm>>
      %dma_wait3A_111 = tpu.memref_squeeze %dma_wait3A_110 : memref<1x104x128xf32, #tpu.memory_space<hbm>> -> memref<104x128xf32, #tpu.memory_space<hbm>>
      %dma_wait3A_112 = arith.constant 0 : i32
      %dma_wait3A_113 = arith.constant 0 : i32
      %dma_wait3A_114 = tpu.memref_slice %arg14[%dma_wait3A_112, %dma_wait3A_113] : memref<128x128xf32, #tpu.memory_space<vmem>> -> memref<104x128xf32, #tpu.memory_space<vmem>>
      tpu.wait_dma2 semaphore(%run_scoped3A : memref<!tpu.dma_semaphore, #tpu.memory_space<semaphore_mem>>) src(%dma_wait3A_114 : memref<104x128xf32, #tpu.memory_space<vmem>>) dst(%dma_wait3A_111 : memref<104x128xf32, #tpu.memory_space<hbm>>)
      tpu.yield
    }) : () -> ()
    %mul3A_81 = arith.constant 624 : i32
    %mul3A_82 = arith.muli %arg1, %mul3A_81 : i32
    "tpu.region"() ({
      %run_scoped3A = tpu.sem_alloc : memref<!tpu.dma_semaphore, #tpu.memory_space<semaphore_mem>>
      %dma_start3A = tpu.memref_slice %arg22[%mul3A_82] : memref<10000xf32, #tpu.memory_space<vmem_shared>> -> memref<624xf32, #tpu.memory_space<vmem_shared>>
      %dma_start3A_93 = tpu.memref_slice %arg22[%mul3A_82] : memref<10000xf32, #tpu.memory_space<vmem_shared>> -> memref<624xf32, #tpu.memory_space<vmem_shared>>
      tpu.enqueue_dma source(%dma_start3A_93 : memref<624xf32, #tpu.memory_space<vmem_shared>>) target(%arg19 : memref<624xf32, #tpu.memory_space<vmem>>) target_semaphore(%run_scoped3A : memref<!tpu.dma_semaphore, #tpu.memory_space<semaphore_mem>>)
      %dma_wait3A = tpu.memref_slice %arg22[%mul3A_82] : memref<10000xf32, #tpu.memory_space<vmem_shared>> -> memref<624xf32, #tpu.memory_space<vmem_shared>>
      %dma_wait3A_94 = tpu.memref_slice %arg22[%mul3A_82] : memref<10000xf32, #tpu.memory_space<vmem_shared>> -> memref<624xf32, #tpu.memory_space<vmem_shared>>
      tpu.wait_dma2 semaphore(%run_scoped3A : memref<!tpu.dma_semaphore, #tpu.memory_space<semaphore_mem>>) src(%dma_wait3A_94 : memref<624xf32, #tpu.memory_space<vmem_shared>>) dst(%arg19 : memref<624xf32, #tpu.memory_space<vmem>>)
      tpu.yield
    }) : () -> ()
    %mul3A_83 = arith.constant 10000 : i32
    %mul3A_84 = arith.muli %arg0, %mul3A_83 : i32
    %mul3A_85 = arith.constant 624 : i32
    %mul3A_86 = arith.muli %arg1, %mul3A_85 : i32
    %add3A_87 = arith.addi %mul3A_84, %mul3A_86 : i32
    "tpu.region"() ({
      %run_scoped3A = tpu.sem_alloc : memref<!tpu.dma_semaphore, #tpu.memory_space<semaphore_mem>>
      %dma_start3A = tpu.memref_slice %arg9[%add3A_87] : memref<20000xf32, #tpu.memory_space<hbm>> -> memref<624xf32, #tpu.memory_space<hbm>>
      %dma_start3A_93 = tpu.memref_slice %arg9[%add3A_87] : memref<20000xf32, #tpu.memory_space<hbm>> -> memref<624xf32, #tpu.memory_space<hbm>>
      tpu.enqueue_dma source(%arg19 : memref<624xf32, #tpu.memory_space<vmem>>) target(%dma_start3A_93 : memref<624xf32, #tpu.memory_space<hbm>>) target_semaphore(%run_scoped3A : memref<!tpu.dma_semaphore, #tpu.memory_space<semaphore_mem>>)
      %dma_wait3A = tpu.memref_slice %arg9[%add3A_87] : memref<20000xf32, #tpu.memory_space<hbm>> -> memref<624xf32, #tpu.memory_space<hbm>>
      %dma_wait3A_94 = tpu.memref_slice %arg9[%add3A_87] : memref<20000xf32, #tpu.memory_space<hbm>> -> memref<624xf32, #tpu.memory_space<hbm>>
      tpu.wait_dma2 semaphore(%run_scoped3A : memref<!tpu.dma_semaphore, #tpu.memory_space<semaphore_mem>>) src(%arg19 : memref<624xf32, #tpu.memory_space<vmem>>) dst(%dma_wait3A_94 : memref<624xf32, #tpu.memory_space<hbm>>)
      tpu.yield
    }) : () -> ()
    %eq3A_88 = arith.constant 0 : i32
    %eq3A_89 = arith.cmpi eq, %arg1, %eq3A_88 : i32
    %convert_element_type3A_90 = arith.extui %eq3A_89 : i1 to i32
    %cond3A_91 = arith.constant 0 : i32
    %cond3A_92 = arith.cmpi ne, %convert_element_type3A_90, %cond3A_91 : i32
    scf.if %cond3A_92 {
      "tpu.region"() ({
        %run_scoped3A = tpu.sem_alloc : memref<!tpu.dma_semaphore, #tpu.memory_space<semaphore_mem>>
        %dma_start3A = arith.constant 0 : i32
        %dma_start3A_97 = arith.constant 0 : i32
        %dma_start3A_98 = tpu.memref_slice %arg14[%dma_start3A, %dma_start3A_97] : memref<128x128xf32, #tpu.memory_space<vmem>> -> memref<16x128xf32, #tpu.memory_space<vmem>>
        %dma_start3A_99 = arith.constant 9984 : i32
        %dma_start3A_100 = arith.constant 0 : i32
        %dma_start3A_101 = tpu.memref_slice %arg21[%dma_start3A_99, %dma_start3A_100] : memref<10000x128xf32, #tpu.memory_space<vmem_shared>> -> memref<16x128xf32, #tpu.memory_space<vmem_shared>>
        %dma_start3A_102 = arith.constant 0 : i32
        %dma_start3A_103 = arith.constant 0 : i32
        %dma_start3A_104 = tpu.memref_slice %arg14[%dma_start3A_102, %dma_start3A_103] : memref<128x128xf32, #tpu.memory_space<vmem>> -> memref<16x128xf32, #tpu.memory_space<vmem>>
        %dma_start3A_105 = arith.constant 9984 : i32
        %dma_start3A_106 = arith.constant 0 : i32
        %dma_start3A_107 = tpu.memref_slice %arg21[%dma_start3A_105, %dma_start3A_106] : memref<10000x128xf32, #tpu.memory_space<vmem_shared>> -> memref<16x128xf32, #tpu.memory_space<vmem_shared>>
        tpu.enqueue_dma source(%dma_start3A_107 : memref<16x128xf32, #tpu.memory_space<vmem_shared>>) target(%dma_start3A_104 : memref<16x128xf32, #tpu.memory_space<vmem>>) target_semaphore(%run_scoped3A : memref<!tpu.dma_semaphore, #tpu.memory_space<semaphore_mem>>)
        %dma_wait3A = arith.constant 0 : i32
        %dma_wait3A_108 = arith.constant 0 : i32
        %dma_wait3A_109 = tpu.memref_slice %arg14[%dma_wait3A, %dma_wait3A_108] : memref<128x128xf32, #tpu.memory_space<vmem>> -> memref<16x128xf32, #tpu.memory_space<vmem>>
        %dma_wait3A_110 = arith.constant 9984 : i32
        %dma_wait3A_111 = arith.constant 0 : i32
        %dma_wait3A_112 = tpu.memref_slice %arg21[%dma_wait3A_110, %dma_wait3A_111] : memref<10000x128xf32, #tpu.memory_space<vmem_shared>> -> memref<16x128xf32, #tpu.memory_space<vmem_shared>>
        %dma_wait3A_113 = arith.constant 0 : i32
        %dma_wait3A_114 = arith.constant 0 : i32
        %dma_wait3A_115 = tpu.memref_slice %arg14[%dma_wait3A_113, %dma_wait3A_114] : memref<128x128xf32, #tpu.memory_space<vmem>> -> memref<16x128xf32, #tpu.memory_space<vmem>>
        %dma_wait3A_116 = arith.constant 9984 : i32
        %dma_wait3A_117 = arith.constant 0 : i32
        %dma_wait3A_118 = tpu.memref_slice %arg21[%dma_wait3A_116, %dma_wait3A_117] : memref<10000x128xf32, #tpu.memory_space<vmem_shared>> -> memref<16x128xf32, #tpu.memory_space<vmem_shared>>
        tpu.wait_dma2 semaphore(%run_scoped3A : memref<!tpu.dma_semaphore, #tpu.memory_space<semaphore_mem>>) src(%dma_wait3A_118 : memref<16x128xf32, #tpu.memory_space<vmem_shared>>) dst(%dma_wait3A_115 : memref<16x128xf32, #tpu.memory_space<vmem>>)
        tpu.yield
      }) : () -> ()
      "tpu.region"() ({
        %run_scoped3A = tpu.sem_alloc : memref<!tpu.dma_semaphore, #tpu.memory_space<semaphore_mem>>
        %dma_start3A = arith.constant 0 : i32
        %dma_start3A_97 = arith.constant 0 : i32
        %dma_start3A_98 = tpu.memref_slice %arg14[%dma_start3A, %dma_start3A_97] : memref<128x128xf32, #tpu.memory_space<vmem>> -> memref<16x128xf32, #tpu.memory_space<vmem>>
        %dma_start3A_99 = arith.constant 9984 : i32
        %dma_start3A_100 = arith.constant 0 : i32
        %dma_start3A_101 = tpu.memref_slice %arg8[%arg0, %dma_start3A_99, %dma_start3A_100] : memref<2x10000x128xf32, #tpu.memory_space<hbm>> -> memref<1x16x128xf32, #tpu.memory_space<hbm>>
        %dma_start3A_102 = tpu.memref_squeeze %dma_start3A_101 : memref<1x16x128xf32, #tpu.memory_space<hbm>> -> memref<16x128xf32, #tpu.memory_space<hbm>>
        %dma_start3A_103 = arith.constant 9984 : i32
        %dma_start3A_104 = arith.constant 0 : i32
        %dma_start3A_105 = tpu.memref_slice %arg8[%arg0, %dma_start3A_103, %dma_start3A_104] : memref<2x10000x128xf32, #tpu.memory_space<hbm>> -> memref<1x16x128xf32, #tpu.memory_space<hbm>>
        %dma_start3A_106 = tpu.memref_squeeze %dma_start3A_105 : memref<1x16x128xf32, #tpu.memory_space<hbm>> -> memref<16x128xf32, #tpu.memory_space<hbm>>
        %dma_start3A_107 = arith.constant 0 : i32
        %dma_start3A_108 = arith.constant 0 : i32
        %dma_start3A_109 = tpu.memref_slice %arg14[%dma_start3A_107, %dma_start3A_108] : memref<128x128xf32, #tpu.memory_space<vmem>> -> memref<16x128xf32, #tpu.memory_space<vmem>>
        tpu.enqueue_dma source(%dma_start3A_109 : memref<16x128xf32, #tpu.memory_space<vmem>>) target(%dma_start3A_106 : memref<16x128xf32, #tpu.memory_space<hbm>>) target_semaphore(%run_scoped3A : memref<!tpu.dma_semaphore, #tpu.memory_space<semaphore_mem>>)
        %dma_wait3A = arith.constant 0 : i32
        %dma_wait3A_110 = arith.constant 0 : i32
        %dma_wait3A_111 = tpu.memref_slice %arg14[%dma_wait3A, %dma_wait3A_110] : memref<128x128xf32, #tpu.memory_space<vmem>> -> memref<16x128xf32, #tpu.memory_space<vmem>>
        %dma_wait3A_112 = arith.constant 9984 : i32
        %dma_wait3A_113 = arith.constant 0 : i32
        %dma_wait3A_114 = tpu.memref_slice %arg8[%arg0, %dma_wait3A_112, %dma_wait3A_113] : memref<2x10000x128xf32, #tpu.memory_space<hbm>> -> memref<1x16x128xf32, #tpu.memory_space<hbm>>
        %dma_wait3A_115 = tpu.memref_squeeze %dma_wait3A_114 : memref<1x16x128xf32, #tpu.memory_space<hbm>> -> memref<16x128xf32, #tpu.memory_space<hbm>>
        %dma_wait3A_116 = arith.constant 9984 : i32
        %dma_wait3A_117 = arith.constant 0 : i32
        %dma_wait3A_118 = tpu.memref_slice %arg8[%arg0, %dma_wait3A_116, %dma_wait3A_117] : memref<2x10000x128xf32, #tpu.memory_space<hbm>> -> memref<1x16x128xf32, #tpu.memory_space<hbm>>
        %dma_wait3A_119 = tpu.memref_squeeze %dma_wait3A_118 : memref<1x16x128xf32, #tpu.memory_space<hbm>> -> memref<16x128xf32, #tpu.memory_space<hbm>>
        %dma_wait3A_120 = arith.constant 0 : i32
        %dma_wait3A_121 = arith.constant 0 : i32
        %dma_wait3A_122 = tpu.memref_slice %arg14[%dma_wait3A_120, %dma_wait3A_121] : memref<128x128xf32, #tpu.memory_space<vmem>> -> memref<16x128xf32, #tpu.memory_space<vmem>>
        tpu.wait_dma2 semaphore(%run_scoped3A : memref<!tpu.dma_semaphore, #tpu.memory_space<semaphore_mem>>) src(%dma_wait3A_122 : memref<16x128xf32, #tpu.memory_space<vmem>>) dst(%dma_wait3A_119 : memref<16x128xf32, #tpu.memory_space<hbm>>)
        tpu.yield
      }) : () -> ()
      "tpu.region"() ({
        %run_scoped3A = tpu.sem_alloc : memref<!tpu.dma_semaphore, #tpu.memory_space<semaphore_mem>>
        %dma_start3A = arith.constant 0 : i32
        %dma_start3A_97 = tpu.memref_slice %arg19[%dma_start3A] : memref<624xf32, #tpu.memory_space<vmem>> -> memref<16xf32, #tpu.memory_space<vmem>>
        %dma_start3A_98 = arith.constant 9984 : i32
        %dma_start3A_99 = tpu.memref_slice %arg22[%dma_start3A_98] : memref<10000xf32, #tpu.memory_space<vmem_shared>> -> memref<16xf32, #tpu.memory_space<vmem_shared>>
        %dma_start3A_100 = arith.constant 0 : i32
        %dma_start3A_101 = tpu.memref_slice %arg19[%dma_start3A_100] : memref<624xf32, #tpu.memory_space<vmem>> -> memref<16xf32, #tpu.memory_space<vmem>>
        %dma_start3A_102 = arith.constant 9984 : i32
        %dma_start3A_103 = tpu.memref_slice %arg22[%dma_start3A_102] : memref<10000xf32, #tpu.memory_space<vmem_shared>> -> memref<16xf32, #tpu.memory_space<vmem_shared>>
        tpu.enqueue_dma source(%dma_start3A_103 : memref<16xf32, #tpu.memory_space<vmem_shared>>) target(%dma_start3A_101 : memref<16xf32, #tpu.memory_space<vmem>>) target_semaphore(%run_scoped3A : memref<!tpu.dma_semaphore, #tpu.memory_space<semaphore_mem>>)
        %dma_wait3A = arith.constant 0 : i32
        %dma_wait3A_104 = tpu.memref_slice %arg19[%dma_wait3A] : memref<624xf32, #tpu.memory_space<vmem>> -> memref<16xf32, #tpu.memory_space<vmem>>
        %dma_wait3A_105 = arith.constant 9984 : i32
        %dma_wait3A_106 = tpu.memref_slice %arg22[%dma_wait3A_105] : memref<10000xf32, #tpu.memory_space<vmem_shared>> -> memref<16xf32, #tpu.memory_space<vmem_shared>>
        %dma_wait3A_107 = arith.constant 0 : i32
        %dma_wait3A_108 = tpu.memref_slice %arg19[%dma_wait3A_107] : memref<624xf32, #tpu.memory_space<vmem>> -> memref<16xf32, #tpu.memory_space<vmem>>
        %dma_wait3A_109 = arith.constant 9984 : i32
        %dma_wait3A_110 = tpu.memref_slice %arg22[%dma_wait3A_109] : memref<10000xf32, #tpu.memory_space<vmem_shared>> -> memref<16xf32, #tpu.memory_space<vmem_shared>>
        tpu.wait_dma2 semaphore(%run_scoped3A : memref<!tpu.dma_semaphore, #tpu.memory_space<semaphore_mem>>) src(%dma_wait3A_110 : memref<16xf32, #tpu.memory_space<vmem_shared>>) dst(%dma_wait3A_108 : memref<16xf32, #tpu.memory_space<vmem>>)
        tpu.yield
      }) : () -> ()
      %mul3A_93 = arith.constant 10000 : i32
      %mul3A_94 = arith.muli %arg0, %mul3A_93 : i32
      %add3A_95 = arith.constant 9984 : i32
      %add3A_96 = arith.addi %mul3A_94, %add3A_95 : i32
      "tpu.region"() ({
        %run_scoped3A = tpu.sem_alloc : memref<!tpu.dma_semaphore, #tpu.memory_space<semaphore_mem>>
        %dma_start3A = arith.constant 0 : i32
        %dma_start3A_97 = tpu.memref_slice %arg19[%dma_start3A] : memref<624xf32, #tpu.memory_space<vmem>> -> memref<16xf32, #tpu.memory_space<vmem>>
        %dma_start3A_98 = tpu.memref_slice %arg9[%add3A_96] : memref<20000xf32, #tpu.memory_space<hbm>> -> memref<16xf32, #tpu.memory_space<hbm>>
        %dma_start3A_99 = tpu.memref_slice %arg9[%add3A_96] : memref<20000xf32, #tpu.memory_space<hbm>> -> memref<16xf32, #tpu.memory_space<hbm>>
        %dma_start3A_100 = arith.constant 0 : i32
        %dma_start3A_101 = tpu.memref_slice %arg19[%dma_start3A_100] : memref<624xf32, #tpu.memory_space<vmem>> -> memref<16xf32, #tpu.memory_space<vmem>>
        tpu.enqueue_dma source(%dma_start3A_101 : memref<16xf32, #tpu.memory_space<vmem>>) target(%dma_start3A_99 : memref<16xf32, #tpu.memory_space<hbm>>) target_semaphore(%run_scoped3A : memref<!tpu.dma_semaphore, #tpu.memory_space<semaphore_mem>>)
        %dma_wait3A = arith.constant 0 : i32
        %dma_wait3A_102 = tpu.memref_slice %arg19[%dma_wait3A] : memref<624xf32, #tpu.memory_space<vmem>> -> memref<16xf32, #tpu.memory_space<vmem>>
        %dma_wait3A_103 = tpu.memref_slice %arg9[%add3A_96] : memref<20000xf32, #tpu.memory_space<hbm>> -> memref<16xf32, #tpu.memory_space<hbm>>
        %dma_wait3A_104 = tpu.memref_slice %arg9[%add3A_96] : memref<20000xf32, #tpu.memory_space<hbm>> -> memref<16xf32, #tpu.memory_space<hbm>>
        %dma_wait3A_105 = arith.constant 0 : i32
        %dma_wait3A_106 = tpu.memref_slice %arg19[%dma_wait3A_105] : memref<624xf32, #tpu.memory_space<vmem>> -> memref<16xf32, #tpu.memory_space<vmem>>
        tpu.wait_dma2 semaphore(%run_scoped3A : memref<!tpu.dma_semaphore, #tpu.memory_space<semaphore_mem>>) src(%dma_wait3A_106 : memref<16xf32, #tpu.memory_space<vmem>>) dst(%dma_wait3A_104 : memref<16xf32, #tpu.memory_space<hbm>>)
        tpu.yield
      }) : () -> ()
    } else {
    }
    return
  }
}

#map = affine_map<(d0, d1) -> (0, 0)>
#map1 = affine_map<(d0, d1) -> (0)>
#map2 = affine_map<(d0, d1) -> (0, 0, 0)>
module attributes {stable_mosaic.version = 14 : i64} {
  func.func @_sc_segsum_body(%arg0: i32, %arg1: i32, %arg2: memref<10000x128xf32, #tpu.memory_space<hbm>>, %arg3: memref<10000x128xf32, #tpu.memory_space<hbm>>, %arg4: memref<320000xi32, #tpu.memory_space<hbm>>, %arg5: memref<320000xi32, #tpu.memory_space<hbm>>, %arg6: memref<320000xi32, #tpu.memory_space<hbm>>, %arg7: memref<320000xi32, #tpu.memory_space<hbm>>, %arg8: memref<2x10000x128xf32, #tpu.memory_space<hbm>>, %arg9: memref<20000xf32, #tpu.memory_space<hbm>>, %arg10: memref<128xi32, #tpu.memory_space<vmem>>, %arg11: memref<128xi32, #tpu.memory_space<vmem>>, %arg12: memref<128xi32, #tpu.memory_space<vmem>>, %arg13: memref<128xi32, #tpu.memory_space<vmem>>, %arg14: memref<128x128xf32, #tpu.memory_space<vmem>>, %arg15: memref<128x128xf32, #tpu.memory_space<vmem>>, %arg16: memref<32xi32, #tpu.memory_space<vmem>>, %arg17: memref<32xi32, #tpu.memory_space<vmem>>, %arg18: memref<32x128xf32, #tpu.memory_space<vmem>>, %arg19: memref<624xf32, #tpu.memory_space<vmem>>, %arg20: memref<128xf32, #tpu.memory_space<vmem>>, %arg21: memref<10000x128xf32, #tpu.memory_space<vmem_shared>>, %arg22: memref<10000xf32, #tpu.memory_space<vmem_shared>>, %arg23: memref<!tpu.dma_semaphore, #tpu.memory_space<semaphore_mem>>, %arg24: memref<!tpu.dma_semaphore, #tpu.memory_space<semaphore_mem>>, %arg25: memref<!tpu.dma_semaphore, #tpu.memory_space<semaphore_mem>>, %arg26: memref<!tpu.dma_semaphore, #tpu.memory_space<semaphore_mem>>, %arg27: memref<!tpu.dma_semaphore, #tpu.memory_space<semaphore_mem>>, %arg28: memref<!tpu.dma_semaphore, #tpu.memory_space<semaphore_mem>>, %arg29: memref<!tpu.dma_semaphore, #tpu.memory_space<semaphore_mem>>, %arg30: memref<!tpu.dma_semaphore, #tpu.memory_space<semaphore_mem>>) attributes {dimension_semantics = [#tpu.dimension_semantics<core_parallel>, #tpu.dimension_semantics<subcore_parallel>], iteration_bounds = array<i64: 2, 16>, scalar_prefetch = 0 : i64, scratch_operands = 21 : i64, tpu.core_type = #tpu.core_type<sc_vector_subcore>, window_params = [{transform_indices = #map}, {transform_indices = #map}, {transform_indices = #map1}, {transform_indices = #map1}, {transform_indices = #map1}, {transform_indices = #map1}, {transform_indices = #map2}, {transform_indices = #map1}]} {
    %scan3A = arith.constant 0 : i32
    %scan3A_0 = arith.constant 0 : i32
    %scan3A_1 = arith.constant 104 : i32
    %scan3A_2 = arith.addi %scan3A_0, %scan3A_1 : i32
    %scan3A_3 = arith.constant 1 : i32
    %scan3A_4 = scf.for %scan3A_77 = %scan3A_0 to %scan3A_2 step %scan3A_3 iter_args(%scan3A_78 = %scan3A) -> (i32)  : i32 {
      %scan3A_79 = arith.constant 0 : i32
      %scan3A_80 = arith.constant 0 : i32
      %scan3A_81 = arith.constant 8 : i32
      %scan3A_82 = arith.addi %scan3A_80, %scan3A_81 : i32
      %scan3A_83 = arith.constant 1 : i32
      %scan3A_84 = scf.for %scan3A_87 = %scan3A_80 to %scan3A_82 step %scan3A_83 iter_args(%scan3A_88 = %scan3A_79) -> (i32)  : i32 {
        %broadcast_in_dim3A = arith.constant 0.000000e+00 : f32
        %broadcast_in_dim3A_89 = vector.broadcast %broadcast_in_dim3A : f32 to vector<16xf32>
        %mul3A_90 = arith.constant 16 : i32
        %mul3A_91 = arith.muli %scan3A_87, %mul3A_90 : i32
        %swap3A = arith.index_cast %scan3A_77 : i32 to index
        %swap3A_92 = arith.index_cast %mul3A_91 : i32 to index
        %swap3A_93 = tpu.vector_load %arg14[%swap3A, %swap3A_92] {strides = array<i32>} : memref<128x128xf32, #tpu.memory_space<vmem>>, vector<1x16xf32>,
        %swap3A_94 = vector.shape_cast %swap3A_93 : vector<1x16xf32> to vector<16xf32>
        %swap3A_95 = vector.shape_cast %broadcast_in_dim3A_89 : vector<16xf32> to vector<1x16xf32>
        tpu.vector_store %arg14[%swap3A, %swap3A_92], %swap3A_95 {strides = array<i32>} : memref<128x128xf32, #tpu.memory_space<vmem>>, vector<1x16xf32>,
        %scan3A_96 = arith.constant 0 : i32
        scf.yield %scan3A_96 : i32
      }
      %scan3A_85 = arith.constant 8 : i32
      %scan3A_86 = arith.constant 0 : i32
      scf.yield %scan3A_86 : i32
    }
    %scan3A_5 = arith.constant 104 : i32
    %scan3A_6 = arith.constant 0 : i32
    %scan3A_7 = arith.constant 0 : i32
    %scan3A_8 = arith.constant 39 : i32
    %scan3A_9 = arith.addi %scan3A_7, %scan3A_8 : i32
    %scan3A_10 = arith.constant 1 : i32
    %scan3A_11 = scf.for %scan3A_77 = %scan3A_7 to %scan3A_9 step %scan3A_10 iter_args(%scan3A_78 = %scan3A_6) -> (i32)  : i32 {
      %broadcast_in_dim3A = arith.constant 0.000000e+00 : f32
      %broadcast_in_dim3A_79 = vector.broadcast %broadcast_in_dim3A : f32 to vector<16xf32>
      %mul3A_80 = arith.constant 16 : i32
      %mul3A_81 = arith.muli %scan3A_77, %mul3A_80 : i32
      %swap3A = arith.index_cast %mul3A_81 : i32 to index
      %swap3A_82 = tpu.vector_load %arg19[%swap3A] {strides = array<i32>} : memref<624xf32, #tpu.memory_space<vmem>>, vector<16xf32>,
      %swap3A_83 = vector.shape_cast %swap3A_82 : vector<16xf32> to vector<16xf32>
      %swap3A_84 = vector.shape_cast %broadcast_in_dim3A_79 : vector<16xf32> to vector<16xf32>
      tpu.vector_store %arg19[%swap3A], %swap3A_84 {strides = array<i32>} : memref<624xf32, #tpu.memory_space<vmem>>, vector<16xf32>,
      %scan3A_85 = arith.constant 0 : i32
      scf.yield %scan3A_85 : i32
    }
    %scan3A_12 = arith.constant 39 : i32
    %mul3A = arith.constant 624 : i32
    %mul3A_13 = arith.muli %arg1, %mul3A : i32
    %add3A = arith.constant 0 : i32
    %add3A_14 = arith.addi %mul3A_13, %add3A : i32
    "tpu.region"() ({
      %run_scoped3A = tpu.sem_alloc : memref<!tpu.dma_semaphore, #tpu.memory_space<semaphore_mem>>
      %dma_start3A = arith.constant 0 : i32
      %dma_start3A_77 = arith.constant 0 : i32
      %dma_start3A_78 = tpu.memref_slice %arg14[%dma_start3A, %dma_start3A_77] : memref<128x128xf32, #tpu.memory_space<vmem>> -> memref<104x128xf32, #tpu.memory_space<vmem>>
      %dma_start3A_79 = arith.constant 0 : i32
      %dma_start3A_80 = tpu.memref_slice %arg21[%add3A_14, %dma_start3A_79] : memref<10000x128xf32, #tpu.memory_space<vmem_shared>> -> memref<104x128xf32, #tpu.memory_space<vmem_shared>>
      %dma_start3A_81 = arith.constant 0 : i32
      %dma_start3A_82 = tpu.memref_slice %arg21[%add3A_14, %dma_start3A_81] : memref<10000x128xf32, #tpu.memory_space<vmem_shared>> -> memref<104x128xf32, #tpu.memory_space<vmem_shared>>
      %dma_start3A_83 = arith.constant 0 : i32
      %dma_start3A_84 = arith.constant 0 : i32
      %dma_start3A_85 = tpu.memref_slice %arg14[%dma_start3A_83, %dma_start3A_84] : memref<128x128xf32, #tpu.memory_space<vmem>> -> memref<104x128xf32, #tpu.memory_space<vmem>>
      tpu.enqueue_dma source(%dma_start3A_85 : memref<104x128xf32, #tpu.memory_space<vmem>>) target(%dma_start3A_82 : memref<104x128xf32, #tpu.memory_space<vmem_shared>>) target_semaphore(%run_scoped3A : memref<!tpu.dma_semaphore, #tpu.memory_space<semaphore_mem>>)
      %dma_wait3A = arith.constant 0 : i32
      %dma_wait3A_86 = arith.constant 0 : i32
      %dma_wait3A_87 = tpu.memref_slice %arg14[%dma_wait3A, %dma_wait3A_86] : memref<128x128xf32, #tpu.memory_space<vmem>> -> memref<104x128xf32, #tpu.memory_space<vmem>>
      %dma_wait3A_88 = arith.constant 0 : i32
      %dma_wait3A_89 = tpu.memref_slice %arg21[%add3A_14, %dma_wait3A_88] : memref<10000x128xf32, #tpu.memory_space<vmem_shared>> -> memref<104x128xf32, #tpu.memory_space<vmem_shared>>
      %dma_wait3A_90 = arith.constant 0 : i32
      %dma_wait3A_91 = tpu.memref_slice %arg21[%add3A_14, %dma_wait3A_90] : memref<10000x128xf32, #tpu.memory_space<vmem_shared>> -> memref<104x128xf32, #tpu.memory_space<vmem_shared>>
      %dma_wait3A_92 = arith.constant 0 : i32
      %dma_wait3A_93 = arith.constant 0 : i32
      %dma_wait3A_94 = tpu.memref_slice %arg14[%dma_wait3A_92, %dma_wait3A_93] : memref<128x128xf32, #tpu.memory_space<vmem>> -> memref<104x128xf32, #tpu.memory_space<vmem>>
      tpu.wait_dma2 semaphore(%run_scoped3A : memref<!tpu.dma_semaphore, #tpu.memory_space<semaphore_mem>>) src(%dma_wait3A_94 : memref<104x128xf32, #tpu.memory_space<vmem>>) dst(%dma_wait3A_91 : memref<104x128xf32, #tpu.memory_space<vmem_shared>>)
      tpu.yield
    }) : () -> ()
    %mul3A_15 = arith.constant 624 : i32
    %mul3A_16 = arith.muli %arg1, %mul3A_15 : i32
    %add3A_17 = arith.constant 104 : i32
    %add3A_18 = arith.addi %mul3A_16, %add3A_17 : i32
    "tpu.region"() ({
      %run_scoped3A = tpu.sem_alloc : memref<!tpu.dma_semaphore, #tpu.memory_space<semaphore_mem>>
      %dma_start3A = arith.constant 0 : i32
      %dma_start3A_77 = arith.constant 0 : i32
      %dma_start3A_78 = tpu.memref_slice %arg14[%dma_start3A, %dma_start3A_77] : memref<128x128xf32, #tpu.memory_space<vmem>> -> memref<104x128xf32, #tpu.memory_space<vmem>>
      %dma_start3A_79 = arith.constant 0 : i32
      %dma_start3A_80 = tpu.memref_slice %arg21[%add3A_18, %dma_start3A_79] : memref<10000x128xf32, #tpu.memory_space<vmem_shared>> -> memref<104x128xf32, #tpu.memory_space<vmem_shared>>
      %dma_start3A_81 = arith.constant 0 : i32
      %dma_start3A_82 = tpu.memref_slice %arg21[%add3A_18, %dma_start3A_81] : memref<10000x128xf32, #tpu.memory_space<vmem_shared>> -> memref<104x128xf32, #tpu.memory_space<vmem_shared>>
      %dma_start3A_83 = arith.constant 0 : i32
      %dma_start3A_84 = arith.constant 0 : i32
      %dma_start3A_85 = tpu.memref_slice %arg14[%dma_start3A_83, %dma_start3A_84] : memref<128x128xf32, #tpu.memory_space<vmem>> -> memref<104x128xf32, #tpu.memory_space<vmem>>
      tpu.enqueue_dma source(%dma_start3A_85 : memref<104x128xf32, #tpu.memory_space<vmem>>) target(%dma_start3A_82 : memref<104x128xf32, #tpu.memory_space<vmem_shared>>) target_semaphore(%run_scoped3A : memref<!tpu.dma_semaphore, #tpu.memory_space<semaphore_mem>>)
      %dma_wait3A = arith.constant 0 : i32
      %dma_wait3A_86 = arith.constant 0 : i32
      %dma_wait3A_87 = tpu.memref_slice %arg14[%dma_wait3A, %dma_wait3A_86] : memref<128x128xf32, #tpu.memory_space<vmem>> -> memref<104x128xf32, #tpu.memory_space<vmem>>
      %dma_wait3A_88 = arith.constant 0 : i32
      %dma_wait3A_89 = tpu.memref_slice %arg21[%add3A_18, %dma_wait3A_88] : memref<10000x128xf32, #tpu.memory_space<vmem_shared>> -> memref<104x128xf32, #tpu.memory_space<vmem_shared>>
      %dma_wait3A_90 = arith.constant 0 : i32
      %dma_wait3A_91 = tpu.memref_slice %arg21[%add3A_18, %dma_wait3A_90] : memref<10000x128xf32, #tpu.memory_space<vmem_shared>> -> memref<104x128xf32, #tpu.memory_space<vmem_shared>>
      %dma_wait3A_92 = arith.constant 0 : i32
      %dma_wait3A_93 = arith.constant 0 : i32
      %dma_wait3A_94 = tpu.memref_slice %arg14[%dma_wait3A_92, %dma_wait3A_93] : memref<128x128xf32, #tpu.memory_space<vmem>> -> memref<104x128xf32, #tpu.memory_space<vmem>>
      tpu.wait_dma2 semaphore(%run_scoped3A : memref<!tpu.dma_semaphore, #tpu.memory_space<semaphore_mem>>) src(%dma_wait3A_94 : memref<104x128xf32, #tpu.memory_space<vmem>>) dst(%dma_wait3A_91 : memref<104x128xf32, #tpu.memory_space<vmem_shared>>)
      tpu.yield
    }) : () -> ()
    %mul3A_19 = arith.constant 624 : i32
    %mul3A_20 = arith.muli %arg1, %mul3A_19 : i32
    %add3A_21 = arith.constant 208 : i32
    %add3A_22 = arith.addi %mul3A_20, %add3A_21 : i32
    "tpu.region"() ({
      %run_scoped3A = tpu.sem_alloc : memref<!tpu.dma_semaphore, #tpu.memory_space<semaphore_mem>>
      %dma_start3A = arith.constant 0 : i32
      %dma_start3A_77 = arith.constant 0 : i32
      %dma_start3A_78 = tpu.memref_slice %arg14[%dma_start3A, %dma_start3A_77] : memref<128x128xf32, #tpu.memory_space<vmem>> -> memref<104x128xf32, #tpu.memory_space<vmem>>
      %dma_start3A_79 = arith.constant 0 : i32
      %dma_start3A_80 = tpu.memref_slice %arg21[%add3A_22, %dma_start3A_79] : memref<10000x128xf32, #tpu.memory_space<vmem_shared>> -> memref<104x128xf32, #tpu.memory_space<vmem_shared>>
      %dma_start3A_81 = arith.constant 0 : i32
      %dma_start3A_82 = tpu.memref_slice %arg21[%add3A_22, %dma_start3A_81] : memref<10000x128xf32, #tpu.memory_space<vmem_shared>> -> memref<104x128xf32, #tpu.memory_space<vmem_shared>>
      %dma_start3A_83 = arith.constant 0 : i32
      %dma_start3A_84 = arith.constant 0 : i32
      %dma_start3A_85 = tpu.memref_slice %arg14[%dma_start3A_83, %dma_start3A_84] : memref<128x128xf32, #tpu.memory_space<vmem>> -> memref<104x128xf32, #tpu.memory_space<vmem>>
      tpu.enqueue_dma source(%dma_start3A_85 : memref<104x128xf32, #tpu.memory_space<vmem>>) target(%dma_start3A_82 : memref<104x128xf32, #tpu.memory_space<vmem_shared>>) target_semaphore(%run_scoped3A : memref<!tpu.dma_semaphore, #tpu.memory_space<semaphore_mem>>)
      %dma_wait3A = arith.constant 0 : i32
      %dma_wait3A_86 = arith.constant 0 : i32
      %dma_wait3A_87 = tpu.memref_slice %arg14[%dma_wait3A, %dma_wait3A_86] : memref<128x128xf32, #tpu.memory_space<vmem>> -> memref<104x128xf32, #tpu.memory_space<vmem>>
      %dma_wait3A_88 = arith.constant 0 : i32
      %dma_wait3A_89 = tpu.memref_slice %arg21[%add3A_22, %dma_wait3A_88] : memref<10000x128xf32, #tpu.memory_space<vmem_shared>> -> memref<104x128xf32, #tpu.memory_space<vmem_shared>>
      %dma_wait3A_90 = arith.constant 0 : i32
      %dma_wait3A_91 = tpu.memref_slice %arg21[%add3A_22, %dma_wait3A_90] : memref<10000x128xf32, #tpu.memory_space<vmem_shared>> -> memref<104x128xf32, #tpu.memory_space<vmem_shared>>
      %dma_wait3A_92 = arith.constant 0 : i32
      %dma_wait3A_93 = arith.constant 0 : i32
      %dma_wait3A_94 = tpu.memref_slice %arg14[%dma_wait3A_92, %dma_wait3A_93] : memref<128x128xf32, #tpu.memory_space<vmem>> -> memref<104x128xf32, #tpu.memory_space<vmem>>
      tpu.wait_dma2 semaphore(%run_scoped3A : memref<!tpu.dma_semaphore, #tpu.memory_space<semaphore_mem>>) src(%dma_wait3A_94 : memref<104x128xf32, #tpu.memory_space<vmem>>) dst(%dma_wait3A_91 : memref<104x128xf32, #tpu.memory_space<vmem_shared>>)
      tpu.yield
    }) : () -> ()
    %mul3A_23 = arith.constant 624 : i32
    %mul3A_24 = arith.muli %arg1, %mul3A_23 : i32
    %add3A_25 = arith.constant 312 : i32
    %add3A_26 = arith.addi %mul3A_24, %add3A_25 : i32
    "tpu.region"() ({
      %run_scoped3A = tpu.sem_alloc : memref<!tpu.dma_semaphore, #tpu.memory_space<semaphore_mem>>
      %dma_start3A = arith.constant 0 : i32
      %dma_start3A_77 = arith.constant 0 : i32
      %dma_start3A_78 = tpu.memref_slice %arg14[%dma_start3A, %dma_start3A_77] : memref<128x128xf32, #tpu.memory_space<vmem>> -> memref<104x128xf32, #tpu.memory_space<vmem>>
      %dma_start3A_79 = arith.constant 0 : i32
      %dma_start3A_80 = tpu.memref_slice %arg21[%add3A_26, %dma_start3A_79] : memref<10000x128xf32, #tpu.memory_space<vmem_shared>> -> memref<104x128xf32, #tpu.memory_space<vmem_shared>>
      %dma_start3A_81 = arith.constant 0 : i32
      %dma_start3A_82 = tpu.memref_slice %arg21[%add3A_26, %dma_start3A_81] : memref<10000x128xf32, #tpu.memory_space<vmem_shared>> -> memref<104x128xf32, #tpu.memory_space<vmem_shared>>
      %dma_start3A_83 = arith.constant 0 : i32
      %dma_start3A_84 = arith.constant 0 : i32
      %dma_start3A_85 = tpu.memref_slice %arg14[%dma_start3A_83, %dma_start3A_84] : memref<128x128xf32, #tpu.memory_space<vmem>> -> memref<104x128xf32, #tpu.memory_space<vmem>>
      tpu.enqueue_dma source(%dma_start3A_85 : memref<104x128xf32, #tpu.memory_space<vmem>>) target(%dma_start3A_82 : memref<104x128xf32, #tpu.memory_space<vmem_shared>>) target_semaphore(%run_scoped3A : memref<!tpu.dma_semaphore, #tpu.memory_space<semaphore_mem>>)
      %dma_wait3A = arith.constant 0 : i32
      %dma_wait3A_86 = arith.constant 0 : i32
      %dma_wait3A_87 = tpu.memref_slice %arg14[%dma_wait3A, %dma_wait3A_86] : memref<128x128xf32, #tpu.memory_space<vmem>> -> memref<104x128xf32, #tpu.memory_space<vmem>>
      %dma_wait3A_88 = arith.constant 0 : i32
      %dma_wait3A_89 = tpu.memref_slice %arg21[%add3A_26, %dma_wait3A_88] : memref<10000x128xf32, #tpu.memory_space<vmem_shared>> -> memref<104x128xf32, #tpu.memory_space<vmem_shared>>
      %dma_wait3A_90 = arith.constant 0 : i32
      %dma_wait3A_91 = tpu.memref_slice %arg21[%add3A_26, %dma_wait3A_90] : memref<10000x128xf32, #tpu.memory_space<vmem_shared>> -> memref<104x128xf32, #tpu.memory_space<vmem_shared>>
      %dma_wait3A_92 = arith.constant 0 : i32
      %dma_wait3A_93 = arith.constant 0 : i32
      %dma_wait3A_94 = tpu.memref_slice %arg14[%dma_wait3A_92, %dma_wait3A_93] : memref<128x128xf32, #tpu.memory_space<vmem>> -> memref<104x128xf32, #tpu.memory_space<vmem>>
      tpu.wait_dma2 semaphore(%run_scoped3A : memref<!tpu.dma_semaphore, #tpu.memory_space<semaphore_mem>>) src(%dma_wait3A_94 : memref<104x128xf32, #tpu.memory_space<vmem>>) dst(%dma_wait3A_91 : memref<104x128xf32, #tpu.memory_space<vmem_shared>>)
      tpu.yield
    }) : () -> ()
    %mul3A_27 = arith.constant 624 : i32
    %mul3A_28 = arith.muli %arg1, %mul3A_27 : i32
    %add3A_29 = arith.constant 416 : i32
    %add3A_30 = arith.addi %mul3A_28, %add3A_29 : i32
    "tpu.region"() ({
      %run_scoped3A = tpu.sem_alloc : memref<!tpu.dma_semaphore, #tpu.memory_space<semaphore_mem>>
      %dma_start3A = arith.constant 0 : i32
      %dma_start3A_77 = arith.constant 0 : i32
      %dma_start3A_78 = tpu.memref_slice %arg14[%dma_start3A, %dma_start3A_77] : memref<128x128xf32, #tpu.memory_space<vmem>> -> memref<104x128xf32, #tpu.memory_space<vmem>>
      %dma_start3A_79 = arith.constant 0 : i32
      %dma_start3A_80 = tpu.memref_slice %arg21[%add3A_30, %dma_start3A_79] : memref<10000x128xf32, #tpu.memory_space<vmem_shared>> -> memref<104x128xf32, #tpu.memory_space<vmem_shared>>
      %dma_start3A_81 = arith.constant 0 : i32
      %dma_start3A_82 = tpu.memref_slice %arg21[%add3A_30, %dma_start3A_81] : memref<10000x128xf32, #tpu.memory_space<vmem_shared>> -> memref<104x128xf32, #tpu.memory_space<vmem_shared>>
      %dma_start3A_83 = arith.constant 0 : i32
      %dma_start3A_84 = arith.constant 0 : i32
      %dma_start3A_85 = tpu.memref_slice %arg14[%dma_start3A_83, %dma_start3A_84] : memref<128x128xf32, #tpu.memory_space<vmem>> -> memref<104x128xf32, #tpu.memory_space<vmem>>
      tpu.enqueue_dma source(%dma_start3A_85 : memref<104x128xf32, #tpu.memory_space<vmem>>) target(%dma_start3A_82 : memref<104x128xf32, #tpu.memory_space<vmem_shared>>) target_semaphore(%run_scoped3A : memref<!tpu.dma_semaphore, #tpu.memory_space<semaphore_mem>>)
      %dma_wait3A = arith.constant 0 : i32
      %dma_wait3A_86 = arith.constant 0 : i32
      %dma_wait3A_87 = tpu.memref_slice %arg14[%dma_wait3A, %dma_wait3A_86] : memref<128x128xf32, #tpu.memory_space<vmem>> -> memref<104x128xf32, #tpu.memory_space<vmem>>
      %dma_wait3A_88 = arith.constant 0 : i32
      %dma_wait3A_89 = tpu.memref_slice %arg21[%add3A_30, %dma_wait3A_88] : memref<10000x128xf32, #tpu.memory_space<vmem_shared>> -> memref<104x128xf32, #tpu.memory_space<vmem_shared>>
      %dma_wait3A_90 = arith.constant 0 : i32
      %dma_wait3A_91 = tpu.memref_slice %arg21[%add3A_30, %dma_wait3A_90] : memref<10000x128xf32, #tpu.memory_space<vmem_shared>> -> memref<104x128xf32, #tpu.memory_space<vmem_shared>>
      %dma_wait3A_92 = arith.constant 0 : i32
      %dma_wait3A_93 = arith.constant 0 : i32
      %dma_wait3A_94 = tpu.memref_slice %arg14[%dma_wait3A_92, %dma_wait3A_93] : memref<128x128xf32, #tpu.memory_space<vmem>> -> memref<104x128xf32, #tpu.memory_space<vmem>>
      tpu.wait_dma2 semaphore(%run_scoped3A : memref<!tpu.dma_semaphore, #tpu.memory_space<semaphore_mem>>) src(%dma_wait3A_94 : memref<104x128xf32, #tpu.memory_space<vmem>>) dst(%dma_wait3A_91 : memref<104x128xf32, #tpu.memory_space<vmem_shared>>)
      tpu.yield
    }) : () -> ()
    %mul3A_31 = arith.constant 624 : i32
    %mul3A_32 = arith.muli %arg1, %mul3A_31 : i32
    %add3A_33 = arith.constant 520 : i32
    %add3A_34 = arith.addi %mul3A_32, %add3A_33 : i32
    "tpu.region"() ({
      %run_scoped3A = tpu.sem_alloc : memref<!tpu.dma_semaphore, #tpu.memory_space<semaphore_mem>>
      %dma_start3A = arith.constant 0 : i32
      %dma_start3A_77 = arith.constant 0 : i32
      %dma_start3A_78 = tpu.memref_slice %arg14[%dma_start3A, %dma_start3A_77] : memref<128x128xf32, #tpu.memory_space<vmem>> -> memref<104x128xf32, #tpu.memory_space<vmem>>
      %dma_start3A_79 = arith.constant 0 : i32
      %dma_start3A_80 = tpu.memref_slice %arg21[%add3A_34, %dma_start3A_79] : memref<10000x128xf32, #tpu.memory_space<vmem_shared>> -> memref<104x128xf32, #tpu.memory_space<vmem_shared>>
      %dma_start3A_81 = arith.constant 0 : i32
      %dma_start3A_82 = tpu.memref_slice %arg21[%add3A_34, %dma_start3A_81] : memref<10000x128xf32, #tpu.memory_space<vmem_shared>> -> memref<104x128xf32, #tpu.memory_space<vmem_shared>>
      %dma_start3A_83 = arith.constant 0 : i32
      %dma_start3A_84 = arith.constant 0 : i32
      %dma_start3A_85 = tpu.memref_slice %arg14[%dma_start3A_83, %dma_start3A_84] : memref<128x128xf32, #tpu.memory_space<vmem>> -> memref<104x128xf32, #tpu.memory_space<vmem>>
      tpu.enqueue_dma source(%dma_start3A_85 : memref<104x128xf32, #tpu.memory_space<vmem>>) target(%dma_start3A_82 : memref<104x128xf32, #tpu.memory_space<vmem_shared>>) target_semaphore(%run_scoped3A : memref<!tpu.dma_semaphore, #tpu.memory_space<semaphore_mem>>)
      %dma_wait3A = arith.constant 0 : i32
      %dma_wait3A_86 = arith.constant 0 : i32
      %dma_wait3A_87 = tpu.memref_slice %arg14[%dma_wait3A, %dma_wait3A_86] : memref<128x128xf32, #tpu.memory_space<vmem>> -> memref<104x128xf32, #tpu.memory_space<vmem>>
      %dma_wait3A_88 = arith.constant 0 : i32
      %dma_wait3A_89 = tpu.memref_slice %arg21[%add3A_34, %dma_wait3A_88] : memref<10000x128xf32, #tpu.memory_space<vmem_shared>> -> memref<104x128xf32, #tpu.memory_space<vmem_shared>>
      %dma_wait3A_90 = arith.constant 0 : i32
      %dma_wait3A_91 = tpu.memref_slice %arg21[%add3A_34, %dma_wait3A_90] : memref<10000x128xf32, #tpu.memory_space<vmem_shared>> -> memref<104x128xf32, #tpu.memory_space<vmem_shared>>
      %dma_wait3A_92 = arith.constant 0 : i32
      %dma_wait3A_93 = arith.constant 0 : i32
      %dma_wait3A_94 = tpu.memref_slice %arg14[%dma_wait3A_92, %dma_wait3A_93] : memref<128x128xf32, #tpu.memory_space<vmem>> -> memref<104x128xf32, #tpu.memory_space<vmem>>
      tpu.wait_dma2 semaphore(%run_scoped3A : memref<!tpu.dma_semaphore, #tpu.memory_space<semaphore_mem>>) src(%dma_wait3A_94 : memref<104x128xf32, #tpu.memory_space<vmem>>) dst(%dma_wait3A_91 : memref<104x128xf32, #tpu.memory_space<vmem_shared>>)
      tpu.yield
    }) : () -> ()
    %eq3A = arith.constant 0 : i32
    %eq3A_35 = arith.cmpi eq, %arg1, %eq3A : i32
    %convert_element_type3A = arith.extui %eq3A_35 : i1 to i32
    %cond3A = arith.constant 0 : i32
    %cond3A_36 = arith.cmpi ne, %convert_element_type3A, %cond3A : i32
    scf.if %cond3A_36 {
      "tpu.region"() ({
        %run_scoped3A = tpu.sem_alloc : memref<!tpu.dma_semaphore, #tpu.memory_space<semaphore_mem>>
        %dma_start3A = arith.constant 0 : i32
        %dma_start3A_77 = arith.constant 0 : i32
        %dma_start3A_78 = tpu.memref_slice %arg14[%dma_start3A, %dma_start3A_77] : memref<128x128xf32, #tpu.memory_space<vmem>> -> memref<16x128xf32, #tpu.memory_space<vmem>>
        %dma_start3A_79 = arith.constant 9984 : i32
        %dma_start3A_80 = arith.constant 0 : i32
        %dma_start3A_81 = tpu.memref_slice %arg21[%dma_start3A_79, %dma_start3A_80] : memref<10000x128xf32, #tpu.memory_space<vmem_shared>> -> memref<16x128xf32, #tpu.memory_space<vmem_shared>>
        %dma_start3A_82 = arith.constant 9984 : i32
        %dma_start3A_83 = arith.constant 0 : i32
        %dma_start3A_84 = tpu.memref_slice %arg21[%dma_start3A_82, %dma_start3A_83] : memref<10000x128xf32, #tpu.memory_space<vmem_shared>> -> memref<16x128xf32, #tpu.memory_space<vmem_shared>>
        %dma_start3A_85 = arith.constant 0 : i32
        %dma_start3A_86 = arith.constant 0 : i32
        %dma_start3A_87 = tpu.memref_slice %arg14[%dma_start3A_85, %dma_start3A_86] : memref<128x128xf32, #tpu.memory_space<vmem>> -> memref<16x128xf32, #tpu.memory_space<vmem>>
        tpu.enqueue_dma source(%dma_start3A_87 : memref<16x128xf32, #tpu.memory_space<vmem>>) target(%dma_start3A_84 : memref<16x128xf32, #tpu.memory_space<vmem_shared>>) target_semaphore(%run_scoped3A : memref<!tpu.dma_semaphore, #tpu.memory_space<semaphore_mem>>)
        %dma_wait3A = arith.constant 0 : i32
        %dma_wait3A_88 = arith.constant 0 : i32
        %dma_wait3A_89 = tpu.memref_slice %arg14[%dma_wait3A, %dma_wait3A_88] : memref<128x128xf32, #tpu.memory_space<vmem>> -> memref<16x128xf32, #tpu.memory_space<vmem>>
        %dma_wait3A_90 = arith.constant 9984 : i32
        %dma_wait3A_91 = arith.constant 0 : i32
        %dma_wait3A_92 = tpu.memref_slice %arg21[%dma_wait3A_90, %dma_wait3A_91] : memref<10000x128xf32, #tpu.memory_space<vmem_shared>> -> memref<16x128xf32, #tpu.memory_space<vmem_shared>>
        %dma_wait3A_93 = arith.constant 9984 : i32
        %dma_wait3A_94 = arith.constant 0 : i32
        %dma_wait3A_95 = tpu.memref_slice %arg21[%dma_wait3A_93, %dma_wait3A_94] : memref<10000x128xf32, #tpu.memory_space<vmem_shared>> -> memref<16x128xf32, #tpu.memory_space<vmem_shared>>
        %dma_wait3A_96 = arith.constant 0 : i32
        %dma_wait3A_97 = arith.constant 0 : i32
        %dma_wait3A_98 = tpu.memref_slice %arg14[%dma_wait3A_96, %dma_wait3A_97] : memref<128x128xf32, #tpu.memory_space<vmem>> -> memref<16x128xf32, #tpu.memory_space<vmem>>
        tpu.wait_dma2 semaphore(%run_scoped3A : memref<!tpu.dma_semaphore, #tpu.memory_space<semaphore_mem>>) src(%dma_wait3A_98 : memref<16x128xf32, #tpu.memory_space<vmem>>) dst(%dma_wait3A_95 : memref<16x128xf32, #tpu.memory_space<vmem_shared>>)
        tpu.yield
      }) : () -> ()
    } else {
    }
    %barrier3A = arith.constant 0 : index
    tpu.barrier barrier_id(%barrier3A)
    %eq3A_37 = arith.constant 0 : i32
    %eq3A_38 = arith.cmpi eq, %arg0, %eq3A_37 : i32
    %convert_element_type3A_39 = arith.extui %eq3A_38 : i1 to i32
    %cond3A_40 = arith.constant 0 : i32
    %cond3A_41 = arith.cmpi ne, %convert_element_type3A_39, %cond3A_40 : i32
    scf.if %cond3A_41 {
      %mul3A_77 = arith.constant 20000 : i32
      %mul3A_78 = arith.muli %arg1, %mul3A_77 : i32
      %add3A_79 = arith.constant 0 : i32
      %add3A_80 = arith.addi %mul3A_78, %add3A_79 : i32
      %dma_start3A = tpu.memref_slice %arg4[%add3A_80] : memref<320000xi32, #tpu.memory_space<hbm>> -> memref<128xi32, #tpu.memory_space<hbm>>
      %dma_start3A_81 = tpu.memref_slice %arg4[%add3A_80] : memref<320000xi32, #tpu.memory_space<hbm>> -> memref<128xi32, #tpu.memory_space<hbm>>
      tpu.enqueue_dma source(%dma_start3A_81 : memref<128xi32, #tpu.memory_space<hbm>>) target(%arg10 : memref<128xi32, #tpu.memory_space<vmem>>) target_semaphore(%arg27 : memref<!tpu.dma_semaphore, #tpu.memory_space<semaphore_mem>>)
      %dma_start3A_82 = tpu.memref_slice %arg5[%add3A_80] : memref<320000xi32, #tpu.memory_space<hbm>> -> memref<128xi32, #tpu.memory_space<hbm>>
      %dma_start3A_83 = tpu.memref_slice %arg5[%add3A_80] : memref<320000xi32, #tpu.memory_space<hbm>> -> memref<128xi32, #tpu.memory_space<hbm>>
      tpu.enqueue_dma source(%dma_start3A_83 : memref<128xi32, #tpu.memory_space<hbm>>) target(%arg12 : memref<128xi32, #tpu.memory_space<vmem>>) target_semaphore(%arg27 : memref<!tpu.dma_semaphore, #tpu.memory_space<semaphore_mem>>)
      %dma_wait3A = arith.constant 0 : i32
      %dma_wait3A_84 = tpu.memref_slice %arg4[%dma_wait3A] : memref<320000xi32, #tpu.memory_space<hbm>> -> memref<128xi32, #tpu.memory_space<hbm>>
      %dma_wait3A_85 = arith.constant 0 : i32
      %dma_wait3A_86 = tpu.memref_slice %arg4[%dma_wait3A_85] : memref<320000xi32, #tpu.memory_space<hbm>> -> memref<128xi32, #tpu.memory_space<hbm>>
      tpu.wait_dma2 semaphore(%arg27 : memref<!tpu.dma_semaphore, #tpu.memory_space<semaphore_mem>>) src(%dma_wait3A_86 : memref<128xi32, #tpu.memory_space<hbm>>) dst(%arg10 : memref<128xi32, #tpu.memory_space<vmem>>)
      %dma_wait3A_87 = arith.constant 0 : i32
      %dma_wait3A_88 = tpu.memref_slice %arg5[%dma_wait3A_87] : memref<320000xi32, #tpu.memory_space<hbm>> -> memref<128xi32, #tpu.memory_space<hbm>>
      %dma_wait3A_89 = arith.constant 0 : i32
      %dma_wait3A_90 = tpu.memref_slice %arg5[%dma_wait3A_89] : memref<320000xi32, #tpu.memory_space<hbm>> -> memref<128xi32, #tpu.memory_space<hbm>>
      tpu.wait_dma2 semaphore(%arg27 : memref<!tpu.dma_semaphore, #tpu.memory_space<semaphore_mem>>) src(%dma_wait3A_90 : memref<128xi32, #tpu.memory_space<hbm>>) dst(%arg12 : memref<128xi32, #tpu.memory_space<vmem>>)
      %mul3A_91 = arith.constant 20000 : i32
      %mul3A_92 = arith.muli %arg1, %mul3A_91 : i32
      %add3A_93 = arith.constant 128 : i32
      %add3A_94 = arith.addi %mul3A_92, %add3A_93 : i32
      %dma_start3A_95 = tpu.memref_slice %arg4[%add3A_94] : memref<320000xi32, #tpu.memory_space<hbm>> -> memref<128xi32, #tpu.memory_space<hbm>>
      %dma_start3A_96 = tpu.memref_slice %arg4[%add3A_94] : memref<320000xi32, #tpu.memory_space<hbm>> -> memref<128xi32, #tpu.memory_space<hbm>>
      tpu.enqueue_dma source(%dma_start3A_96 : memref<128xi32, #tpu.memory_space<hbm>>) target(%arg11 : memref<128xi32, #tpu.memory_space<vmem>>) target_semaphore(%arg28 : memref<!tpu.dma_semaphore, #tpu.memory_space<semaphore_mem>>)
      %dma_start3A_97 = tpu.memref_slice %arg5[%add3A_94] : memref<320000xi32, #tpu.memory_space<hbm>> -> memref<128xi32, #tpu.memory_space<hbm>>
      %dma_start3A_98 = tpu.memref_slice %arg5[%add3A_94] : memref<320000xi32, #tpu.memory_space<hbm>> -> memref<128xi32, #tpu.memory_space<hbm>>
      tpu.enqueue_dma source(%dma_start3A_98 : memref<128xi32, #tpu.memory_space<hbm>>) target(%arg13 : memref<128xi32, #tpu.memory_space<vmem>>) target_semaphore(%arg28 : memref<!tpu.dma_semaphore, #tpu.memory_space<semaphore_mem>>)
      %dma_start3A_99 = arith.constant 0 : i32
      %dma_start3A_100 = arith.constant 0 : i32
      %dma_start3A_101 = tpu.memref_slice %arg2[%dma_start3A_99, %dma_start3A_100] : memref<10000x128xf32, #tpu.memory_space<hbm>> -> memref<10000x128xf32, #tpu.memory_space<hbm>>
      tpu.enqueue_indirect_dma source(%dma_start3A_101 : memref<10000x128xf32, #tpu.memory_space<hbm>>) target(%arg14 : memref<128x128xf32, #tpu.memory_space<vmem>>) offsets(%arg10 : memref<128xi32, #tpu.memory_space<vmem>>) semaphore(%arg23 : memref<!tpu.dma_semaphore, #tpu.memory_space<semaphore_mem>>)
      %scan3A_102 = arith.constant 0 : i32
      %scan3A_103 = arith.constant 0 : i32
      %scan3A_104 = arith.constant 78 : i32
      %scan3A_105 = arith.addi %scan3A_103, %scan3A_104 : i32
      %scan3A_106 = arith.constant 1 : i32
      %scan3A_107 = scf.for %scan3A_119 = %scan3A_103 to %scan3A_105 step %scan3A_106 iter_args(%scan3A_120 = %scan3A_102) -> (i32)  : i32 {
        %dma_wait3A_121 = arith.constant 0 : i32
        %dma_wait3A_122 = arith.constant 0 : i32
        %dma_wait3A_123 = tpu.memref_slice %arg2[%dma_wait3A_121, %dma_wait3A_122] : memref<10000x128xf32, #tpu.memory_space<hbm>> -> memref<10000x128xf32, #tpu.memory_space<hbm>>
        tpu.wait_indirect_dma semaphore(%arg23 : memref<!tpu.dma_semaphore, #tpu.memory_space<semaphore_mem>>) src(%dma_wait3A_123 : memref<10000x128xf32, #tpu.memory_space<hbm>>) dst(%arg14 : memref<128x128xf32, #tpu.memory_space<vmem>>)
        %dma_start3A_124 = arith.constant 0 : i32
        %dma_start3A_125 = arith.constant 0 : i32
        %dma_start3A_126 = tpu.memref_slice %arg21[%dma_start3A_124, %dma_start3A_125] : memref<10000x128xf32, #tpu.memory_space<vmem_shared>> -> memref<10000x128xf32, #tpu.memory_space<vmem_shared>>
        tpu.enqueue_indirect_dma source(%arg14 : memref<128x128xf32, #tpu.memory_space<vmem>>) target(%dma_start3A_126 : memref<10000x128xf32, #tpu.memory_space<vmem_shared>>) offsets(%arg12 : memref<128xi32, #tpu.memory_space<vmem>>) semaphore(%arg25 : memref<!tpu.dma_semaphore, #tpu.memory_space<semaphore_mem>>) {add = true}
        %dma_wait3A_127 = arith.constant 0 : i32
        %dma_wait3A_128 = tpu.memref_slice %arg4[%dma_wait3A_127] : memref<320000xi32, #tpu.memory_space<hbm>> -> memref<128xi32, #tpu.memory_space<hbm>>
        %dma_wait3A_129 = arith.constant 0 : i32
        %dma_wait3A_130 = tpu.memref_slice %arg4[%dma_wait3A_129] : memref<320000xi32, #tpu.memory_space<hbm>> -> memref<128xi32, #tpu.memory_space<hbm>>
        tpu.wait_dma2 semaphore(%arg28 : memref<!tpu.dma_semaphore, #tpu.memory_space<semaphore_mem>>) src(%dma_wait3A_130 : memref<128xi32, #tpu.memory_space<hbm>>) dst(%arg11 : memref<128xi32, #tpu.memory_space<vmem>>)
        %dma_wait3A_131 = arith.constant 0 : i32
        %dma_wait3A_132 = tpu.memref_slice %arg5[%dma_wait3A_131] : memref<320000xi32, #tpu.memory_space<hbm>> -> memref<128xi32, #tpu.memory_space<hbm>>
        %dma_wait3A_133 = arith.constant 0 : i32
        %dma_wait3A_134 = tpu.memref_slice %arg5[%dma_wait3A_133] : memref<320000xi32, #tpu.memory_space<hbm>> -> memref<128xi32, #tpu.memory_space<hbm>>
        tpu.wait_dma2 semaphore(%arg28 : memref<!tpu.dma_semaphore, #tpu.memory_space<semaphore_mem>>) src(%dma_wait3A_134 : memref<128xi32, #tpu.memory_space<hbm>>) dst(%arg13 : memref<128xi32, #tpu.memory_space<vmem>>)
        %dma_start3A_135 = arith.constant 0 : i32
        %dma_start3A_136 = arith.constant 0 : i32
        %dma_start3A_137 = tpu.memref_slice %arg2[%dma_start3A_135, %dma_start3A_136] : memref<10000x128xf32, #tpu.memory_space<hbm>> -> memref<10000x128xf32, #tpu.memory_space<hbm>>
        tpu.enqueue_indirect_dma source(%dma_start3A_137 : memref<10000x128xf32, #tpu.memory_space<hbm>>) target(%arg15 : memref<128x128xf32, #tpu.memory_space<vmem>>) offsets(%arg11 : memref<128xi32, #tpu.memory_space<vmem>>) semaphore(%arg24 : memref<!tpu.dma_semaphore, #tpu.memory_space<semaphore_mem>>)
        %dma_wait3A_138 = arith.constant 0 : i32
        %dma_wait3A_139 = arith.constant 0 : i32
        %dma_wait3A_140 = tpu.memref_slice %arg21[%dma_wait3A_138, %dma_wait3A_139] : memref<10000x128xf32, #tpu.memory_space<vmem_shared>> -> memref<10000x128xf32, #tpu.memory_space<vmem_shared>>
        tpu.wait_indirect_dma semaphore(%arg25 : memref<!tpu.dma_semaphore, #tpu.memory_space<semaphore_mem>>) src(%arg14 : memref<128x128xf32, #tpu.memory_space<vmem>>) dst(%dma_wait3A_140 : memref<10000x128xf32, #tpu.memory_space<vmem_shared>>)
        %mul3A_141 = arith.constant 2 : i32
        %mul3A_142 = arith.muli %mul3A_141, %scan3A_119 : i32
        %add3A_143 = arith.constant 2 : i32
        %add3A_144 = arith.addi %mul3A_142, %add3A_143 : i32
        %lt3A = arith.constant 156 : i32
        %lt3A_145 = arith.cmpi slt, %add3A_144, %lt3A : i32
        %convert_element_type3A_146 = arith.extui %lt3A_145 : i1 to i32
        %cond3A_147 = arith.constant 0 : i32
        %cond3A_148 = arith.cmpi ne, %convert_element_type3A_146, %cond3A_147 : i32
        scf.if %cond3A_148 {
          %mul3A_177 = arith.constant 2 : i32
          %mul3A_178 = arith.muli %mul3A_177, %scan3A_119 : i32
          %add3A_179 = arith.constant 2 : i32
          %add3A_180 = arith.addi %mul3A_178, %add3A_179 : i32
          %mul3A_181 = arith.constant 20000 : i32
          %mul3A_182 = arith.muli %arg1, %mul3A_181 : i32
          %mul3A_183 = arith.constant 128 : i32
          %mul3A_184 = arith.muli %add3A_180, %mul3A_183 : i32
          %add3A_185 = arith.addi %mul3A_182, %mul3A_184 : i32
          %dma_start3A_186 = tpu.memref_slice %arg4[%add3A_185] : memref<320000xi32, #tpu.memory_space<hbm>> -> memref<128xi32, #tpu.memory_space<hbm>>
          %dma_start3A_187 = tpu.memref_slice %arg4[%add3A_185] : memref<320000xi32, #tpu.memory_space<hbm>> -> memref<128xi32, #tpu.memory_space<hbm>>
          tpu.enqueue_dma source(%dma_start3A_187 : memref<128xi32, #tpu.memory_space<hbm>>) target(%arg10 : memref<128xi32, #tpu.memory_space<vmem>>) target_semaphore(%arg27 : memref<!tpu.dma_semaphore, #tpu.memory_space<semaphore_mem>>)
          %dma_start3A_188 = tpu.memref_slice %arg5[%add3A_185] : memref<320000xi32, #tpu.memory_space<hbm>> -> memref<128xi32, #tpu.memory_space<hbm>>
          %dma_start3A_189 = tpu.memref_slice %arg5[%add3A_185] : memref<320000xi32, #tpu.memory_space<hbm>> -> memref<128xi32, #tpu.memory_space<hbm>>
          tpu.enqueue_dma source(%dma_start3A_189 : memref<128xi32, #tpu.memory_space<hbm>>) target(%arg12 : memref<128xi32, #tpu.memory_space<vmem>>) target_semaphore(%arg27 : memref<!tpu.dma_semaphore, #tpu.memory_space<semaphore_mem>>)
        } else {
        }
        %dma_wait3A_149 = arith.constant 0 : i32
        %dma_wait3A_150 = arith.constant 0 : i32
        %dma_wait3A_151 = tpu.memref_slice %arg2[%dma_wait3A_149, %dma_wait3A_150] : memref<10000x128xf32, #tpu.memory_space<hbm>> -> memref<10000x128xf32, #tpu.memory_space<hbm>>
        tpu.wait_indirect_dma semaphore(%arg24 : memref<!tpu.dma_semaphore, #tpu.memory_space<semaphore_mem>>) src(%dma_wait3A_151 : memref<10000x128xf32, #tpu.memory_space<hbm>>) dst(%arg15 : memref<128x128xf32, #tpu.memory_space<vmem>>)
        %dma_start3A_152 = arith.constant 0 : i32
        %dma_start3A_153 = arith.constant 0 : i32
        %dma_start3A_154 = tpu.memref_slice %arg21[%dma_start3A_152, %dma_start3A_153] : memref<10000x128xf32, #tpu.memory_space<vmem_shared>> -> memref<10000x128xf32, #tpu.memory_space<vmem_shared>>
        tpu.enqueue_indirect_dma source(%arg15 : memref<128x128xf32, #tpu.memory_space<vmem>>) target(%dma_start3A_154 : memref<10000x128xf32, #tpu.memory_space<vmem_shared>>) offsets(%arg13 : memref<128xi32, #tpu.memory_space<vmem>>) semaphore(%arg26 : memref<!tpu.dma_semaphore, #tpu.memory_space<semaphore_mem>>) {add = true}
        %mul3A_155 = arith.constant 2 : i32
        %mul3A_156 = arith.muli %mul3A_155, %scan3A_119 : i32
        %add3A_157 = arith.constant 2 : i32
        %add3A_158 = arith.addi %mul3A_156, %add3A_157 : i32
        %lt3A_159 = arith.constant 156 : i32
        %lt3A_160 = arith.cmpi slt, %add3A_158, %lt3A_159 : i32
        %convert_element_type3A_161 = arith.extui %lt3A_160 : i1 to i32
        %cond3A_162 = arith.constant 0 : i32
        %cond3A_163 = arith.cmpi ne, %convert_element_type3A_161, %cond3A_162 : i32
        scf.if %cond3A_163 {
          %dma_wait3A_177 = arith.constant 0 : i32
          %dma_wait3A_178 = tpu.memref_slice %arg4[%dma_wait3A_177] : memref<320000xi32, #tpu.memory_space<hbm>> -> memref<128xi32, #tpu.memory_space<hbm>>
          %dma_wait3A_179 = arith.constant 0 : i32
          %dma_wait3A_180 = tpu.memref_slice %arg4[%dma_wait3A_179] : memref<320000xi32, #tpu.memory_space<hbm>> -> memref<128xi32, #tpu.memory_space<hbm>>
          tpu.wait_dma2 semaphore(%arg27 : memref<!tpu.dma_semaphore, #tpu.memory_space<semaphore_mem>>) src(%dma_wait3A_180 : memref<128xi32, #tpu.memory_space<hbm>>) dst(%arg10 : memref<128xi32, #tpu.memory_space<vmem>>)
          %dma_wait3A_181 = arith.constant 0 : i32
          %dma_wait3A_182 = tpu.memref_slice %arg5[%dma_wait3A_181] : memref<320000xi32, #tpu.memory_space<hbm>> -> memref<128xi32, #tpu.memory_space<hbm>>
          %dma_wait3A_183 = arith.constant 0 : i32
          %dma_wait3A_184 = tpu.memref_slice %arg5[%dma_wait3A_183] : memref<320000xi32, #tpu.memory_space<hbm>> -> memref<128xi32, #tpu.memory_space<hbm>>
          tpu.wait_dma2 semaphore(%arg27 : memref<!tpu.dma_semaphore, #tpu.memory_space<semaphore_mem>>) src(%dma_wait3A_184 : memref<128xi32, #tpu.memory_space<hbm>>) dst(%arg12 : memref<128xi32, #tpu.memory_space<vmem>>)
          %dma_start3A_185 = arith.constant 0 : i32
          %dma_start3A_186 = arith.constant 0 : i32
          %dma_start3A_187 = tpu.memref_slice %arg2[%dma_start3A_185, %dma_start3A_186] : memref<10000x128xf32, #tpu.memory_space<hbm>> -> memref<10000x128xf32, #tpu.memory_space<hbm>>
          tpu.enqueue_indirect_dma source(%dma_start3A_187 : memref<10000x128xf32, #tpu.memory_space<hbm>>) target(%arg14 : memref<128x128xf32, #tpu.memory_space<vmem>>) offsets(%arg10 : memref<128xi32, #tpu.memory_space<vmem>>) semaphore(%arg23 : memref<!tpu.dma_semaphore, #tpu.memory_space<semaphore_mem>>)
        } else {
        }
        %dma_wait3A_164 = arith.constant 0 : i32
        %dma_wait3A_165 = arith.constant 0 : i32
        %dma_wait3A_166 = tpu.memref_slice %arg21[%dma_wait3A_164, %dma_wait3A_165] : memref<10000x128xf32, #tpu.memory_space<vmem_shared>> -> memref<10000x128xf32, #tpu.memory_space<vmem_shared>>
        tpu.wait_indirect_dma semaphore(%arg26 : memref<!tpu.dma_semaphore, #tpu.memory_space<semaphore_mem>>) src(%arg15 : memref<128x128xf32, #tpu.memory_space<vmem>>) dst(%dma_wait3A_166 : memref<10000x128xf32, #tpu.memory_space<vmem_shared>>)
        %mul3A_167 = arith.constant 2 : i32
        %mul3A_168 = arith.muli %mul3A_167, %scan3A_119 : i32
        %add3A_169 = arith.constant 3 : i32
        %add3A_170 = arith.addi %mul3A_168, %add3A_169 : i32
        %lt3A_171 = arith.constant 156 : i32
        %lt3A_172 = arith.cmpi slt, %add3A_170, %lt3A_171 : i32
        %convert_element_type3A_173 = arith.extui %lt3A_172 : i1 to i32
        %cond3A_174 = arith.constant 0 : i32
        %cond3A_175 = arith.cmpi ne, %convert_element_type3A_173, %cond3A_174 : i32
        scf.if %cond3A_175 {
          %mul3A_177 = arith.constant 2 : i32
          %mul3A_178 = arith.muli %mul3A_177, %scan3A_119 : i32
          %add3A_179 = arith.constant 3 : i32
          %add3A_180 = arith.addi %mul3A_178, %add3A_179 : i32
          %mul3A_181 = arith.constant 20000 : i32
          %mul3A_182 = arith.muli %arg1, %mul3A_181 : i32
          %mul3A_183 = arith.constant 128 : i32
          %mul3A_184 = arith.muli %add3A_180, %mul3A_183 : i32
          %add3A_185 = arith.addi %mul3A_182, %mul3A_184 : i32
          %dma_start3A_186 = tpu.memref_slice %arg4[%add3A_185] : memref<320000xi32, #tpu.memory_space<hbm>> -> memref<128xi32, #tpu.memory_space<hbm>>
          %dma_start3A_187 = tpu.memref_slice %arg4[%add3A_185] : memref<320000xi32, #tpu.memory_space<hbm>> -> memref<128xi32, #tpu.memory_space<hbm>>
          tpu.enqueue_dma source(%dma_start3A_187 : memref<128xi32, #tpu.memory_space<hbm>>) target(%arg11 : memref<128xi32, #tpu.memory_space<vmem>>) target_semaphore(%arg28 : memref<!tpu.dma_semaphore, #tpu.memory_space<semaphore_mem>>)
          %dma_start3A_188 = tpu.memref_slice %arg5[%add3A_185] : memref<320000xi32, #tpu.memory_space<hbm>> -> memref<128xi32, #tpu.memory_space<hbm>>
          %dma_start3A_189 = tpu.memref_slice %arg5[%add3A_185] : memref<320000xi32, #tpu.memory_space<hbm>> -> memref<128xi32, #tpu.memory_space<hbm>>
          tpu.enqueue_dma source(%dma_start3A_189 : memref<128xi32, #tpu.memory_space<hbm>>) target(%arg13 : memref<128xi32, #tpu.memory_space<vmem>>) target_semaphore(%arg28 : memref<!tpu.dma_semaphore, #tpu.memory_space<semaphore_mem>>)
        } else {
        }
        %scan3A_176 = arith.constant 0 : i32
        scf.yield %scan3A_176 : i32
      }
      %scan3A_108 = arith.constant 78 : i32
      %mul3A_109 = arith.constant 20000 : i32
      %mul3A_110 = arith.muli %arg1, %mul3A_109 : i32
      %add3A_111 = arith.constant 19968 : i32
      %add3A_112 = arith.addi %mul3A_110, %add3A_111 : i32
      "tpu.region"() ({
        %run_scoped3A = tpu.sem_alloc : memref<!tpu.dma_semaphore, #tpu.memory_space<semaphore_mem>>
        %dma_start3A_119 = tpu.memref_slice %arg4[%add3A_112] : memref<320000xi32, #tpu.memory_space<hbm>> -> memref<32xi32, #tpu.memory_space<hbm>>
        %dma_start3A_120 = tpu.memref_slice %arg4[%add3A_112] : memref<320000xi32, #tpu.memory_space<hbm>> -> memref<32xi32, #tpu.memory_space<hbm>>
        tpu.enqueue_dma source(%dma_start3A_120 : memref<32xi32, #tpu.memory_space<hbm>>) target(%arg16 : memref<32xi32, #tpu.memory_space<vmem>>) target_semaphore(%run_scoped3A : memref<!tpu.dma_semaphore, #tpu.memory_space<semaphore_mem>>)
        %dma_wait3A_121 = tpu.memref_slice %arg4[%add3A_112] : memref<320000xi32, #tpu.memory_space<hbm>> -> memref<32xi32, #tpu.memory_space<hbm>>
        %dma_wait3A_122 = tpu.memref_slice %arg4[%add3A_112] : memref<320000xi32, #tpu.memory_space<hbm>> -> memref<32xi32, #tpu.memory_space<hbm>>
        tpu.wait_dma2 semaphore(%run_scoped3A : memref<!tpu.dma_semaphore, #tpu.memory_space<semaphore_mem>>) src(%dma_wait3A_122 : memref<32xi32, #tpu.memory_space<hbm>>) dst(%arg16 : memref<32xi32, #tpu.memory_space<vmem>>)
        tpu.yield
      }) : () -> ()
      "tpu.region"() ({
        %run_scoped3A = tpu.sem_alloc : memref<!tpu.dma_semaphore, #tpu.memory_space<semaphore_mem>>
        %dma_start3A_119 = tpu.memref_slice %arg5[%add3A_112] : memref<320000xi32, #tpu.memory_space<hbm>> -> memref<32xi32, #tpu.memory_space<hbm>>
        %dma_start3A_120 = tpu.memref_slice %arg5[%add3A_112] : memref<320000xi32, #tpu.memory_space<hbm>> -> memref<32xi32, #tpu.memory_space<hbm>>
        tpu.enqueue_dma source(%dma_start3A_120 : memref<32xi32, #tpu.memory_space<hbm>>) target(%arg17 : memref<32xi32, #tpu.memory_space<vmem>>) target_semaphore(%run_scoped3A : memref<!tpu.dma_semaphore, #tpu.memory_space<semaphore_mem>>)
        %dma_wait3A_121 = tpu.memref_slice %arg5[%add3A_112] : memref<320000xi32, #tpu.memory_space<hbm>> -> memref<32xi32, #tpu.memory_space<hbm>>
        %dma_wait3A_122 = tpu.memref_slice %arg5[%add3A_112] : memref<320000xi32, #tpu.memory_space<hbm>> -> memref<32xi32, #tpu.memory_space<hbm>>
        tpu.wait_dma2 semaphore(%run_scoped3A : memref<!tpu.dma_semaphore, #tpu.memory_space<semaphore_mem>>) src(%dma_wait3A_122 : memref<32xi32, #tpu.memory_space<hbm>>) dst(%arg17 : memref<32xi32, #tpu.memory_space<vmem>>)
        tpu.yield
      }) : () -> ()
      %dma_start3A_113 = arith.constant 0 : i32
      %dma_start3A_114 = arith.constant 0 : i32
      %dma_start3A_115 = tpu.memref_slice %arg2[%dma_start3A_113, %dma_start3A_114] : memref<10000x128xf32, #tpu.memory_space<hbm>> -> memref<10000x128xf32, #tpu.memory_space<hbm>>
      tpu.enqueue_indirect_dma source(%dma_start3A_115 : memref<10000x128xf32, #tpu.memory_space<hbm>>) target(%arg18 : memref<32x128xf32, #tpu.memory_space<vmem>>) offsets(%arg16 : memref<32xi32, #tpu.memory_space<vmem>>) semaphore(%arg23 : memref<!tpu.dma_semaphore, #tpu.memory_space<semaphore_mem>>)
      %dma_wait3A_116 = arith.constant 0 : i32
      %dma_wait3A_117 = arith.constant 0 : i32
      %dma_wait3A_118 = tpu.memref_slice %arg2[%dma_wait3A_116, %dma_wait3A_117] : memref<10000x128xf32, #tpu.memory_space<hbm>> -> memref<10000x128xf32, #tpu.memory_space<hbm>>
      tpu.wait_indirect_dma semaphore(%arg23 : memref<!tpu.dma_semaphore, #tpu.memory_space<semaphore_mem>>) src(%dma_wait3A_118 : memref<10000x128xf32, #tpu.memory_space<hbm>>) dst(%arg18 : memref<32x128xf32, #tpu.memory_space<vmem>>)
      "tpu.region"() ({
        %run_scoped3A = tpu.sem_alloc : memref<!tpu.dma_semaphore, #tpu.memory_space<semaphore_mem>>
        %dma_start3A_119 = arith.constant 0 : i32
        %dma_start3A_120 = arith.constant 0 : i32
        %dma_start3A_121 = tpu.memref_slice %arg21[%dma_start3A_119, %dma_start3A_120] : memref<10000x128xf32, #tpu.memory_space<vmem_shared>> -> memref<10000x128xf32, #tpu.memory_space<vmem_shared>>
        tpu.enqueue_indirect_dma source(%arg18 : memref<32x128xf32, #tpu.memory_space<vmem>>) target(%dma_start3A_121 : memref<10000x128xf32, #tpu.memory_space<vmem_shared>>) offsets(%arg17 : memref<32xi32, #tpu.memory_space<vmem>>) semaphore(%run_scoped3A : memref<!tpu.dma_semaphore, #tpu.memory_space<semaphore_mem>>) {add = true}
        %dma_wait3A_122 = arith.constant 0 : i32
        %dma_wait3A_123 = arith.constant 0 : i32
        %dma_wait3A_124 = tpu.memref_slice %arg21[%dma_wait3A_122, %dma_wait3A_123] : memref<10000x128xf32, #tpu.memory_space<vmem_shared>> -> memref<10000x128xf32, #tpu.memory_space<vmem_shared>>
        tpu.wait_indirect_dma semaphore(%run_scoped3A : memref<!tpu.dma_semaphore, #tpu.memory_space<semaphore_mem>>) src(%arg18 : memref<32x128xf32, #tpu.memory_space<vmem>>) dst(%dma_wait3A_124 : memref<10000x128xf32, #tpu.memory_space<vmem_shared>>)
        tpu.yield
      }) : () -> ()
    } else {
    }
    %eq3A_42 = arith.constant 1 : i32
    %eq3A_43 = arith.cmpi eq, %arg0, %eq3A_42 : i32
    %convert_element_type3A_44 = arith.extui %eq3A_43 : i1 to i32
    %cond3A_45 = arith.constant 0 : i32
    %cond3A_46 = arith.cmpi ne, %convert_element_type3A_44, %cond3A_45 : i32
    scf.if %cond3A_46 {
      %mul3A_77 = arith.constant 20000 : i32
      %mul3A_78 = arith.muli %arg1, %mul3A_77 : i32
      %add3A_79 = arith.constant 0 : i32
      %add3A_80 = arith.addi %mul3A_78, %add3A_79 : i32
      %dma_start3A = tpu.memref_slice %arg6[%add3A_80] : memref<320000xi32, #tpu.memory_space<hbm>> -> memref<128xi32, #tpu.memory_space<hbm>>
      %dma_start3A_81 = tpu.memref_slice %arg6[%add3A_80] : memref<320000xi32, #tpu.memory_space<hbm>> -> memref<128xi32, #tpu.memory_space<hbm>>
      tpu.enqueue_dma source(%dma_start3A_81 : memref<128xi32, #tpu.memory_space<hbm>>) target(%arg10 : memref<128xi32, #tpu.memory_space<vmem>>) target_semaphore(%arg27 : memref<!tpu.dma_semaphore, #tpu.memory_space<semaphore_mem>>)
      %dma_start3A_82 = tpu.memref_slice %arg7[%add3A_80] : memref<320000xi32, #tpu.memory_space<hbm>> -> memref<128xi32, #tpu.memory_space<hbm>>
      %dma_start3A_83 = tpu.memref_slice %arg7[%add3A_80] : memref<320000xi32, #tpu.memory_space<hbm>> -> memref<128xi32, #tpu.memory_space<hbm>>
      tpu.enqueue_dma source(%dma_start3A_83 : memref<128xi32, #tpu.memory_space<hbm>>) target(%arg12 : memref<128xi32, #tpu.memory_space<vmem>>) target_semaphore(%arg27 : memref<!tpu.dma_semaphore, #tpu.memory_space<semaphore_mem>>)
      %dma_wait3A = arith.constant 0 : i32
      %dma_wait3A_84 = tpu.memref_slice %arg6[%dma_wait3A] : memref<320000xi32, #tpu.memory_space<hbm>> -> memref<128xi32, #tpu.memory_space<hbm>>
      %dma_wait3A_85 = arith.constant 0 : i32
      %dma_wait3A_86 = tpu.memref_slice %arg6[%dma_wait3A_85] : memref<320000xi32, #tpu.memory_space<hbm>> -> memref<128xi32, #tpu.memory_space<hbm>>
      tpu.wait_dma2 semaphore(%arg27 : memref<!tpu.dma_semaphore, #tpu.memory_space<semaphore_mem>>) src(%dma_wait3A_86 : memref<128xi32, #tpu.memory_space<hbm>>) dst(%arg10 : memref<128xi32, #tpu.memory_space<vmem>>)
      %dma_wait3A_87 = arith.constant 0 : i32
      %dma_wait3A_88 = tpu.memref_slice %arg7[%dma_wait3A_87] : memref<320000xi32, #tpu.memory_space<hbm>> -> memref<128xi32, #tpu.memory_space<hbm>>
      %dma_wait3A_89 = arith.constant 0 : i32
      %dma_wait3A_90 = tpu.memref_slice %arg7[%dma_wait3A_89] : memref<320000xi32, #tpu.memory_space<hbm>> -> memref<128xi32, #tpu.memory_space<hbm>>
      tpu.wait_dma2 semaphore(%arg27 : memref<!tpu.dma_semaphore, #tpu.memory_space<semaphore_mem>>) src(%dma_wait3A_90 : memref<128xi32, #tpu.memory_space<hbm>>) dst(%arg12 : memref<128xi32, #tpu.memory_space<vmem>>)
      %mul3A_91 = arith.constant 20000 : i32
      %mul3A_92 = arith.muli %arg1, %mul3A_91 : i32
      %add3A_93 = arith.constant 128 : i32
      %add3A_94 = arith.addi %mul3A_92, %add3A_93 : i32
      %dma_start3A_95 = tpu.memref_slice %arg6[%add3A_94] : memref<320000xi32, #tpu.memory_space<hbm>> -> memref<128xi32, #tpu.memory_space<hbm>>
      %dma_start3A_96 = tpu.memref_slice %arg6[%add3A_94] : memref<320000xi32, #tpu.memory_space<hbm>> -> memref<128xi32, #tpu.memory_space<hbm>>
      tpu.enqueue_dma source(%dma_start3A_96 : memref<128xi32, #tpu.memory_space<hbm>>) target(%arg11 : memref<128xi32, #tpu.memory_space<vmem>>) target_semaphore(%arg28 : memref<!tpu.dma_semaphore, #tpu.memory_space<semaphore_mem>>)
      %dma_start3A_97 = tpu.memref_slice %arg7[%add3A_94] : memref<320000xi32, #tpu.memory_space<hbm>> -> memref<128xi32, #tpu.memory_space<hbm>>
      %dma_start3A_98 = tpu.memref_slice %arg7[%add3A_94] : memref<320000xi32, #tpu.memory_space<hbm>> -> memref<128xi32, #tpu.memory_space<hbm>>
      tpu.enqueue_dma source(%dma_start3A_98 : memref<128xi32, #tpu.memory_space<hbm>>) target(%arg13 : memref<128xi32, #tpu.memory_space<vmem>>) target_semaphore(%arg28 : memref<!tpu.dma_semaphore, #tpu.memory_space<semaphore_mem>>)
      %dma_start3A_99 = arith.constant 0 : i32
      %dma_start3A_100 = arith.constant 0 : i32
      %dma_start3A_101 = tpu.memref_slice %arg3[%dma_start3A_99, %dma_start3A_100] : memref<10000x128xf32, #tpu.memory_space<hbm>> -> memref<10000x128xf32, #tpu.memory_space<hbm>>
      tpu.enqueue_indirect_dma source(%dma_start3A_101 : memref<10000x128xf32, #tpu.memory_space<hbm>>) target(%arg14 : memref<128x128xf32, #tpu.memory_space<vmem>>) offsets(%arg10 : memref<128xi32, #tpu.memory_space<vmem>>) semaphore(%arg23 : memref<!tpu.dma_semaphore, #tpu.memory_space<semaphore_mem>>)
      %scan3A_102 = arith.constant 0 : i32
      %scan3A_103 = arith.constant 0 : i32
      %scan3A_104 = arith.constant 78 : i32
      %scan3A_105 = arith.addi %scan3A_103, %scan3A_104 : i32
      %scan3A_106 = arith.constant 1 : i32
      %scan3A_107 = scf.for %scan3A_119 = %scan3A_103 to %scan3A_105 step %scan3A_106 iter_args(%scan3A_120 = %scan3A_102) -> (i32)  : i32 {
        %dma_wait3A_121 = arith.constant 0 : i32
        %dma_wait3A_122 = arith.constant 0 : i32
        %dma_wait3A_123 = tpu.memref_slice %arg3[%dma_wait3A_121, %dma_wait3A_122] : memref<10000x128xf32, #tpu.memory_space<hbm>> -> memref<10000x128xf32, #tpu.memory_space<hbm>>
        tpu.wait_indirect_dma semaphore(%arg23 : memref<!tpu.dma_semaphore, #tpu.memory_space<semaphore_mem>>) src(%dma_wait3A_123 : memref<10000x128xf32, #tpu.memory_space<hbm>>) dst(%arg14 : memref<128x128xf32, #tpu.memory_space<vmem>>)
        %dma_start3A_124 = arith.constant 0 : i32
        %dma_start3A_125 = arith.constant 0 : i32
        %dma_start3A_126 = tpu.memref_slice %arg21[%dma_start3A_124, %dma_start3A_125] : memref<10000x128xf32, #tpu.memory_space<vmem_shared>> -> memref<10000x128xf32, #tpu.memory_space<vmem_shared>>
        tpu.enqueue_indirect_dma source(%arg14 : memref<128x128xf32, #tpu.memory_space<vmem>>) target(%dma_start3A_126 : memref<10000x128xf32, #tpu.memory_space<vmem_shared>>) offsets(%arg12 : memref<128xi32, #tpu.memory_space<vmem>>) semaphore(%arg25 : memref<!tpu.dma_semaphore, #tpu.memory_space<semaphore_mem>>) {add = true}
        %dma_wait3A_127 = arith.constant 0 : i32
        %dma_wait3A_128 = tpu.memref_slice %arg6[%dma_wait3A_127] : memref<320000xi32, #tpu.memory_space<hbm>> -> memref<128xi32, #tpu.memory_space<hbm>>
        %dma_wait3A_129 = arith.constant 0 : i32
        %dma_wait3A_130 = tpu.memref_slice %arg6[%dma_wait3A_129] : memref<320000xi32, #tpu.memory_space<hbm>> -> memref<128xi32, #tpu.memory_space<hbm>>
        tpu.wait_dma2 semaphore(%arg28 : memref<!tpu.dma_semaphore, #tpu.memory_space<semaphore_mem>>) src(%dma_wait3A_130 : memref<128xi32, #tpu.memory_space<hbm>>) dst(%arg11 : memref<128xi32, #tpu.memory_space<vmem>>)
        %dma_wait3A_131 = arith.constant 0 : i32
        %dma_wait3A_132 = tpu.memref_slice %arg7[%dma_wait3A_131] : memref<320000xi32, #tpu.memory_space<hbm>> -> memref<128xi32, #tpu.memory_space<hbm>>
        %dma_wait3A_133 = arith.constant 0 : i32
        %dma_wait3A_134 = tpu.memref_slice %arg7[%dma_wait3A_133] : memref<320000xi32, #tpu.memory_space<hbm>> -> memref<128xi32, #tpu.memory_space<hbm>>
        tpu.wait_dma2 semaphore(%arg28 : memref<!tpu.dma_semaphore, #tpu.memory_space<semaphore_mem>>) src(%dma_wait3A_134 : memref<128xi32, #tpu.memory_space<hbm>>) dst(%arg13 : memref<128xi32, #tpu.memory_space<vmem>>)
        %dma_start3A_135 = arith.constant 0 : i32
        %dma_start3A_136 = arith.constant 0 : i32
        %dma_start3A_137 = tpu.memref_slice %arg3[%dma_start3A_135, %dma_start3A_136] : memref<10000x128xf32, #tpu.memory_space<hbm>> -> memref<10000x128xf32, #tpu.memory_space<hbm>>
        tpu.enqueue_indirect_dma source(%dma_start3A_137 : memref<10000x128xf32, #tpu.memory_space<hbm>>) target(%arg15 : memref<128x128xf32, #tpu.memory_space<vmem>>) offsets(%arg11 : memref<128xi32, #tpu.memory_space<vmem>>) semaphore(%arg24 : memref<!tpu.dma_semaphore, #tpu.memory_space<semaphore_mem>>)
        %dma_wait3A_138 = arith.constant 0 : i32
        %dma_wait3A_139 = arith.constant 0 : i32
        %dma_wait3A_140 = tpu.memref_slice %arg21[%dma_wait3A_138, %dma_wait3A_139] : memref<10000x128xf32, #tpu.memory_space<vmem_shared>> -> memref<10000x128xf32, #tpu.memory_space<vmem_shared>>
        tpu.wait_indirect_dma semaphore(%arg25 : memref<!tpu.dma_semaphore, #tpu.memory_space<semaphore_mem>>) src(%arg14 : memref<128x128xf32, #tpu.memory_space<vmem>>) dst(%dma_wait3A_140 : memref<10000x128xf32, #tpu.memory_space<vmem_shared>>)
        %mul3A_141 = arith.constant 2 : i32
        %mul3A_142 = arith.muli %mul3A_141, %scan3A_119 : i32
        %add3A_143 = arith.constant 2 : i32
        %add3A_144 = arith.addi %mul3A_142, %add3A_143 : i32
        %lt3A = arith.constant 156 : i32
        %lt3A_145 = arith.cmpi slt, %add3A_144, %lt3A : i32
        %convert_element_type3A_146 = arith.extui %lt3A_145 : i1 to i32
        %cond3A_147 = arith.constant 0 : i32
        %cond3A_148 = arith.cmpi ne, %convert_element_type3A_146, %cond3A_147 : i32
        scf.if %cond3A_148 {
          %mul3A_177 = arith.constant 2 : i32
          %mul3A_178 = arith.muli %mul3A_177, %scan3A_119 : i32
          %add3A_179 = arith.constant 2 : i32
          %add3A_180 = arith.addi %mul3A_178, %add3A_179 : i32
          %mul3A_181 = arith.constant 20000 : i32
          %mul3A_182 = arith.muli %arg1, %mul3A_181 : i32
          %mul3A_183 = arith.constant 128 : i32
          %mul3A_184 = arith.muli %add3A_180, %mul3A_183 : i32
          %add3A_185 = arith.addi %mul3A_182, %mul3A_184 : i32
          %dma_start3A_186 = tpu.memref_slice %arg6[%add3A_185] : memref<320000xi32, #tpu.memory_space<hbm>> -> memref<128xi32, #tpu.memory_space<hbm>>
          %dma_start3A_187 = tpu.memref_slice %arg6[%add3A_185] : memref<320000xi32, #tpu.memory_space<hbm>> -> memref<128xi32, #tpu.memory_space<hbm>>
          tpu.enqueue_dma source(%dma_start3A_187 : memref<128xi32, #tpu.memory_space<hbm>>) target(%arg10 : memref<128xi32, #tpu.memory_space<vmem>>) target_semaphore(%arg27 : memref<!tpu.dma_semaphore, #tpu.memory_space<semaphore_mem>>)
          %dma_start3A_188 = tpu.memref_slice %arg7[%add3A_185] : memref<320000xi32, #tpu.memory_space<hbm>> -> memref<128xi32, #tpu.memory_space<hbm>>
          %dma_start3A_189 = tpu.memref_slice %arg7[%add3A_185] : memref<320000xi32, #tpu.memory_space<hbm>> -> memref<128xi32, #tpu.memory_space<hbm>>
          tpu.enqueue_dma source(%dma_start3A_189 : memref<128xi32, #tpu.memory_space<hbm>>) target(%arg12 : memref<128xi32, #tpu.memory_space<vmem>>) target_semaphore(%arg27 : memref<!tpu.dma_semaphore, #tpu.memory_space<semaphore_mem>>)
        } else {
        }
        %dma_wait3A_149 = arith.constant 0 : i32
        %dma_wait3A_150 = arith.constant 0 : i32
        %dma_wait3A_151 = tpu.memref_slice %arg3[%dma_wait3A_149, %dma_wait3A_150] : memref<10000x128xf32, #tpu.memory_space<hbm>> -> memref<10000x128xf32, #tpu.memory_space<hbm>>
        tpu.wait_indirect_dma semaphore(%arg24 : memref<!tpu.dma_semaphore, #tpu.memory_space<semaphore_mem>>) src(%dma_wait3A_151 : memref<10000x128xf32, #tpu.memory_space<hbm>>) dst(%arg15 : memref<128x128xf32, #tpu.memory_space<vmem>>)
        %dma_start3A_152 = arith.constant 0 : i32
        %dma_start3A_153 = arith.constant 0 : i32
        %dma_start3A_154 = tpu.memref_slice %arg21[%dma_start3A_152, %dma_start3A_153] : memref<10000x128xf32, #tpu.memory_space<vmem_shared>> -> memref<10000x128xf32, #tpu.memory_space<vmem_shared>>
        tpu.enqueue_indirect_dma source(%arg15 : memref<128x128xf32, #tpu.memory_space<vmem>>) target(%dma_start3A_154 : memref<10000x128xf32, #tpu.memory_space<vmem_shared>>) offsets(%arg13 : memref<128xi32, #tpu.memory_space<vmem>>) semaphore(%arg26 : memref<!tpu.dma_semaphore, #tpu.memory_space<semaphore_mem>>) {add = true}
        %mul3A_155 = arith.constant 2 : i32
        %mul3A_156 = arith.muli %mul3A_155, %scan3A_119 : i32
        %add3A_157 = arith.constant 2 : i32
        %add3A_158 = arith.addi %mul3A_156, %add3A_157 : i32
        %lt3A_159 = arith.constant 156 : i32
        %lt3A_160 = arith.cmpi slt, %add3A_158, %lt3A_159 : i32
        %convert_element_type3A_161 = arith.extui %lt3A_160 : i1 to i32
        %cond3A_162 = arith.constant 0 : i32
        %cond3A_163 = arith.cmpi ne, %convert_element_type3A_161, %cond3A_162 : i32
        scf.if %cond3A_163 {
          %dma_wait3A_177 = arith.constant 0 : i32
          %dma_wait3A_178 = tpu.memref_slice %arg6[%dma_wait3A_177] : memref<320000xi32, #tpu.memory_space<hbm>> -> memref<128xi32, #tpu.memory_space<hbm>>
          %dma_wait3A_179 = arith.constant 0 : i32
          %dma_wait3A_180 = tpu.memref_slice %arg6[%dma_wait3A_179] : memref<320000xi32, #tpu.memory_space<hbm>> -> memref<128xi32, #tpu.memory_space<hbm>>
          tpu.wait_dma2 semaphore(%arg27 : memref<!tpu.dma_semaphore, #tpu.memory_space<semaphore_mem>>) src(%dma_wait3A_180 : memref<128xi32, #tpu.memory_space<hbm>>) dst(%arg10 : memref<128xi32, #tpu.memory_space<vmem>>)
          %dma_wait3A_181 = arith.constant 0 : i32
          %dma_wait3A_182 = tpu.memref_slice %arg7[%dma_wait3A_181] : memref<320000xi32, #tpu.memory_space<hbm>> -> memref<128xi32, #tpu.memory_space<hbm>>
          %dma_wait3A_183 = arith.constant 0 : i32
          %dma_wait3A_184 = tpu.memref_slice %arg7[%dma_wait3A_183] : memref<320000xi32, #tpu.memory_space<hbm>> -> memref<128xi32, #tpu.memory_space<hbm>>
          tpu.wait_dma2 semaphore(%arg27 : memref<!tpu.dma_semaphore, #tpu.memory_space<semaphore_mem>>) src(%dma_wait3A_184 : memref<128xi32, #tpu.memory_space<hbm>>) dst(%arg12 : memref<128xi32, #tpu.memory_space<vmem>>)
          %dma_start3A_185 = arith.constant 0 : i32
          %dma_start3A_186 = arith.constant 0 : i32
          %dma_start3A_187 = tpu.memref_slice %arg3[%dma_start3A_185, %dma_start3A_186] : memref<10000x128xf32, #tpu.memory_space<hbm>> -> memref<10000x128xf32, #tpu.memory_space<hbm>>
          tpu.enqueue_indirect_dma source(%dma_start3A_187 : memref<10000x128xf32, #tpu.memory_space<hbm>>) target(%arg14 : memref<128x128xf32, #tpu.memory_space<vmem>>) offsets(%arg10 : memref<128xi32, #tpu.memory_space<vmem>>) semaphore(%arg23 : memref<!tpu.dma_semaphore, #tpu.memory_space<semaphore_mem>>)
        } else {
        }
        %dma_wait3A_164 = arith.constant 0 : i32
        %dma_wait3A_165 = arith.constant 0 : i32
        %dma_wait3A_166 = tpu.memref_slice %arg21[%dma_wait3A_164, %dma_wait3A_165] : memref<10000x128xf32, #tpu.memory_space<vmem_shared>> -> memref<10000x128xf32, #tpu.memory_space<vmem_shared>>
        tpu.wait_indirect_dma semaphore(%arg26 : memref<!tpu.dma_semaphore, #tpu.memory_space<semaphore_mem>>) src(%arg15 : memref<128x128xf32, #tpu.memory_space<vmem>>) dst(%dma_wait3A_166 : memref<10000x128xf32, #tpu.memory_space<vmem_shared>>)
        %mul3A_167 = arith.constant 2 : i32
        %mul3A_168 = arith.muli %mul3A_167, %scan3A_119 : i32
        %add3A_169 = arith.constant 3 : i32
        %add3A_170 = arith.addi %mul3A_168, %add3A_169 : i32
        %lt3A_171 = arith.constant 156 : i32
        %lt3A_172 = arith.cmpi slt, %add3A_170, %lt3A_171 : i32
        %convert_element_type3A_173 = arith.extui %lt3A_172 : i1 to i32
        %cond3A_174 = arith.constant 0 : i32
        %cond3A_175 = arith.cmpi ne, %convert_element_type3A_173, %cond3A_174 : i32
        scf.if %cond3A_175 {
          %mul3A_177 = arith.constant 2 : i32
          %mul3A_178 = arith.muli %mul3A_177, %scan3A_119 : i32
          %add3A_179 = arith.constant 3 : i32
          %add3A_180 = arith.addi %mul3A_178, %add3A_179 : i32
          %mul3A_181 = arith.constant 20000 : i32
          %mul3A_182 = arith.muli %arg1, %mul3A_181 : i32
          %mul3A_183 = arith.constant 128 : i32
          %mul3A_184 = arith.muli %add3A_180, %mul3A_183 : i32
          %add3A_185 = arith.addi %mul3A_182, %mul3A_184 : i32
          %dma_start3A_186 = tpu.memref_slice %arg6[%add3A_185] : memref<320000xi32, #tpu.memory_space<hbm>> -> memref<128xi32, #tpu.memory_space<hbm>>
          %dma_start3A_187 = tpu.memref_slice %arg6[%add3A_185] : memref<320000xi32, #tpu.memory_space<hbm>> -> memref<128xi32, #tpu.memory_space<hbm>>
          tpu.enqueue_dma source(%dma_start3A_187 : memref<128xi32, #tpu.memory_space<hbm>>) target(%arg11 : memref<128xi32, #tpu.memory_space<vmem>>) target_semaphore(%arg28 : memref<!tpu.dma_semaphore, #tpu.memory_space<semaphore_mem>>)
          %dma_start3A_188 = tpu.memref_slice %arg7[%add3A_185] : memref<320000xi32, #tpu.memory_space<hbm>> -> memref<128xi32, #tpu.memory_space<hbm>>
          %dma_start3A_189 = tpu.memref_slice %arg7[%add3A_185] : memref<320000xi32, #tpu.memory_space<hbm>> -> memref<128xi32, #tpu.memory_space<hbm>>
          tpu.enqueue_dma source(%dma_start3A_189 : memref<128xi32, #tpu.memory_space<hbm>>) target(%arg13 : memref<128xi32, #tpu.memory_space<vmem>>) target_semaphore(%arg28 : memref<!tpu.dma_semaphore, #tpu.memory_space<semaphore_mem>>)
        } else {
        }
        %scan3A_176 = arith.constant 0 : i32
        scf.yield %scan3A_176 : i32
      }
      %scan3A_108 = arith.constant 78 : i32
      %mul3A_109 = arith.constant 20000 : i32
      %mul3A_110 = arith.muli %arg1, %mul3A_109 : i32
      %add3A_111 = arith.constant 19968 : i32
      %add3A_112 = arith.addi %mul3A_110, %add3A_111 : i32
      "tpu.region"() ({
        %run_scoped3A = tpu.sem_alloc : memref<!tpu.dma_semaphore, #tpu.memory_space<semaphore_mem>>
        %dma_start3A_119 = tpu.memref_slice %arg6[%add3A_112] : memref<320000xi32, #tpu.memory_space<hbm>> -> memref<32xi32, #tpu.memory_space<hbm>>
        %dma_start3A_120 = tpu.memref_slice %arg6[%add3A_112] : memref<320000xi32, #tpu.memory_space<hbm>> -> memref<32xi32, #tpu.memory_space<hbm>>
        tpu.enqueue_dma source(%dma_start3A_120 : memref<32xi32, #tpu.memory_space<hbm>>) target(%arg16 : memref<32xi32, #tpu.memory_space<vmem>>) target_semaphore(%run_scoped3A : memref<!tpu.dma_semaphore, #tpu.memory_space<semaphore_mem>>)
        %dma_wait3A_121 = tpu.memref_slice %arg6[%add3A_112] : memref<320000xi32, #tpu.memory_space<hbm>> -> memref<32xi32, #tpu.memory_space<hbm>>
        %dma_wait3A_122 = tpu.memref_slice %arg6[%add3A_112] : memref<320000xi32, #tpu.memory_space<hbm>> -> memref<32xi32, #tpu.memory_space<hbm>>
        tpu.wait_dma2 semaphore(%run_scoped3A : memref<!tpu.dma_semaphore, #tpu.memory_space<semaphore_mem>>) src(%dma_wait3A_122 : memref<32xi32, #tpu.memory_space<hbm>>) dst(%arg16 : memref<32xi32, #tpu.memory_space<vmem>>)
        tpu.yield
      }) : () -> ()
      "tpu.region"() ({
        %run_scoped3A = tpu.sem_alloc : memref<!tpu.dma_semaphore, #tpu.memory_space<semaphore_mem>>
        %dma_start3A_119 = tpu.memref_slice %arg7[%add3A_112] : memref<320000xi32, #tpu.memory_space<hbm>> -> memref<32xi32, #tpu.memory_space<hbm>>
        %dma_start3A_120 = tpu.memref_slice %arg7[%add3A_112] : memref<320000xi32, #tpu.memory_space<hbm>> -> memref<32xi32, #tpu.memory_space<hbm>>
        tpu.enqueue_dma source(%dma_start3A_120 : memref<32xi32, #tpu.memory_space<hbm>>) target(%arg17 : memref<32xi32, #tpu.memory_space<vmem>>) target_semaphore(%run_scoped3A : memref<!tpu.dma_semaphore, #tpu.memory_space<semaphore_mem>>)
        %dma_wait3A_121 = tpu.memref_slice %arg7[%add3A_112] : memref<320000xi32, #tpu.memory_space<hbm>> -> memref<32xi32, #tpu.memory_space<hbm>>
        %dma_wait3A_122 = tpu.memref_slice %arg7[%add3A_112] : memref<320000xi32, #tpu.memory_space<hbm>> -> memref<32xi32, #tpu.memory_space<hbm>>
        tpu.wait_dma2 semaphore(%run_scoped3A : memref<!tpu.dma_semaphore, #tpu.memory_space<semaphore_mem>>) src(%dma_wait3A_122 : memref<32xi32, #tpu.memory_space<hbm>>) dst(%arg17 : memref<32xi32, #tpu.memory_space<vmem>>)
        tpu.yield
      }) : () -> ()
      %dma_start3A_113 = arith.constant 0 : i32
      %dma_start3A_114 = arith.constant 0 : i32
      %dma_start3A_115 = tpu.memref_slice %arg3[%dma_start3A_113, %dma_start3A_114] : memref<10000x128xf32, #tpu.memory_space<hbm>> -> memref<10000x128xf32, #tpu.memory_space<hbm>>
      tpu.enqueue_indirect_dma source(%dma_start3A_115 : memref<10000x128xf32, #tpu.memory_space<hbm>>) target(%arg18 : memref<32x128xf32, #tpu.memory_space<vmem>>) offsets(%arg16 : memref<32xi32, #tpu.memory_space<vmem>>) semaphore(%arg23 : memref<!tpu.dma_semaphore, #tpu.memory_space<semaphore_mem>>)
      %dma_wait3A_116 = arith.constant 0 : i32
      %dma_wait3A_117 = arith.constant 0 : i32
      %dma_wait3A_118 = tpu.memref_slice %arg3[%dma_wait3A_116, %dma_wait3A_117] : memref<10000x128xf32, #tpu.memory_space<hbm>> -> memref<10000x128xf32, #tpu.memory_space<hbm>>
      tpu.wait_indirect_dma semaphore(%arg23 : memref<!tpu.dma_semaphore, #tpu.memory_space<semaphore_mem>>) src(%dma_wait3A_118 : memref<10000x128xf32, #tpu.memory_space<hbm>>) dst(%arg18 : memref<32x128xf32, #tpu.memory_space<vmem>>)
      "tpu.region"() ({
        %run_scoped3A = tpu.sem_alloc : memref<!tpu.dma_semaphore, #tpu.memory_space<semaphore_mem>>
        %dma_start3A_119 = arith.constant 0 : i32
        %dma_start3A_120 = arith.constant 0 : i32
        %dma_start3A_121 = tpu.memref_slice %arg21[%dma_start3A_119, %dma_start3A_120] : memref<10000x128xf32, #tpu.memory_space<vmem_shared>> -> memref<10000x128xf32, #tpu.memory_space<vmem_shared>>
        tpu.enqueue_indirect_dma source(%arg18 : memref<32x128xf32, #tpu.memory_space<vmem>>) target(%dma_start3A_121 : memref<10000x128xf32, #tpu.memory_space<vmem_shared>>) offsets(%arg17 : memref<32xi32, #tpu.memory_space<vmem>>) semaphore(%run_scoped3A : memref<!tpu.dma_semaphore, #tpu.memory_space<semaphore_mem>>) {add = true}
        %dma_wait3A_122 = arith.constant 0 : i32
        %dma_wait3A_123 = arith.constant 0 : i32
        %dma_wait3A_124 = tpu.memref_slice %arg21[%dma_wait3A_122, %dma_wait3A_123] : memref<10000x128xf32, #tpu.memory_space<vmem_shared>> -> memref<10000x128xf32, #tpu.memory_space<vmem_shared>>
        tpu.wait_indirect_dma semaphore(%run_scoped3A : memref<!tpu.dma_semaphore, #tpu.memory_space<semaphore_mem>>) src(%arg18 : memref<32x128xf32, #tpu.memory_space<vmem>>) dst(%dma_wait3A_124 : memref<10000x128xf32, #tpu.memory_space<vmem_shared>>)
        tpu.yield
      }) : () -> ()
    } else {
    }
    %barrier3A_47 = arith.constant 0 : index
    tpu.barrier barrier_id(%barrier3A_47)
    %mul3A_48 = arith.constant 624 : i32
    %mul3A_49 = arith.muli %arg1, %mul3A_48 : i32
    %add3A_50 = arith.constant 0 : i32
    %add3A_51 = arith.addi %mul3A_49, %add3A_50 : i32
    "tpu.region"() ({
      %run_scoped3A = tpu.sem_alloc : memref<!tpu.dma_semaphore, #tpu.memory_space<semaphore_mem>>
      %dma_start3A = arith.constant 0 : i32
      %dma_start3A_77 = arith.constant 0 : i32
      %dma_start3A_78 = tpu.memref_slice %arg14[%dma_start3A, %dma_start3A_77] : memref<128x128xf32, #tpu.memory_space<vmem>> -> memref<104x128xf32, #tpu.memory_space<vmem>>
      %dma_start3A_79 = arith.constant 0 : i32
      %dma_start3A_80 = tpu.memref_slice %arg21[%add3A_51, %dma_start3A_79] : memref<10000x128xf32, #tpu.memory_space<vmem_shared>> -> memref<104x128xf32, #tpu.memory_space<vmem_shared>>
      %dma_start3A_81 = arith.constant 0 : i32
      %dma_start3A_82 = arith.constant 0 : i32
      %dma_start3A_83 = tpu.memref_slice %arg14[%dma_start3A_81, %dma_start3A_82] : memref<128x128xf32, #tpu.memory_space<vmem>> -> memref<104x128xf32, #tpu.memory_space<vmem>>
      %dma_start3A_84 = arith.constant 0 : i32
      %dma_start3A_85 = tpu.memref_slice %arg21[%add3A_51, %dma_start3A_84] : memref<10000x128xf32, #tpu.memory_space<vmem_shared>> -> memref<104x128xf32, #tpu.memory_space<vmem_shared>>
      tpu.enqueue_dma source(%dma_start3A_85 : memref<104x128xf32, #tpu.memory_space<vmem_shared>>) target(%dma_start3A_83 : memref<104x128xf32, #tpu.memory_space<vmem>>) target_semaphore(%run_scoped3A : memref<!tpu.dma_semaphore, #tpu.memory_space<semaphore_mem>>)
      %dma_wait3A = arith.constant 0 : i32
      %dma_wait3A_86 = arith.constant 0 : i32
      %dma_wait3A_87 = tpu.memref_slice %arg14[%dma_wait3A, %dma_wait3A_86] : memref<128x128xf32, #tpu.memory_space<vmem>> -> memref<104x128xf32, #tpu.memory_space<vmem>>
      %dma_wait3A_88 = arith.constant 0 : i32
      %dma_wait3A_89 = tpu.memref_slice %arg21[%add3A_51, %dma_wait3A_88] : memref<10000x128xf32, #tpu.memory_space<vmem_shared>> -> memref<104x128xf32, #tpu.memory_space<vmem_shared>>
      %dma_wait3A_90 = arith.constant 0 : i32
      %dma_wait3A_91 = arith.constant 0 : i32
      %dma_wait3A_92 = tpu.memref_slice %arg14[%dma_wait3A_90, %dma_wait3A_91] : memref<128x128xf32, #tpu.memory_space<vmem>> -> memref<104x128xf32, #tpu.memory_space<vmem>>
      %dma_wait3A_93 = arith.constant 0 : i32
      %dma_wait3A_94 = tpu.memref_slice %arg21[%add3A_51, %dma_wait3A_93] : memref<10000x128xf32, #tpu.memory_space<vmem_shared>> -> memref<104x128xf32, #tpu.memory_space<vmem_shared>>
      tpu.wait_dma2 semaphore(%run_scoped3A : memref<!tpu.dma_semaphore, #tpu.memory_space<semaphore_mem>>) src(%dma_wait3A_94 : memref<104x128xf32, #tpu.memory_space<vmem_shared>>) dst(%dma_wait3A_92 : memref<104x128xf32, #tpu.memory_space<vmem>>)
      tpu.yield
    }) : () -> ()
    "tpu.region"() ({
      %run_scoped3A = tpu.sem_alloc : memref<!tpu.dma_semaphore, #tpu.memory_space<semaphore_mem>>
      %dma_start3A = arith.constant 0 : i32
      %dma_start3A_77 = arith.constant 0 : i32
      %dma_start3A_78 = tpu.memref_slice %arg14[%dma_start3A, %dma_start3A_77] : memref<128x128xf32, #tpu.memory_space<vmem>> -> memref<104x128xf32, #tpu.memory_space<vmem>>
      %dma_start3A_79 = arith.constant 0 : i32
      %dma_start3A_80 = tpu.memref_slice %arg8[%arg0, %add3A_51, %dma_start3A_79] : memref<2x10000x128xf32, #tpu.memory_space<hbm>> -> memref<1x104x128xf32, #tpu.memory_space<hbm>>
      %dma_start3A_81 = tpu.memref_squeeze %dma_start3A_80 : memref<1x104x128xf32, #tpu.memory_space<hbm>> -> memref<104x128xf32, #tpu.memory_space<hbm>>
      %dma_start3A_82 = arith.constant 0 : i32
      %dma_start3A_83 = tpu.memref_slice %arg8[%arg0, %add3A_51, %dma_start3A_82] : memref<2x10000x128xf32, #tpu.memory_space<hbm>> -> memref<1x104x128xf32, #tpu.memory_space<hbm>>
      %dma_start3A_84 = tpu.memref_squeeze %dma_start3A_83 : memref<1x104x128xf32, #tpu.memory_space<hbm>> -> memref<104x128xf32, #tpu.memory_space<hbm>>
      %dma_start3A_85 = arith.constant 0 : i32
      %dma_start3A_86 = arith.constant 0 : i32
      %dma_start3A_87 = tpu.memref_slice %arg14[%dma_start3A_85, %dma_start3A_86] : memref<128x128xf32, #tpu.memory_space<vmem>> -> memref<104x128xf32, #tpu.memory_space<vmem>>
      tpu.enqueue_dma source(%dma_start3A_87 : memref<104x128xf32, #tpu.memory_space<vmem>>) target(%dma_start3A_84 : memref<104x128xf32, #tpu.memory_space<hbm>>) target_semaphore(%run_scoped3A : memref<!tpu.dma_semaphore, #tpu.memory_space<semaphore_mem>>)
      %dma_wait3A = arith.constant 0 : i32
      %dma_wait3A_88 = arith.constant 0 : i32
      %dma_wait3A_89 = tpu.memref_slice %arg14[%dma_wait3A, %dma_wait3A_88] : memref<128x128xf32, #tpu.memory_space<vmem>> -> memref<104x128xf32, #tpu.memory_space<vmem>>
      %dma_wait3A_90 = arith.constant 0 : i32
      %dma_wait3A_91 = tpu.memref_slice %arg8[%arg0, %add3A_51, %dma_wait3A_90] : memref<2x10000x128xf32, #tpu.memory_space<hbm>> -> memref<1x104x128xf32, #tpu.memory_space<hbm>>
      %dma_wait3A_92 = tpu.memref_squeeze %dma_wait3A_91 : memref<1x104x128xf32, #tpu.memory_space<hbm>> -> memref<104x128xf32, #tpu.memory_space<hbm>>
      %dma_wait3A_93 = arith.constant 0 : i32
      %dma_wait3A_94 = tpu.memref_slice %arg8[%arg0, %add3A_51, %dma_wait3A_93] : memref<2x10000x128xf32, #tpu.memory_space<hbm>> -> memref<1x104x128xf32, #tpu.memory_space<hbm>>
      %dma_wait3A_95 = tpu.memref_squeeze %dma_wait3A_94 : memref<1x104x128xf32, #tpu.memory_space<hbm>> -> memref<104x128xf32, #tpu.memory_space<hbm>>
      %dma_wait3A_96 = arith.constant 0 : i32
      %dma_wait3A_97 = arith.constant 0 : i32
      %dma_wait3A_98 = tpu.memref_slice %arg14[%dma_wait3A_96, %dma_wait3A_97] : memref<128x128xf32, #tpu.memory_space<vmem>> -> memref<104x128xf32, #tpu.memory_space<vmem>>
      tpu.wait_dma2 semaphore(%run_scoped3A : memref<!tpu.dma_semaphore, #tpu.memory_space<semaphore_mem>>) src(%dma_wait3A_98 : memref<104x128xf32, #tpu.memory_space<vmem>>) dst(%dma_wait3A_95 : memref<104x128xf32, #tpu.memory_space<hbm>>)
      tpu.yield
    }) : () -> ()
    %mul3A_52 = arith.constant 624 : i32
    %mul3A_53 = arith.muli %arg1, %mul3A_52 : i32
    %add3A_54 = arith.constant 104 : i32
    %add3A_55 = arith.addi %mul3A_53, %add3A_54 : i32
    "tpu.region"() ({
      %run_scoped3A = tpu.sem_alloc : memref<!tpu.dma_semaphore, #tpu.memory_space<semaphore_mem>>
      %dma_start3A = arith.constant 0 : i32
      %dma_start3A_77 = arith.constant 0 : i32
      %dma_start3A_78 = tpu.memref_slice %arg14[%dma_start3A, %dma_start3A_77] : memref<128x128xf32, #tpu.memory_space<vmem>> -> memref<104x128xf32, #tpu.memory_space<vmem>>
      %dma_start3A_79 = arith.constant 0 : i32
      %dma_start3A_80 = tpu.memref_slice %arg21[%add3A_55, %dma_start3A_79] : memref<10000x128xf32, #tpu.memory_space<vmem_shared>> -> memref<104x128xf32, #tpu.memory_space<vmem_shared>>
      %dma_start3A_81 = arith.constant 0 : i32
      %dma_start3A_82 = arith.constant 0 : i32
      %dma_start3A_83 = tpu.memref_slice %arg14[%dma_start3A_81, %dma_start3A_82] : memref<128x128xf32, #tpu.memory_space<vmem>> -> memref<104x128xf32, #tpu.memory_space<vmem>>
      %dma_start3A_84 = arith.constant 0 : i32
      %dma_start3A_85 = tpu.memref_slice %arg21[%add3A_55, %dma_start3A_84] : memref<10000x128xf32, #tpu.memory_space<vmem_shared>> -> memref<104x128xf32, #tpu.memory_space<vmem_shared>>
      tpu.enqueue_dma source(%dma_start3A_85 : memref<104x128xf32, #tpu.memory_space<vmem_shared>>) target(%dma_start3A_83 : memref<104x128xf32, #tpu.memory_space<vmem>>) target_semaphore(%run_scoped3A : memref<!tpu.dma_semaphore, #tpu.memory_space<semaphore_mem>>)
      %dma_wait3A = arith.constant 0 : i32
      %dma_wait3A_86 = arith.constant 0 : i32
      %dma_wait3A_87 = tpu.memref_slice %arg14[%dma_wait3A, %dma_wait3A_86] : memref<128x128xf32, #tpu.memory_space<vmem>> -> memref<104x128xf32, #tpu.memory_space<vmem>>
      %dma_wait3A_88 = arith.constant 0 : i32
      %dma_wait3A_89 = tpu.memref_slice %arg21[%add3A_55, %dma_wait3A_88] : memref<10000x128xf32, #tpu.memory_space<vmem_shared>> -> memref<104x128xf32, #tpu.memory_space<vmem_shared>>
      %dma_wait3A_90 = arith.constant 0 : i32
      %dma_wait3A_91 = arith.constant 0 : i32
      %dma_wait3A_92 = tpu.memref_slice %arg14[%dma_wait3A_90, %dma_wait3A_91] : memref<128x128xf32, #tpu.memory_space<vmem>> -> memref<104x128xf32, #tpu.memory_space<vmem>>
      %dma_wait3A_93 = arith.constant 0 : i32
      %dma_wait3A_94 = tpu.memref_slice %arg21[%add3A_55, %dma_wait3A_93] : memref<10000x128xf32, #tpu.memory_space<vmem_shared>> -> memref<104x128xf32, #tpu.memory_space<vmem_shared>>
      tpu.wait_dma2 semaphore(%run_scoped3A : memref<!tpu.dma_semaphore, #tpu.memory_space<semaphore_mem>>) src(%dma_wait3A_94 : memref<104x128xf32, #tpu.memory_space<vmem_shared>>) dst(%dma_wait3A_92 : memref<104x128xf32, #tpu.memory_space<vmem>>)
      tpu.yield
    }) : () -> ()
    "tpu.region"() ({
      %run_scoped3A = tpu.sem_alloc : memref<!tpu.dma_semaphore, #tpu.memory_space<semaphore_mem>>
      %dma_start3A = arith.constant 0 : i32
      %dma_start3A_77 = arith.constant 0 : i32
      %dma_start3A_78 = tpu.memref_slice %arg14[%dma_start3A, %dma_start3A_77] : memref<128x128xf32, #tpu.memory_space<vmem>> -> memref<104x128xf32, #tpu.memory_space<vmem>>
      %dma_start3A_79 = arith.constant 0 : i32
      %dma_start3A_80 = tpu.memref_slice %arg8[%arg0, %add3A_55, %dma_start3A_79] : memref<2x10000x128xf32, #tpu.memory_space<hbm>> -> memref<1x104x128xf32, #tpu.memory_space<hbm>>
      %dma_start3A_81 = tpu.memref_squeeze %dma_start3A_80 : memref<1x104x128xf32, #tpu.memory_space<hbm>> -> memref<104x128xf32, #tpu.memory_space<hbm>>
      %dma_start3A_82 = arith.constant 0 : i32
      %dma_start3A_83 = tpu.memref_slice %arg8[%arg0, %add3A_55, %dma_start3A_82] : memref<2x10000x128xf32, #tpu.memory_space<hbm>> -> memref<1x104x128xf32, #tpu.memory_space<hbm>>
      %dma_start3A_84 = tpu.memref_squeeze %dma_start3A_83 : memref<1x104x128xf32, #tpu.memory_space<hbm>> -> memref<104x128xf32, #tpu.memory_space<hbm>>
      %dma_start3A_85 = arith.constant 0 : i32
      %dma_start3A_86 = arith.constant 0 : i32
      %dma_start3A_87 = tpu.memref_slice %arg14[%dma_start3A_85, %dma_start3A_86] : memref<128x128xf32, #tpu.memory_space<vmem>> -> memref<104x128xf32, #tpu.memory_space<vmem>>
      tpu.enqueue_dma source(%dma_start3A_87 : memref<104x128xf32, #tpu.memory_space<vmem>>) target(%dma_start3A_84 : memref<104x128xf32, #tpu.memory_space<hbm>>) target_semaphore(%run_scoped3A : memref<!tpu.dma_semaphore, #tpu.memory_space<semaphore_mem>>)
      %dma_wait3A = arith.constant 0 : i32
      %dma_wait3A_88 = arith.constant 0 : i32
      %dma_wait3A_89 = tpu.memref_slice %arg14[%dma_wait3A, %dma_wait3A_88] : memref<128x128xf32, #tpu.memory_space<vmem>> -> memref<104x128xf32, #tpu.memory_space<vmem>>
      %dma_wait3A_90 = arith.constant 0 : i32
      %dma_wait3A_91 = tpu.memref_slice %arg8[%arg0, %add3A_55, %dma_wait3A_90] : memref<2x10000x128xf32, #tpu.memory_space<hbm>> -> memref<1x104x128xf32, #tpu.memory_space<hbm>>
      %dma_wait3A_92 = tpu.memref_squeeze %dma_wait3A_91 : memref<1x104x128xf32, #tpu.memory_space<hbm>> -> memref<104x128xf32, #tpu.memory_space<hbm>>
      %dma_wait3A_93 = arith.constant 0 : i32
      %dma_wait3A_94 = tpu.memref_slice %arg8[%arg0, %add3A_55, %dma_wait3A_93] : memref<2x10000x128xf32, #tpu.memory_space<hbm>> -> memref<1x104x128xf32, #tpu.memory_space<hbm>>
      %dma_wait3A_95 = tpu.memref_squeeze %dma_wait3A_94 : memref<1x104x128xf32, #tpu.memory_space<hbm>> -> memref<104x128xf32, #tpu.memory_space<hbm>>
      %dma_wait3A_96 = arith.constant 0 : i32
      %dma_wait3A_97 = arith.constant 0 : i32
      %dma_wait3A_98 = tpu.memref_slice %arg14[%dma_wait3A_96, %dma_wait3A_97] : memref<128x128xf32, #tpu.memory_space<vmem>> -> memref<104x128xf32, #tpu.memory_space<vmem>>
      tpu.wait_dma2 semaphore(%run_scoped3A : memref<!tpu.dma_semaphore, #tpu.memory_space<semaphore_mem>>) src(%dma_wait3A_98 : memref<104x128xf32, #tpu.memory_space<vmem>>) dst(%dma_wait3A_95 : memref<104x128xf32, #tpu.memory_space<hbm>>)
      tpu.yield
    }) : () -> ()
    %mul3A_56 = arith.constant 624 : i32
    %mul3A_57 = arith.muli %arg1, %mul3A_56 : i32
    %add3A_58 = arith.constant 208 : i32
    %add3A_59 = arith.addi %mul3A_57, %add3A_58 : i32
    "tpu.region"() ({
      %run_scoped3A = tpu.sem_alloc : memref<!tpu.dma_semaphore, #tpu.memory_space<semaphore_mem>>
      %dma_start3A = arith.constant 0 : i32
      %dma_start3A_77 = arith.constant 0 : i32
      %dma_start3A_78 = tpu.memref_slice %arg14[%dma_start3A, %dma_start3A_77] : memref<128x128xf32, #tpu.memory_space<vmem>> -> memref<104x128xf32, #tpu.memory_space<vmem>>
      %dma_start3A_79 = arith.constant 0 : i32
      %dma_start3A_80 = tpu.memref_slice %arg21[%add3A_59, %dma_start3A_79] : memref<10000x128xf32, #tpu.memory_space<vmem_shared>> -> memref<104x128xf32, #tpu.memory_space<vmem_shared>>
      %dma_start3A_81 = arith.constant 0 : i32
      %dma_start3A_82 = arith.constant 0 : i32
      %dma_start3A_83 = tpu.memref_slice %arg14[%dma_start3A_81, %dma_start3A_82] : memref<128x128xf32, #tpu.memory_space<vmem>> -> memref<104x128xf32, #tpu.memory_space<vmem>>
      %dma_start3A_84 = arith.constant 0 : i32
      %dma_start3A_85 = tpu.memref_slice %arg21[%add3A_59, %dma_start3A_84] : memref<10000x128xf32, #tpu.memory_space<vmem_shared>> -> memref<104x128xf32, #tpu.memory_space<vmem_shared>>
      tpu.enqueue_dma source(%dma_start3A_85 : memref<104x128xf32, #tpu.memory_space<vmem_shared>>) target(%dma_start3A_83 : memref<104x128xf32, #tpu.memory_space<vmem>>) target_semaphore(%run_scoped3A : memref<!tpu.dma_semaphore, #tpu.memory_space<semaphore_mem>>)
      %dma_wait3A = arith.constant 0 : i32
      %dma_wait3A_86 = arith.constant 0 : i32
      %dma_wait3A_87 = tpu.memref_slice %arg14[%dma_wait3A, %dma_wait3A_86] : memref<128x128xf32, #tpu.memory_space<vmem>> -> memref<104x128xf32, #tpu.memory_space<vmem>>
      %dma_wait3A_88 = arith.constant 0 : i32
      %dma_wait3A_89 = tpu.memref_slice %arg21[%add3A_59, %dma_wait3A_88] : memref<10000x128xf32, #tpu.memory_space<vmem_shared>> -> memref<104x128xf32, #tpu.memory_space<vmem_shared>>
      %dma_wait3A_90 = arith.constant 0 : i32
      %dma_wait3A_91 = arith.constant 0 : i32
      %dma_wait3A_92 = tpu.memref_slice %arg14[%dma_wait3A_90, %dma_wait3A_91] : memref<128x128xf32, #tpu.memory_space<vmem>> -> memref<104x128xf32, #tpu.memory_space<vmem>>
      %dma_wait3A_93 = arith.constant 0 : i32
      %dma_wait3A_94 = tpu.memref_slice %arg21[%add3A_59, %dma_wait3A_93] : memref<10000x128xf32, #tpu.memory_space<vmem_shared>> -> memref<104x128xf32, #tpu.memory_space<vmem_shared>>
      tpu.wait_dma2 semaphore(%run_scoped3A : memref<!tpu.dma_semaphore, #tpu.memory_space<semaphore_mem>>) src(%dma_wait3A_94 : memref<104x128xf32, #tpu.memory_space<vmem_shared>>) dst(%dma_wait3A_92 : memref<104x128xf32, #tpu.memory_space<vmem>>)
      tpu.yield
    }) : () -> ()
    "tpu.region"() ({
      %run_scoped3A = tpu.sem_alloc : memref<!tpu.dma_semaphore, #tpu.memory_space<semaphore_mem>>
      %dma_start3A = arith.constant 0 : i32
      %dma_start3A_77 = arith.constant 0 : i32
      %dma_start3A_78 = tpu.memref_slice %arg14[%dma_start3A, %dma_start3A_77] : memref<128x128xf32, #tpu.memory_space<vmem>> -> memref<104x128xf32, #tpu.memory_space<vmem>>
      %dma_start3A_79 = arith.constant 0 : i32
      %dma_start3A_80 = tpu.memref_slice %arg8[%arg0, %add3A_59, %dma_start3A_79] : memref<2x10000x128xf32, #tpu.memory_space<hbm>> -> memref<1x104x128xf32, #tpu.memory_space<hbm>>
      %dma_start3A_81 = tpu.memref_squeeze %dma_start3A_80 : memref<1x104x128xf32, #tpu.memory_space<hbm>> -> memref<104x128xf32, #tpu.memory_space<hbm>>
      %dma_start3A_82 = arith.constant 0 : i32
      %dma_start3A_83 = tpu.memref_slice %arg8[%arg0, %add3A_59, %dma_start3A_82] : memref<2x10000x128xf32, #tpu.memory_space<hbm>> -> memref<1x104x128xf32, #tpu.memory_space<hbm>>
      %dma_start3A_84 = tpu.memref_squeeze %dma_start3A_83 : memref<1x104x128xf32, #tpu.memory_space<hbm>> -> memref<104x128xf32, #tpu.memory_space<hbm>>
      %dma_start3A_85 = arith.constant 0 : i32
      %dma_start3A_86 = arith.constant 0 : i32
      %dma_start3A_87 = tpu.memref_slice %arg14[%dma_start3A_85, %dma_start3A_86] : memref<128x128xf32, #tpu.memory_space<vmem>> -> memref<104x128xf32, #tpu.memory_space<vmem>>
      tpu.enqueue_dma source(%dma_start3A_87 : memref<104x128xf32, #tpu.memory_space<vmem>>) target(%dma_start3A_84 : memref<104x128xf32, #tpu.memory_space<hbm>>) target_semaphore(%run_scoped3A : memref<!tpu.dma_semaphore, #tpu.memory_space<semaphore_mem>>)
      %dma_wait3A = arith.constant 0 : i32
      %dma_wait3A_88 = arith.constant 0 : i32
      %dma_wait3A_89 = tpu.memref_slice %arg14[%dma_wait3A, %dma_wait3A_88] : memref<128x128xf32, #tpu.memory_space<vmem>> -> memref<104x128xf32, #tpu.memory_space<vmem>>
      %dma_wait3A_90 = arith.constant 0 : i32
      %dma_wait3A_91 = tpu.memref_slice %arg8[%arg0, %add3A_59, %dma_wait3A_90] : memref<2x10000x128xf32, #tpu.memory_space<hbm>> -> memref<1x104x128xf32, #tpu.memory_space<hbm>>
      %dma_wait3A_92 = tpu.memref_squeeze %dma_wait3A_91 : memref<1x104x128xf32, #tpu.memory_space<hbm>> -> memref<104x128xf32, #tpu.memory_space<hbm>>
      %dma_wait3A_93 = arith.constant 0 : i32
      %dma_wait3A_94 = tpu.memref_slice %arg8[%arg0, %add3A_59, %dma_wait3A_93] : memref<2x10000x128xf32, #tpu.memory_space<hbm>> -> memref<1x104x128xf32, #tpu.memory_space<hbm>>
      %dma_wait3A_95 = tpu.memref_squeeze %dma_wait3A_94 : memref<1x104x128xf32, #tpu.memory_space<hbm>> -> memref<104x128xf32, #tpu.memory_space<hbm>>
      %dma_wait3A_96 = arith.constant 0 : i32
      %dma_wait3A_97 = arith.constant 0 : i32
      %dma_wait3A_98 = tpu.memref_slice %arg14[%dma_wait3A_96, %dma_wait3A_97] : memref<128x128xf32, #tpu.memory_space<vmem>> -> memref<104x128xf32, #tpu.memory_space<vmem>>
      tpu.wait_dma2 semaphore(%run_scoped3A : memref<!tpu.dma_semaphore, #tpu.memory_space<semaphore_mem>>) src(%dma_wait3A_98 : memref<104x128xf32, #tpu.memory_space<vmem>>) dst(%dma_wait3A_95 : memref<104x128xf32, #tpu.memory_space<hbm>>)
      tpu.yield
    }) : () -> ()
    %mul3A_60 = arith.constant 624 : i32
    %mul3A_61 = arith.muli %arg1, %mul3A_60 : i32
    %add3A_62 = arith.constant 312 : i32
    %add3A_63 = arith.addi %mul3A_61, %add3A_62 : i32
    "tpu.region"() ({
      %run_scoped3A = tpu.sem_alloc : memref<!tpu.dma_semaphore, #tpu.memory_space<semaphore_mem>>
      %dma_start3A = arith.constant 0 : i32
      %dma_start3A_77 = arith.constant 0 : i32
      %dma_start3A_78 = tpu.memref_slice %arg14[%dma_start3A, %dma_start3A_77] : memref<128x128xf32, #tpu.memory_space<vmem>> -> memref<104x128xf32, #tpu.memory_space<vmem>>
      %dma_start3A_79 = arith.constant 0 : i32
      %dma_start3A_80 = tpu.memref_slice %arg21[%add3A_63, %dma_start3A_79] : memref<10000x128xf32, #tpu.memory_space<vmem_shared>> -> memref<104x128xf32, #tpu.memory_space<vmem_shared>>
      %dma_start3A_81 = arith.constant 0 : i32
      %dma_start3A_82 = arith.constant 0 : i32
      %dma_start3A_83 = tpu.memref_slice %arg14[%dma_start3A_81, %dma_start3A_82] : memref<128x128xf32, #tpu.memory_space<vmem>> -> memref<104x128xf32, #tpu.memory_space<vmem>>
      %dma_start3A_84 = arith.constant 0 : i32
      %dma_start3A_85 = tpu.memref_slice %arg21[%add3A_63, %dma_start3A_84] : memref<10000x128xf32, #tpu.memory_space<vmem_shared>> -> memref<104x128xf32, #tpu.memory_space<vmem_shared>>
      tpu.enqueue_dma source(%dma_start3A_85 : memref<104x128xf32, #tpu.memory_space<vmem_shared>>) target(%dma_start3A_83 : memref<104x128xf32, #tpu.memory_space<vmem>>) target_semaphore(%run_scoped3A : memref<!tpu.dma_semaphore, #tpu.memory_space<semaphore_mem>>)
      %dma_wait3A = arith.constant 0 : i32
      %dma_wait3A_86 = arith.constant 0 : i32
      %dma_wait3A_87 = tpu.memref_slice %arg14[%dma_wait3A, %dma_wait3A_86] : memref<128x128xf32, #tpu.memory_space<vmem>> -> memref<104x128xf32, #tpu.memory_space<vmem>>
      %dma_wait3A_88 = arith.constant 0 : i32
      %dma_wait3A_89 = tpu.memref_slice %arg21[%add3A_63, %dma_wait3A_88] : memref<10000x128xf32, #tpu.memory_space<vmem_shared>> -> memref<104x128xf32, #tpu.memory_space<vmem_shared>>
      %dma_wait3A_90 = arith.constant 0 : i32
      %dma_wait3A_91 = arith.constant 0 : i32
      %dma_wait3A_92 = tpu.memref_slice %arg14[%dma_wait3A_90, %dma_wait3A_91] : memref<128x128xf32, #tpu.memory_space<vmem>> -> memref<104x128xf32, #tpu.memory_space<vmem>>
      %dma_wait3A_93 = arith.constant 0 : i32
      %dma_wait3A_94 = tpu.memref_slice %arg21[%add3A_63, %dma_wait3A_93] : memref<10000x128xf32, #tpu.memory_space<vmem_shared>> -> memref<104x128xf32, #tpu.memory_space<vmem_shared>>
      tpu.wait_dma2 semaphore(%run_scoped3A : memref<!tpu.dma_semaphore, #tpu.memory_space<semaphore_mem>>) src(%dma_wait3A_94 : memref<104x128xf32, #tpu.memory_space<vmem_shared>>) dst(%dma_wait3A_92 : memref<104x128xf32, #tpu.memory_space<vmem>>)
      tpu.yield
    }) : () -> ()
    "tpu.region"() ({
      %run_scoped3A = tpu.sem_alloc : memref<!tpu.dma_semaphore, #tpu.memory_space<semaphore_mem>>
      %dma_start3A = arith.constant 0 : i32
      %dma_start3A_77 = arith.constant 0 : i32
      %dma_start3A_78 = tpu.memref_slice %arg14[%dma_start3A, %dma_start3A_77] : memref<128x128xf32, #tpu.memory_space<vmem>> -> memref<104x128xf32, #tpu.memory_space<vmem>>
      %dma_start3A_79 = arith.constant 0 : i32
      %dma_start3A_80 = tpu.memref_slice %arg8[%arg0, %add3A_63, %dma_start3A_79] : memref<2x10000x128xf32, #tpu.memory_space<hbm>> -> memref<1x104x128xf32, #tpu.memory_space<hbm>>
      %dma_start3A_81 = tpu.memref_squeeze %dma_start3A_80 : memref<1x104x128xf32, #tpu.memory_space<hbm>> -> memref<104x128xf32, #tpu.memory_space<hbm>>
      %dma_start3A_82 = arith.constant 0 : i32
      %dma_start3A_83 = tpu.memref_slice %arg8[%arg0, %add3A_63, %dma_start3A_82] : memref<2x10000x128xf32, #tpu.memory_space<hbm>> -> memref<1x104x128xf32, #tpu.memory_space<hbm>>
      %dma_start3A_84 = tpu.memref_squeeze %dma_start3A_83 : memref<1x104x128xf32, #tpu.memory_space<hbm>> -> memref<104x128xf32, #tpu.memory_space<hbm>>
      %dma_start3A_85 = arith.constant 0 : i32
      %dma_start3A_86 = arith.constant 0 : i32
      %dma_start3A_87 = tpu.memref_slice %arg14[%dma_start3A_85, %dma_start3A_86] : memref<128x128xf32, #tpu.memory_space<vmem>> -> memref<104x128xf32, #tpu.memory_space<vmem>>
      tpu.enqueue_dma source(%dma_start3A_87 : memref<104x128xf32, #tpu.memory_space<vmem>>) target(%dma_start3A_84 : memref<104x128xf32, #tpu.memory_space<hbm>>) target_semaphore(%run_scoped3A : memref<!tpu.dma_semaphore, #tpu.memory_space<semaphore_mem>>)
      %dma_wait3A = arith.constant 0 : i32
      %dma_wait3A_88 = arith.constant 0 : i32
      %dma_wait3A_89 = tpu.memref_slice %arg14[%dma_wait3A, %dma_wait3A_88] : memref<128x128xf32, #tpu.memory_space<vmem>> -> memref<104x128xf32, #tpu.memory_space<vmem>>
      %dma_wait3A_90 = arith.constant 0 : i32
      %dma_wait3A_91 = tpu.memref_slice %arg8[%arg0, %add3A_63, %dma_wait3A_90] : memref<2x10000x128xf32, #tpu.memory_space<hbm>> -> memref<1x104x128xf32, #tpu.memory_space<hbm>>
      %dma_wait3A_92 = tpu.memref_squeeze %dma_wait3A_91 : memref<1x104x128xf32, #tpu.memory_space<hbm>> -> memref<104x128xf32, #tpu.memory_space<hbm>>
      %dma_wait3A_93 = arith.constant 0 : i32
      %dma_wait3A_94 = tpu.memref_slice %arg8[%arg0, %add3A_63, %dma_wait3A_93] : memref<2x10000x128xf32, #tpu.memory_space<hbm>> -> memref<1x104x128xf32, #tpu.memory_space<hbm>>
      %dma_wait3A_95 = tpu.memref_squeeze %dma_wait3A_94 : memref<1x104x128xf32, #tpu.memory_space<hbm>> -> memref<104x128xf32, #tpu.memory_space<hbm>>
      %dma_wait3A_96 = arith.constant 0 : i32
      %dma_wait3A_97 = arith.constant 0 : i32
      %dma_wait3A_98 = tpu.memref_slice %arg14[%dma_wait3A_96, %dma_wait3A_97] : memref<128x128xf32, #tpu.memory_space<vmem>> -> memref<104x128xf32, #tpu.memory_space<vmem>>
      tpu.wait_dma2 semaphore(%run_scoped3A : memref<!tpu.dma_semaphore, #tpu.memory_space<semaphore_mem>>) src(%dma_wait3A_98 : memref<104x128xf32, #tpu.memory_space<vmem>>) dst(%dma_wait3A_95 : memref<104x128xf32, #tpu.memory_space<hbm>>)
      tpu.yield
    }) : () -> ()
    %mul3A_64 = arith.constant 624 : i32
    %mul3A_65 = arith.muli %arg1, %mul3A_64 : i32
    %add3A_66 = arith.constant 416 : i32
    %add3A_67 = arith.addi %mul3A_65, %add3A_66 : i32
    "tpu.region"() ({
      %run_scoped3A = tpu.sem_alloc : memref<!tpu.dma_semaphore, #tpu.memory_space<semaphore_mem>>
      %dma_start3A = arith.constant 0 : i32
      %dma_start3A_77 = arith.constant 0 : i32
      %dma_start3A_78 = tpu.memref_slice %arg14[%dma_start3A, %dma_start3A_77] : memref<128x128xf32, #tpu.memory_space<vmem>> -> memref<104x128xf32, #tpu.memory_space<vmem>>
      %dma_start3A_79 = arith.constant 0 : i32
      %dma_start3A_80 = tpu.memref_slice %arg21[%add3A_67, %dma_start3A_79] : memref<10000x128xf32, #tpu.memory_space<vmem_shared>> -> memref<104x128xf32, #tpu.memory_space<vmem_shared>>
      %dma_start3A_81 = arith.constant 0 : i32
      %dma_start3A_82 = arith.constant 0 : i32
      %dma_start3A_83 = tpu.memref_slice %arg14[%dma_start3A_81, %dma_start3A_82] : memref<128x128xf32, #tpu.memory_space<vmem>> -> memref<104x128xf32, #tpu.memory_space<vmem>>
      %dma_start3A_84 = arith.constant 0 : i32
      %dma_start3A_85 = tpu.memref_slice %arg21[%add3A_67, %dma_start3A_84] : memref<10000x128xf32, #tpu.memory_space<vmem_shared>> -> memref<104x128xf32, #tpu.memory_space<vmem_shared>>
      tpu.enqueue_dma source(%dma_start3A_85 : memref<104x128xf32, #tpu.memory_space<vmem_shared>>) target(%dma_start3A_83 : memref<104x128xf32, #tpu.memory_space<vmem>>) target_semaphore(%run_scoped3A : memref<!tpu.dma_semaphore, #tpu.memory_space<semaphore_mem>>)
      %dma_wait3A = arith.constant 0 : i32
      %dma_wait3A_86 = arith.constant 0 : i32
      %dma_wait3A_87 = tpu.memref_slice %arg14[%dma_wait3A, %dma_wait3A_86] : memref<128x128xf32, #tpu.memory_space<vmem>> -> memref<104x128xf32, #tpu.memory_space<vmem>>
      %dma_wait3A_88 = arith.constant 0 : i32
      %dma_wait3A_89 = tpu.memref_slice %arg21[%add3A_67, %dma_wait3A_88] : memref<10000x128xf32, #tpu.memory_space<vmem_shared>> -> memref<104x128xf32, #tpu.memory_space<vmem_shared>>
      %dma_wait3A_90 = arith.constant 0 : i32
      %dma_wait3A_91 = arith.constant 0 : i32
      %dma_wait3A_92 = tpu.memref_slice %arg14[%dma_wait3A_90, %dma_wait3A_91] : memref<128x128xf32, #tpu.memory_space<vmem>> -> memref<104x128xf32, #tpu.memory_space<vmem>>
      %dma_wait3A_93 = arith.constant 0 : i32
      %dma_wait3A_94 = tpu.memref_slice %arg21[%add3A_67, %dma_wait3A_93] : memref<10000x128xf32, #tpu.memory_space<vmem_shared>> -> memref<104x128xf32, #tpu.memory_space<vmem_shared>>
      tpu.wait_dma2 semaphore(%run_scoped3A : memref<!tpu.dma_semaphore, #tpu.memory_space<semaphore_mem>>) src(%dma_wait3A_94 : memref<104x128xf32, #tpu.memory_space<vmem_shared>>) dst(%dma_wait3A_92 : memref<104x128xf32, #tpu.memory_space<vmem>>)
      tpu.yield
    }) : () -> ()
    "tpu.region"() ({
      %run_scoped3A = tpu.sem_alloc : memref<!tpu.dma_semaphore, #tpu.memory_space<semaphore_mem>>
      %dma_start3A = arith.constant 0 : i32
      %dma_start3A_77 = arith.constant 0 : i32
      %dma_start3A_78 = tpu.memref_slice %arg14[%dma_start3A, %dma_start3A_77] : memref<128x128xf32, #tpu.memory_space<vmem>> -> memref<104x128xf32, #tpu.memory_space<vmem>>
      %dma_start3A_79 = arith.constant 0 : i32
      %dma_start3A_80 = tpu.memref_slice %arg8[%arg0, %add3A_67, %dma_start3A_79] : memref<2x10000x128xf32, #tpu.memory_space<hbm>> -> memref<1x104x128xf32, #tpu.memory_space<hbm>>
      %dma_start3A_81 = tpu.memref_squeeze %dma_start3A_80 : memref<1x104x128xf32, #tpu.memory_space<hbm>> -> memref<104x128xf32, #tpu.memory_space<hbm>>
      %dma_start3A_82 = arith.constant 0 : i32
      %dma_start3A_83 = tpu.memref_slice %arg8[%arg0, %add3A_67, %dma_start3A_82] : memref<2x10000x128xf32, #tpu.memory_space<hbm>> -> memref<1x104x128xf32, #tpu.memory_space<hbm>>
      %dma_start3A_84 = tpu.memref_squeeze %dma_start3A_83 : memref<1x104x128xf32, #tpu.memory_space<hbm>> -> memref<104x128xf32, #tpu.memory_space<hbm>>
      %dma_start3A_85 = arith.constant 0 : i32
      %dma_start3A_86 = arith.constant 0 : i32
      %dma_start3A_87 = tpu.memref_slice %arg14[%dma_start3A_85, %dma_start3A_86] : memref<128x128xf32, #tpu.memory_space<vmem>> -> memref<104x128xf32, #tpu.memory_space<vmem>>
      tpu.enqueue_dma source(%dma_start3A_87 : memref<104x128xf32, #tpu.memory_space<vmem>>) target(%dma_start3A_84 : memref<104x128xf32, #tpu.memory_space<hbm>>) target_semaphore(%run_scoped3A : memref<!tpu.dma_semaphore, #tpu.memory_space<semaphore_mem>>)
      %dma_wait3A = arith.constant 0 : i32
      %dma_wait3A_88 = arith.constant 0 : i32
      %dma_wait3A_89 = tpu.memref_slice %arg14[%dma_wait3A, %dma_wait3A_88] : memref<128x128xf32, #tpu.memory_space<vmem>> -> memref<104x128xf32, #tpu.memory_space<vmem>>
      %dma_wait3A_90 = arith.constant 0 : i32
      %dma_wait3A_91 = tpu.memref_slice %arg8[%arg0, %add3A_67, %dma_wait3A_90] : memref<2x10000x128xf32, #tpu.memory_space<hbm>> -> memref<1x104x128xf32, #tpu.memory_space<hbm>>
      %dma_wait3A_92 = tpu.memref_squeeze %dma_wait3A_91 : memref<1x104x128xf32, #tpu.memory_space<hbm>> -> memref<104x128xf32, #tpu.memory_space<hbm>>
      %dma_wait3A_93 = arith.constant 0 : i32
      %dma_wait3A_94 = tpu.memref_slice %arg8[%arg0, %add3A_67, %dma_wait3A_93] : memref<2x10000x128xf32, #tpu.memory_space<hbm>> -> memref<1x104x128xf32, #tpu.memory_space<hbm>>
      %dma_wait3A_95 = tpu.memref_squeeze %dma_wait3A_94 : memref<1x104x128xf32, #tpu.memory_space<hbm>> -> memref<104x128xf32, #tpu.memory_space<hbm>>
      %dma_wait3A_96 = arith.constant 0 : i32
      %dma_wait3A_97 = arith.constant 0 : i32
      %dma_wait3A_98 = tpu.memref_slice %arg14[%dma_wait3A_96, %dma_wait3A_97] : memref<128x128xf32, #tpu.memory_space<vmem>> -> memref<104x128xf32, #tpu.memory_space<vmem>>
      tpu.wait_dma2 semaphore(%run_scoped3A : memref<!tpu.dma_semaphore, #tpu.memory_space<semaphore_mem>>) src(%dma_wait3A_98 : memref<104x128xf32, #tpu.memory_space<vmem>>) dst(%dma_wait3A_95 : memref<104x128xf32, #tpu.memory_space<hbm>>)
      tpu.yield
    }) : () -> ()
    %mul3A_68 = arith.constant 624 : i32
    %mul3A_69 = arith.muli %arg1, %mul3A_68 : i32
    %add3A_70 = arith.constant 520 : i32
    %add3A_71 = arith.addi %mul3A_69, %add3A_70 : i32
    "tpu.region"() ({
      %run_scoped3A = tpu.sem_alloc : memref<!tpu.dma_semaphore, #tpu.memory_space<semaphore_mem>>
      %dma_start3A = arith.constant 0 : i32
      %dma_start3A_77 = arith.constant 0 : i32
      %dma_start3A_78 = tpu.memref_slice %arg14[%dma_start3A, %dma_start3A_77] : memref<128x128xf32, #tpu.memory_space<vmem>> -> memref<104x128xf32, #tpu.memory_space<vmem>>
      %dma_start3A_79 = arith.constant 0 : i32
      %dma_start3A_80 = tpu.memref_slice %arg21[%add3A_71, %dma_start3A_79] : memref<10000x128xf32, #tpu.memory_space<vmem_shared>> -> memref<104x128xf32, #tpu.memory_space<vmem_shared>>
      %dma_start3A_81 = arith.constant 0 : i32
      %dma_start3A_82 = arith.constant 0 : i32
      %dma_start3A_83 = tpu.memref_slice %arg14[%dma_start3A_81, %dma_start3A_82] : memref<128x128xf32, #tpu.memory_space<vmem>> -> memref<104x128xf32, #tpu.memory_space<vmem>>
      %dma_start3A_84 = arith.constant 0 : i32
      %dma_start3A_85 = tpu.memref_slice %arg21[%add3A_71, %dma_start3A_84] : memref<10000x128xf32, #tpu.memory_space<vmem_shared>> -> memref<104x128xf32, #tpu.memory_space<vmem_shared>>
      tpu.enqueue_dma source(%dma_start3A_85 : memref<104x128xf32, #tpu.memory_space<vmem_shared>>) target(%dma_start3A_83 : memref<104x128xf32, #tpu.memory_space<vmem>>) target_semaphore(%run_scoped3A : memref<!tpu.dma_semaphore, #tpu.memory_space<semaphore_mem>>)
      %dma_wait3A = arith.constant 0 : i32
      %dma_wait3A_86 = arith.constant 0 : i32
      %dma_wait3A_87 = tpu.memref_slice %arg14[%dma_wait3A, %dma_wait3A_86] : memref<128x128xf32, #tpu.memory_space<vmem>> -> memref<104x128xf32, #tpu.memory_space<vmem>>
      %dma_wait3A_88 = arith.constant 0 : i32
      %dma_wait3A_89 = tpu.memref_slice %arg21[%add3A_71, %dma_wait3A_88] : memref<10000x128xf32, #tpu.memory_space<vmem_shared>> -> memref<104x128xf32, #tpu.memory_space<vmem_shared>>
      %dma_wait3A_90 = arith.constant 0 : i32
      %dma_wait3A_91 = arith.constant 0 : i32
      %dma_wait3A_92 = tpu.memref_slice %arg14[%dma_wait3A_90, %dma_wait3A_91] : memref<128x128xf32, #tpu.memory_space<vmem>> -> memref<104x128xf32, #tpu.memory_space<vmem>>
      %dma_wait3A_93 = arith.constant 0 : i32
      %dma_wait3A_94 = tpu.memref_slice %arg21[%add3A_71, %dma_wait3A_93] : memref<10000x128xf32, #tpu.memory_space<vmem_shared>> -> memref<104x128xf32, #tpu.memory_space<vmem_shared>>
      tpu.wait_dma2 semaphore(%run_scoped3A : memref<!tpu.dma_semaphore, #tpu.memory_space<semaphore_mem>>) src(%dma_wait3A_94 : memref<104x128xf32, #tpu.memory_space<vmem_shared>>) dst(%dma_wait3A_92 : memref<104x128xf32, #tpu.memory_space<vmem>>)
      tpu.yield
    }) : () -> ()
    "tpu.region"() ({
      %run_scoped3A = tpu.sem_alloc : memref<!tpu.dma_semaphore, #tpu.memory_space<semaphore_mem>>
      %dma_start3A = arith.constant 0 : i32
      %dma_start3A_77 = arith.constant 0 : i32
      %dma_start3A_78 = tpu.memref_slice %arg14[%dma_start3A, %dma_start3A_77] : memref<128x128xf32, #tpu.memory_space<vmem>> -> memref<104x128xf32, #tpu.memory_space<vmem>>
      %dma_start3A_79 = arith.constant 0 : i32
      %dma_start3A_80 = tpu.memref_slice %arg8[%arg0, %add3A_71, %dma_start3A_79] : memref<2x10000x128xf32, #tpu.memory_space<hbm>> -> memref<1x104x128xf32, #tpu.memory_space<hbm>>
      %dma_start3A_81 = tpu.memref_squeeze %dma_start3A_80 : memref<1x104x128xf32, #tpu.memory_space<hbm>> -> memref<104x128xf32, #tpu.memory_space<hbm>>
      %dma_start3A_82 = arith.constant 0 : i32
      %dma_start3A_83 = tpu.memref_slice %arg8[%arg0, %add3A_71, %dma_start3A_82] : memref<2x10000x128xf32, #tpu.memory_space<hbm>> -> memref<1x104x128xf32, #tpu.memory_space<hbm>>
      %dma_start3A_84 = tpu.memref_squeeze %dma_start3A_83 : memref<1x104x128xf32, #tpu.memory_space<hbm>> -> memref<104x128xf32, #tpu.memory_space<hbm>>
      %dma_start3A_85 = arith.constant 0 : i32
      %dma_start3A_86 = arith.constant 0 : i32
      %dma_start3A_87 = tpu.memref_slice %arg14[%dma_start3A_85, %dma_start3A_86] : memref<128x128xf32, #tpu.memory_space<vmem>> -> memref<104x128xf32, #tpu.memory_space<vmem>>
      tpu.enqueue_dma source(%dma_start3A_87 : memref<104x128xf32, #tpu.memory_space<vmem>>) target(%dma_start3A_84 : memref<104x128xf32, #tpu.memory_space<hbm>>) target_semaphore(%run_scoped3A : memref<!tpu.dma_semaphore, #tpu.memory_space<semaphore_mem>>)
      %dma_wait3A = arith.constant 0 : i32
      %dma_wait3A_88 = arith.constant 0 : i32
      %dma_wait3A_89 = tpu.memref_slice %arg14[%dma_wait3A, %dma_wait3A_88] : memref<128x128xf32, #tpu.memory_space<vmem>> -> memref<104x128xf32, #tpu.memory_space<vmem>>
      %dma_wait3A_90 = arith.constant 0 : i32
      %dma_wait3A_91 = tpu.memref_slice %arg8[%arg0, %add3A_71, %dma_wait3A_90] : memref<2x10000x128xf32, #tpu.memory_space<hbm>> -> memref<1x104x128xf32, #tpu.memory_space<hbm>>
      %dma_wait3A_92 = tpu.memref_squeeze %dma_wait3A_91 : memref<1x104x128xf32, #tpu.memory_space<hbm>> -> memref<104x128xf32, #tpu.memory_space<hbm>>
      %dma_wait3A_93 = arith.constant 0 : i32
      %dma_wait3A_94 = tpu.memref_slice %arg8[%arg0, %add3A_71, %dma_wait3A_93] : memref<2x10000x128xf32, #tpu.memory_space<hbm>> -> memref<1x104x128xf32, #tpu.memory_space<hbm>>
      %dma_wait3A_95 = tpu.memref_squeeze %dma_wait3A_94 : memref<1x104x128xf32, #tpu.memory_space<hbm>> -> memref<104x128xf32, #tpu.memory_space<hbm>>
      %dma_wait3A_96 = arith.constant 0 : i32
      %dma_wait3A_97 = arith.constant 0 : i32
      %dma_wait3A_98 = tpu.memref_slice %arg14[%dma_wait3A_96, %dma_wait3A_97] : memref<128x128xf32, #tpu.memory_space<vmem>> -> memref<104x128xf32, #tpu.memory_space<vmem>>
      tpu.wait_dma2 semaphore(%run_scoped3A : memref<!tpu.dma_semaphore, #tpu.memory_space<semaphore_mem>>) src(%dma_wait3A_98 : memref<104x128xf32, #tpu.memory_space<vmem>>) dst(%dma_wait3A_95 : memref<104x128xf32, #tpu.memory_space<hbm>>)
      tpu.yield
    }) : () -> ()
    %eq3A_72 = arith.constant 0 : i32
    %eq3A_73 = arith.cmpi eq, %arg1, %eq3A_72 : i32
    %convert_element_type3A_74 = arith.extui %eq3A_73 : i1 to i32
    %cond3A_75 = arith.constant 0 : i32
    %cond3A_76 = arith.cmpi ne, %convert_element_type3A_74, %cond3A_75 : i32
    scf.if %cond3A_76 {
      "tpu.region"() ({
        %run_scoped3A = tpu.sem_alloc : memref<!tpu.dma_semaphore, #tpu.memory_space<semaphore_mem>>
        %dma_start3A = arith.constant 0 : i32
        %dma_start3A_77 = arith.constant 0 : i32
        %dma_start3A_78 = tpu.memref_slice %arg14[%dma_start3A, %dma_start3A_77] : memref<128x128xf32, #tpu.memory_space<vmem>> -> memref<16x128xf32, #tpu.memory_space<vmem>>
        %dma_start3A_79 = arith.constant 9984 : i32
        %dma_start3A_80 = arith.constant 0 : i32
        %dma_start3A_81 = tpu.memref_slice %arg21[%dma_start3A_79, %dma_start3A_80] : memref<10000x128xf32, #tpu.memory_space<vmem_shared>> -> memref<16x128xf32, #tpu.memory_space<vmem_shared>>
        %dma_start3A_82 = arith.constant 0 : i32
        %dma_start3A_83 = arith.constant 0 : i32
        %dma_start3A_84 = tpu.memref_slice %arg14[%dma_start3A_82, %dma_start3A_83] : memref<128x128xf32, #tpu.memory_space<vmem>> -> memref<16x128xf32, #tpu.memory_space<vmem>>
        %dma_start3A_85 = arith.constant 9984 : i32
        %dma_start3A_86 = arith.constant 0 : i32
        %dma_start3A_87 = tpu.memref_slice %arg21[%dma_start3A_85, %dma_start3A_86] : memref<10000x128xf32, #tpu.memory_space<vmem_shared>> -> memref<16x128xf32, #tpu.memory_space<vmem_shared>>
        tpu.enqueue_dma source(%dma_start3A_87 : memref<16x128xf32, #tpu.memory_space<vmem_shared>>) target(%dma_start3A_84 : memref<16x128xf32, #tpu.memory_space<vmem>>) target_semaphore(%run_scoped3A : memref<!tpu.dma_semaphore, #tpu.memory_space<semaphore_mem>>)
        %dma_wait3A = arith.constant 0 : i32
        %dma_wait3A_88 = arith.constant 0 : i32
        %dma_wait3A_89 = tpu.memref_slice %arg14[%dma_wait3A, %dma_wait3A_88] : memref<128x128xf32, #tpu.memory_space<vmem>> -> memref<16x128xf32, #tpu.memory_space<vmem>>
        %dma_wait3A_90 = arith.constant 9984 : i32
        %dma_wait3A_91 = arith.constant 0 : i32
        %dma_wait3A_92 = tpu.memref_slice %arg21[%dma_wait3A_90, %dma_wait3A_91] : memref<10000x128xf32, #tpu.memory_space<vmem_shared>> -> memref<16x128xf32, #tpu.memory_space<vmem_shared>>
        %dma_wait3A_93 = arith.constant 0 : i32
        %dma_wait3A_94 = arith.constant 0 : i32
        %dma_wait3A_95 = tpu.memref_slice %arg14[%dma_wait3A_93, %dma_wait3A_94] : memref<128x128xf32, #tpu.memory_space<vmem>> -> memref<16x128xf32, #tpu.memory_space<vmem>>
        %dma_wait3A_96 = arith.constant 9984 : i32
        %dma_wait3A_97 = arith.constant 0 : i32
        %dma_wait3A_98 = tpu.memref_slice %arg21[%dma_wait3A_96, %dma_wait3A_97] : memref<10000x128xf32, #tpu.memory_space<vmem_shared>> -> memref<16x128xf32, #tpu.memory_space<vmem_shared>>
        tpu.wait_dma2 semaphore(%run_scoped3A : memref<!tpu.dma_semaphore, #tpu.memory_space<semaphore_mem>>) src(%dma_wait3A_98 : memref<16x128xf32, #tpu.memory_space<vmem_shared>>) dst(%dma_wait3A_95 : memref<16x128xf32, #tpu.memory_space<vmem>>)
        tpu.yield
      }) : () -> ()
      "tpu.region"() ({
        %run_scoped3A = tpu.sem_alloc : memref<!tpu.dma_semaphore, #tpu.memory_space<semaphore_mem>>
        %dma_start3A = arith.constant 0 : i32
        %dma_start3A_77 = arith.constant 0 : i32
        %dma_start3A_78 = tpu.memref_slice %arg14[%dma_start3A, %dma_start3A_77] : memref<128x128xf32, #tpu.memory_space<vmem>> -> memref<16x128xf32, #tpu.memory_space<vmem>>
        %dma_start3A_79 = arith.constant 9984 : i32
        %dma_start3A_80 = arith.constant 0 : i32
        %dma_start3A_81 = tpu.memref_slice %arg8[%arg0, %dma_start3A_79, %dma_start3A_80] : memref<2x10000x128xf32, #tpu.memory_space<hbm>> -> memref<1x16x128xf32, #tpu.memory_space<hbm>>
        %dma_start3A_82 = tpu.memref_squeeze %dma_start3A_81 : memref<1x16x128xf32, #tpu.memory_space<hbm>> -> memref<16x128xf32, #tpu.memory_space<hbm>>
        %dma_start3A_83 = arith.constant 9984 : i32
        %dma_start3A_84 = arith.constant 0 : i32
        %dma_start3A_85 = tpu.memref_slice %arg8[%arg0, %dma_start3A_83, %dma_start3A_84] : memref<2x10000x128xf32, #tpu.memory_space<hbm>> -> memref<1x16x128xf32, #tpu.memory_space<hbm>>
        %dma_start3A_86 = tpu.memref_squeeze %dma_start3A_85 : memref<1x16x128xf32, #tpu.memory_space<hbm>> -> memref<16x128xf32, #tpu.memory_space<hbm>>
        %dma_start3A_87 = arith.constant 0 : i32
        %dma_start3A_88 = arith.constant 0 : i32
        %dma_start3A_89 = tpu.memref_slice %arg14[%dma_start3A_87, %dma_start3A_88] : memref<128x128xf32, #tpu.memory_space<vmem>> -> memref<16x128xf32, #tpu.memory_space<vmem>>
        tpu.enqueue_dma source(%dma_start3A_89 : memref<16x128xf32, #tpu.memory_space<vmem>>) target(%dma_start3A_86 : memref<16x128xf32, #tpu.memory_space<hbm>>) target_semaphore(%run_scoped3A : memref<!tpu.dma_semaphore, #tpu.memory_space<semaphore_mem>>)
        %dma_wait3A = arith.constant 0 : i32
        %dma_wait3A_90 = arith.constant 0 : i32
        %dma_wait3A_91 = tpu.memref_slice %arg14[%dma_wait3A, %dma_wait3A_90] : memref<128x128xf32, #tpu.memory_space<vmem>> -> memref<16x128xf32, #tpu.memory_space<vmem>>
        %dma_wait3A_92 = arith.constant 9984 : i32
        %dma_wait3A_93 = arith.constant 0 : i32
        %dma_wait3A_94 = tpu.memref_slice %arg8[%arg0, %dma_wait3A_92, %dma_wait3A_93] : memref<2x10000x128xf32, #tpu.memory_space<hbm>> -> memref<1x16x128xf32, #tpu.memory_space<hbm>>
        %dma_wait3A_95 = tpu.memref_squeeze %dma_wait3A_94 : memref<1x16x128xf32, #tpu.memory_space<hbm>> -> memref<16x128xf32, #tpu.memory_space<hbm>>
        %dma_wait3A_96 = arith.constant 9984 : i32
        %dma_wait3A_97 = arith.constant 0 : i32
        %dma_wait3A_98 = tpu.memref_slice %arg8[%arg0, %dma_wait3A_96, %dma_wait3A_97] : memref<2x10000x128xf32, #tpu.memory_space<hbm>> -> memref<1x16x128xf32, #tpu.memory_space<hbm>>
        %dma_wait3A_99 = tpu.memref_squeeze %dma_wait3A_98 : memref<1x16x128xf32, #tpu.memory_space<hbm>> -> memref<16x128xf32, #tpu.memory_space<hbm>>
        %dma_wait3A_100 = arith.constant 0 : i32
        %dma_wait3A_101 = arith.constant 0 : i32
        %dma_wait3A_102 = tpu.memref_slice %arg14[%dma_wait3A_100, %dma_wait3A_101] : memref<128x128xf32, #tpu.memory_space<vmem>> -> memref<16x128xf32, #tpu.memory_space<vmem>>
        tpu.wait_dma2 semaphore(%run_scoped3A : memref<!tpu.dma_semaphore, #tpu.memory_space<semaphore_mem>>) src(%dma_wait3A_102 : memref<16x128xf32, #tpu.memory_space<vmem>>) dst(%dma_wait3A_99 : memref<16x128xf32, #tpu.memory_space<hbm>>)
        tpu.yield
      }) : () -> ()
    } else {
    }
    return
  }
}

module attributes {stable_mosaic.version = 14 : i64} {
  func.func @_tc_layer_body(%arg0: i32, %arg1: memref<1x1x5000xi32, #tpu.memory_space<vmem>>, %arg2: memref<5000x128xf32, #tpu.memory_space<vmem>>, %arg3: memref<5000x128xf32, #tpu.memory_space<vmem>>, %arg4: memref<2x5000x128xf32, #tpu.memory_space<vmem>>, %arg5: memref<2x5000x1xf32, #tpu.memory_space<vmem>>, %arg6: memref<128x128xf32, #tpu.memory_space<vmem>>, %arg7: memref<128x128xf32, #tpu.memory_space<vmem>>, %arg8: memref<128xf32, #tpu.memory_space<vmem>>, %arg9: memref<128x128xf32, #tpu.memory_space<vmem>>, %arg10: memref<128x128xf32, #tpu.memory_space<vmem>>, %arg11: memref<128xf32, #tpu.memory_space<vmem>>, %arg12: memref<5000x128xf32, #tpu.memory_space<vmem>>, %arg13: memref<5000x128xf32, #tpu.memory_space<vmem>>, %arg14: memref<64x128xf32, #tpu.memory_space<vmem>>, %arg15: memref<64x128xf32, #tpu.memory_space<vmem>>) attributes {dimension_semantics = [#tpu.dimension_semantics<arbitrary>], iteration_bounds = array<i64: 2>, scalar_prefetch = 0 : i64, scratch_operands = 0 : i64, tpu.core_type = #tpu.core_type<tc>, window_params = [{transform_indices = @transform_0, window_bounds = array<i64: 1, 1, 5000>}, {transform_indices = @transform_1, window_bounds = array<i64: 5000, 128>}, {transform_indices = @transform_2, window_bounds = array<i64: 5000, 128>}, {transform_indices = @transform_3, window_bounds = array<i64: 2, 5000, 128>}, {transform_indices = @transform_4, window_bounds = array<i64: 2, 5000, 1>}, {pipeline_mode = #tpu.pipeline_mode<synchronous>, transform_indices = @transform_5, window_bounds = array<i64: 128, 128>}, {pipeline_mode = #tpu.pipeline_mode<synchronous>, transform_indices = @transform_6, window_bounds = array<i64: 128, 128>}, {pipeline_mode = #tpu.pipeline_mode<synchronous>, transform_indices = @transform_7, window_bounds = array<i64: 128>}, {pipeline_mode = #tpu.pipeline_mode<synchronous>, transform_indices = @transform_8, window_bounds = array<i64: 128, 128>}, {pipeline_mode = #tpu.pipeline_mode<synchronous>, transform_indices = @transform_9, window_bounds = array<i64: 128, 128>}, {pipeline_mode = #tpu.pipeline_mode<synchronous>, transform_indices = @transform_10, window_bounds = array<i64: 128>}, {transform_indices = @transform_11, window_bounds = array<i64: 5000, 128>}, {transform_indices = @transform_12, window_bounds = array<i64: 5000, 128>}, {pipeline_mode = #tpu.pipeline_mode<synchronous>, transform_indices = @transform_13, window_bounds = array<i64: 64, 128>}, {pipeline_mode = #tpu.pipeline_mode<synchronous>, transform_indices = @transform_14, window_bounds = array<i64: 64, 128>}]} {
    %get3A = arith.constant 0 : index
    %get3A_0 = arith.constant 0 : index
    %get3A_1 = arith.constant 0 : index
    %get3A_2 = vector.load %arg1[%get3A, %get3A_0, %get3A_1] : memref<1x1x5000xi32, #tpu.memory_space<vmem>>, vector<1x1x5000xi32>
    %get3A_3 = vector.shape_cast %get3A_2 : vector<1x1x5000xi32> to vector<5000xi32>
    %iota3A = tpu.iota {dimensions = array<i32: 0>} : vector<64x5000xi32>
    %broadcast_in_dim3A = vector.shape_cast %get3A_3 : vector<5000xi32> to vector<1x5000xi32>
    %eq3A = vector.broadcast %broadcast_in_dim3A : vector<1x5000xi32> to vector<64x5000xi32>
    %eq3A_4 = arith.cmpi eq, %iota3A, %eq3A : vector<64x5000xi32>
    %convert_element_type3A = arith.extui %eq3A_4 : vector<64x5000xi1> to vector<64x5000xi32>
    %convert_element_type3A_5 = arith.sitofp %convert_element_type3A : vector<64x5000xi32> to vector<64x5000xf32>
    %get3A_6 = arith.constant 0 : index
    %get3A_7 = arith.constant 0 : index
    %get3A_8 = arith.constant 0 : index
    %get3A_9 = vector.load %arg5[%get3A_6, %get3A_7, %get3A_8] : memref<2x5000x1xf32, #tpu.memory_space<vmem>>, vector<1x5000x1xf32>
    %get3A_10 = vector.shape_cast %get3A_9 : vector<1x5000x1xf32> to vector<5000xf32>
    %max3A = arith.constant 1.000000e+00 : f32
    %max3A_11 = vector.broadcast %max3A : f32 to vector<5000xf32>
    %max3A_12 = arith.maximumf %get3A_10, %max3A_11 : vector<5000xf32>
    %broadcast_in_dim3A_13 = vector.shape_cast %max3A_12 : vector<5000xf32> to vector<5000x1xf32>
    %get3A_14 = arith.constant 0 : index
    %get3A_15 = arith.constant 0 : index
    %get3A_16 = arith.constant 0 : index
    %get3A_17 = vector.load %arg4[%get3A_14, %get3A_15, %get3A_16] : memref<2x5000x128xf32, #tpu.memory_space<vmem>>, vector<1x5000x128xf32>
    %get3A_18 = vector.shape_cast %get3A_17 : vector<1x5000x128xf32> to vector<5000x128xf32>
    %div3A = vector.broadcast %broadcast_in_dim3A_13 : vector<5000x1xf32> to vector<5000x128xf32>
    %div3A_19 = arith.divf %get3A_18, %div3A : vector<5000x128xf32>
    %get3A_20 = arith.constant 0 : index
    %get3A_21 = arith.constant 0 : index
    %get3A_22 = vector.load %arg2[%get3A_20, %get3A_21] : memref<5000x128xf32, #tpu.memory_space<vmem>>, vector<5000x128xf32>
    %get3A_23 = arith.constant 0 : index
    %get3A_24 = arith.constant 0 : index
    %get3A_25 = vector.load %arg6[%get3A_23, %get3A_24] : memref<128x128xf32, #tpu.memory_space<vmem>>, vector<128x128xf32>
    %dot_general3A = arith.constant dense<0.000000e+00> : vector<5000x128xf32>
    %dot_general3A_26 = tpu.matmul %div3A_19, %get3A_25, %dot_general3A {dimension_numbers = #tpu.dot_dimension_numbers<[1], [0], [0], [1], [0, 0, 1, 1], [], []>, transpose_lhs_hint = false} : vector<5000x128xf32>, vector<128x128xf32>, vector<5000x128xf32> -> vector<5000x128xf32>
    %get3A_27 = arith.constant 0 : index
    %get3A_28 = arith.constant 0 : index
    %get3A_29 = vector.load %arg7[%get3A_27, %get3A_28] : memref<128x128xf32, #tpu.memory_space<vmem>>, vector<128x128xf32>
    %dot_general3A_30 = arith.constant dense<0.000000e+00> : vector<5000x128xf32>
    %dot_general3A_31 = tpu.matmul %get3A_22, %get3A_29, %dot_general3A_30 {dimension_numbers = #tpu.dot_dimension_numbers<[1], [0], [0], [1], [0, 0, 1, 1], [], []>, transpose_lhs_hint = false} : vector<5000x128xf32>, vector<128x128xf32>, vector<5000x128xf32> -> vector<5000x128xf32>
    %add3A = arith.addf %dot_general3A_26, %dot_general3A_31 : vector<5000x128xf32>
    %get3A_32 = arith.constant 0 : index
    %get3A_33 = vector.load %arg8[%get3A_32] : memref<128xf32, #tpu.memory_space<vmem>>, vector<128xf32>
    %broadcast_in_dim3A_34 = vector.shape_cast %get3A_33 : vector<128xf32> to vector<1x128xf32>
    %add3A_35 = vector.broadcast %broadcast_in_dim3A_34 : vector<1x128xf32> to vector<5000x128xf32>
    %add3A_36 = arith.addf %add3A, %add3A_35 : vector<5000x128xf32>
    %max3A_37 = arith.constant 0.000000e+00 : f32
    %max3A_38 = vector.broadcast %max3A_37 : f32 to vector<5000x128xf32>
    %max3A_39 = arith.maximumf %add3A_36, %max3A_38 : vector<5000x128xf32>
    %swap3A = arith.constant 0 : index
    %swap3A_40 = arith.constant 0 : index
    %swap3A_41 = vector.load %arg12[%swap3A, %swap3A_40] : memref<5000x128xf32, #tpu.memory_space<vmem>>, vector<5000x128xf32>
    tpu.vector_store %arg12[%swap3A, %swap3A_40], %max3A_39 {strides = array<i32>} : memref<5000x128xf32, #tpu.memory_space<vmem>>, vector<5000x128xf32>,
    %dot_general3A_42 = arith.constant dense<0.000000e+00> : vector<64x128xf32>
    %dot_general3A_43 = tpu.matmul %convert_element_type3A_5, %max3A_39, %dot_general3A_42 {dimension_numbers = #tpu.dot_dimension_numbers<[1], [0], [0], [1], [0, 0, 1, 1], [], []>, transpose_lhs_hint = false} : vector<64x5000xf32>, vector<5000x128xf32>, vector<64x128xf32> -> vector<64x128xf32>
    %eq3A_44 = arith.constant 0 : i32
    %eq3A_45 = arith.cmpi eq, %arg0, %eq3A_44 : i32
    %convert_element_type3A_46 = arith.extui %eq3A_45 : i1 to i32
    %cond3A = arith.constant 0 : i32
    %cond3A_47 = arith.cmpi ne, %convert_element_type3A_46, %cond3A : i32
    scf.if %cond3A_47 {
      %swap3A_105 = arith.constant 0 : index
      %swap3A_106 = arith.constant 0 : index
      %swap3A_107 = vector.load %arg14[%swap3A_105, %swap3A_106] : memref<64x128xf32, #tpu.memory_space<vmem>>, vector<64x128xf32>
      tpu.vector_store %arg14[%swap3A_105, %swap3A_106], %dot_general3A_43 {strides = array<i32>} : memref<64x128xf32, #tpu.memory_space<vmem>>, vector<64x128xf32>,
    } else {
    }
    %ne3A = arith.constant 0 : i32
    %ne3A_48 = arith.cmpi ne, %arg0, %ne3A : i32
    %convert_element_type3A_49 = arith.extui %ne3A_48 : i1 to i32
    %cond3A_50 = arith.constant 0 : i32
    %cond3A_51 = arith.cmpi ne, %convert_element_type3A_49, %cond3A_50 : i32
    scf.if %cond3A_51 {
      %get3A_105 = arith.constant 0 : index
      %get3A_106 = arith.constant 0 : index
      %get3A_107 = vector.load %arg14[%get3A_105, %get3A_106] : memref<64x128xf32, #tpu.memory_space<vmem>>, vector<64x128xf32>
      %add3A_108 = arith.addf %get3A_107, %dot_general3A_43 : vector<64x128xf32>
      %swap3A_109 = arith.constant 0 : index
      %swap3A_110 = arith.constant 0 : index
      %swap3A_111 = vector.load %arg14[%swap3A_109, %swap3A_110] : memref<64x128xf32, #tpu.memory_space<vmem>>, vector<64x128xf32>
      tpu.vector_store %arg14[%swap3A_109, %swap3A_110], %add3A_108 {strides = array<i32>} : memref<64x128xf32, #tpu.memory_space<vmem>>, vector<64x128xf32>,
    } else {
    }
    %get3A_52 = arith.constant 1 : index
    %get3A_53 = arith.constant 0 : index
    %get3A_54 = arith.constant 0 : index
    %get3A_55 = vector.load %arg5[%get3A_52, %get3A_53, %get3A_54] : memref<2x5000x1xf32, #tpu.memory_space<vmem>>, vector<1x5000x1xf32>
    %get3A_56 = vector.shape_cast %get3A_55 : vector<1x5000x1xf32> to vector<5000xf32>
    %max3A_57 = arith.constant 1.000000e+00 : f32
    %max3A_58 = vector.broadcast %max3A_57 : f32 to vector<5000xf32>
    %max3A_59 = arith.maximumf %get3A_56, %max3A_58 : vector<5000xf32>
    %broadcast_in_dim3A_60 = vector.shape_cast %max3A_59 : vector<5000xf32> to vector<5000x1xf32>
    %get3A_61 = arith.constant 1 : index
    %get3A_62 = arith.constant 0 : index
    %get3A_63 = arith.constant 0 : index
    %get3A_64 = vector.load %arg4[%get3A_61, %get3A_62, %get3A_63] : memref<2x5000x128xf32, #tpu.memory_space<vmem>>, vector<1x5000x128xf32>
    %get3A_65 = vector.shape_cast %get3A_64 : vector<1x5000x128xf32> to vector<5000x128xf32>
    %div3A_66 = vector.broadcast %broadcast_in_dim3A_60 : vector<5000x1xf32> to vector<5000x128xf32>
    %div3A_67 = arith.divf %get3A_65, %div3A_66 : vector<5000x128xf32>
    %get3A_68 = arith.constant 0 : index
    %get3A_69 = arith.constant 0 : index
    %get3A_70 = vector.load %arg3[%get3A_68, %get3A_69] : memref<5000x128xf32, #tpu.memory_space<vmem>>, vector<5000x128xf32>
    %get3A_71 = arith.constant 0 : index
    %get3A_72 = arith.constant 0 : index
    %get3A_73 = vector.load %arg9[%get3A_71, %get3A_72] : memref<128x128xf32, #tpu.memory_space<vmem>>, vector<128x128xf32>
    %dot_general3A_74 = arith.constant dense<0.000000e+00> : vector<5000x128xf32>
    %dot_general3A_75 = tpu.matmul %div3A_67, %get3A_73, %dot_general3A_74 {dimension_numbers = #tpu.dot_dimension_numbers<[1], [0], [0], [1], [0, 0, 1, 1], [], []>, transpose_lhs_hint = false} : vector<5000x128xf32>, vector<128x128xf32>, vector<5000x128xf32> -> vector<5000x128xf32>
    %get3A_76 = arith.constant 0 : index
    %get3A_77 = arith.constant 0 : index
    %get3A_78 = vector.load %arg10[%get3A_76, %get3A_77] : memref<128x128xf32, #tpu.memory_space<vmem>>, vector<128x128xf32>
    %dot_general3A_79 = arith.constant dense<0.000000e+00> : vector<5000x128xf32>
    %dot_general3A_80 = tpu.matmul %get3A_70, %get3A_78, %dot_general3A_79 {dimension_numbers = #tpu.dot_dimension_numbers<[1], [0], [0], [1], [0, 0, 1, 1], [], []>, transpose_lhs_hint = false} : vector<5000x128xf32>, vector<128x128xf32>, vector<5000x128xf32> -> vector<5000x128xf32>
    %add3A_81 = arith.addf %dot_general3A_75, %dot_general3A_80 : vector<5000x128xf32>
    %get3A_82 = arith.constant 0 : index
    %get3A_83 = vector.load %arg11[%get3A_82] : memref<128xf32, #tpu.memory_space<vmem>>, vector<128xf32>
    %broadcast_in_dim3A_84 = vector.shape_cast %get3A_83 : vector<128xf32> to vector<1x128xf32>
    %add3A_85 = vector.broadcast %broadcast_in_dim3A_84 : vector<1x128xf32> to vector<5000x128xf32>
    %add3A_86 = arith.addf %add3A_81, %add3A_85 : vector<5000x128xf32>
    %max3A_87 = arith.constant 0.000000e+00 : f32
    %max3A_88 = vector.broadcast %max3A_87 : f32 to vector<5000x128xf32>
    %max3A_89 = arith.maximumf %add3A_86, %max3A_88 : vector<5000x128xf32>
    %swap3A_90 = arith.constant 0 : index
    %swap3A_91 = arith.constant 0 : index
    %swap3A_92 = vector.load %arg13[%swap3A_90, %swap3A_91] : memref<5000x128xf32, #tpu.memory_space<vmem>>, vector<5000x128xf32>
    tpu.vector_store %arg13[%swap3A_90, %swap3A_91], %max3A_89 {strides = array<i32>} : memref<5000x128xf32, #tpu.memory_space<vmem>>, vector<5000x128xf32>,
    %dot_general3A_93 = arith.constant dense<0.000000e+00> : vector<64x128xf32>
    %dot_general3A_94 = tpu.matmul %convert_element_type3A_5, %max3A_89, %dot_general3A_93 {dimension_numbers = #tpu.dot_dimension_numbers<[1], [0], [0], [1], [0, 0, 1, 1], [], []>, transpose_lhs_hint = false} : vector<64x5000xf32>, vector<5000x128xf32>, vector<64x128xf32> -> vector<64x128xf32>
    %eq3A_95 = arith.constant 0 : i32
    %eq3A_96 = arith.cmpi eq, %arg0, %eq3A_95 : i32
    %convert_element_type3A_97 = arith.extui %eq3A_96 : i1 to i32
    %cond3A_98 = arith.constant 0 : i32
    %cond3A_99 = arith.cmpi ne, %convert_element_type3A_97, %cond3A_98 : i32
    scf.if %cond3A_99 {
      %swap3A_105 = arith.constant 0 : index
      %swap3A_106 = arith.constant 0 : index
      %swap3A_107 = vector.load %arg15[%swap3A_105, %swap3A_106] : memref<64x128xf32, #tpu.memory_space<vmem>>, vector<64x128xf32>
      tpu.vector_store %arg15[%swap3A_105, %swap3A_106], %dot_general3A_94 {strides = array<i32>} : memref<64x128xf32, #tpu.memory_space<vmem>>, vector<64x128xf32>,
    } else {
    }
    %ne3A_100 = arith.constant 0 : i32
    %ne3A_101 = arith.cmpi ne, %arg0, %ne3A_100 : i32
    %convert_element_type3A_102 = arith.extui %ne3A_101 : i1 to i32
    %cond3A_103 = arith.constant 0 : i32
    %cond3A_104 = arith.cmpi ne, %convert_element_type3A_102, %cond3A_103 : i32
    scf.if %cond3A_104 {
      %get3A_105 = arith.constant 0 : index
      %get3A_106 = arith.constant 0 : index
      %get3A_107 = vector.load %arg15[%get3A_105, %get3A_106] : memref<64x128xf32, #tpu.memory_space<vmem>>, vector<64x128xf32>
      %add3A_108 = arith.addf %get3A_107, %dot_general3A_94 : vector<64x128xf32>
      %swap3A_109 = arith.constant 0 : index
      %swap3A_110 = arith.constant 0 : index
      %swap3A_111 = vector.load %arg15[%swap3A_109, %swap3A_110] : memref<64x128xf32, #tpu.memory_space<vmem>>, vector<64x128xf32>
      tpu.vector_store %arg15[%swap3A_109, %swap3A_110], %add3A_108 {strides = array<i32>} : memref<64x128xf32, #tpu.memory_space<vmem>>, vector<64x128xf32>,
    } else {
    }
    return
  }
  func.func @transform_0(%arg0: i32) -> (i32, i32, i32) {
    %c0_i32 = arith.constant 0 : i32
    %c0_i32_0 = arith.constant 0 : i32
    %c0_i32_1 = arith.constant 0 : i32
    return %arg0, %c0_i32, %c0_i32_0 : i32, i32, i32
  }
  func.func @transform_1(%arg0: i32) -> (i32, i32) {
    %c0_i32 = arith.constant 0 : i32
    %c0_i32_0 = arith.constant 0 : i32
    return %arg0, %c0_i32 : i32, i32
  }
  func.func @transform_2(%arg0: i32) -> (i32, i32) {
    %c0_i32 = arith.constant 0 : i32
    %c0_i32_0 = arith.constant 0 : i32
    return %arg0, %c0_i32 : i32, i32
  }
  func.func @transform_3(%arg0: i32) -> (i32, i32, i32) {
    %c0_i32 = arith.constant 0 : i32
    %c0_i32_0 = arith.constant 0 : i32
    %c0_i32_1 = arith.constant 0 : i32
    return %c0_i32, %arg0, %c0_i32_0 : i32, i32, i32
  }
  func.func @transform_4(%arg0: i32) -> (i32, i32, i32) {
    %c0_i32 = arith.constant 0 : i32
    %c0_i32_0 = arith.constant 0 : i32
    %c0_i32_1 = arith.constant 0 : i32
    return %c0_i32, %arg0, %c0_i32_0 : i32, i32, i32
  }
  func.func @transform_5(%arg0: i32) -> (i32, i32) {
    %c0_i32 = arith.constant 0 : i32
    %c0_i32_0 = arith.constant 0 : i32
    %c0_i32_1 = arith.constant 0 : i32
    return %c0_i32, %c0_i32_0 : i32, i32
  }
  func.func @transform_6(%arg0: i32) -> (i32, i32) {
    %c0_i32 = arith.constant 0 : i32
    %c0_i32_0 = arith.constant 0 : i32
    %c0_i32_1 = arith.constant 0 : i32
    return %c0_i32, %c0_i32_0 : i32, i32
  }
  func.func @transform_7(%arg0: i32) -> i32 {
    %c0_i32 = arith.constant 0 : i32
    %c0_i32_0 = arith.constant 0 : i32
    return %c0_i32 : i32
  }
  func.func @transform_8(%arg0: i32) -> (i32, i32) {
    %c0_i32 = arith.constant 0 : i32
    %c0_i32_0 = arith.constant 0 : i32
    %c0_i32_1 = arith.constant 0 : i32
    return %c0_i32, %c0_i32_0 : i32, i32
  }
  func.func @transform_9(%arg0: i32) -> (i32, i32) {
    %c0_i32 = arith.constant 0 : i32
    %c0_i32_0 = arith.constant 0 : i32
    %c0_i32_1 = arith.constant 0 : i32
    return %c0_i32, %c0_i32_0 : i32, i32
  }
  func.func @transform_10(%arg0: i32) -> i32 {
    %c0_i32 = arith.constant 0 : i32
    %c0_i32_0 = arith.constant 0 : i32
    return %c0_i32 : i32
  }
  func.func @transform_11(%arg0: i32) -> (i32, i32) {
    %c0_i32 = arith.constant 0 : i32
    %c0_i32_0 = arith.constant 0 : i32
    return %arg0, %c0_i32 : i32, i32
  }
  func.func @transform_12(%arg0: i32) -> (i32, i32) {
    %c0_i32 = arith.constant 0 : i32
    %c0_i32_0 = arith.constant 0 : i32
    return %arg0, %c0_i32 : i32, i32
  }
  func.func @transform_13(%arg0: i32) -> (i32, i32) {
    %c0_i32 = arith.constant 0 : i32
    %c0_i32_0 = arith.constant 0 : i32
    %c0_i32_1 = arith.constant 0 : i32
    return %c0_i32, %c0_i32_0 : i32, i32
  }
  func.func @transform_14(%arg0: i32) -> (i32, i32) {
    %c0_i32 = arith.constant 0 : i32
    %c0_i32_0 = arith.constant 0 : i32
    %c0_i32_1 = arith.constant 0 : i32
    return %c0_i32, %c0_i32_0 : i32, i32
  }
}

module attributes {stable_mosaic.version = 14 : i64} {
  func.func @_tc_layer2_body(%arg0: i32, %arg1: memref<1x1x5000xi32, #tpu.memory_space<vmem>>, %arg2: memref<5000x128xf32, #tpu.memory_space<vmem>>, %arg3: memref<5000x128xf32, #tpu.memory_space<vmem>>, %arg4: memref<2x5000x128xf32, #tpu.memory_space<vmem>>, %arg5: memref<2x5000x1xf32, #tpu.memory_space<vmem>>, %arg6: memref<128x128xf32, #tpu.memory_space<vmem>>, %arg7: memref<128x128xf32, #tpu.memory_space<vmem>>, %arg8: memref<128xf32, #tpu.memory_space<vmem>>, %arg9: memref<128x128xf32, #tpu.memory_space<vmem>>, %arg10: memref<128x128xf32, #tpu.memory_space<vmem>>, %arg11: memref<128xf32, #tpu.memory_space<vmem>>, %arg12: memref<64x128xf32, #tpu.memory_space<vmem>>, %arg13: memref<64x128xf32, #tpu.memory_space<vmem>>, %arg14: memref<512x128xf32, #tpu.memory_space<vmem>>, %arg15: memref<128xf32, #tpu.memory_space<vmem>>, %arg16: memref<128x64xf32, #tpu.memory_space<vmem>>, %arg17: memref<64xf32, #tpu.memory_space<vmem>>, %arg18: memref<64x2xf32, #tpu.memory_space<vmem>>, %arg19: memref<2xf32, #tpu.memory_space<vmem>>, %arg20: memref<64x2xf32, #tpu.memory_space<vmem>>, %arg21: memref<64x128xf32, #tpu.memory_space<vmem>>, %arg22: memref<64x128xf32, #tpu.memory_space<vmem>>) attributes {dimension_semantics = [#tpu.dimension_semantics<arbitrary>], iteration_bounds = array<i64: 2>, scalar_prefetch = 0 : i64, scratch_operands = 0 : i64, tpu.core_type = #tpu.core_type<tc>, window_params = [{transform_indices = @transform_0, window_bounds = array<i64: 1, 1, 5000>}, {transform_indices = @transform_1, window_bounds = array<i64: 5000, 128>}, {transform_indices = @transform_2, window_bounds = array<i64: 5000, 128>}, {transform_indices = @transform_3, window_bounds = array<i64: 2, 5000, 128>}, {transform_indices = @transform_4, window_bounds = array<i64: 2, 5000, 1>}, {pipeline_mode = #tpu.pipeline_mode<synchronous>, transform_indices = @transform_5, window_bounds = array<i64: 128, 128>}, {pipeline_mode = #tpu.pipeline_mode<synchronous>, transform_indices = @transform_6, window_bounds = array<i64: 128, 128>}, {pipeline_mode = #tpu.pipeline_mode<synchronous>, transform_indices = @transform_7, window_bounds = array<i64: 128>}, {pipeline_mode = #tpu.pipeline_mode<synchronous>, transform_indices = @transform_8, window_bounds = array<i64: 128, 128>}, {pipeline_mode = #tpu.pipeline_mode<synchronous>, transform_indices = @transform_9, window_bounds = array<i64: 128, 128>}, {pipeline_mode = #tpu.pipeline_mode<synchronous>, transform_indices = @transform_10, window_bounds = array<i64: 128>}, {pipeline_mode = #tpu.pipeline_mode<synchronous>, transform_indices = @transform_11, window_bounds = array<i64: 64, 128>}, {pipeline_mode = #tpu.pipeline_mode<synchronous>, transform_indices = @transform_12, window_bounds = array<i64: 64, 128>}, {pipeline_mode = #tpu.pipeline_mode<synchronous>, transform_indices = @transform_13, window_bounds = array<i64: 512, 128>}, {pipeline_mode = #tpu.pipeline_mode<synchronous>, transform_indices = @transform_14, window_bounds = array<i64: 128>}, {pipeline_mode = #tpu.pipeline_mode<synchronous>, transform_indices = @transform_15, window_bounds = array<i64: 128, 64>}, {pipeline_mode = #tpu.pipeline_mode<synchronous>, transform_indices = @transform_16, window_bounds = array<i64: 64>}, {pipeline_mode = #tpu.pipeline_mode<synchronous>, transform_indices = @transform_17, window_bounds = array<i64: 64, 2>}, {pipeline_mode = #tpu.pipeline_mode<synchronous>, transform_indices = @transform_18, window_bounds = array<i64: 2>}, {pipeline_mode = #tpu.pipeline_mode<synchronous>, transform_indices = @transform_19, window_bounds = array<i64: 64, 2>}, {pipeline_mode = #tpu.pipeline_mode<synchronous>, transform_indices = @transform_20, window_bounds = array<i64: 64, 128>}, {pipeline_mode = #tpu.pipeline_mode<synchronous>, transform_indices = @transform_21, window_bounds = array<i64: 64, 128>}]} {
    %get3A = arith.constant 0 : index
    %get3A_0 = arith.constant 0 : index
    %get3A_1 = arith.constant 0 : index
    %get3A_2 = vector.load %arg1[%get3A, %get3A_0, %get3A_1] : memref<1x1x5000xi32, #tpu.memory_space<vmem>>, vector<1x1x5000xi32>
    %get3A_3 = vector.shape_cast %get3A_2 : vector<1x1x5000xi32> to vector<5000xi32>
    %iota3A = tpu.iota {dimensions = array<i32: 0>} : vector<64x5000xi32>
    %broadcast_in_dim3A = vector.shape_cast %get3A_3 : vector<5000xi32> to vector<1x5000xi32>
    %eq3A = vector.broadcast %broadcast_in_dim3A : vector<1x5000xi32> to vector<64x5000xi32>
    %eq3A_4 = arith.cmpi eq, %iota3A, %eq3A : vector<64x5000xi32>
    %convert_element_type3A = arith.extui %eq3A_4 : vector<64x5000xi1> to vector<64x5000xi32>
    %convert_element_type3A_5 = arith.sitofp %convert_element_type3A : vector<64x5000xi32> to vector<64x5000xf32>
    %get3A_6 = arith.constant 0 : index
    %get3A_7 = arith.constant 0 : index
    %get3A_8 = arith.constant 0 : index
    %get3A_9 = vector.load %arg5[%get3A_6, %get3A_7, %get3A_8] : memref<2x5000x1xf32, #tpu.memory_space<vmem>>, vector<1x5000x1xf32>
    %get3A_10 = vector.shape_cast %get3A_9 : vector<1x5000x1xf32> to vector<5000xf32>
    %max3A = arith.constant 1.000000e+00 : f32
    %max3A_11 = vector.broadcast %max3A : f32 to vector<5000xf32>
    %max3A_12 = arith.maximumf %get3A_10, %max3A_11 : vector<5000xf32>
    %broadcast_in_dim3A_13 = vector.shape_cast %max3A_12 : vector<5000xf32> to vector<5000x1xf32>
    %get3A_14 = arith.constant 0 : index
    %get3A_15 = arith.constant 0 : index
    %get3A_16 = arith.constant 0 : index
    %get3A_17 = vector.load %arg4[%get3A_14, %get3A_15, %get3A_16] : memref<2x5000x128xf32, #tpu.memory_space<vmem>>, vector<1x5000x128xf32>
    %get3A_18 = vector.shape_cast %get3A_17 : vector<1x5000x128xf32> to vector<5000x128xf32>
    %div3A = vector.broadcast %broadcast_in_dim3A_13 : vector<5000x1xf32> to vector<5000x128xf32>
    %div3A_19 = arith.divf %get3A_18, %div3A : vector<5000x128xf32>
    %get3A_20 = arith.constant 0 : index
    %get3A_21 = arith.constant 0 : index
    %get3A_22 = vector.load %arg2[%get3A_20, %get3A_21] : memref<5000x128xf32, #tpu.memory_space<vmem>>, vector<5000x128xf32>
    %get3A_23 = arith.constant 0 : index
    %get3A_24 = arith.constant 0 : index
    %get3A_25 = vector.load %arg6[%get3A_23, %get3A_24] : memref<128x128xf32, #tpu.memory_space<vmem>>, vector<128x128xf32>
    %dot_general3A = arith.constant dense<0.000000e+00> : vector<5000x128xf32>
    %dot_general3A_26 = tpu.matmul %div3A_19, %get3A_25, %dot_general3A {dimension_numbers = #tpu.dot_dimension_numbers<[1], [0], [0], [1], [0, 0, 1, 1], [], []>, transpose_lhs_hint = false} : vector<5000x128xf32>, vector<128x128xf32>, vector<5000x128xf32> -> vector<5000x128xf32>
    %get3A_27 = arith.constant 0 : index
    %get3A_28 = arith.constant 0 : index
    %get3A_29 = vector.load %arg7[%get3A_27, %get3A_28] : memref<128x128xf32, #tpu.memory_space<vmem>>, vector<128x128xf32>
    %dot_general3A_30 = arith.constant dense<0.000000e+00> : vector<5000x128xf32>
    %dot_general3A_31 = tpu.matmul %get3A_22, %get3A_29, %dot_general3A_30 {dimension_numbers = #tpu.dot_dimension_numbers<[1], [0], [0], [1], [0, 0, 1, 1], [], []>, transpose_lhs_hint = false} : vector<5000x128xf32>, vector<128x128xf32>, vector<5000x128xf32> -> vector<5000x128xf32>
    %add3A = arith.addf %dot_general3A_26, %dot_general3A_31 : vector<5000x128xf32>
    %get3A_32 = arith.constant 0 : index
    %get3A_33 = vector.load %arg8[%get3A_32] : memref<128xf32, #tpu.memory_space<vmem>>, vector<128xf32>
    %broadcast_in_dim3A_34 = vector.shape_cast %get3A_33 : vector<128xf32> to vector<1x128xf32>
    %add3A_35 = vector.broadcast %broadcast_in_dim3A_34 : vector<1x128xf32> to vector<5000x128xf32>
    %add3A_36 = arith.addf %add3A, %add3A_35 : vector<5000x128xf32>
    %max3A_37 = arith.constant 0.000000e+00 : f32
    %max3A_38 = vector.broadcast %max3A_37 : f32 to vector<5000x128xf32>
    %max3A_39 = arith.maximumf %add3A_36, %max3A_38 : vector<5000x128xf32>
    %dot_general3A_40 = arith.constant dense<0.000000e+00> : vector<64x128xf32>
    %dot_general3A_41 = tpu.matmul %convert_element_type3A_5, %max3A_39, %dot_general3A_40 {dimension_numbers = #tpu.dot_dimension_numbers<[1], [0], [0], [1], [0, 0, 1, 1], [], []>, transpose_lhs_hint = false} : vector<64x5000xf32>, vector<5000x128xf32>, vector<64x128xf32> -> vector<64x128xf32>
    %eq3A_42 = arith.constant 0 : i32
    %eq3A_43 = arith.cmpi eq, %arg0, %eq3A_42 : i32
    %convert_element_type3A_44 = arith.extui %eq3A_43 : i1 to i32
    %cond3A = arith.constant 0 : i32
    %cond3A_45 = arith.cmpi ne, %convert_element_type3A_44, %cond3A : i32
    scf.if %cond3A_45 {
      %swap3A = arith.constant 0 : index
      %swap3A_105 = arith.constant 0 : index
      %swap3A_106 = vector.load %arg21[%swap3A, %swap3A_105] : memref<64x128xf32, #tpu.memory_space<vmem>>, vector<64x128xf32>
      tpu.vector_store %arg21[%swap3A, %swap3A_105], %dot_general3A_41 {strides = array<i32>} : memref<64x128xf32, #tpu.memory_space<vmem>>, vector<64x128xf32>,
    } else {
    }
    %ne3A = arith.constant 0 : i32
    %ne3A_46 = arith.cmpi ne, %arg0, %ne3A : i32
    %convert_element_type3A_47 = arith.extui %ne3A_46 : i1 to i32
    %cond3A_48 = arith.constant 0 : i32
    %cond3A_49 = arith.cmpi ne, %convert_element_type3A_47, %cond3A_48 : i32
    scf.if %cond3A_49 {
      %get3A_105 = arith.constant 0 : index
      %get3A_106 = arith.constant 0 : index
      %get3A_107 = vector.load %arg21[%get3A_105, %get3A_106] : memref<64x128xf32, #tpu.memory_space<vmem>>, vector<64x128xf32>
      %add3A_108 = arith.addf %get3A_107, %dot_general3A_41 : vector<64x128xf32>
      %swap3A = arith.constant 0 : index
      %swap3A_109 = arith.constant 0 : index
      %swap3A_110 = vector.load %arg21[%swap3A, %swap3A_109] : memref<64x128xf32, #tpu.memory_space<vmem>>, vector<64x128xf32>
      tpu.vector_store %arg21[%swap3A, %swap3A_109], %add3A_108 {strides = array<i32>} : memref<64x128xf32, #tpu.memory_space<vmem>>, vector<64x128xf32>,
    } else {
    }
    %get3A_50 = arith.constant 1 : index
    %get3A_51 = arith.constant 0 : index
    %get3A_52 = arith.constant 0 : index
    %get3A_53 = vector.load %arg5[%get3A_50, %get3A_51, %get3A_52] : memref<2x5000x1xf32, #tpu.memory_space<vmem>>, vector<1x5000x1xf32>
    %get3A_54 = vector.shape_cast %get3A_53 : vector<1x5000x1xf32> to vector<5000xf32>
    %max3A_55 = arith.constant 1.000000e+00 : f32
    %max3A_56 = vector.broadcast %max3A_55 : f32 to vector<5000xf32>
    %max3A_57 = arith.maximumf %get3A_54, %max3A_56 : vector<5000xf32>
    %broadcast_in_dim3A_58 = vector.shape_cast %max3A_57 : vector<5000xf32> to vector<5000x1xf32>
    %get3A_59 = arith.constant 1 : index
    %get3A_60 = arith.constant 0 : index
    %get3A_61 = arith.constant 0 : index
    %get3A_62 = vector.load %arg4[%get3A_59, %get3A_60, %get3A_61] : memref<2x5000x128xf32, #tpu.memory_space<vmem>>, vector<1x5000x128xf32>
    %get3A_63 = vector.shape_cast %get3A_62 : vector<1x5000x128xf32> to vector<5000x128xf32>
    %div3A_64 = vector.broadcast %broadcast_in_dim3A_58 : vector<5000x1xf32> to vector<5000x128xf32>
    %div3A_65 = arith.divf %get3A_63, %div3A_64 : vector<5000x128xf32>
    %get3A_66 = arith.constant 0 : index
    %get3A_67 = arith.constant 0 : index
    %get3A_68 = vector.load %arg3[%get3A_66, %get3A_67] : memref<5000x128xf32, #tpu.memory_space<vmem>>, vector<5000x128xf32>
    %get3A_69 = arith.constant 0 : index
    %get3A_70 = arith.constant 0 : index
    %get3A_71 = vector.load %arg9[%get3A_69, %get3A_70] : memref<128x128xf32, #tpu.memory_space<vmem>>, vector<128x128xf32>
    %dot_general3A_72 = arith.constant dense<0.000000e+00> : vector<5000x128xf32>
    %dot_general3A_73 = tpu.matmul %div3A_65, %get3A_71, %dot_general3A_72 {dimension_numbers = #tpu.dot_dimension_numbers<[1], [0], [0], [1], [0, 0, 1, 1], [], []>, transpose_lhs_hint = false} : vector<5000x128xf32>, vector<128x128xf32>, vector<5000x128xf32> -> vector<5000x128xf32>
    %get3A_74 = arith.constant 0 : index
    %get3A_75 = arith.constant 0 : index
    %get3A_76 = vector.load %arg10[%get3A_74, %get3A_75] : memref<128x128xf32, #tpu.memory_space<vmem>>, vector<128x128xf32>
    %dot_general3A_77 = arith.constant dense<0.000000e+00> : vector<5000x128xf32>
    %dot_general3A_78 = tpu.matmul %get3A_68, %get3A_76, %dot_general3A_77 {dimension_numbers = #tpu.dot_dimension_numbers<[1], [0], [0], [1], [0, 0, 1, 1], [], []>, transpose_lhs_hint = false} : vector<5000x128xf32>, vector<128x128xf32>, vector<5000x128xf32> -> vector<5000x128xf32>
    %add3A_79 = arith.addf %dot_general3A_73, %dot_general3A_78 : vector<5000x128xf32>
    %get3A_80 = arith.constant 0 : index
    %get3A_81 = vector.load %arg11[%get3A_80] : memref<128xf32, #tpu.memory_space<vmem>>, vector<128xf32>
    %broadcast_in_dim3A_82 = vector.shape_cast %get3A_81 : vector<128xf32> to vector<1x128xf32>
    %add3A_83 = vector.broadcast %broadcast_in_dim3A_82 : vector<1x128xf32> to vector<5000x128xf32>
    %add3A_84 = arith.addf %add3A_79, %add3A_83 : vector<5000x128xf32>
    %max3A_85 = arith.constant 0.000000e+00 : f32
    %max3A_86 = vector.broadcast %max3A_85 : f32 to vector<5000x128xf32>
    %max3A_87 = arith.maximumf %add3A_84, %max3A_86 : vector<5000x128xf32>
    %dot_general3A_88 = arith.constant dense<0.000000e+00> : vector<64x128xf32>
    %dot_general3A_89 = tpu.matmul %convert_element_type3A_5, %max3A_87, %dot_general3A_88 {dimension_numbers = #tpu.dot_dimension_numbers<[1], [0], [0], [1], [0, 0, 1, 1], [], []>, transpose_lhs_hint = false} : vector<64x5000xf32>, vector<5000x128xf32>, vector<64x128xf32> -> vector<64x128xf32>
    %eq3A_90 = arith.constant 0 : i32
    %eq3A_91 = arith.cmpi eq, %arg0, %eq3A_90 : i32
    %convert_element_type3A_92 = arith.extui %eq3A_91 : i1 to i32
    %cond3A_93 = arith.constant 0 : i32
    %cond3A_94 = arith.cmpi ne, %convert_element_type3A_92, %cond3A_93 : i32
    scf.if %cond3A_94 {
      %swap3A = arith.constant 0 : index
      %swap3A_105 = arith.constant 0 : index
      %swap3A_106 = vector.load %arg22[%swap3A, %swap3A_105] : memref<64x128xf32, #tpu.memory_space<vmem>>, vector<64x128xf32>
      tpu.vector_store %arg22[%swap3A, %swap3A_105], %dot_general3A_89 {strides = array<i32>} : memref<64x128xf32, #tpu.memory_space<vmem>>, vector<64x128xf32>,
    } else {
    }
    %ne3A_95 = arith.constant 0 : i32
    %ne3A_96 = arith.cmpi ne, %arg0, %ne3A_95 : i32
    %convert_element_type3A_97 = arith.extui %ne3A_96 : i1 to i32
    %cond3A_98 = arith.constant 0 : i32
    %cond3A_99 = arith.cmpi ne, %convert_element_type3A_97, %cond3A_98 : i32
    scf.if %cond3A_99 {
      %get3A_105 = arith.constant 0 : index
      %get3A_106 = arith.constant 0 : index
      %get3A_107 = vector.load %arg22[%get3A_105, %get3A_106] : memref<64x128xf32, #tpu.memory_space<vmem>>, vector<64x128xf32>
      %add3A_108 = arith.addf %get3A_107, %dot_general3A_89 : vector<64x128xf32>
      %swap3A = arith.constant 0 : index
      %swap3A_109 = arith.constant 0 : index
      %swap3A_110 = vector.load %arg22[%swap3A, %swap3A_109] : memref<64x128xf32, #tpu.memory_space<vmem>>, vector<64x128xf32>
      tpu.vector_store %arg22[%swap3A, %swap3A_109], %add3A_108 {strides = array<i32>} : memref<64x128xf32, #tpu.memory_space<vmem>>, vector<64x128xf32>,
    } else {
    }
    %eq3A_100 = arith.constant 1 : i32
    %eq3A_101 = arith.cmpi eq, %arg0, %eq3A_100 : i32
    %convert_element_type3A_102 = arith.extui %eq3A_101 : i1 to i32
    %cond3A_103 = arith.constant 0 : i32
    %cond3A_104 = arith.cmpi ne, %convert_element_type3A_102, %cond3A_103 : i32
    scf.if %cond3A_104 {
      %get3A_105 = arith.constant 0 : index
      %get3A_106 = arith.constant 0 : index
      %get3A_107 = vector.load %arg12[%get3A_105, %get3A_106] : memref<64x128xf32, #tpu.memory_space<vmem>>, vector<64x128xf32>
      %get3A_108 = arith.constant 0 : index
      %get3A_109 = arith.constant 0 : index
      %get3A_110 = vector.load %arg21[%get3A_108, %get3A_109] : memref<64x128xf32, #tpu.memory_space<vmem>>, vector<64x128xf32>
      %get3A_111 = arith.constant 0 : index
      %get3A_112 = arith.constant 0 : index
      %get3A_113 = vector.load %arg13[%get3A_111, %get3A_112] : memref<64x128xf32, #tpu.memory_space<vmem>>, vector<64x128xf32>
      %get3A_114 = arith.constant 0 : index
      %get3A_115 = arith.constant 0 : index
      %get3A_116 = vector.load %arg22[%get3A_114, %get3A_115] : memref<64x128xf32, #tpu.memory_space<vmem>>, vector<64x128xf32>
      %concatenate3A = tpu.concatenate %get3A_107, %get3A_110, %get3A_113, %get3A_116 in 1 : vector<64x128xf32>, vector<64x128xf32>, vector<64x128xf32>, vector<64x128xf32> -> vector<64x512xf32>
      %get3A_117 = arith.constant 0 : index
      %get3A_118 = arith.constant 0 : index
      %get3A_119 = vector.load %arg14[%get3A_117, %get3A_118] : memref<512x128xf32, #tpu.memory_space<vmem>>, vector<512x128xf32>
      %dot_general3A_120 = arith.constant dense<0.000000e+00> : vector<64x128xf32>
      %dot_general3A_121 = tpu.matmul %concatenate3A, %get3A_119, %dot_general3A_120 {dimension_numbers = #tpu.dot_dimension_numbers<[1], [0], [0], [1], [0, 0, 1, 1], [], []>, transpose_lhs_hint = false} : vector<64x512xf32>, vector<512x128xf32>, vector<64x128xf32> -> vector<64x128xf32>
      %get3A_122 = arith.constant 0 : index
      %get3A_123 = vector.load %arg15[%get3A_122] : memref<128xf32, #tpu.memory_space<vmem>>, vector<128xf32>
      %broadcast_in_dim3A_124 = vector.shape_cast %get3A_123 : vector<128xf32> to vector<1x128xf32>
      %add3A_125 = vector.broadcast %broadcast_in_dim3A_124 : vector<1x128xf32> to vector<64x128xf32>
      %add3A_126 = arith.addf %dot_general3A_121, %add3A_125 : vector<64x128xf32>
      %max3A_127 = arith.constant 0.000000e+00 : f32
      %max3A_128 = vector.broadcast %max3A_127 : f32 to vector<64x128xf32>
      %max3A_129 = arith.maximumf %add3A_126, %max3A_128 : vector<64x128xf32>
      %get3A_130 = arith.constant 0 : index
      %get3A_131 = arith.constant 0 : index
      %get3A_132 = vector.load %arg16[%get3A_130, %get3A_131] : memref<128x64xf32, #tpu.memory_space<vmem>>, vector<128x64xf32>
      %dot_general3A_133 = arith.constant dense<0.000000e+00> : vector<64x64xf32>
      %dot_general3A_134 = tpu.matmul %max3A_129, %get3A_132, %dot_general3A_133 {dimension_numbers = #tpu.dot_dimension_numbers<[1], [0], [0], [1], [0, 0, 1, 1], [], []>, transpose_lhs_hint = false} : vector<64x128xf32>, vector<128x64xf32>, vector<64x64xf32> -> vector<64x64xf32>
      %get3A_135 = arith.constant 0 : index
      %get3A_136 = vector.load %arg17[%get3A_135] : memref<64xf32, #tpu.memory_space<vmem>>, vector<64xf32>
      %broadcast_in_dim3A_137 = vector.shape_cast %get3A_136 : vector<64xf32> to vector<1x64xf32>
      %add3A_138 = vector.broadcast %broadcast_in_dim3A_137 : vector<1x64xf32> to vector<64x64xf32>
      %add3A_139 = arith.addf %dot_general3A_134, %add3A_138 : vector<64x64xf32>
      %max3A_140 = arith.constant 0.000000e+00 : f32
      %max3A_141 = vector.broadcast %max3A_140 : f32 to vector<64x64xf32>
      %max3A_142 = arith.maximumf %add3A_139, %max3A_141 : vector<64x64xf32>
      %get3A_143 = arith.constant 0 : index
      %get3A_144 = arith.constant 0 : index
      %get3A_145 = vector.load %arg18[%get3A_143, %get3A_144] : memref<64x2xf32, #tpu.memory_space<vmem>>, vector<64x2xf32>
      %dot_general3A_146 = arith.constant dense<0.000000e+00> : vector<64x2xf32>
      %dot_general3A_147 = tpu.matmul %max3A_142, %get3A_145, %dot_general3A_146 {dimension_numbers = #tpu.dot_dimension_numbers<[1], [0], [0], [1], [0, 0, 1, 1], [], []>, transpose_lhs_hint = false} : vector<64x64xf32>, vector<64x2xf32>, vector<64x2xf32> -> vector<64x2xf32>
      %get3A_148 = arith.constant 0 : index
      %get3A_149 = vector.load %arg19[%get3A_148] : memref<2xf32, #tpu.memory_space<vmem>>, vector<2xf32>
      %broadcast_in_dim3A_150 = vector.shape_cast %get3A_149 : vector<2xf32> to vector<1x2xf32>
      %add3A_151 = vector.broadcast %broadcast_in_dim3A_150 : vector<1x2xf32> to vector<64x2xf32>
      %add3A_152 = arith.addf %dot_general3A_147, %add3A_151 : vector<64x2xf32>
      %reduce_max3A = arith.constant dense<0xFF800000> : vector<64xf32>
      %reduce_max3A_153 = vector.multi_reduction <maximumf>, %add3A_152, %reduce_max3A [1] : vector<64x2xf32> to vector<64xf32>
      %broadcast_in_dim3A_154 = vector.shape_cast %reduce_max3A_153 : vector<64xf32> to vector<64x1xf32>
      %sub3A = vector.broadcast %broadcast_in_dim3A_154 : vector<64x1xf32> to vector<64x2xf32>
      %sub3A_155 = arith.subf %add3A_152, %sub3A : vector<64x2xf32>
      %exp3A = math.exp %sub3A_155 : vector<64x2xf32>
      %reduce_sum3A = arith.constant dense<0.000000e+00> : vector<64xf32>
      %reduce_sum3A_156 = vector.multi_reduction <add>, %exp3A, %reduce_sum3A [1] : vector<64x2xf32> to vector<64xf32>
      %broadcast_in_dim3A_157 = vector.shape_cast %reduce_sum3A_156 : vector<64xf32> to vector<64x1xf32>
      %log3A = math.log %broadcast_in_dim3A_157 : vector<64x1xf32>
      %add3A_158 = arith.addf %broadcast_in_dim3A_154, %log3A : vector<64x1xf32>
      %sub3A_159 = vector.broadcast %add3A_158 : vector<64x1xf32> to vector<64x2xf32>
      %sub3A_160 = arith.subf %add3A_152, %sub3A_159 : vector<64x2xf32>
      %swap3A = arith.constant 0 : index
      %swap3A_161 = arith.constant 0 : index
      %swap3A_162 = vector.load %arg20[%swap3A, %swap3A_161] : memref<64x2xf32, #tpu.memory_space<vmem>>, vector<64x2xf32>
      tpu.vector_store %arg20[%swap3A, %swap3A_161], %sub3A_160 {strides = array<i32>} : memref<64x2xf32, #tpu.memory_space<vmem>>, vector<64x2xf32>,
    } else {
    }
    return
  }
  func.func @transform_0(%arg0: i32) -> (i32, i32, i32) {
    %c0_i32 = arith.constant 0 : i32
    %c0_i32_0 = arith.constant 0 : i32
    %c0_i32_1 = arith.constant 0 : i32
    return %arg0, %c0_i32, %c0_i32_0 : i32, i32, i32
  }
  func.func @transform_1(%arg0: i32) -> (i32, i32) {
    %c0_i32 = arith.constant 0 : i32
    %c0_i32_0 = arith.constant 0 : i32
    return %arg0, %c0_i32 : i32, i32
  }
  func.func @transform_2(%arg0: i32) -> (i32, i32) {
    %c0_i32 = arith.constant 0 : i32
    %c0_i32_0 = arith.constant 0 : i32
    return %arg0, %c0_i32 : i32, i32
  }
  func.func @transform_3(%arg0: i32) -> (i32, i32, i32) {
    %c0_i32 = arith.constant 0 : i32
    %c0_i32_0 = arith.constant 0 : i32
    %c0_i32_1 = arith.constant 0 : i32
    return %c0_i32, %arg0, %c0_i32_0 : i32, i32, i32
  }
  func.func @transform_4(%arg0: i32) -> (i32, i32, i32) {
    %c0_i32 = arith.constant 0 : i32
    %c0_i32_0 = arith.constant 0 : i32
    %c0_i32_1 = arith.constant 0 : i32
    return %c0_i32, %arg0, %c0_i32_0 : i32, i32, i32
  }
  func.func @transform_5(%arg0: i32) -> (i32, i32) {
    %c0_i32 = arith.constant 0 : i32
    %c0_i32_0 = arith.constant 0 : i32
    %c0_i32_1 = arith.constant 0 : i32
    return %c0_i32, %c0_i32_0 : i32, i32
  }
  func.func @transform_6(%arg0: i32) -> (i32, i32) {
    %c0_i32 = arith.constant 0 : i32
    %c0_i32_0 = arith.constant 0 : i32
    %c0_i32_1 = arith.constant 0 : i32
    return %c0_i32, %c0_i32_0 : i32, i32
  }
  func.func @transform_7(%arg0: i32) -> i32 {
    %c0_i32 = arith.constant 0 : i32
    %c0_i32_0 = arith.constant 0 : i32
    return %c0_i32 : i32
  }
  func.func @transform_8(%arg0: i32) -> (i32, i32) {
    %c0_i32 = arith.constant 0 : i32
    %c0_i32_0 = arith.constant 0 : i32
    %c0_i32_1 = arith.constant 0 : i32
    return %c0_i32, %c0_i32_0 : i32, i32
  }
  func.func @transform_9(%arg0: i32) -> (i32, i32) {
    %c0_i32 = arith.constant 0 : i32
    %c0_i32_0 = arith.constant 0 : i32
    %c0_i32_1 = arith.constant 0 : i32
    return %c0_i32, %c0_i32_0 : i32, i32
  }
  func.func @transform_10(%arg0: i32) -> i32 {
    %c0_i32 = arith.constant 0 : i32
    %c0_i32_0 = arith.constant 0 : i32
    return %c0_i32 : i32
  }
  func.func @transform_11(%arg0: i32) -> (i32, i32) {
    %c0_i32 = arith.constant 0 : i32
    %c0_i32_0 = arith.constant 0 : i32
    %c0_i32_1 = arith.constant 0 : i32
    return %c0_i32, %c0_i32_0 : i32, i32
  }
  func.func @transform_12(%arg0: i32) -> (i32, i32) {
    %c0_i32 = arith.constant 0 : i32
    %c0_i32_0 = arith.constant 0 : i32
    %c0_i32_1 = arith.constant 0 : i32
    return %c0_i32, %c0_i32_0 : i32, i32
  }
  func.func @transform_13(%arg0: i32) -> (i32, i32) {
    %c0_i32 = arith.constant 0 : i32
    %c0_i32_0 = arith.constant 0 : i32
    %c0_i32_1 = arith.constant 0 : i32
    return %c0_i32, %c0_i32_0 : i32, i32
  }
  func.func @transform_14(%arg0: i32) -> i32 {
    %c0_i32 = arith.constant 0 : i32
    %c0_i32_0 = arith.constant 0 : i32
    return %c0_i32 : i32
  }
  func.func @transform_15(%arg0: i32) -> (i32, i32) {
    %c0_i32 = arith.constant 0 : i32
    %c0_i32_0 = arith.constant 0 : i32
    %c0_i32_1 = arith.constant 0 : i32
    return %c0_i32, %c0_i32_0 : i32, i32
  }
  func.func @transform_16(%arg0: i32) -> i32 {
    %c0_i32 = arith.constant 0 : i32
    %c0_i32_0 = arith.constant 0 : i32
    return %c0_i32 : i32
  }
  func.func @transform_17(%arg0: i32) -> (i32, i32) {
    %c0_i32 = arith.constant 0 : i32
    %c0_i32_0 = arith.constant 0 : i32
    %c0_i32_1 = arith.constant 0 : i32
    return %c0_i32, %c0_i32_0 : i32, i32
  }
  func.func @transform_18(%arg0: i32) -> i32 {
    %c0_i32 = arith.constant 0 : i32
    %c0_i32_0 = arith.constant 0 : i32
    return %c0_i32 : i32
  }
  func.func @transform_19(%arg0: i32) -> (i32, i32) {
    %c0_i32 = arith.constant 0 : i32
    %c0_i32_0 = arith.constant 0 : i32
    %c0_i32_1 = arith.constant 0 : i32
    return %c0_i32, %c0_i32_0 : i32, i32
  }
  func.func @transform_20(%arg0: i32) -> (i32, i32) {
    %c0_i32 = arith.constant 0 : i32
    %c0_i32_0 = arith.constant 0 : i32
    %c0_i32_1 = arith.constant 0 : i32
    return %c0_i32, %c0_i32_0 : i32, i32
  }
  func.func @transform_21(%arg0: i32) -> (i32, i32) {
    %c0_i32 = arith.constant 0 : i32
    %c0_i32_0 = arith.constant 0 : i32
    %c0_i32_1 = arith.constant 0 : i32
    return %c0_i32, %c0_i32_0 : i32, i32
  }
}

</mosaic_0001>

<sc_bundles>
// kernel: kernel.6.cloned.1.call-start
scs
__scs_entry_jumppad:
0x0: {  	(pc) =	sbr.rel $0x88, $3  }
0x1: {  	(tag) =	ssettag $0x0;
	lr =	simm.s32 $0x1  }
0x2: {  	[smem:$0x3F8A] =	sst lr;
	_ =	strace $0xD0000000  }
0x3: {  	_ = 	snop  }
0x4: {  	_ = 	snop  }
0x5: {  	_ = 	snop  }
0x6: {  	_ = 	snop  }
0x7: {  	_ = 	snop  }
__scs_overlays_trampoline_lowered:
0x8: {  	[smem:$0x3F99] =	sst s0  }
0x9: {  	[smem:$0x3F9A] =	sst s1  }
0xa: {  	[smem:$0x3F9B] =	sst s2  }
0xb: {  	[smem:$0x3F9C] =	sst s3  }
0xc: {  	[smem:$0x3F9D] =	sst s4  }
0xd: {  	[smem:$0x3F9E] =	sst s5  }
0xe: {  	[smem:$0x3F9F] =	sst s6  }
0xf: {  	[smem:$0x3FA0] =	sst s7  }
0x10: {  	[smem:$0x3FA1] =	sst s8  }
0x11: {  	[smem:$0x3FA2] =	sst s9;
	s0 =	simm.s32 @!p0 $0x0  }
0x12: {  	s1 =	sld [smem:$0x3F88];
	s0 =	simm.s32 @p0 $0x1  }
0x13: {  	[smem:$0x3FA3] =	sst s0;
	s0 =	simm.s32 @!p1 $0x0  }
0x14: {  	s2 =	sld [smem:$0x3F87];
	s0 =	simm.s32 @p1 $0x1  }
0x15: {  	[smem:$0x3FA4] =	sst s0;
	s0 =	simm.s32 @!p2 $0x0  }
0x16: {  	s3 =	sld [smem:$0x3FDB];
	s0 =	simm.s32 @p2 $0x1  }
0x17: {  	s4 =	simm.s32 $0x1BF5;
	[smem:$0x3FA6] =	sst s0  }
0x18: {  	s0 =	sld [smem:$0x3F89];
	_ =	swait.ge [sflag:s4], $0x0  }
0x19: {  	s7 =	sld [smem:$0x3F8A]  }
0x1a: {  	s8 =	sadd.s32 $0xFFFFE003, lr  }
0x1b: {  	s9 =	sadd.s32 $0xFFFFFEF7, lr;
	s5 =	simm.s32 $0xFFFFFFFF;
	p2 =	slt.u32 s8, $0xFFFFF086  }
0x1c: {  	p1 =	slt.u32 s9, $0xF7A;
	s5 =	simm.s32 @!p2 $0x0  }
0x1d: {  	s5 =	simm.s32 @p1 $0x1;
	p0 =	seq.s32 s7, s2  }
0x1e: {  	s7 =	smul.u32 @!p0 $0xF7A, s2;
	p2 =	seq.s32 @!p0 s5, $0x0  }
0x1f: {  	s9 =	smul.u32 $0xF7A, s1;
	s8 =	simm.s32 @!p0 $0x1BF5;
	p2 =	por !p2, p0  }
0x20: {  	[sflag:s8] =	ssyncset.s32 @!p0 $0xFFFFF086;
	s6 =	sadd.s32 @!p0 s3, s7;
	s7 =	simm.s32 @!p0 $0x108  }
0x21: {  	s3 =	sadd.s32 s3, s9;
	s6 =	sadd.s32 @!p0 $0x88, s6;
	s7 =	simm.s32 @p2 $0x1082  }
0x22: {  	[simem:s7], [sflag:s8] =	dma.local @!p0 [hbm:s6], $0xF7A  }
0x23: {  	s9 =	sor.u32 $0xD0000000, s2;
	s6 =	simm.s32 $0x108;
	_ =	swait.ge @!p0 [sflag:s8], $0x0  }
0x24: {  	s3 =	sadd.s32 $0x88, s3;
	s6 =	simm.s32 @!p1 $0x1082;
	[sflag:s4] =	ssyncset.s32 $0xFFFFF086  }
0x25: {  	[simem:s6], [sflag:s4] =	dma.local [hbm:s3], $0xF7A  }
0x26: {  	[smem:$0x3F8A] =	sst s1;
	(tag) =	ssettag s2;
	_ =	strace s9  }
0x27: {  	s1 =	sld [smem:$0x3F9A]  }
0x28: {  	s2 =	sld [smem:$0x3F9B]  }
0x29: {  	s4 =	sld [smem:$0x3F9D]  }
0x2a: {  	p0 =	seq.s32 s5, $0x0;
	s5 =	sld [smem:$0x3F9E]  }
0x2b: {  	s6 =	sld [smem:$0x3F9F]  }
0x2c: {  	s7 =	sld [smem:$0x3FA0]  }
0x2d: {  	s3 =	simm.s32 $0x108;
	s8 =	sld [smem:$0x3FA1]  }
0x2e: {  	s3 =	simm.s32 @!p0 $0x1082;
	s9 =	sld [smem:$0x3FA2]  }
0x2f: {  	lr =	sadd.s32 s0, s3;
	s0 =	sld [smem:$0x3F99]  }
0x30: {  	s3 =	sld [smem:$0x3F9C]  }
0x31: {  	[smem:$0x3FA5] =	sst s10  }
0x32: {  	s10 =	sld [smem:$0x3FA3];
	_ =	sdelay $0x3  }
0x33: {  	p0 =	seq.s32 s10, $0x1;
	s10 =	sld [smem:$0x3FA5];
	_ =	sdelay $0x3  }
0x34: {  	[smem:$0x3FA5] =	sst s10  }
0x35: {  	s10 =	sld [smem:$0x3FA4];
	_ =	sdelay $0x3  }
0x36: {  	p1 =	seq.s32 s10, $0x1;
	s10 =	sld [smem:$0x3FA5];
	_ =	sdelay $0x3  }
0x37: {  	[smem:$0x3FA5] =	sst s10  }
0x38: {  	s10 =	sld [smem:$0x3FA6]  }
0x39: {  	_ = 	snop;
	(pc) =	sbr.ind lr, $3  }
0x3a: {  	_ = 	snop  }
0x3b: {  	_ = 	snop  }
0x3c: {  	p2 =	seq.s32 s10, $0x1;
	s10 =	sld [smem:$0x3FA5]  }
0x3d: {  	_ =	shalt  }
0x3e: {  	_ =	shalt  }
0x3f: {  	_ =	shalt  }
0x40: {  	_ =	shalt  }
0x41: {  	_ =	shalt  }
0x42: {  	_ =	shalt  }
0x43: {  	_ =	shalt  }
0x44: {  	_ =	shalt  }
0x45: {  	_ =	shalt  }
0x46: {  	_ =	shalt  }
0x47: {  	_ =	shalt  }
0x48: {  	_ =	shalt  }
0x49: {  	_ =	shalt  }
0x4a: {  	_ =	shalt  }
0x4b: {  	_ =	shalt  }
0x4c: {  	_ =	shalt  }
0x4d: {  	_ =	shalt  }
0x4e: {  	_ =	shalt  }
0x4f: {  	_ =	shalt  }
0x50: {  	_ =	shalt  }
0x51: {  	_ =	shalt  }
0x52: {  	_ =	shalt  }
0x53: {  	_ =	shalt  }
0x54: {  	_ =	shalt  }
0x55: {  	_ =	shalt  }
0x56: {  	_ =	shalt  }
0x57: {  	_ =	shalt  }
0x58: {  	_ =	shalt  }
0x59: {  	_ =	shalt  }
0x5a: {  	_ =	shalt  }
0x5b: {  	_ =	shalt  }
0x5c: {  	_ =	shalt  }
0x5d: {  	_ =	shalt  }
0x5e: {  	_ =	shalt  }
0x5f: {  	_ =	shalt  }
0x60: {  	_ =	shalt  }
0x61: {  	_ =	shalt  }
0x62: {  	_ =	shalt  }
0x63: {  	_ =	shalt  }
0x64: {  	_ =	shalt  }
0x65: {  	_ =	shalt  }
0x66: {  	_ =	shalt  }
0x67: {  	_ =	shalt  }
0x68: {  	_ =	shalt  }
0x69: {  	_ =	shalt  }
0x6a: {  	_ =	shalt  }
0x6b: {  	_ =	shalt  }
0x6c: {  	_ =	shalt  }
0x6d: {  	_ =	shalt  }
0x6e: {  	_ =	shalt  }
0x6f: {  	_ =	shalt  }
0x70: {  	_ =	shalt  }
0x71: {  	_ =	shalt  }
0x72: {  	_ =	shalt  }
0x73: {  	_ =	shalt  }
0x74: {  	_ =	shalt  }
0x75: {  	_ =	shalt  }
0x76: {  	_ =	shalt  }
0x77: {  	_ =	shalt  }
0x78: {  	_ =	shalt  }
0x79: {  	_ =	shalt  }
0x7a: {  	_ =	shalt  }
0x7b: {  	_ =	shalt  }
0x7c: {  	_ =	shalt  }
0x7d: {  	_ =	shalt  }
0x7e: {  	_ =	shalt  }
0x7f: {  	_ =	shalt  }
0x80: {  	_ =	shalt  }
0x81: {  	_ =	shalt  }
0x82: {  	_ =	shalt  }
0x83: {  	_ =	shalt  }
0x84: {  	_ =	shalt  }
0x85: {  	_ =	shalt  }
0x86: {  	_ =	shalt  }
0x87: {  	_ =	shalt  }
.Lfunc_end0:
.L_simem_size_0:
called_computation_lowered:
.L_overlay_start_0:
0x88: {  	s2 =	sld [smem:$0x3FD9]  }
0x89: {  	s3 =	sld [smem:$0x3FFE];
	_ =	sdelay $0x1  }
0x8a: {  	s1 =	srdreg.scid  }
0x8b: {  	s0 =	sand.u32 $0x1, s1  }
0x8c: {  	s17 =	sshll.u32 s0, $0xA;
	s2 =	sadd.s32 s3, s2  }
0x8d: {  	s2 =	sadd.s32 s2, s17  }
0x8e: {  	[smem:$0x3FB1] =	sst s2  }
0x8f: {  	_ = 	snop  }
0x90: {  	s2 =	sld [smem:$0x3FC9]  }
0x91: {  	s18 =	sld [smem:$0x3FC8];
	(tm) =	ssettm $0x1  }
0x92: {  	s4 =	sld [smem:$0x3FFB];
	_ =	sdelay $0x3  }
0x93: {  	_ =	strace s4  }
0x94: {  	s4 =	sld [smem:$0x3FFC];
	_ =	sdelay $0x3  }
0x95: {  	_ =	strace s4  }
0x96: {  	s4 =	sld [smem:$0x3FFD];
	_ =	sdelay $0x3  }
0x97: {  	_ =	strace s4  }
0x98: {  	_ =	strace $0x8FFFFFFF  }
0x99: {  	s19 =	sld [smem:$0x3FDB];
	_ =	sdelay $0x1  }
0x9a: {  	s5 =	simm.s32 $_scs_section_size  }
0x9b: {  	s6 =	simm.s32 $_size__tile_overlayer_lowered;
	s7 =	simm.s32 $_tile_overlayer_lowered  }
0x9c: {  	s22 =	simm.s32 $0x1BFF;
	s21 =	sshll.u32 s7, $0x1;
	s4 =	sadd.s32 s5, s19  }
0x9d: {  	s8 =	simm.s32 $0x0;
	s20 =	sshll.u32 s6, $0x1;
	s6 =	sadd.s32 s21, s4  }
0x9e: {  	[timem:s8], [sflag:s22] =	dma.local [hbm:s6], s20  }
0x9f: {  	_ =	swait.ge [sflag:s22], s20  }
0xa0: {  	s5 =	ssub.s32 $0x0, s20;
	[sflag:s22] =	ssyncset.done $0x0  }
0xa1: {  	[sflag:s22] =	ssyncadd.s32 s5;
	_ =	sdelay $0x1  }
0xa2: {  	s23 =	simm.s32 $0x1B8B  }
0xa3: {  	_ =	swait.ge [sflag:s23], $0x1  }
0xa4: {  	[sflag:s23] =	ssyncset.done $0x0  }
0xa5: {  	s25 =	simm.s32 $0x1B8E;
	s24 =	sld [smem:$0x3FFE];
	[sflag:s23] =	ssyncadd.s32 $0xFFFFFFFF  }
0xa6: {  	s26 =	simm.s32 $execute0_lowered;
	[smem:$0x3FD2] =	sst s25  }
0xa7: {  	s6 =	sshll.u32 s26, $0x1;
	_ =	strace $0x80000046;
	[dreg:$0x1] =	wrdreg $0xFFFFFFFF  }
0xa8: {  	s28 =	simm.s32 $_size_execute0_lowered;
	s4 =	sadd.s32 s4, s6;
	[dreg:$0x0] =	wrdreg $0x0  }
0xa9: {  	s6 =	sshll.u32 s28, $0x1;
	[dreg:$0x2] =	wrdreg s4  }
0xaa: {  	[dreg:$0x3] =	wrdreg s6  }
0xab: {  	[dreg:$0x4] =	wrdreg $0xC0  }
0xac: {  	_ =	task [dreg:s8], $0x5FFFF  }
0xad: {  	[dreg:$0x1] =	wrdreg $0xFFFFFFFF  }
0xae: {  	[dreg:$0x0] =	wrdreg $0x60  }
0xaf: {  	[dreg:$0x2] =	wrdreg s2  }
0xb0: {  	[dreg:$0x3] =	wrdreg s18  }
0xb1: {  	[dreg:$0x4] =	wrdreg s24  }
0xb2: {  	[dreg:$0x5] =	wrdreg $0x96000  }
0xb3: {  	[dreg:$0x6] =	wrdreg $0x1CE800  }
0xb4: {  	[dreg:$0x7] =	wrdreg $0x9  }
0xb5: {  	_ =	task.clear_ibuf [dreg:s8], $0x8FFFF;
	_ =	strace $0x90000046  }
0xb6: {  	s29 =	simm.s32 $0x9;
	_ =	strace $0x80000048  }
0xb7: {  	_ =	swait.ge [sflag:s29], $0x1  }
0xb8: {  	[sflag:s29] =	ssyncadd.s32 $0xFFFFFFFF  }
0xb9: {  	_ =	strace $0x90000048  }
0xba: {  	_ =	sfence  }
0xbb: {  	s30 =	sld [smem:$0x0];
	_ =	sdelay $0x2  }
0xbc: {  	s31 =	sshll.u32 s1, $0xD;
	s1 =	sshrl.u32 s1, $0x2  }
0xbd: {  	s3 =	sand.u32 $0x4000, s31;
	s1 =	sadd.s32 s1, s30  }
0xbe: {  	s0 =	sor.u32 s3, s0;
	s1 =	sshll.u32 s1, $0x11  }
0xbf: {  	s0 =	sor.u32 s1, s0  }
0xc0: {  	s0 =	sadd.s32 $0x8F2B, s0  }
0xc1: {  	[sflag:s0] =	ssyncadd.remote.s32 $0x1  }
0xc2: {  	_ =	sfence.sel $0xFFFF  }
0xc3: {  	[dreg:$0x0] =	wrdreg $0xFFFFFFFF;
	(pc) =	sbr.abs _section_cstart, $3  }
0xc4: {  	[dreg:$0x1] =	wrdreg $0xFFFFFFFF  }
0xc5: {  	_ =	task.clear_ibuf [dreg:s8], $0x2FFFF;
	_ =	strace $0x9FFFFFFF  }
0xc6: {  	(tm) =	ssettm $0x7FFFFFFF  }
0xc7: {  	_ =	shalt  }
tec
execute0_lowered:
.L_overlay_start_1:
0x0: {  	(tag) =	ssettag $0x1  }
0x1: {  	s1 =	rddreg [dreg:$0x0]  }
0x2: {  	s2 =	rddreg [dreg:$0x1]  }
0x3: {  	s7 =	rddreg [dreg:$0x2]  }
0x4: {  	s3 =	rddreg [dreg:$0x3]  }
0x5: {  	s4 =	rddreg [dreg:$0x4]  }
0x6: {  	s5 =	simm.s32 $0x0;
	s6 =	srdreg.scid;
	s0 =	stileid.u32  }
0x7: {  	s28 =	simm.s32 $0x4200;
	s29 =	simm.s32 $0x3;
	[smem:$0x7FF] =	sst s5  }
0x8: {  	s8 =	sand.u32 $0x1, s6;
	s9 =	smul.u32 $0x270, s0;
	s10 =	sadd.s32 $0x2CE00, s7  }
0x9: {  	s11 =	sadd.s32 $0x2C400, s7;
	s16 =	smul.u32 $0x13800, s0;
	p1 =	sne.s32 s0, $0x0  }
0xa: {  	_ =	strace $0x80000047;
	s6 =	ssub.s32 $0x2, s8;
	s13 =	smul.u32 $0x138800, s8  }
0xb: {  	p0 =	seq.s32 s8, $0x1;
	s12 =	sshrl.u32 s6, $0x1;
	s24 =	sshll.u32 s9, $0x7  }
0xc: {  	s8 =	smul.u32 $0x2710, s8;
	s6 =	ssub.s32 s6, s12;
	s14 =	sadd.s32 $0x3400, s24  }
0xd: {  	s15 =	sadd.s32 $0x6800, s24;
	s17 =	sadd.s32 $0x9C00, s24;
	s18 =	sadd.s32 $0xD000, s24  }
0xe: {  	s12 =	sadd.s32 $0x10400, s24;
	s16 =	sadd.s32 s16, s13;
	s23 =	sadd.s32 s9, s8  }
0xf: {  	s8 =	sshrl.u32 s8, $0x3;
	s9 =	sadd.s32 s9, s4;
	s19 =	sadd.s32 s13, s14  }
0x10: {  	s16 =	sshrl.u32 s16, $0x3;
	s20 =	sadd.s32 s13, s15;
	s22 =	sadd.s32 s13, s12  }
0x11: {  	s24 =	sshrl.u32 s23, $0x3;
	s15 =	sadd.s32 s15, s3;
	[dreg:$0x16] =	wrdreg s9  }
0x12: {  	s12 =	sadd.s32 s12, s3;
	s19 =	sshrl.u32 s19, $0x3;
	[dreg:$0x12] =	wrdreg s15  }
0x13: {  	s16 =	sadd.s32 s10, s16;
	s26 =	sshrl.u32 s20, $0x3;
	[dreg:$0x15] =	wrdreg s12  }
0x14: {  	s20 =	sadd.s32 s13, s18;
	s18 =	sadd.s32 s18, s3;
	[dreg:$0x6] =	wrdreg s16  }
0x15: {  	s8 =	sadd.s32 s11, s8;
	s25 =	sadd.s32 s10, s19;
	[dreg:$0x14] =	wrdreg s18  }
0x16: {  	s16 =	sadd.s32 s10, s26;
	s19 =	sadd.s32 s13, s17;
	[dreg:$0x7] =	wrdreg s25  }
0x17: {  	s17 =	sadd.s32 s17, s3;
	[dreg:$0x8] =	wrdreg s16;
	s16 =	sshrl.u32 s19, $0x3  }
0x18: {  	s19 =	sshrl.u32 s20, $0x3;
	s20 =	sadd.s32 $0x4C00, s7;
	[dreg:$0x13] =	wrdreg s17  }
0x19: {  	s9 =	simm.s32 $0x80;
	s16 =	sadd.s32 s10, s16;
	[dreg:$0x10] =	wrdreg s20  }
0x1a: {  	s13 =	sshrl.u32 s13, $0x3;
	s21 =	sadd.s32 s10, s19;
	[dreg:$0x9] =	wrdreg s16  }
0x1b: {  	s19 =	sadd.s32 $0xEA00, s7;
	[dreg:$0xa] =	wrdreg s21;
	s16 =	sshrl.u32 s22, $0x3  }
0x1c: {  	s25 =	smul.u32 $0x4E000, s0;
	[dreg:$0xf] =	wrdreg s19;
	s16 =	sadd.s32 s10, s16  }
0x1d: {  	s10 =	sadd.s32 s10, s13;
	s13 =	sadd.s32 s14, s3;
	[dreg:$0xb] =	wrdreg s16  }
0x1e: {  	s17 =	smul.u32 $0x9C4, s0;
	s16 =	sadd.s32 s11, s24;
	[dreg:$0x11] =	wrdreg s13  }
0x1f: {  	s14 =	smul.u32 $0x4E20, s0;
	s18 =	sadd.s32 $0x27000, s10;
	[dreg:$0xc] =	wrdreg s16  }
0x20: {  	s26 =	sshrl.u32 s25, $0x2;
	s11 =	sadd.s32 $0x18800, s7;
	[smem:$0x7F9] =	sst s18  }
0x21: {  	s16 =	sadd.s32 $0x22600, s7;
	s7 =	sshrl.u32 s14, $0x3;
	[dreg:$0xd] =	wrdreg s11  }
0x22: {  	s26 =	sadd.s32 s26, s3;
	s21 =	sadd.s32 s11, s7;
	[dreg:$0xe] =	wrdreg s16  }
0x23: {  	s0 =	sadd.s32 s17, s20;
	s22 =	sadd.s32 s16, s7;
	[dreg:$0x17] =	wrdreg s21  }
0x24: {  	s10 =	simm.s32 $0x180;
	s24 =	sadd.s32 $0x9C0, s7;
	[dreg:$0x18] =	wrdreg s22  }
0x25: {  	s31 =	sadd.s32 s17, s11;
	s25 =	sadd.s32 s19, s7;
	[dreg:$0x19] =	wrdreg s24  }
0x26: {  	s23 =	sadd.s32 $0x10, s7;
	s7 =	sadd.s32 s20, s7;
	[dreg:$0x1a] =	wrdreg s25  }
0x27: {  	s18 =	simm.s32 $0x4;
	s30 =	sadd.s32 s17, s16;
	[dreg:$0x1b] =	wrdreg s7  }
0x28: {  	s12 =	sadd.s32 s11, s23;
	s13 =	sadd.s32 s16, s23;
	s14 =	sadd.s32 s19, s23  }
0x29: {  	s15 =	sadd.s32 s20, s23;
	s21 =	sadd.s32 $0x4E0, s8;
	[dreg:$0x1c] =	wrdreg s12  }
0x2a: {  	s22 =	smax.u32 s6, $0x1;
	s24 =	sadd.s32 s17, s19;
	[dreg:$0x1d] =	wrdreg s13  }
0x2b: {  	s23 =	sadd.s32 $0x138000, s3;
	s25 =	sadd.s32 $0x2700, s4;
	[dreg:$0x1e] =	wrdreg s14  }
0x2c: {  	s16 =	simm.s32 $0x9;
	s7 =	simm.s32 $0x100;
	[dreg:$0x1f] =	wrdreg s15  }
.Ltmp0:
0x2d: {  	s8 =	simm.s32 $0x5;
	[smem:$0x7FA] =	sst s21;
	(pc) =	sbr.rel .LBB2_1-.Ltmp0, $4  }
0x2e: {  	s11 =	simm.s32 $0x1;
	s6 =	simm.s32 $0x7;
	[smem:$0x7FB] =	sst s22  }
0x2f: {  	s17 =	simm.s32 $0x2;
	s19 =	simm.s32 $0x8;
	[smem:$0x7FC] =	sst s23  }
0x30: {  	s20 =	simm.s32 $0x0;
	[smem:$0x7FD] =	sst s25;
	s15 =	simm.s32 $0x200  }
0x31: {  	v0 =	vimm.f32 $0.0e+00;
	v1 =	vimm.f32 $1.000000000e+00;
	s14 =	simm.s32 $0x9300;
	s12 =	simm.s32 $0x9580;
	s25 =	simm.s32 $0x6  }
.LBB2_6:
0x32: {  	[tilespmem:s10], [sflag:$0x6] =	stream.linear.gather [hbm4b:s22+s5], $0x80, $0x38;
	[tilespmem:$0x1D0F8] =	vst v63  }
0x33: {  	s23 =	rddreg [dreg:$0xd]  }
0x34: {  	s21 =	smov.u32 s1;
	s22 =	rddreg [dreg:$0xe]  }
.LBB2_10:
0x35: {  	_ =	swait.ge [sflag:s11], $0x4000  }
0x36: {  	[sflag:s11] =	ssyncset.done $0x0  }
0x37: {  	[sflag:s11] =	ssyncadd.s32 $0xFFFFC000  }
0x38: {  	[spmem:s3] =	stream.indirect.scatter.add.f32 [tilespmem:s15], [sflag:$0x3], $0x80, s7, s9, $0xb8;
	[tilespmem:$0x1D0F8] =	vst v63  }
0x39: {  	_ = 	snop  }
0x3a: {  	[spmem:s4] =	stream.indirect.scatter.add.f32 [tilespmem:s12], [sflag:$0x7], $0x1, s7, s9, $0xb8;
	[tilespmem:$0x1D0F8] =	vst v63  }
0x3b: {  	_ =	swait.ge [sflag:s25], $0x80  }
0x3c: {  	[sflag:s25] =	ssyncset.done $0x0  }
0x3d: {  	[sflag:s25] =	ssyncadd.s32 $0xFFFFFF80  }
0x3e: {  	_ =	swait.ge [sflag:s25], $0x80  }
0x3f: {  	[sflag:s25] =	ssyncset.done $0x0  }
0x40: {  	[sflag:s25] =	ssyncadd.s32 $0xFFFFFF80  }
0x41: {  	[tilespmem:s28], [sflag:$0x2] =	stream.indirect.gather [hbm4b:s21+s9], $0x80, s9, s9, $0xb8;
	[tilespmem:$0x1D0F8] =	vst v63  }
0x42: {  	_ =	swait.ge [sflag:s29], $0x4000  }
0x43: {  	[sflag:s29] =	ssyncset.done $0x0  }
0x44: {  	[sflag:s29] =	ssyncadd.s32 $0xFFFFC000  }
0x45: {  	_ =	swait.ge [sflag:s6], $0x80  }
0x46: {  	[sflag:s6] =	ssyncset.done $0x0  }
0x47: {  	[sflag:s6] =	ssyncadd.s32 $0xFFFFFF80  }
0x48: {  	_ =	swait.ge [sflag:s17], $0x4000  }
0x49: {  	[sflag:s17] =	ssyncset.done $0x0  }
0x4a: {  	[sflag:s17] =	ssyncadd.s32 $0xFFFFC000  }
0x4b: {  	[spmem:s3] =	stream.indirect.scatter.add.f32 [tilespmem:s28], [sflag:$0x4], $0x80, s10, s9, $0xb8;
	[tilespmem:$0x1D0F8] =	vst v63  }
0x4c: {  	_ = 	snop  }
0x4d: {  	[spmem:s4] =	stream.indirect.scatter.add.f32 [tilespmem:s12], [sflag:$0x8], $0x1, s10, s9, $0xb8;
	[tilespmem:$0x1D0F8] =	vst v63  }
0x4e: {  	_ =	swait.ge [sflag:s18], $0x4000  }
0x4f: {  	[sflag:s18] =	ssyncset.done $0x0  }
0x50: {  	[sflag:s18] =	ssyncadd.s32 $0xFFFFC000  }
0x51: {  	_ =	swait.ge [sflag:s19], $0x80  }
0x52: {  	[sflag:s19] =	ssyncset.done $0x0;
	s26 =	rddreg [dreg:$0x19]  }
0x53: {  	s14 =	simm.s32 $0x8200;
	s23 =	sadd.s32 s23, s26;
	[sflag:s19] =	ssyncadd.s32 $0xFFFFFF80  }
0x54: {  	[tilespmem:s14], [sflag:$0x9] =	stream.linear.gather [hbm4b:s23+s5], $0x20, $0x38;
	[tilespmem:$0x1D0F8] =	vst v63  }
0x55: {  	_ =	swait.ge [sflag:s16], $0x20  }
0x56: {  	[sflag:s16] =	ssyncset.done $0x0  }
0x57: {  	s22 =	sadd.s32 s22, s26;
	s23 =	simm.s32 $0x8280;
	[sflag:s16] =	ssyncadd.s32 $0xFFFFFFE0  }
0x58: {  	[tilespmem:s23], [sflag:$0x9] =	stream.linear.gather [hbm4b:s22+s5], $0x20, $0x38;
	[tilespmem:$0x1D0F8] =	vst v63  }
0x59: {  	_ =	swait.ge [sflag:s16], $0x20  }
0x5a: {  	[sflag:s16] =	ssyncset.done $0x0  }
0x5b: {  	s26 =	simm.s32 $0x8300;
	s22 =	simm.s32 $0x20;
	[sflag:s16] =	ssyncadd.s32 $0xFFFFFFE0  }
0x5c: {  	[tilespmem:s26], [sflag:$0x1] =	stream.indirect.gather [hbm4b:s21+s22], $0x80, s14, s22, $0xb8;
	[tilespmem:$0x1D0F8] =	vst v63  }
0x5d: {  	_ =	swait.ge [sflag:s11], $0x1000  }
0x5e: {  	[sflag:s11] =	ssyncset.done $0x0  }
0x5f: {  	[sflag:s11] =	ssyncadd.s32 $0xFFFFF000  }
0x60: {  	[spmem:s3] =	stream.indirect.scatter.add.f32 [tilespmem:s26], [sflag:$0x9], $0x80, s23, s22, $0xb8;
	[tilespmem:$0x1D0F8] =	vst v63  }
0x61: {  	_ =	swait.ge [sflag:s16], $0x1000  }
0x62: {  	[sflag:s16] =	ssyncset.done $0x0  }
0x63: {  	[sflag:s16] =	ssyncadd.s32 $0xFFFFF000  }
0x64: {  	[spmem:s4] =	stream.indirect.scatter.add.f32 [tilespmem:s12], [sflag:$0x9], $0x1, s23, s22, $0xb8;
	[tilespmem:$0x1D0F8] =	vst v63  }
0x65: {  	_ =	swait.ge [sflag:s16], $0x20  }
0x66: {  	[sflag:s16] =	ssyncset.done $0x0  }
0x67: {  	[sflag:s16] =	ssyncadd.s32 $0xFFFFFFE0  }
0x68: {  	[bflag:$0x0] =	sbarrier.arrive $0xFFFF  }
0x69: {  	[tilespmem:s15], [sflag:$0x9] =	stream.linear.gather [spmem:s13], $0x3400, $0x38;
	[tilespmem:$0x1D0F8] =	vst v63  }
0x6a: {  	_ =	swait.ge [sflag:s16], $0x3400  }
0x6b: {  	[sflag:s16] =	ssyncset.done $0x0  }
0x6c: {  	s22 =	rddreg [dreg:$0x6];
	[sflag:s16] =	ssyncadd.s32 $0xFFFFCC00  }
0x6d: {  	[hbm4b:s22+s5] =	stream.linear.scatter [tilespmem:s15], [sflag:$0x9], $0x3400, $0x38;
	[tilespmem:$0x1D0F8] =	vst v63  }
0x6e: {  	_ =	swait.ge [sflag:s16], $0x3400  }
0x6f: {  	[sflag:s16] =	ssyncset.done $0x0  }
0x70: {  	s23 =	rddreg [dreg:$0x11];
	[sflag:s16] =	ssyncadd.s32 $0xFFFFCC00  }
0x71: {  	[tilespmem:s15], [sflag:$0x9] =	stream.linear.gather [spmem:s23], $0x3400, $0x38;
	[tilespmem:$0x1D0F8] =	vst v63  }
0x72: {  	_ =	swait.ge [sflag:s16], $0x3400  }
0x73: {  	[sflag:s16] =	ssyncset.done $0x0  }
0x74: {  	s14 =	rddreg [dreg:$0x7];
	[sflag:s16] =	ssyncadd.s32 $0xFFFFCC00  }
0x75: {  	[hbm4b:s14+s5] =	stream.linear.scatter [tilespmem:s15], [sflag:$0x9], $0x3400, $0x38;
	[tilespmem:$0x1D0F8] =	vst v63  }
0x76: {  	_ =	swait.ge [sflag:s16], $0x3400  }
0x77: {  	[sflag:s16] =	ssyncset.done $0x0  }
0x78: {  	s21 =	rddreg [dreg:$0x12];
	[sflag:s16] =	ssyncadd.s32 $0xFFFFCC00  }
0x79: {  	[tilespmem:s15], [sflag:$0x9] =	stream.linear.gather [spmem:s21], $0x3400, $0x38;
	[tilespmem:$0x1D0F8] =	vst v63  }
0x7a: {  	_ =	swait.ge [sflag:s16], $0x3400  }
0x7b: {  	[sflag:s16] =	ssyncset.done $0x0  }
0x7c: {  	s22 =	rddreg [dreg:$0x8];
	[sflag:s16] =	ssyncadd.s32 $0xFFFFCC00  }
0x7d: {  	[hbm4b:s22+s5] =	stream.linear.scatter [tilespmem:s15], [sflag:$0x9], $0x3400, $0x38;
	[tilespmem:$0x1D0F8] =	vst v63  }
0x7e: {  	_ =	swait.ge [sflag:s16], $0x3400  }
0x7f: {  	[sflag:s16] =	ssyncset.done $0x0  }
0x80: {  	s23 =	rddreg [dreg:$0x13];
	[sflag:s16] =	ssyncadd.s32 $0xFFFFCC00  }
0x81: {  	[tilespmem:s15], [sflag:$0x9] =	stream.linear.gather [spmem:s23], $0x3400, $0x38;
	[tilespmem:$0x1D0F8] =	vst v63  }
0x82: {  	_ =	swait.ge [sflag:s16], $0x3400  }
0x83: {  	[sflag:s16] =	ssyncset.done $0x0  }
0x84: {  	s14 =	rddreg [dreg:$0x9];
	[sflag:s16] =	ssyncadd.s32 $0xFFFFCC00  }
0x85: {  	[hbm4b:s14+s5] =	stream.linear.scatter [tilespmem:s15], [sflag:$0x9], $0x3400, $0x38;
	[tilespmem:$0x1D0F8] =	vst v63  }
0x86: {  	_ =	swait.ge [sflag:s16], $0x3400  }
0x87: {  	[sflag:s16] =	ssyncset.done $0x0  }
0x88: {  	s21 =	rddreg [dreg:$0x14];
	[sflag:s16] =	ssyncadd.s32 $0xFFFFCC00  }
0x89: {  	[tilespmem:s15], [sflag:$0x9] =	stream.linear.gather [spmem:s21], $0x3400, $0x38;
	[tilespmem:$0x1D0F8] =	vst v63  }
0x8a: {  	_ =	swait.ge [sflag:s16], $0x3400  }
0x8b: {  	[sflag:s16] =	ssyncset.done $0x0  }
0x8c: {  	s22 =	rddreg [dreg:$0xa];
	[sflag:s16] =	ssyncadd.s32 $0xFFFFCC00  }
0x8d: {  	[hbm4b:s22+s5] =	stream.linear.scatter [tilespmem:s15], [sflag:$0x9], $0x3400, $0x38;
	[tilespmem:$0x1D0F8] =	vst v63  }
0x8e: {  	_ =	swait.ge [sflag:s16], $0x3400  }
0x8f: {  	[sflag:s16] =	ssyncset.done $0x0  }
0x90: {  	s23 =	rddreg [dreg:$0x15];
	[sflag:s16] =	ssyncadd.s32 $0xFFFFCC00  }
0x91: {  	[tilespmem:s15], [sflag:$0x9] =	stream.linear.gather [spmem:s23], $0x3400, $0x38;
	[tilespmem:$0x1D0F8] =	vst v63  }
0x92: {  	_ =	swait.ge [sflag:s16], $0x3400  }
0x93: {  	[sflag:s16] =	ssyncset.done $0x0  }
0x94: {  	s14 =	rddreg [dreg:$0xb];
	[sflag:s16] =	ssyncadd.s32 $0xFFFFCC00  }
0x95: {  	[hbm4b:s14+s5] =	stream.linear.scatter [tilespmem:s15], [sflag:$0x9], $0x3400, $0x38;
	[tilespmem:$0x1D0F8] =	vst v63  }
0x96: {  	_ =	swait.ge [sflag:s16], $0x3400  }
0x97: {  	[sflag:s16] =	ssyncset.done $0x0  }
0x98: {  	s23 =	simm.s32 $0x9300;
	s22 =	rddreg [dreg:$0x16];
	[sflag:s16] =	ssyncadd.s32 $0xFFFFCC00  }
0x99: {  	[tilespmem:s23], [sflag:$0x9] =	stream.linear.gather [spmem:s22], $0x270, $0x38;
	[tilespmem:$0x1D0F8] =	vst v63  }
0x9a: {  	_ =	swait.ge [sflag:s16], $0x270  }
0x9b: {  	[sflag:s16] =	ssyncset.done $0x0  }
0x9c: {  	s26 =	smov.u32 s13;
	s13 =	rddreg [dreg:$0xc];
	[sflag:s16] =	ssyncadd.s32 $0xFFFFFD90  }
0x9d: {  	[hbm4b:s13+s5] =	stream.linear.scatter [tilespmem:s23], [sflag:$0x9], $0x270, $0x38;
	[tilespmem:$0x1D0F8] =	vst v63  }
0x9e: {  	_ =	swait.ge [sflag:s16], $0x270  }
0x9f: {  	s13 =	sld [smem:$0x7FC]  }
0xa0: {  	[sflag:s16] =	ssyncset.done $0x0  }
0xa1: {  	s21 =	simm.s32 @!p1 $0x200;
	s22 =	simm.s32 @!p1 $0x9;
	[sflag:s16] =	ssyncadd.s32 $0xFFFFFD90  }
0xa2: {  	[tilespmem:s21], [sflag:$0x9] =	stream.linear.gather @!p1 [spmem:s13], $0x800, $0x38;
	[tilespmem:$0x1D0F8] =	vst v63  }
0xa3: {  	_ =	swait.ge @!p1 [sflag:s22], $0x800  }
0xa4: {  	s13 =	sld [smem:$0x7F9]  }
0xa5: {  	[sflag:s22] =	ssyncset.done @!p1 $0x0  }
0xa6: {  	s23 =	simm.s32 @!p1 $0x0;
	[sflag:s22] =	ssyncadd.s32 @!p1 $0xFFFFF800  }
0xa7: {  	[hbm4b:s13+s23] =	stream.linear.scatter @!p1 [tilespmem:s21], [sflag:$0x9], $0x800, $0x38;
	[tilespmem:$0x1D0F8] =	vst v63  }
0xa8: {  	_ =	swait.ge @!p1 [sflag:s22], $0x800  }
0xa9: {  	s13 =	sld [smem:$0x7FD]  }
0xaa: {  	[sflag:s22] =	ssyncset.done @!p1 $0x0  }
0xab: {  	s21 =	simm.s32 @!p1 $0x9300;
	[sflag:s22] =	ssyncadd.s32 @!p1 $0xFFFFF800  }
0xac: {  	[tilespmem:s21], [sflag:$0x9] =	stream.linear.gather @!p1 [spmem:s13], $0x10, $0x38;
	[tilespmem:$0x1D0F8] =	vst v63  }
0xad: {  	_ =	swait.ge @!p1 [sflag:s22], $0x10  }
0xae: {  	s13 =	sld [smem:$0x7FA]  }
0xaf: {  	[sflag:s22] =	ssyncset.done @!p1 $0x0  }
0xb0: {  	[sflag:s22] =	ssyncadd.s32 @!p1 $0xFFFFFFF0  }
0xb1: {  	[hbm4b:s13+s23] =	stream.linear.scatter @!p1 [tilespmem:s21], [sflag:$0x9], $0x10, $0x38;
	[tilespmem:$0x1D0F8] =	vst v63  }
0xb2: {  	_ =	swait.ge @!p1 [sflag:s22], $0x10  }
0xb3: {  	s23 =	sld [smem:$0x7FB];
	_ =	sdelay $0x1  }
0xb4: {  	s20 =	sadd.s32 $0x1, s20  }
0xb5: {  	p2 =	sne.s32 s20, s23  }
.Ltmp1:
0xb6: {  	_ = 	snop;
	(pc) =	sbr.rel @!p2 .LBB2_11-.Ltmp1, $3  }
0xb7: {  	_ =	sdelay $0x1  }
0xb8: {  	[sflag:s22] =	ssyncset.done @!p1 $0x0  }
0xb9: {  	s14 =	simm.s32 $0x9300;
	[sflag:s22] =	ssyncadd.s32 @!p1 $0xFFFFFFF0  }
.LBB2_1:
0xba: {  	s21 =	simm.s32 $0x70;
	s22 =	simm.s32 $0x3C0  }
.LBB2_2:
0xbb: {  	p2 =	sne.s32 s22, $0xCFC0;
	[tilespmem:s21+$0x200] =	vst v0  }
0xbc: {  	[tilespmem:s21+$0x190] =	vst v0  }
0xbd: {  	[tilespmem:s21+$0x1A0] =	vst v0  }
.Ltmp2:
0xbe: {  	[tilespmem:s21+$0x1B0] =	vst v0;
	(pc) =	sbr.rel @p2 .LBB2_2-.Ltmp2, $4  }
0xbf: {  	[tilespmem:s21+$0x1C0] =	vst v0  }
0xc0: {  	[tilespmem:s21+$0x1D0] =	vst v0  }
0xc1: {  	[tilespmem:s21+$0x1E0] =	vst v0  }
0xc2: {  	[tilespmem:s21+$0x1F0] =	vst v0;
	s21 =	sshra.s32 s22, $0x2;
	s22 =	sadd.s32 $0x200, s22  }
0xc3: {  	[tilespmem:s21+$0x200] =	vst v0  }
0xc4: {  	[tilespmem:s21+$0x190] =	vst v0  }
0xc5: {  	[tilespmem:s21+$0x1A0] =	vst v0  }
0xc6: {  	[tilespmem:s21+$0x1B0] =	vst v0  }
0xc7: {  	[tilespmem:s21+$0x1C0] =	vst v0  }
0xc8: {  	[tilespmem:s21+$0x1D0] =	vst v0  }
0xc9: {  	[tilespmem:s21+$0x1E0] =	vst v0  }
0xca: {  	[tilespmem:s21+$0x1F0] =	vst v0  }
0xcb: {  	[tilespmem:$0x9300] =	vst v0  }
0xcc: {  	[tilespmem:$0x9310] =	vst v0  }
0xcd: {  	[tilespmem:$0x9320] =	vst v0  }
0xce: {  	[tilespmem:$0x9330] =	vst v0  }
0xcf: {  	[tilespmem:$0x9340] =	vst v0  }
0xd0: {  	[tilespmem:$0x9350] =	vst v0  }
0xd1: {  	[tilespmem:$0x9360] =	vst v0  }
0xd2: {  	[tilespmem:$0x9370] =	vst v0  }
0xd3: {  	[tilespmem:$0x9380] =	vst v0  }
0xd4: {  	[tilespmem:$0x9390] =	vst v0  }
0xd5: {  	[tilespmem:$0x93A0] =	vst v0  }
0xd6: {  	[tilespmem:$0x93B0] =	vst v0  }
0xd7: {  	[tilespmem:$0x93C0] =	vst v0  }
0xd8: {  	[tilespmem:$0x93D0] =	vst v0  }
0xd9: {  	[tilespmem:$0x93E0] =	vst v0  }
0xda: {  	[tilespmem:$0x93F0] =	vst v0  }
0xdb: {  	[tilespmem:$0x9400] =	vst v0  }
0xdc: {  	[tilespmem:$0x9410] =	vst v0  }
0xdd: {  	[tilespmem:$0x9420] =	vst v0  }
0xde: {  	[tilespmem:$0x9430] =	vst v0  }
0xdf: {  	[tilespmem:$0x9440] =	vst v0  }
0xe0: {  	[tilespmem:$0x9450] =	vst v0  }
0xe1: {  	[tilespmem:$0x9460] =	vst v0  }
0xe2: {  	[tilespmem:$0x9470] =	vst v0  }
0xe3: {  	[tilespmem:$0x9480] =	vst v0  }
0xe4: {  	[tilespmem:$0x9490] =	vst v0  }
0xe5: {  	[tilespmem:$0x94A0] =	vst v0  }
0xe6: {  	[tilespmem:$0x94B0] =	vst v0  }
0xe7: {  	[tilespmem:$0x94C0] =	vst v0  }
0xe8: {  	[tilespmem:$0x94D0] =	vst v0  }
0xe9: {  	[tilespmem:$0x94E0] =	vst v0  }
0xea: {  	[tilespmem:$0x94F0] =	vst v0  }
0xeb: {  	[tilespmem:$0x9500] =	vst v0  }
0xec: {  	[tilespmem:$0x9510] =	vst v0  }
0xed: {  	[tilespmem:$0x9520] =	vst v0  }
0xee: {  	[tilespmem:$0x9530] =	vst v0  }
0xef: {  	[tilespmem:$0x9540] =	vst v0  }
0xf0: {  	[tilespmem:$0x9550] =	vst v0  }
0xf1: {  	[tilespmem:$0x9560] =	vst v0  }
0xf2: {  	[tilespmem:$0x9580] =	vst v1  }
0xf3: {  	[tilespmem:$0x9590] =	vst v1  }
0xf4: {  	[tilespmem:$0x95A0] =	vst v1  }
0xf5: {  	[tilespmem:$0x95B0] =	vst v1  }
0xf6: {  	[tilespmem:$0x95C0] =	vst v1  }
0xf7: {  	[tilespmem:$0x95D0] =	vst v1  }
0xf8: {  	[tilespmem:$0x95E0] =	vst v1  }
0xf9: {  	[tilespmem:$0x95F0] =	vst v1  }
0xfa: {  	[spmem:s26] =	stream.linear.scatter [tilespmem:s15], [sflag:$0x9], $0x3400, $0x38;
	[tilespmem:$0x1D0F8] =	vst v63  }
0xfb: {  	_ =	swait.ge [sflag:s16], $0x3400  }
0xfc: {  	[sflag:s16] =	ssyncset.done $0x0  }
0xfd: {  	s22 =	rddreg [dreg:$0x11];
	[sflag:s16] =	ssyncadd.s32 $0xFFFFCC00  }
0xfe: {  	[spmem:s22] =	stream.linear.scatter [tilespmem:s15], [sflag:$0x9], $0x3400, $0x38;
	[tilespmem:$0x1D0F8] =	vst v63  }
0xff: {  	_ =	swait.ge [sflag:s16], $0x3400  }
0x100: {  	[sflag:s16] =	ssyncset.done $0x0  }
0x101: {  	s23 =	rddreg [dreg:$0x12];
	[sflag:s16] =	ssyncadd.s32 $0xFFFFCC00  }
0x102: {  	[spmem:s23] =	stream.linear.scatter [tilespmem:s15], [sflag:$0x9], $0x3400, $0x38;
	[tilespmem:$0x1D0F8] =	vst v63  }
0x103: {  	_ =	swait.ge [sflag:s16], $0x3400  }
0x104: {  	[sflag:s16] =	ssyncset.done $0x0  }
0x105: {  	s13 =	smov.u32 s26;
	s26 =	rddreg [dreg:$0x13];
	[sflag:s16] =	ssyncadd.s32 $0xFFFFCC00  }
0x106: {  	[spmem:s26] =	stream.linear.scatter [tilespmem:s15], [sflag:$0x9], $0x3400, $0x38;
	[tilespmem:$0x1D0F8] =	vst v63  }
0x107: {  	_ =	swait.ge [sflag:s16], $0x3400  }
0x108: {  	[sflag:s16] =	ssyncset.done $0x0  }
0x109: {  	s22 =	rddreg [dreg:$0x14];
	[sflag:s16] =	ssyncadd.s32 $0xFFFFCC00  }
0x10a: {  	[spmem:s22] =	stream.linear.scatter [tilespmem:s15], [sflag:$0x9], $0x3400, $0x38;
	[tilespmem:$0x1D0F8] =	vst v63  }
0x10b: {  	_ =	swait.ge [sflag:s16], $0x3400  }
0x10c: {  	[sflag:s16] =	ssyncset.done $0x0  }
0x10d: {  	s23 =	rddreg [dreg:$0x15];
	[sflag:s16] =	ssyncadd.s32 $0xFFFFCC00  }
0x10e: {  	[spmem:s23] =	stream.linear.scatter [tilespmem:s15], [sflag:$0x9], $0x3400, $0x38;
	[tilespmem:$0x1D0F8] =	vst v63  }
0x10f: {  	_ =	swait.ge [sflag:s16], $0x3400  }
0x110: {  	[sflag:s16] =	ssyncset.done $0x0  }
0x111: {  	s26 =	rddreg [dreg:$0x16];
	[sflag:s16] =	ssyncadd.s32 $0xFFFFCC00  }
0x112: {  	[spmem:s26] =	stream.linear.scatter [tilespmem:s14], [sflag:$0x9], $0x270, $0x38;
	[tilespmem:$0x1D0F8] =	vst v63  }
0x113: {  	_ =	swait.ge [sflag:s16], $0x270  }
0x114: {  	s22 =	sld [smem:$0x7FC]  }
0x115: {  	[sflag:s16] =	ssyncset.done $0x0  }
0x116: {  	s21 =	simm.s32 @!p1 $0x200;
	[sflag:s16] =	ssyncadd.s32 $0xFFFFFD90  }
0x117: {  	[spmem:s22] =	stream.linear.scatter @!p1 [tilespmem:s21], [sflag:$0x9], $0x800, $0x38;
	[tilespmem:$0x1D0F8] =	vst v63  }
0x118: {  	s21 =	simm.s32 @!p1 $0x9  }
0x119: {  	_ =	swait.ge @!p1 [sflag:s21], $0x800  }
0x11a: {  	s14 =	sld [smem:$0x7FD]  }
0x11b: {  	[sflag:s21] =	ssyncset.done @!p1 $0x0  }
0x11c: {  	s22 =	simm.s32 @!p1 $0x9300;
	[sflag:s21] =	ssyncadd.s32 @!p1 $0xFFFFF800  }
0x11d: {  	[spmem:s14] =	stream.linear.scatter @!p1 [tilespmem:s22], [sflag:$0x9], $0x10, $0x38;
	[tilespmem:$0x1D0F8] =	vst v63  }
.Ltmp3:
0x11e: {  	_ =	swait.ge @!p1 [sflag:s21], $0x10;
	(pc) =	sbr.rel @!p0 .LBB2_4-.Ltmp3, $3  }
0x11f: {  	[sflag:s21] =	ssyncset.done @!p1 $0x0  }
0x120: {  	[sflag:s21] =	ssyncadd.s32 @!p1 $0xFFFFFFF0  }
0x121: {  	[bflag:$0x0] =	sbarrier.arrive $0xFFFF;
	_ =	sdelay $0x1  }
0x122: {  	s21 =	rddreg [dreg:$0x1a]  }
0x123: {  	[tilespmem:s5], [sflag:$0x5] =	stream.linear.gather [hbm4b:s21+s5], $0x80, $0x38;
	[tilespmem:$0x1D0F8] =	vst v63  }
0x124: {  	s22 =	rddreg [dreg:$0x1b]  }
0x125: {  	[tilespmem:s7], [sflag:$0x5] =	stream.linear.gather [hbm4b:s22+s5], $0x80, $0x38;
	[tilespmem:$0x1D0F8] =	vst v63  }
0x126: {  	_ =	swait.ge [sflag:s8], $0x80  }
0x127: {  	[sflag:s8] =	ssyncset.done $0x0  }
0x128: {  	[sflag:s8] =	ssyncadd.s32 $0xFFFFFF80  }
0x129: {  	_ =	swait.ge [sflag:s8], $0x80  }
0x12a: {  	[sflag:s8] =	ssyncset.done $0x0  }
0x12b: {  	s23 =	rddreg [dreg:$0x1e];
	[sflag:s8] =	ssyncadd.s32 $0xFFFFFF80  }
0x12c: {  	[tilespmem:s9], [sflag:$0x6] =	stream.linear.gather [hbm4b:s23+s5], $0x80, $0x38;
	[tilespmem:$0x1D0F8] =	vst v63  }
0x12d: {  	s26 =	rddreg [dreg:$0x1f]  }
0x12e: {  	[tilespmem:s10], [sflag:$0x6] =	stream.linear.gather [hbm4b:s26+s5], $0x80, $0x38;
	[tilespmem:$0x1D0F8] =	vst v63  }
0x12f: {  	_ = 	snop  }
0x130: {  	[tilespmem:s15], [sflag:$0x1] =	stream.indirect.gather [hbm4b:s2+s9], $0x80, s5, s9, $0xb8;
	[tilespmem:$0x1D0F8] =	vst v63  }
0x131: {  	_ =	swait.ge [sflag:s11], $0x4000  }
0x132: {  	[sflag:s11] =	ssyncset.done $0x0  }
0x133: {  	[sflag:s11] =	ssyncadd.s32 $0xFFFFC000  }
0x134: {  	[spmem:s3] =	stream.indirect.scatter.add.f32 [tilespmem:s15], [sflag:$0x3], $0x80, s7, s9, $0xb8;
	[tilespmem:$0x1D0F8] =	vst v63  }
0x135: {  	_ = 	snop  }
0x136: {  	[spmem:s4] =	stream.indirect.scatter.add.f32 [tilespmem:s12], [sflag:$0x7], $0x1, s7, s9, $0xb8;
	[tilespmem:$0x1D0F8] =	vst v63  }
0x137: {  	_ =	swait.ge [sflag:s25], $0x80  }
0x138: {  	[sflag:s25] =	ssyncset.done $0x0  }
0x139: {  	[sflag:s25] =	ssyncadd.s32 $0xFFFFFF80  }
0x13a: {  	_ =	swait.ge [sflag:s25], $0x80  }
0x13b: {  	[sflag:s25] =	ssyncset.done $0x0  }
0x13c: {  	[sflag:s25] =	ssyncadd.s32 $0xFFFFFF80  }
0x13d: {  	[tilespmem:s28], [sflag:$0x2] =	stream.indirect.gather [hbm4b:s2+s9], $0x80, s9, s9, $0xb8;
	[tilespmem:$0x1D0F8] =	vst v63  }
0x13e: {  	_ =	swait.ge [sflag:s29], $0x4000  }
0x13f: {  	[sflag:s29] =	ssyncset.done $0x0  }
0x140: {  	[sflag:s29] =	ssyncadd.s32 $0xFFFFC000  }
0x141: {  	_ =	swait.ge [sflag:s6], $0x80  }
0x142: {  	s14 =	sadd.s32 $0xFFFFF660, s24;
	[sflag:s6] =	ssyncset.done $0x0  }
0x143: {  	s22 =	sadd.s32 $0x9C0, s14;
	s23 =	sadd.s32 $0xFFFFF660, s0;
	[sflag:s6] =	ssyncadd.s32 $0xFFFFFF80  }
0x144: {  	[tilespmem:s5], [sflag:$0x5] =	stream.linear.gather [hbm4b:s22+s5], $0x80, $0x38;
	[tilespmem:$0x1D0F8] =	vst v63  }
0x145: {  	s26 =	sadd.s32 $0x9C0, s23  }
0x146: {  	[tilespmem:s7], [sflag:$0x5] =	stream.linear.gather [hbm4b:s26+s5], $0x80, $0x38;
	[tilespmem:$0x1D0F8] =	vst v63  }
0x147: {  	_ =	swait.ge [sflag:s17], $0x4000  }
0x148: {  	[sflag:s17] =	ssyncset.done $0x0  }
0x149: {  	[sflag:s17] =	ssyncadd.s32 $0xFFFFC000  }
0x14a: {  	[spmem:s3] =	stream.indirect.scatter.add.f32 [tilespmem:s28], [sflag:$0x4], $0x80, s10, s9, $0xb8;
	[tilespmem:$0x1D0F8] =	vst v63  }
0x14b: {  	_ = 	snop  }
0x14c: {  	[spmem:s4] =	stream.indirect.scatter.add.f32 [tilespmem:s12], [sflag:$0x8], $0x1, s10, s9, $0xb8;
	[tilespmem:$0x1D0F8] =	vst v63  }
0x14d: {  	_ =	swait.ge [sflag:s8], $0x80  }
0x14e: {  	[sflag:s8] =	ssyncset.done $0x0  }
0x14f: {  	[sflag:s8] =	ssyncadd.s32 $0xFFFFFF80  }
0x150: {  	_ =	swait.ge [sflag:s8], $0x80  }
0x151: {  	[sflag:s8] =	ssyncset.done $0x0  }
0x152: {  	[sflag:s8] =	ssyncadd.s32 $0xFFFFFF80  }
0x153: {  	[tilespmem:s15], [sflag:$0x1] =	stream.indirect.gather [hbm4b:s2+s9], $0x80, s5, s9, $0xb8;
	[tilespmem:$0x1D0F8] =	vst v63  }
0x154: {  	_ =	swait.ge [sflag:s18], $0x4000  }
0x155: {  	[sflag:s18] =	ssyncset.done $0x0  }
0x156: {  	[sflag:s18] =	ssyncadd.s32 $0xFFFFC000  }
0x157: {  	_ =	swait.ge [sflag:s19], $0x80  }
0x158: {  	[sflag:s19] =	ssyncset.done $0x0  }
0x159: {  	s21 =	sadd.s32 $0x9D0, s14;
	[sflag:s19] =	ssyncadd.s32 $0xFFFFFF80  }
0x15a: {  	[tilespmem:s9], [sflag:$0x6] =	stream.linear.gather [hbm4b:s21+s5], $0x80, $0x38;
	[tilespmem:$0x1D0F8] =	vst v63  }
0x15b: {  	s22 =	sadd.s32 $0x9D0, s23;
	s21 =	simm.s32 $0xFFFFF680  }
.LBB2_8:
0x15c: {  	[tilespmem:s10], [sflag:$0x6] =	stream.linear.gather [hbm4b:s22+s5], $0x80, $0x38;
	[tilespmem:$0x1D0F8] =	vst v63  }
0x15d: {  	s22 =	smov.u32 s21  }
0x15e: {  	p2 =	sne.s32 s21, $0xFFFFFFE0;
	s21 =	sadd.s32 $0x20, s21;
	_ =	swait.ge [sflag:s11], $0x4000  }
0x15f: {  	[sflag:s11] =	ssyncset.done $0x0  }
0x160: {  	[sflag:s11] =	ssyncadd.s32 $0xFFFFC000  }
0x161: {  	[spmem:s3] =	stream.indirect.scatter.add.f32 [tilespmem:s15], [sflag:$0x3], $0x80, s7, s9, $0xb8;
	[tilespmem:$0x1D0F8] =	vst v63  }
0x162: {  	_ = 	snop  }
0x163: {  	[spmem:s4] =	stream.indirect.scatter.add.f32 [tilespmem:s12], [sflag:$0x7], $0x1, s7, s9, $0xb8;
	[tilespmem:$0x1D0F8] =	vst v63  }
0x164: {  	_ =	swait.ge [sflag:s25], $0x80  }
0x165: {  	[sflag:s25] =	ssyncset.done $0x0  }
0x166: {  	[sflag:s25] =	ssyncadd.s32 $0xFFFFFF80  }
0x167: {  	_ =	swait.ge [sflag:s25], $0x80  }
0x168: {  	[sflag:s25] =	ssyncset.done $0x0  }
0x169: {  	[sflag:s25] =	ssyncadd.s32 $0xFFFFFF80  }
0x16a: {  	[tilespmem:s28], [sflag:$0x2] =	stream.indirect.gather [hbm4b:s2+s9], $0x80, s9, s9, $0xb8;
	[tilespmem:$0x1D0F8] =	vst v63  }
0x16b: {  	_ =	swait.ge [sflag:s29], $0x4000  }
0x16c: {  	[sflag:s29] =	ssyncset.done $0x0  }
0x16d: {  	[sflag:s29] =	ssyncadd.s32 $0xFFFFC000  }
0x16e: {  	_ =	swait.ge [sflag:s6], $0x80  }
0x16f: {  	s23 =	sadd.s32 s22, s24;
	[sflag:s6] =	ssyncset.done $0x0  }
0x170: {  	s22 =	sadd.s32 s22, s0;
	s26 =	sadd.s32 $0x9C0, s23;
	[sflag:s6] =	ssyncadd.s32 $0xFFFFFF80  }
0x171: {  	[tilespmem:s5], [sflag:$0x5] =	stream.linear.gather [hbm4b:s26+s5], $0x80, $0x38;
	[tilespmem:$0x1D0F8] =	vst v63  }
0x172: {  	s26 =	sadd.s32 $0x9C0, s22  }
0x173: {  	[tilespmem:s7], [sflag:$0x5] =	stream.linear.gather [hbm4b:s26+s5], $0x80, $0x38;
	[tilespmem:$0x1D0F8] =	vst v63  }
0x174: {  	_ =	swait.ge [sflag:s17], $0x4000  }
0x175: {  	[sflag:s17] =	ssyncset.done $0x0  }
0x176: {  	[sflag:s17] =	ssyncadd.s32 $0xFFFFC000  }
0x177: {  	[spmem:s3] =	stream.indirect.scatter.add.f32 [tilespmem:s28], [sflag:$0x4], $0x80, s10, s9, $0xb8;
	[tilespmem:$0x1D0F8] =	vst v63  }
0x178: {  	_ = 	snop  }
0x179: {  	[spmem:s4] =	stream.indirect.scatter.add.f32 [tilespmem:s12], [sflag:$0x8], $0x1, s10, s9, $0xb8;
	[tilespmem:$0x1D0F8] =	vst v63  }
0x17a: {  	_ =	swait.ge [sflag:s8], $0x80  }
0x17b: {  	[sflag:s8] =	ssyncset.done $0x0  }
0x17c: {  	[sflag:s8] =	ssyncadd.s32 $0xFFFFFF80  }
0x17d: {  	_ =	swait.ge [sflag:s8], $0x80  }
0x17e: {  	[sflag:s8] =	ssyncset.done $0x0  }
0x17f: {  	[sflag:s8] =	ssyncadd.s32 $0xFFFFFF80  }
0x180: {  	[tilespmem:s15], [sflag:$0x1] =	stream.indirect.gather [hbm4b:s2+s9], $0x80, s5, s9, $0xb8;
	[tilespmem:$0x1D0F8] =	vst v63  }
0x181: {  	_ =	swait.ge [sflag:s18], $0x4000  }
0x182: {  	[sflag:s18] =	ssyncset.done $0x0  }
0x183: {  	[sflag:s18] =	ssyncadd.s32 $0xFFFFC000  }
.Ltmp4:
0x184: {  	_ =	swait.ge [sflag:s19], $0x80;
	(pc) =	sbr.rel @p2 .LBB2_8-.Ltmp4, $4  }
0x185: {  	[sflag:s19] =	ssyncset.done $0x0  }
0x186: {  	s23 =	sadd.s32 $0x9D0, s23;
	[sflag:s19] =	ssyncadd.s32 $0xFFFFFF80  }
0x187: {  	[tilespmem:s9], [sflag:$0x6] =	stream.linear.gather [hbm4b:s23+s5], $0x80, $0x38;
	[tilespmem:$0x1D0F8] =	vst v63  }
0x188: {  	s22 =	sadd.s32 $0x9D0, s22  }
.Ltmp5:
0x189: {  	(pc) =	sbr.rel .LBB2_10-.Ltmp5, $4  }
0x18a: {  	_ = 	snop  }
0x18b: {  	[tilespmem:s10], [sflag:$0x6] =	stream.linear.gather [hbm4b:s22+s5], $0x80, $0x38;
	[tilespmem:$0x1D0F8] =	vst v63  }
0x18c: {  	s23 =	rddreg [dreg:$0xf]  }
0x18d: {  	s21 =	smov.u32 s2;
	s22 =	rddreg [dreg:$0x10]  }
.LBB2_4:
0x18e: {  	s21 =	rddreg [dreg:$0x17]  }
0x18f: {  	[tilespmem:s5], [sflag:$0x5] =	stream.linear.gather [hbm4b:s21+s5], $0x80, $0x38;
	[tilespmem:$0x1D0F8] =	vst v63  }
0x190: {  	s22 =	rddreg [dreg:$0x18]  }
0x191: {  	[tilespmem:s7], [sflag:$0x5] =	stream.linear.gather [hbm4b:s22+s5], $0x80, $0x38;
	[tilespmem:$0x1D0F8] =	vst v63  }
0x192: {  	_ =	swait.ge [sflag:s8], $0x80  }
0x193: {  	[sflag:s8] =	ssyncset.done $0x0  }
0x194: {  	[sflag:s8] =	ssyncadd.s32 $0xFFFFFF80  }
0x195: {  	_ =	swait.ge [sflag:s8], $0x80  }
0x196: {  	[sflag:s8] =	ssyncset.done $0x0  }
0x197: {  	s23 =	rddreg [dreg:$0x1c];
	[sflag:s8] =	ssyncadd.s32 $0xFFFFFF80  }
0x198: {  	[tilespmem:s9], [sflag:$0x6] =	stream.linear.gather [hbm4b:s23+s5], $0x80, $0x38;
	[tilespmem:$0x1D0F8] =	vst v63  }
0x199: {  	s26 =	rddreg [dreg:$0x1d]  }
0x19a: {  	[tilespmem:s10], [sflag:$0x6] =	stream.linear.gather [hbm4b:s26+s5], $0x80, $0x38;
	[tilespmem:$0x1D0F8] =	vst v63  }
0x19b: {  	_ = 	snop  }
0x19c: {  	[tilespmem:s15], [sflag:$0x1] =	stream.indirect.gather [hbm4b:s1+s9], $0x80, s5, s9, $0xb8;
	[tilespmem:$0x1D0F8] =	vst v63  }
0x19d: {  	_ =	swait.ge [sflag:s11], $0x4000  }
0x19e: {  	[sflag:s11] =	ssyncset.done $0x0  }
0x19f: {  	[sflag:s11] =	ssyncadd.s32 $0xFFFFC000  }
0x1a0: {  	[spmem:s3] =	stream.indirect.scatter.add.f32 [tilespmem:s15], [sflag:$0x3], $0x80, s7, s9, $0xb8;
	[tilespmem:$0x1D0F8] =	vst v63  }
0x1a1: {  	_ = 	snop  }
0x1a2: {  	[spmem:s4] =	stream.indirect.scatter.add.f32 [tilespmem:s12], [sflag:$0x7], $0x1, s7, s9, $0xb8;
	[tilespmem:$0x1D0F8] =	vst v63  }
0x1a3: {  	_ =	swait.ge [sflag:s25], $0x80  }
0x1a4: {  	[sflag:s25] =	ssyncset.done $0x0  }
0x1a5: {  	[sflag:s25] =	ssyncadd.s32 $0xFFFFFF80  }
0x1a6: {  	_ =	swait.ge [sflag:s25], $0x80  }
0x1a7: {  	[sflag:s25] =	ssyncset.done $0x0  }
0x1a8: {  	[sflag:s25] =	ssyncadd.s32 $0xFFFFFF80  }
0x1a9: {  	[tilespmem:s28], [sflag:$0x2] =	stream.indirect.gather [hbm4b:s1+s9], $0x80, s9, s9, $0xb8;
	[tilespmem:$0x1D0F8] =	vst v63  }
0x1aa: {  	_ =	swait.ge [sflag:s29], $0x4000  }
0x1ab: {  	[sflag:s29] =	ssyncset.done $0x0  }
0x1ac: {  	[sflag:s29] =	ssyncadd.s32 $0xFFFFC000  }
0x1ad: {  	_ =	swait.ge [sflag:s6], $0x80  }
0x1ae: {  	s14 =	sadd.s32 $0xFFFFF660, s31;
	[sflag:s6] =	ssyncset.done $0x0  }
0x1af: {  	s22 =	sadd.s32 $0x9C0, s14;
	s23 =	sadd.s32 $0xFFFFF660, s30;
	[sflag:s6] =	ssyncadd.s32 $0xFFFFFF80  }
0x1b0: {  	[tilespmem:s5], [sflag:$0x5] =	stream.linear.gather [hbm4b:s22+s5], $0x80, $0x38;
	[tilespmem:$0x1D0F8] =	vst v63  }
0x1b1: {  	s26 =	sadd.s32 $0x9C0, s23  }
0x1b2: {  	[tilespmem:s7], [sflag:$0x5] =	stream.linear.gather [hbm4b:s26+s5], $0x80, $0x38;
	[tilespmem:$0x1D0F8] =	vst v63  }
0x1b3: {  	_ =	swait.ge [sflag:s17], $0x4000  }
0x1b4: {  	[sflag:s17] =	ssyncset.done $0x0  }
0x1b5: {  	[sflag:s17] =	ssyncadd.s32 $0xFFFFC000  }
0x1b6: {  	[spmem:s3] =	stream.indirect.scatter.add.f32 [tilespmem:s28], [sflag:$0x4], $0x80, s10, s9, $0xb8;
	[tilespmem:$0x1D0F8] =	vst v63  }
0x1b7: {  	_ = 	snop  }
0x1b8: {  	[spmem:s4] =	stream.indirect.scatter.add.f32 [tilespmem:s12], [sflag:$0x8], $0x1, s10, s9, $0xb8;
	[tilespmem:$0x1D0F8] =	vst v63  }
0x1b9: {  	_ =	swait.ge [sflag:s8], $0x80  }
0x1ba: {  	[sflag:s8] =	ssyncset.done $0x0  }
0x1bb: {  	[sflag:s8] =	ssyncadd.s32 $0xFFFFFF80  }
0x1bc: {  	_ =	swait.ge [sflag:s8], $0x80  }
0x1bd: {  	[sflag:s8] =	ssyncset.done $0x0  }
0x1be: {  	[sflag:s8] =	ssyncadd.s32 $0xFFFFFF80  }
0x1bf: {  	[tilespmem:s15], [sflag:$0x1] =	stream.indirect.gather [hbm4b:s1+s9], $0x80, s5, s9, $0xb8;
	[tilespmem:$0x1D0F8] =	vst v63  }
0x1c0: {  	_ =	swait.ge [sflag:s18], $0x4000  }
0x1c1: {  	[sflag:s18] =	ssyncset.done $0x0  }
0x1c2: {  	[sflag:s18] =	ssyncadd.s32 $0xFFFFC000  }
0x1c3: {  	_ =	swait.ge [sflag:s19], $0x80  }
0x1c4: {  	[sflag:s19] =	ssyncset.done $0x0  }
0x1c5: {  	s21 =	sadd.s32 $0x9D0, s14;
	[sflag:s19] =	ssyncadd.s32 $0xFFFFFF80  }
0x1c6: {  	[tilespmem:s9], [sflag:$0x6] =	stream.linear.gather [hbm4b:s21+s5], $0x80, $0x38;
	[tilespmem:$0x1D0F8] =	vst v63  }
0x1c7: {  	s22 =	sadd.s32 $0x9D0, s23;
	s21 =	simm.s32 $0xFFFFF680  }
.LBB2_5:
0x1c8: {  	[tilespmem:s10], [sflag:$0x6] =	stream.linear.gather [hbm4b:s22+s5], $0x80, $0x38;
	[tilespmem:$0x1D0F8] =	vst v63  }
0x1c9: {  	s22 =	smov.u32 s21  }
0x1ca: {  	p2 =	seq.s32 s21, $0xFFFFFFE0;
	s21 =	sadd.s32 $0x20, s21;
	_ =	swait.ge [sflag:s11], $0x4000  }
0x1cb: {  	[sflag:s11] =	ssyncset.done $0x0  }
0x1cc: {  	[sflag:s11] =	ssyncadd.s32 $0xFFFFC000  }
0x1cd: {  	[spmem:s3] =	stream.indirect.scatter.add.f32 [tilespmem:s15], [sflag:$0x3], $0x80, s7, s9, $0xb8;
	[tilespmem:$0x1D0F8] =	vst v63  }
0x1ce: {  	_ = 	snop  }
0x1cf: {  	[spmem:s4] =	stream.indirect.scatter.add.f32 [tilespmem:s12], [sflag:$0x7], $0x1, s7, s9, $0xb8;
	[tilespmem:$0x1D0F8] =	vst v63  }
0x1d0: {  	_ =	swait.ge [sflag:s25], $0x80  }
0x1d1: {  	[sflag:s25] =	ssyncset.done $0x0  }
0x1d2: {  	[sflag:s25] =	ssyncadd.s32 $0xFFFFFF80  }
0x1d3: {  	_ =	swait.ge [sflag:s25], $0x80  }
0x1d4: {  	[sflag:s25] =	ssyncset.done $0x0  }
0x1d5: {  	[sflag:s25] =	ssyncadd.s32 $0xFFFFFF80  }
0x1d6: {  	[tilespmem:s28], [sflag:$0x2] =	stream.indirect.gather [hbm4b:s1+s9], $0x80, s9, s9, $0xb8;
	[tilespmem:$0x1D0F8] =	vst v63  }
0x1d7: {  	_ =	swait.ge [sflag:s29], $0x4000  }
0x1d8: {  	[sflag:s29] =	ssyncset.done $0x0  }
0x1d9: {  	[sflag:s29] =	ssyncadd.s32 $0xFFFFC000  }
0x1da: {  	_ =	swait.ge [sflag:s6], $0x80  }
0x1db: {  	s23 =	sadd.s32 s22, s31;
	[sflag:s6] =	ssyncset.done $0x0  }
0x1dc: {  	s22 =	sadd.s32 s22, s30;
	s26 =	sadd.s32 $0x9C0, s23;
	[sflag:s6] =	ssyncadd.s32 $0xFFFFFF80  }
0x1dd: {  	[tilespmem:s5], [sflag:$0x5] =	stream.linear.gather [hbm4b:s26+s5], $0x80, $0x38;
	[tilespmem:$0x1D0F8] =	vst v63  }
0x1de: {  	s26 =	sadd.s32 $0x9C0, s22  }
0x1df: {  	[tilespmem:s7], [sflag:$0x5] =	stream.linear.gather [hbm4b:s26+s5], $0x80, $0x38;
	[tilespmem:$0x1D0F8] =	vst v63  }
0x1e0: {  	_ =	swait.ge [sflag:s17], $0x4000  }
0x1e1: {  	[sflag:s17] =	ssyncset.done $0x0  }
0x1e2: {  	[sflag:s17] =	ssyncadd.s32 $0xFFFFC000  }
0x1e3: {  	[spmem:s3] =	stream.indirect.scatter.add.f32 [tilespmem:s28], [sflag:$0x4], $0x80, s10, s9, $0xb8;
	[tilespmem:$0x1D0F8] =	vst v63  }
0x1e4: {  	_ = 	snop  }
0x1e5: {  	[spmem:s4] =	stream.indirect.scatter.add.f32 [tilespmem:s12], [sflag:$0x8], $0x1, s10, s9, $0xb8;
	[tilespmem:$0x1D0F8] =	vst v63  }
0x1e6: {  	_ =	swait.ge [sflag:s8], $0x80  }
0x1e7: {  	[sflag:s8] =	ssyncset.done $0x0  }
0x1e8: {  	[sflag:s8] =	ssyncadd.s32 $0xFFFFFF80  }
0x1e9: {  	_ =	swait.ge [sflag:s8], $0x80  }
0x1ea: {  	[sflag:s8] =	ssyncset.done $0x0  }
0x1eb: {  	[sflag:s8] =	ssyncadd.s32 $0xFFFFFF80  }
0x1ec: {  	[tilespmem:s15], [sflag:$0x1] =	stream.indirect.gather [hbm4b:s1+s9], $0x80, s5, s9, $0xb8;
	[tilespmem:$0x1D0F8] =	vst v63  }
0x1ed: {  	_ =	swait.ge [sflag:s18], $0x4000  }
0x1ee: {  	[sflag:s18] =	ssyncset.done $0x0  }
0x1ef: {  	[sflag:s18] =	ssyncadd.s32 $0xFFFFC000  }
.Ltmp6:
0x1f0: {  	_ =	swait.ge [sflag:s19], $0x80;
	(pc) =	sbr.rel @!p2 .LBB2_5-.Ltmp6, $4  }
0x1f1: {  	[sflag:s19] =	ssyncset.done $0x0  }
0x1f2: {  	s23 =	sadd.s32 $0x9D0, s23;
	[sflag:s19] =	ssyncadd.s32 $0xFFFFFF80  }
0x1f3: {  	[tilespmem:s9], [sflag:$0x6] =	stream.linear.gather [hbm4b:s23+s5], $0x80, $0x38;
	[tilespmem:$0x1D0F8] =	vst v63  }
0x1f4: {  	s22 =	sadd.s32 $0x9D0, s22  }
.Ltmp7:
0x1f5: {  	_ = 	snop;
	(pc) =	sbr.rel .LBB2_6-.Ltmp7, $1  }
0x1f6: {  	_ =	sdelay $0x3  }
.LBB2_11:
0x1f7: {  	_ =	sfence.sel $0x180000  }
0x1f8: {  	[bflag:$0x0] =	sbarrier.arrive $0xFFFF  }
0x1f9: {  	_ =	strace $0x90000047  }
0x1fa: {  	[bflag:$0x2] =	sbarrier.arrive $0xFFFF  }
0x1fb: {  	s0 =	rddreg [dreg:$0x5]  }
0x1fc: {  	s0 =	sadd.s32 @!p1 $0x100000, s0  }
0x1fd: {  	[sflag:s0] =	ssyncadd.tile.s32 @!p1 $0x1;
	_ =	shalt  }
.Lfunc_end2:
_tile_overlayer_lowered:
.L_overlay_start_2:
0x1fe: {  	(tag) =	ssettag $0x2  }
0x1ff: {  	s0 =	rddreg [dreg:$0x0];
	s2 =	stileid.u32  }
0x200: {  	s1 =	rddreg [dreg:$0x1];
	p0 =	sne.s32 s2, $0x0  }
0x201: {  	s3 =	rddreg [dreg:$0x2];
	[bflag:$0x3] =	sbarrier.arrive $0xFFFF;
	s2 =	simm.s32 @!p0 $0x1C09  }
0x202: {  	[timem:s3], [sflag:s2] =	dma.local @!p0 [hbm:s0], s1  }
0x203: {  	s0 =	simm.s32 @!p0 $0x9  }
0x204: {  	_ =	swait.ge @!p0 [sflag:s0], s1  }
0x205: {  	s1 =	ssub.s32 @!p0 $0x0, s1;
	[sflag:s0] =	ssyncset.done @!p0 $0x0  }
0x206: {  	[sflag:s0] =	ssyncadd.s32 @!p0 s1  }
0x207: {  	[bflag:$0x3] =	sbarrier.arrive $0xFFFF  }
0x208: {  	_ =	shalt  }

// kernel: kernel.9.cloned.1.call-start
scs
__scs_entry_jumppad:
0x0: {  	(pc) =	sbr.rel $0x88, $3  }
0x1: {  	(tag) =	ssettag $0x0;
	lr =	simm.s32 $0x1  }
0x2: {  	[smem:$0x3F8A] =	sst lr;
	_ =	strace $0xD0000000  }
0x3: {  	_ = 	snop  }
0x4: {  	_ = 	snop  }
0x5: {  	_ = 	snop  }
0x6: {  	_ = 	snop  }
0x7: {  	_ = 	snop  }
__scs_overlays_trampoline_lowered:
0x8: {  	[smem:$0x3F99] =	sst s0  }
0x9: {  	[smem:$0x3F9A] =	sst s1  }
0xa: {  	[smem:$0x3F9B] =	sst s2  }
0xb: {  	[smem:$0x3F9C] =	sst s3  }
0xc: {  	[smem:$0x3F9D] =	sst s4  }
0xd: {  	[smem:$0x3F9E] =	sst s5  }
0xe: {  	[smem:$0x3F9F] =	sst s6  }
0xf: {  	[smem:$0x3FA0] =	sst s7  }
0x10: {  	[smem:$0x3FA1] =	sst s8  }
0x11: {  	[smem:$0x3FA2] =	sst s9;
	s0 =	simm.s32 @!p0 $0x0  }
0x12: {  	s1 =	sld [smem:$0x3F88];
	s0 =	simm.s32 @p0 $0x1  }
0x13: {  	[smem:$0x3FA3] =	sst s0;
	s0 =	simm.s32 @!p1 $0x0  }
0x14: {  	s2 =	sld [smem:$0x3F87];
	s0 =	simm.s32 @p1 $0x1  }
0x15: {  	[smem:$0x3FA4] =	sst s0;
	s0 =	simm.s32 @!p2 $0x0  }
0x16: {  	s3 =	sld [smem:$0x3FDB];
	s0 =	simm.s32 @p2 $0x1  }
0x17: {  	s4 =	simm.s32 $0x1BF5;
	[smem:$0x3FA6] =	sst s0  }
0x18: {  	s0 =	sld [smem:$0x3F89];
	_ =	swait.ge [sflag:s4], $0x0  }
0x19: {  	s7 =	sld [smem:$0x3F8A]  }
0x1a: {  	s8 =	sadd.s32 $0xFFFFE003, lr  }
0x1b: {  	s9 =	sadd.s32 $0xFFFFFEF7, lr;
	s5 =	simm.s32 $0xFFFFFFFF;
	p2 =	slt.u32 s8, $0xFFFFF086  }
0x1c: {  	p1 =	slt.u32 s9, $0xF7A;
	s5 =	simm.s32 @!p2 $0x0  }
0x1d: {  	s5 =	simm.s32 @p1 $0x1;
	p0 =	seq.s32 s7, s2  }
0x1e: {  	s7 =	smul.u32 @!p0 $0xF7A, s2;
	p2 =	seq.s32 @!p0 s5, $0x0  }
0x1f: {  	s9 =	smul.u32 $0xF7A, s1;
	s8 =	simm.s32 @!p0 $0x1BF5;
	p2 =	por !p2, p0  }
0x20: {  	[sflag:s8] =	ssyncset.s32 @!p0 $0xFFFFF086;
	s6 =	sadd.s32 @!p0 s3, s7;
	s7 =	simm.s32 @!p0 $0x108  }
0x21: {  	s3 =	sadd.s32 s3, s9;
	s6 =	sadd.s32 @!p0 $0x88, s6;
	s7 =	simm.s32 @p2 $0x1082  }
0x22: {  	[simem:s7], [sflag:s8] =	dma.local @!p0 [hbm:s6], $0xF7A  }
0x23: {  	s9 =	sor.u32 $0xD0000000, s2;
	s6 =	simm.s32 $0x108;
	_ =	swait.ge @!p0 [sflag:s8], $0x0  }
0x24: {  	s3 =	sadd.s32 $0x88, s3;
	s6 =	simm.s32 @!p1 $0x1082;
	[sflag:s4] =	ssyncset.s32 $0xFFFFF086  }
0x25: {  	[simem:s6], [sflag:s4] =	dma.local [hbm:s3], $0xF7A  }
0x26: {  	[smem:$0x3F8A] =	sst s1;
	(tag) =	ssettag s2;
	_ =	strace s9  }
0x27: {  	s1 =	sld [smem:$0x3F9A]  }
0x28: {  	s2 =	sld [smem:$0x3F9B]  }
0x29: {  	s4 =	sld [smem:$0x3F9D]  }
0x2a: {  	p0 =	seq.s32 s5, $0x0;
	s5 =	sld [smem:$0x3F9E]  }
0x2b: {  	s6 =	sld [smem:$0x3F9F]  }
0x2c: {  	s7 =	sld [smem:$0x3FA0]  }
0x2d: {  	s3 =	simm.s32 $0x108;
	s8 =	sld [smem:$0x3FA1]  }
0x2e: {  	s3 =	simm.s32 @!p0 $0x1082;
	s9 =	sld [smem:$0x3FA2]  }
0x2f: {  	lr =	sadd.s32 s0, s3;
	s0 =	sld [smem:$0x3F99]  }
0x30: {  	s3 =	sld [smem:$0x3F9C]  }
0x31: {  	[smem:$0x3FA5] =	sst s10  }
0x32: {  	s10 =	sld [smem:$0x3FA3];
	_ =	sdelay $0x3  }
0x33: {  	p0 =	seq.s32 s10, $0x1;
	s10 =	sld [smem:$0x3FA5];
	_ =	sdelay $0x3  }
0x34: {  	[smem:$0x3FA5] =	sst s10  }
0x35: {  	s10 =	sld [smem:$0x3FA4];
	_ =	sdelay $0x3  }
0x36: {  	p1 =	seq.s32 s10, $0x1;
	s10 =	sld [smem:$0x3FA5];
	_ =	sdelay $0x3  }
0x37: {  	[smem:$0x3FA5] =	sst s10  }
0x38: {  	s10 =	sld [smem:$0x3FA6]  }
0x39: {  	_ = 	snop;
	(pc) =	sbr.ind lr, $3  }
0x3a: {  	_ = 	snop  }
0x3b: {  	_ = 	snop  }
0x3c: {  	p2 =	seq.s32 s10, $0x1;
	s10 =	sld [smem:$0x3FA5]  }
0x3d: {  	_ =	shalt  }
0x3e: {  	_ =	shalt  }
0x3f: {  	_ =	shalt  }
0x40: {  	_ =	shalt  }
0x41: {  	_ =	shalt  }
0x42: {  	_ =	shalt  }
0x43: {  	_ =	shalt  }
0x44: {  	_ =	shalt  }
0x45: {  	_ =	shalt  }
0x46: {  	_ =	shalt  }
0x47: {  	_ =	shalt  }
0x48: {  	_ =	shalt  }
0x49: {  	_ =	shalt  }
0x4a: {  	_ =	shalt  }
0x4b: {  	_ =	shalt  }
0x4c: {  	_ =	shalt  }
0x4d: {  	_ =	shalt  }
0x4e: {  	_ =	shalt  }
0x4f: {  	_ =	shalt  }
0x50: {  	_ =	shalt  }
0x51: {  	_ =	shalt  }
0x52: {  	_ =	shalt  }
0x53: {  	_ =	shalt  }
0x54: {  	_ =	shalt  }
0x55: {  	_ =	shalt  }
0x56: {  	_ =	shalt  }
0x57: {  	_ =	shalt  }
0x58: {  	_ =	shalt  }
0x59: {  	_ =	shalt  }
0x5a: {  	_ =	shalt  }
0x5b: {  	_ =	shalt  }
0x5c: {  	_ =	shalt  }
0x5d: {  	_ =	shalt  }
0x5e: {  	_ =	shalt  }
0x5f: {  	_ =	shalt  }
0x60: {  	_ =	shalt  }
0x61: {  	_ =	shalt  }
0x62: {  	_ =	shalt  }
0x63: {  	_ =	shalt  }
0x64: {  	_ =	shalt  }
0x65: {  	_ =	shalt  }
0x66: {  	_ =	shalt  }
0x67: {  	_ =	shalt  }
0x68: {  	_ =	shalt  }
0x69: {  	_ =	shalt  }
0x6a: {  	_ =	shalt  }
0x6b: {  	_ =	shalt  }
0x6c: {  	_ =	shalt  }
0x6d: {  	_ =	shalt  }
0x6e: {  	_ =	shalt  }
0x6f: {  	_ =	shalt  }
0x70: {  	_ =	shalt  }
0x71: {  	_ =	shalt  }
0x72: {  	_ =	shalt  }
0x73: {  	_ =	shalt  }
0x74: {  	_ =	shalt  }
0x75: {  	_ =	shalt  }
0x76: {  	_ =	shalt  }
0x77: {  	_ =	shalt  }
0x78: {  	_ =	shalt  }
0x79: {  	_ =	shalt  }
0x7a: {  	_ =	shalt  }
0x7b: {  	_ =	shalt  }
0x7c: {  	_ =	shalt  }
0x7d: {  	_ =	shalt  }
0x7e: {  	_ =	shalt  }
0x7f: {  	_ =	shalt  }
0x80: {  	_ =	shalt  }
0x81: {  	_ =	shalt  }
0x82: {  	_ =	shalt  }
0x83: {  	_ =	shalt  }
0x84: {  	_ =	shalt  }
0x85: {  	_ =	shalt  }
0x86: {  	_ =	shalt  }
0x87: {  	_ =	shalt  }
.Lfunc_end0:
.L_simem_size_0:
called_computation.1_lowered:
.L_overlay_start_0:
0x88: {  	s2 =	sld [smem:$0x3FD9]  }
0x89: {  	s3 =	sld [smem:$0x3FFE];
	_ =	sdelay $0x1  }
0x8a: {  	s1 =	srdreg.scid  }
0x8b: {  	s0 =	sand.u32 $0x1, s1  }
0x8c: {  	s16 =	sshll.u32 s0, $0xA;
	s2 =	sadd.s32 s3, s2  }
0x8d: {  	s2 =	sadd.s32 s2, s16  }
0x8e: {  	[smem:$0x3FB1] =	sst s2  }
0x8f: {  	_ = 	snop  }
0x90: {  	(tm) =	ssettm $0x1  }
0x91: {  	s17 =	sld [smem:$0x3FFB];
	_ =	sdelay $0x3  }
0x92: {  	_ =	strace s17  }
0x93: {  	s2 =	sld [smem:$0x3FFC];
	_ =	sdelay $0x3  }
0x94: {  	_ =	strace s2  }
0x95: {  	s2 =	sld [smem:$0x3FFD];
	_ =	sdelay $0x3  }
0x96: {  	_ =	strace s2  }
0x97: {  	_ =	strace $0x8FFFFFFF  }
0x98: {  	s18 =	sld [smem:$0x3FDB];
	_ =	sdelay $0x1  }
0x99: {  	s19 =	simm.s32 $_scs_section_size  }
0x9a: {  	s4 =	simm.s32 $_size__tile_overlayer_lowered;
	s5 =	simm.s32 $_tile_overlayer_lowered  }
0x9b: {  	s22 =	simm.s32 $0x1BFF;
	s21 =	sshll.u32 s5, $0x1;
	s2 =	sadd.s32 s19, s18  }
0x9c: {  	s6 =	simm.s32 $0x0;
	s20 =	sshll.u32 s4, $0x1;
	s4 =	sadd.s32 s21, s2  }
0x9d: {  	[timem:s6], [sflag:s22] =	dma.local [hbm:s4], s20  }
0x9e: {  	_ =	swait.ge [sflag:s22], s20  }
0x9f: {  	s3 =	ssub.s32 $0x0, s20;
	[sflag:s22] =	ssyncset.done $0x0  }
0xa0: {  	[sflag:s22] =	ssyncadd.s32 s3;
	_ =	sdelay $0x1  }
0xa1: {  	s23 =	simm.s32 $0x1B8B  }
0xa2: {  	_ =	swait.ge [sflag:s23], $0x1  }
0xa3: {  	[sflag:s23] =	ssyncset.done $0x0  }
0xa4: {  	s25 =	simm.s32 $0x1B8E;
	s24 =	sld [smem:$0x3FFE];
	[sflag:s23] =	ssyncadd.s32 $0xFFFFFFFF  }
0xa5: {  	s26 =	simm.s32 $execute0_lowered;
	[smem:$0x3FD2] =	sst s25  }
0xa6: {  	s4 =	sshll.u32 s26, $0x1;
	_ =	strace $0x80000049;
	[dreg:$0x1] =	wrdreg $0xFFFFFFFF  }
0xa7: {  	s28 =	simm.s32 $_size_execute0_lowered;
	s2 =	sadd.s32 s2, s4;
	[dreg:$0x0] =	wrdreg $0x0  }
0xa8: {  	s4 =	sshll.u32 s28, $0x1;
	[dreg:$0x2] =	wrdreg s2  }
0xa9: {  	[dreg:$0x3] =	wrdreg s4  }
0xaa: {  	[dreg:$0x4] =	wrdreg $0xC0  }
0xab: {  	_ =	task [dreg:s6], $0x5FFFF  }
0xac: {  	[dreg:$0x1] =	wrdreg $0xFFFFFFFF  }
0xad: {  	[dreg:$0x0] =	wrdreg $0x60  }
0xae: {  	[dreg:$0x2] =	wrdreg s24  }
0xaf: {  	[dreg:$0x3] =	wrdreg $0x95800  }
0xb0: {  	[dreg:$0x4] =	wrdreg $0x9  }
0xb1: {  	_ =	task.clear_ibuf [dreg:s6], $0x5FFFF;
	_ =	strace $0x90000049  }
0xb2: {  	s29 =	simm.s32 $0x9;
	_ =	strace $0x8000004B  }
0xb3: {  	_ =	swait.ge [sflag:s29], $0x1  }
0xb4: {  	[sflag:s29] =	ssyncadd.s32 $0xFFFFFFFF  }
0xb5: {  	_ =	strace $0x9000004B  }
0xb6: {  	_ =	sfence  }
0xb7: {  	s30 =	sld [smem:$0x0];
	_ =	sdelay $0x2  }
0xb8: {  	s31 =	sshll.u32 s1, $0xD;
	s1 =	sshrl.u32 s1, $0x2  }
0xb9: {  	s3 =	sand.u32 $0x4000, s31;
	s1 =	sadd.s32 s1, s30  }
0xba: {  	s0 =	sor.u32 s3, s0;
	s1 =	sshll.u32 s1, $0x11  }
0xbb: {  	s0 =	sor.u32 s1, s0  }
0xbc: {  	s0 =	sadd.s32 $0x8F2B, s0  }
0xbd: {  	[sflag:s0] =	ssyncadd.remote.s32 $0x1  }
0xbe: {  	_ =	sfence.sel $0xFFFF  }
0xbf: {  	[dreg:$0x0] =	wrdreg $0xFFFFFFFF;
	(pc) =	sbr.abs _section_cstart, $3  }
0xc0: {  	[dreg:$0x1] =	wrdreg $0xFFFFFFFF  }
0xc1: {  	_ =	task.clear_ibuf [dreg:s6], $0x2FFFF;
	_ =	strace $0x9FFFFFFF  }
0xc2: {  	(tm) =	ssettm $0x7FFFFFFF  }
0xc3: {  	_ =	shalt  }
tec
execute0_lowered:
.L_overlay_start_1:
0x0: {  	(tag) =	ssettag $0x1  }
0x1: {  	s0 =	rddreg [dreg:$0x0]  }
0x2: {  	s1 =	rddreg [dreg:$0x1];
	s2 =	simm.s32 $0x0;
	s5 =	srdreg.scid  }
0x3: {  	s6 =	stileid.u32;
	s28 =	simm.s32 $0x200;
	s29 =	simm.s32 $0x7  }
0x4: {  	s30 =	simm.s32 $0x100;
	s31 =	simm.s32 $0x0;
	[smem:$0x7FF] =	sst s2  }
0x5: {  	s3 =	sadd.s32 $0x2C400, s0;
	s4 =	sadd.s32 $0x53600, s0;
	s10 =	sadd.s32 $0x18800, s0  }
0x6: {  	s5 =	sand.u32 $0x1, s5;
	s20 =	sadd.s32 $0x22600, s0;
	s8 =	smul.u32 $0x4E000, s6  }
0x7: {  	s25 =	sadd.s32 $0xEA00, s0;
	s14 =	smul.u32 $0x13800, s6;
	s24 =	sadd.s32 $0x4C00, s0  }
0x8: {  	s0 =	sadd.s32 $0xC9C00, s0;
	_ =	strace $0x8000004A;
	[dreg:$0x4] =	wrdreg s20  }
0x9: {  	s18 =	smul.u32 $0x4E20, s6;
	p1 =	sne.s32 s6, $0x0;
	[dreg:$0x3] =	wrdreg s10  }
0xa: {  	s6 =	smul.u32 $0x9C4, s6;
	s7 =	ssub.s32 $0x2, s5;
	[dreg:$0x6] =	wrdreg s24  }
0xb: {  	s17 =	smul.u32 $0x138800, s5;
	p0 =	seq.s32 s5, $0x1;
	[dreg:$0x5] =	wrdreg s25  }
0xc: {  	s9 =	sshrl.u32 s7, $0x1;
	s8 =	sshrl.u32 s8, $0x2;
	s26 =	sadd.s32 $0x3400, s14  }
0xd: {  	s15 =	sadd.s32 $0x6800, s14;
	s21 =	sadd.s32 $0x9C00, s14;
	s16 =	sadd.s32 $0xD000, s14  }
0xe: {  	s18 =	sshrl.u32 s18, $0x3;
	s7 =	ssub.s32 s7, s9;
	s8 =	sadd.s32 s8, s1  }
0xf: {  	s19 =	sadd.s32 s26, s1;
	s11 =	sadd.s32 s15, s1;
	s12 =	sadd.s32 s21, s1  }
0x10: {  	s13 =	sadd.s32 s16, s1;
	s22 =	sadd.s32 s14, s17;
	[dreg:$0x7] =	wrdreg s8  }
0x11: {  	s23 =	sadd.s32 s17, s26;
	s26 =	sadd.s32 s17, s15;
	[dreg:$0x8] =	wrdreg s19  }
0x12: {  	s19 =	sadd.s32 $0x10400, s14;
	s5 =	sshrl.u32 s22, $0x3;
	s9 =	sshrl.u32 s26, $0x3  }
0x13: {  	s8 =	sadd.s32 s17, s21;
	s22 =	sadd.s32 s17, s16;
	s26 =	sshrl.u32 s17, $0x3  }
0x14: {  	s16 =	sadd.s32 $0x10, s18;
	[dreg:$0x19] =	wrdreg s11;
	s5 =	sadd.s32 s0, s5  }
0x15: {  	s14 =	sadd.s32 s19, s1;
	s15 =	sadd.s32 s0, s9;
	[dreg:$0x9] =	wrdreg s5  }
0x16: {  	s21 =	sshrl.u32 s8, $0x3;
	s9 =	sadd.s32 s10, s18;
	[dreg:$0xb] =	wrdreg s15  }
0x17: {  	s5 =	sshrl.u32 s23, $0x3;
	[dreg:$0xf] =	wrdreg s9;
	s15 =	sadd.s32 s20, s18  }
0x18: {  	s23 =	sadd.s32 s17, s19;
	s17 =	sadd.s32 s25, s18;
	[dreg:$0x10] =	wrdreg s15  }
0x19: {  	s19 =	sadd.s32 s10, s16;
	s5 =	sadd.s32 s0, s5;
	[dreg:$0x11] =	wrdreg s17  }
0x1a: {  	s8 =	sshrl.u32 s23, $0x3;
	s23 =	sadd.s32 $0x9C0, s18;
	[dreg:$0x13] =	wrdreg s19  }
0x1b: {  	s18 =	sadd.s32 s24, s18;
	s15 =	simm.s32 $0x6;
	[dreg:$0xa] =	wrdreg s5  }
0x1c: {  	s17 =	simm.s32 $0x3;
	s5 =	sadd.s32 s0, s21;
	[dreg:$0x12] =	wrdreg s18  }
0x1d: {  	s19 =	simm.s32 $0x4;
	s8 =	sadd.s32 s0, s8;
	[dreg:$0xc] =	wrdreg s5  }
0x1e: {  	s21 =	sadd.s32 s20, s16;
	s18 =	simm.s32 $0x2;
	[dreg:$0xe] =	wrdreg s8  }
0x1f: {  	s5 =	sshrl.u32 s22, $0x3;
	[dreg:$0x14] =	wrdreg s21;
	s22 =	sadd.s32 s25, s16  }
0x20: {  	s21 =	sadd.s32 s6, s20;
	s25 =	sadd.s32 s6, s25;
	s8 =	simm.s32 $0x1  }
0x21: {  	s5 =	sadd.s32 s0, s5;
	s0 =	sadd.s32 s0, s26;
	[dreg:$0x15] =	wrdreg s22  }
.Ltmp0:
0x22: {  	s26 =	smax.u32 s7, $0x1;
	s22 =	sadd.s32 s6, s10;
	(pc) =	sbr.rel .LBB2_1-.Ltmp0, $4  }
0x23: {  	s7 =	simm.s32 $0x180;
	[dreg:$0xd] =	wrdreg s5;
	s5 =	sadd.s32 s24, s16  }
0x24: {  	s0 =	sadd.s32 $0x27000, s0;
	[dreg:$0x18] =	wrdreg s26;
	s24 =	sadd.s32 s6, s24  }
0x25: {  	s26 =	sadd.s32 $0x138000, s1;
	s6 =	simm.s32 $0x80;
	[dreg:$0x16] =	wrdreg s5  }
0x26: {  	v0 =	vimm.f32 $0.0e+00;
	s16 =	simm.s32 $0x4200;
	[dreg:$0x17] =	wrdreg s0;
	s5 =	simm.s32 $0x5  }
.LBB2_6:
0x27: {  	[tilespmem:s7], [sflag:$0x6] =	stream.linear.gather [hbm4b:s9+s2], $0x80, $0x38;
	[tilespmem:$0x1CE00] =	vst v63  }
0x28: {  	s9 =	rddreg [dreg:$0x3]  }
0x29: {  	s0 =	smov.u32 s3;
	s20 =	rddreg [dreg:$0x4]  }
.LBB2_10:
0x2a: {  	_ =	swait.ge [sflag:s8], $0x4000  }
0x2b: {  	[sflag:s8] =	ssyncset.done $0x0  }
0x2c: {  	[sflag:s8] =	ssyncadd.s32 $0xFFFFC000  }
0x2d: {  	[spmem:s1] =	stream.indirect.scatter.add.f32 [tilespmem:s28], [sflag:$0x3], $0x80, s30, s6, $0xb8;
	[tilespmem:$0x1CE00] =	vst v63  }
0x2e: {  	_ =	swait.ge [sflag:s15], $0x80  }
0x2f: {  	[sflag:s15] =	ssyncset.done $0x0  }
0x30: {  	[sflag:s15] =	ssyncadd.s32 $0xFFFFFF80  }
0x31: {  	_ =	swait.ge [sflag:s15], $0x80  }
0x32: {  	[sflag:s15] =	ssyncset.done $0x0  }
0x33: {  	[sflag:s15] =	ssyncadd.s32 $0xFFFFFF80  }
0x34: {  	[tilespmem:s16], [sflag:$0x2] =	stream.indirect.gather [hbm4b:s0+s6], $0x80, s6, s6, $0xb8;
	[tilespmem:$0x1CE00] =	vst v63  }
0x35: {  	_ =	swait.ge [sflag:s17], $0x4000  }
0x36: {  	[sflag:s17] =	ssyncset.done $0x0  }
0x37: {  	[sflag:s17] =	ssyncadd.s32 $0xFFFFC000  }
0x38: {  	_ =	swait.ge [sflag:s18], $0x4000  }
0x39: {  	[sflag:s18] =	ssyncset.done $0x0  }
0x3a: {  	[sflag:s18] =	ssyncadd.s32 $0xFFFFC000  }
0x3b: {  	[spmem:s1] =	stream.indirect.scatter.add.f32 [tilespmem:s16], [sflag:$0x4], $0x80, s7, s6, $0xb8;
	[tilespmem:$0x1CE00] =	vst v63  }
0x3c: {  	_ =	swait.ge [sflag:s19], $0x4000  }
0x3d: {  	[sflag:s19] =	ssyncset.done $0x0  }
0x3e: {  	s9 =	sadd.s32 s9, s23;
	s10 =	simm.s32 $0x8200;
	[sflag:s19] =	ssyncadd.s32 $0xFFFFC000  }
0x3f: {  	[tilespmem:s10], [sflag:$0x7] =	stream.linear.gather [hbm4b:s9+s2], $0x20, $0x38;
	[tilespmem:$0x1CE00] =	vst v63  }
0x40: {  	_ =	swait.ge [sflag:s29], $0x20  }
0x41: {  	[sflag:s29] =	ssyncset.done $0x0  }
0x42: {  	s11 =	sadd.s32 s20, s23;
	s20 =	simm.s32 $0x8280;
	[sflag:s29] =	ssyncadd.s32 $0xFFFFFFE0  }
0x43: {  	[tilespmem:s20], [sflag:$0x7] =	stream.linear.gather [hbm4b:s11+s2], $0x20, $0x38;
	[tilespmem:$0x1CE00] =	vst v63  }
0x44: {  	_ =	swait.ge [sflag:s29], $0x20  }
0x45: {  	[sflag:s29] =	ssyncset.done $0x0  }
0x46: {  	s9 =	simm.s32 $0x20;
	s11 =	simm.s32 $0x8300;
	[sflag:s29] =	ssyncadd.s32 $0xFFFFFFE0  }
0x47: {  	[tilespmem:s11], [sflag:$0x1] =	stream.indirect.gather [hbm4b:s0+s9], $0x80, s10, s9, $0xb8;
	[tilespmem:$0x1CE00] =	vst v63  }
0x48: {  	_ =	swait.ge [sflag:s8], $0x1000  }
0x49: {  	[sflag:s8] =	ssyncset.done $0x0  }
0x4a: {  	[sflag:s8] =	ssyncadd.s32 $0xFFFFF000  }
0x4b: {  	[spmem:s1] =	stream.indirect.scatter.add.f32 [tilespmem:s11], [sflag:$0x7], $0x80, s20, s9, $0xb8;
	[tilespmem:$0x1CE00] =	vst v63  }
0x4c: {  	_ =	swait.ge [sflag:s29], $0x1000  }
0x4d: {  	[sflag:s29] =	ssyncset.done $0x0  }
0x4e: {  	[sflag:s29] =	ssyncadd.s32 $0xFFFFF000  }
0x4f: {  	[bflag:$0x0] =	sbarrier.arrive $0xFFFF  }
0x50: {  	s10 =	rddreg [dreg:$0x7]  }
0x51: {  	[tilespmem:s28], [sflag:$0x7] =	stream.linear.gather [spmem:s10], $0x3400, $0x38;
	[tilespmem:$0x1CE00] =	vst v63  }
0x52: {  	_ =	swait.ge [sflag:s29], $0x3400  }
0x53: {  	[sflag:s29] =	ssyncset.done $0x0  }
0x54: {  	s11 =	rddreg [dreg:$0x9];
	[sflag:s29] =	ssyncadd.s32 $0xFFFFCC00  }
0x55: {  	[hbm4b:s11+s2] =	stream.linear.scatter [tilespmem:s28], [sflag:$0x7], $0x3400, $0x38;
	[tilespmem:$0x1CE00] =	vst v63  }
0x56: {  	_ =	swait.ge [sflag:s29], $0x3400  }
0x57: {  	[sflag:s29] =	ssyncset.done $0x0  }
0x58: {  	s20 =	rddreg [dreg:$0x8];
	[sflag:s29] =	ssyncadd.s32 $0xFFFFCC00  }
0x59: {  	[tilespmem:s28], [sflag:$0x7] =	stream.linear.gather [spmem:s20], $0x3400, $0x38;
	[tilespmem:$0x1CE00] =	vst v63  }
0x5a: {  	_ =	swait.ge [sflag:s29], $0x3400  }
0x5b: {  	[sflag:s29] =	ssyncset.done $0x0  }
0x5c: {  	s9 =	rddreg [dreg:$0xa];
	[sflag:s29] =	ssyncadd.s32 $0xFFFFCC00  }
0x5d: {  	[hbm4b:s9+s2] =	stream.linear.scatter [tilespmem:s28], [sflag:$0x7], $0x3400, $0x38;
	[tilespmem:$0x1CE00] =	vst v63  }
0x5e: {  	_ =	swait.ge [sflag:s29], $0x3400  }
0x5f: {  	[sflag:s29] =	ssyncset.done $0x0  }
0x60: {  	s11 =	rddreg [dreg:$0x19];
	[sflag:s29] =	ssyncadd.s32 $0xFFFFCC00  }
0x61: {  	[tilespmem:s28], [sflag:$0x7] =	stream.linear.gather [spmem:s11], $0x3400, $0x38;
	[tilespmem:$0x1CE00] =	vst v63  }
0x62: {  	_ =	swait.ge [sflag:s29], $0x3400  }
0x63: {  	[sflag:s29] =	ssyncset.done $0x0  }
0x64: {  	s10 =	rddreg [dreg:$0xb];
	[sflag:s29] =	ssyncadd.s32 $0xFFFFCC00  }
0x65: {  	[hbm4b:s10+s2] =	stream.linear.scatter [tilespmem:s28], [sflag:$0x7], $0x3400, $0x38;
	[tilespmem:$0x1CE00] =	vst v63  }
0x66: {  	_ =	swait.ge [sflag:s29], $0x3400  }
0x67: {  	[sflag:s29] =	ssyncset.done $0x0  }
0x68: {  	[sflag:s29] =	ssyncadd.s32 $0xFFFFCC00  }
0x69: {  	[tilespmem:s28], [sflag:$0x7] =	stream.linear.gather [spmem:s12], $0x3400, $0x38;
	[tilespmem:$0x1CE00] =	vst v63  }
0x6a: {  	_ =	swait.ge [sflag:s29], $0x3400  }
0x6b: {  	[sflag:s29] =	ssyncset.done $0x0  }
0x6c: {  	s20 =	rddreg [dreg:$0xc];
	[sflag:s29] =	ssyncadd.s32 $0xFFFFCC00  }
0x6d: {  	[hbm4b:s20+s2] =	stream.linear.scatter [tilespmem:s28], [sflag:$0x7], $0x3400, $0x38;
	[tilespmem:$0x1CE00] =	vst v63  }
0x6e: {  	_ =	swait.ge [sflag:s29], $0x3400  }
0x6f: {  	[sflag:s29] =	ssyncset.done $0x0  }
0x70: {  	[sflag:s29] =	ssyncadd.s32 $0xFFFFCC00  }
0x71: {  	[tilespmem:s28], [sflag:$0x7] =	stream.linear.gather [spmem:s13], $0x3400, $0x38;
	[tilespmem:$0x1CE00] =	vst v63  }
0x72: {  	_ =	swait.ge [sflag:s29], $0x3400  }
0x73: {  	[sflag:s29] =	ssyncset.done $0x0  }
0x74: {  	s9 =	rddreg [dreg:$0xd];
	[sflag:s29] =	ssyncadd.s32 $0xFFFFCC00  }
0x75: {  	[hbm4b:s9+s2] =	stream.linear.scatter [tilespmem:s28], [sflag:$0x7], $0x3400, $0x38;
	[tilespmem:$0x1CE00] =	vst v63  }
0x76: {  	_ =	swait.ge [sflag:s29], $0x3400  }
0x77: {  	[sflag:s29] =	ssyncset.done $0x0  }
0x78: {  	[sflag:s29] =	ssyncadd.s32 $0xFFFFCC00  }
0x79: {  	[tilespmem:s28], [sflag:$0x7] =	stream.linear.gather [spmem:s14], $0x3400, $0x38;
	[tilespmem:$0x1CE00] =	vst v63  }
0x7a: {  	_ =	swait.ge [sflag:s29], $0x3400  }
0x7b: {  	[sflag:s29] =	ssyncset.done $0x0  }
0x7c: {  	s10 =	rddreg [dreg:$0xe];
	[sflag:s29] =	ssyncadd.s32 $0xFFFFCC00  }
0x7d: {  	[hbm4b:s10+s2] =	stream.linear.scatter [tilespmem:s28], [sflag:$0x7], $0x3400, $0x38;
	[tilespmem:$0x1CE00] =	vst v63  }
0x7e: {  	_ =	swait.ge [sflag:s29], $0x3400  }
0x7f: {  	[sflag:s29] =	ssyncset.done $0x0  }
0x80: {  	s0 =	simm.s32 @!p1 $0x200;
	s9 =	simm.s32 @!p1 $0x7;
	[sflag:s29] =	ssyncadd.s32 $0xFFFFCC00  }
0x81: {  	[tilespmem:s0], [sflag:$0x7] =	stream.linear.gather @!p1 [spmem:s26], $0x800, $0x38;
	[tilespmem:$0x1CE00] =	vst v63  }
0x82: {  	_ =	swait.ge @!p1 [sflag:s9], $0x800  }
0x83: {  	[sflag:s9] =	ssyncset.done @!p1 $0x0  }
0x84: {  	s10 =	simm.s32 @!p1 $0x0;
	s20 =	rddreg [dreg:$0x17];
	[sflag:s9] =	ssyncadd.s32 @!p1 $0xFFFFF800  }
0x85: {  	[hbm4b:s20+s10] =	stream.linear.scatter @!p1 [tilespmem:s0], [sflag:$0x7], $0x800, $0x38;
	[tilespmem:$0x1CE00] =	vst v63  }
0x86: {  	_ =	swait.ge @!p1 [sflag:s9], $0x800  }
0x87: {  	s31 =	sadd.s32 $0x1, s31;
	s20 =	rddreg [dreg:$0x18]  }
0x88: {  	p2 =	sne.s32 s31, s20  }
.Ltmp1:
0x89: {  	_ = 	snop;
	(pc) =	sbr.rel @!p2 .LBB2_11-.Ltmp1, $3  }
0x8a: {  	_ =	sdelay $0x1  }
0x8b: {  	[sflag:s9] =	ssyncset.done @!p1 $0x0  }
0x8c: {  	[sflag:s9] =	ssyncadd.s32 @!p1 $0xFFFFF800  }
.LBB2_1:
0x8d: {  	s0 =	simm.s32 $0x70;
	s9 =	simm.s32 $0x3C0  }
.LBB2_2:
0x8e: {  	p2 =	sne.s32 s9, $0xCFC0;
	[tilespmem:s0+$0x200] =	vst v0  }
0x8f: {  	[tilespmem:s0+$0x190] =	vst v0  }
0x90: {  	[tilespmem:s0+$0x1A0] =	vst v0  }
.Ltmp2:
0x91: {  	[tilespmem:s0+$0x1B0] =	vst v0;
	(pc) =	sbr.rel @p2 .LBB2_2-.Ltmp2, $4  }
0x92: {  	[tilespmem:s0+$0x1C0] =	vst v0  }
0x93: {  	[tilespmem:s0+$0x1D0] =	vst v0  }
0x94: {  	[tilespmem:s0+$0x1E0] =	vst v0  }
0x95: {  	[tilespmem:s0+$0x1F0] =	vst v0;
	s0 =	sshra.s32 s9, $0x2;
	s9 =	sadd.s32 $0x200, s9  }
0x96: {  	[tilespmem:s0+$0x200] =	vst v0  }
0x97: {  	[tilespmem:s0+$0x190] =	vst v0  }
0x98: {  	[tilespmem:s0+$0x1A0] =	vst v0  }
0x99: {  	[tilespmem:s0+$0x1B0] =	vst v0  }
0x9a: {  	[tilespmem:s0+$0x1C0] =	vst v0  }
0x9b: {  	[tilespmem:s0+$0x1D0] =	vst v0  }
0x9c: {  	[tilespmem:s0+$0x1E0] =	vst v0  }
0x9d: {  	[tilespmem:s0+$0x1F0] =	vst v0  }
0x9e: {  	[tilespmem:$0x9300] =	vst v0  }
0x9f: {  	[tilespmem:$0x9310] =	vst v0  }
0xa0: {  	[tilespmem:$0x9320] =	vst v0  }
0xa1: {  	[tilespmem:$0x9330] =	vst v0  }
0xa2: {  	[tilespmem:$0x9340] =	vst v0  }
0xa3: {  	[tilespmem:$0x9350] =	vst v0  }
0xa4: {  	[tilespmem:$0x9360] =	vst v0  }
0xa5: {  	[tilespmem:$0x9370] =	vst v0  }
0xa6: {  	[tilespmem:$0x9380] =	vst v0  }
0xa7: {  	[tilespmem:$0x9390] =	vst v0  }
0xa8: {  	[tilespmem:$0x93A0] =	vst v0  }
0xa9: {  	[tilespmem:$0x93B0] =	vst v0  }
0xaa: {  	[tilespmem:$0x93C0] =	vst v0  }
0xab: {  	[tilespmem:$0x93D0] =	vst v0  }
0xac: {  	[tilespmem:$0x93E0] =	vst v0  }
0xad: {  	[tilespmem:$0x93F0] =	vst v0  }
0xae: {  	[tilespmem:$0x9400] =	vst v0  }
0xaf: {  	[tilespmem:$0x9410] =	vst v0  }
0xb0: {  	[tilespmem:$0x9420] =	vst v0  }
0xb1: {  	[tilespmem:$0x9430] =	vst v0  }
0xb2: {  	[tilespmem:$0x9440] =	vst v0  }
0xb3: {  	[tilespmem:$0x9450] =	vst v0  }
0xb4: {  	[tilespmem:$0x9460] =	vst v0  }
0xb5: {  	[tilespmem:$0x9470] =	vst v0  }
0xb6: {  	[tilespmem:$0x9480] =	vst v0  }
0xb7: {  	[tilespmem:$0x9490] =	vst v0  }
0xb8: {  	[tilespmem:$0x94A0] =	vst v0  }
0xb9: {  	[tilespmem:$0x94B0] =	vst v0  }
0xba: {  	[tilespmem:$0x94C0] =	vst v0  }
0xbb: {  	[tilespmem:$0x94D0] =	vst v0  }
0xbc: {  	[tilespmem:$0x94E0] =	vst v0  }
0xbd: {  	[tilespmem:$0x94F0] =	vst v0  }
0xbe: {  	[tilespmem:$0x9500] =	vst v0  }
0xbf: {  	[tilespmem:$0x9510] =	vst v0  }
0xc0: {  	[tilespmem:$0x9520] =	vst v0  }
0xc1: {  	[tilespmem:$0x9530] =	vst v0  }
0xc2: {  	[tilespmem:$0x9540] =	vst v0  }
0xc3: {  	[tilespmem:$0x9550] =	vst v0  }
0xc4: {  	s10 =	rddreg [dreg:$0x7];
	[tilespmem:$0x9560] =	vst v0  }
0xc5: {  	[spmem:s10] =	stream.linear.scatter [tilespmem:s28], [sflag:$0x7], $0x3400, $0x38;
	[tilespmem:$0x1CE00] =	vst v63  }
0xc6: {  	_ =	swait.ge [sflag:s29], $0x3400  }
0xc7: {  	[sflag:s29] =	ssyncset.done $0x0  }
0xc8: {  	s20 =	rddreg [dreg:$0x8];
	[sflag:s29] =	ssyncadd.s32 $0xFFFFCC00  }
0xc9: {  	[spmem:s20] =	stream.linear.scatter [tilespmem:s28], [sflag:$0x7], $0x3400, $0x38;
	[tilespmem:$0x1CE00] =	vst v63  }
0xca: {  	_ =	swait.ge [sflag:s29], $0x3400  }
0xcb: {  	[sflag:s29] =	ssyncset.done $0x0  }
0xcc: {  	[sflag:s29] =	ssyncadd.s32 $0xFFFFCC00  }
0xcd: {  	[spmem:s11] =	stream.linear.scatter [tilespmem:s28], [sflag:$0x7], $0x3400, $0x38;
	[tilespmem:$0x1CE00] =	vst v63  }
0xce: {  	_ =	swait.ge [sflag:s29], $0x3400  }
0xcf: {  	[sflag:s29] =	ssyncset.done $0x0  }
0xd0: {  	[sflag:s29] =	ssyncadd.s32 $0xFFFFCC00  }
0xd1: {  	[spmem:s12] =	stream.linear.scatter [tilespmem:s28], [sflag:$0x7], $0x3400, $0x38;
	[tilespmem:$0x1CE00] =	vst v63  }
0xd2: {  	_ =	swait.ge [sflag:s29], $0x3400  }
0xd3: {  	[sflag:s29] =	ssyncset.done $0x0  }
0xd4: {  	[sflag:s29] =	ssyncadd.s32 $0xFFFFCC00  }
0xd5: {  	[spmem:s13] =	stream.linear.scatter [tilespmem:s28], [sflag:$0x7], $0x3400, $0x38;
	[tilespmem:$0x1CE00] =	vst v63  }
0xd6: {  	_ =	swait.ge [sflag:s29], $0x3400  }
0xd7: {  	[sflag:s29] =	ssyncset.done $0x0  }
0xd8: {  	[sflag:s29] =	ssyncadd.s32 $0xFFFFCC00  }
0xd9: {  	[spmem:s14] =	stream.linear.scatter [tilespmem:s28], [sflag:$0x7], $0x3400, $0x38;
	[tilespmem:$0x1CE00] =	vst v63  }
0xda: {  	_ =	swait.ge [sflag:s29], $0x3400  }
0xdb: {  	[sflag:s29] =	ssyncset.done $0x0  }
0xdc: {  	s0 =	simm.s32 @!p1 $0x200;
	[sflag:s29] =	ssyncadd.s32 $0xFFFFCC00  }
0xdd: {  	[spmem:s26] =	stream.linear.scatter @!p1 [tilespmem:s0], [sflag:$0x7], $0x800, $0x38;
	[tilespmem:$0x1CE00] =	vst v63  }
0xde: {  	s0 =	simm.s32 @!p1 $0x7  }
.Ltmp3:
0xdf: {  	_ =	swait.ge @!p1 [sflag:s0], $0x800;
	(pc) =	sbr.rel @!p0 .LBB2_4-.Ltmp3, $3  }
0xe0: {  	[sflag:s0] =	ssyncset.done @!p1 $0x0  }
0xe1: {  	[sflag:s0] =	ssyncadd.s32 @!p1 $0xFFFFF800  }
0xe2: {  	[bflag:$0x0] =	sbarrier.arrive $0xFFFF;
	_ =	sdelay $0x1  }
0xe3: {  	s0 =	rddreg [dreg:$0x11]  }
0xe4: {  	[tilespmem:s2], [sflag:$0x5] =	stream.linear.gather [hbm4b:s0+s2], $0x80, $0x38;
	[tilespmem:$0x1CE00] =	vst v63  }
0xe5: {  	s20 =	rddreg [dreg:$0x12]  }
0xe6: {  	[tilespmem:s30], [sflag:$0x5] =	stream.linear.gather [hbm4b:s20+s2], $0x80, $0x38;
	[tilespmem:$0x1CE00] =	vst v63  }
0xe7: {  	_ =	swait.ge [sflag:s5], $0x80  }
0xe8: {  	[sflag:s5] =	ssyncset.done $0x0  }
0xe9: {  	[sflag:s5] =	ssyncadd.s32 $0xFFFFFF80  }
0xea: {  	_ =	swait.ge [sflag:s5], $0x80  }
0xeb: {  	[sflag:s5] =	ssyncset.done $0x0  }
0xec: {  	s9 =	rddreg [dreg:$0x15];
	[sflag:s5] =	ssyncadd.s32 $0xFFFFFF80  }
0xed: {  	[tilespmem:s6], [sflag:$0x6] =	stream.linear.gather [hbm4b:s9+s2], $0x80, $0x38;
	[tilespmem:$0x1CE00] =	vst v63  }
0xee: {  	s10 =	rddreg [dreg:$0x16]  }
0xef: {  	[tilespmem:s7], [sflag:$0x6] =	stream.linear.gather [hbm4b:s10+s2], $0x80, $0x38;
	[tilespmem:$0x1CE00] =	vst v63  }
0xf0: {  	_ = 	snop  }
0xf1: {  	[tilespmem:s28], [sflag:$0x1] =	stream.indirect.gather [hbm4b:s4+s6], $0x80, s2, s6, $0xb8;
	[tilespmem:$0x1CE00] =	vst v63  }
0xf2: {  	_ =	swait.ge [sflag:s8], $0x4000  }
0xf3: {  	[sflag:s8] =	ssyncset.done $0x0  }
0xf4: {  	[sflag:s8] =	ssyncadd.s32 $0xFFFFC000  }
0xf5: {  	[spmem:s1] =	stream.indirect.scatter.add.f32 [tilespmem:s28], [sflag:$0x3], $0x80, s30, s6, $0xb8;
	[tilespmem:$0x1CE00] =	vst v63  }
0xf6: {  	_ =	swait.ge [sflag:s15], $0x80  }
0xf7: {  	[sflag:s15] =	ssyncset.done $0x0  }
0xf8: {  	[sflag:s15] =	ssyncadd.s32 $0xFFFFFF80  }
0xf9: {  	_ =	swait.ge [sflag:s15], $0x80  }
0xfa: {  	[sflag:s15] =	ssyncset.done $0x0  }
0xfb: {  	[sflag:s15] =	ssyncadd.s32 $0xFFFFFF80  }
0xfc: {  	[tilespmem:s16], [sflag:$0x2] =	stream.indirect.gather [hbm4b:s4+s6], $0x80, s6, s6, $0xb8;
	[tilespmem:$0x1CE00] =	vst v63  }
0xfd: {  	_ =	swait.ge [sflag:s17], $0x4000  }
0xfe: {  	s11 =	sadd.s32 $0xFFFFF660, s25;
	[sflag:s17] =	ssyncset.done $0x0  }
0xff: {  	s9 =	sadd.s32 $0x9C0, s11;
	s10 =	sadd.s32 $0xFFFFF660, s24;
	[sflag:s17] =	ssyncadd.s32 $0xFFFFC000  }
0x100: {  	[tilespmem:s2], [sflag:$0x5] =	stream.linear.gather [hbm4b:s9+s2], $0x80, $0x38;
	[tilespmem:$0x1CE00] =	vst v63  }
0x101: {  	s20 =	sadd.s32 $0x9C0, s10  }
0x102: {  	[tilespmem:s30], [sflag:$0x5] =	stream.linear.gather [hbm4b:s20+s2], $0x80, $0x38;
	[tilespmem:$0x1CE00] =	vst v63  }
0x103: {  	_ =	swait.ge [sflag:s18], $0x4000  }
0x104: {  	[sflag:s18] =	ssyncset.done $0x0  }
0x105: {  	[sflag:s18] =	ssyncadd.s32 $0xFFFFC000  }
0x106: {  	[spmem:s1] =	stream.indirect.scatter.add.f32 [tilespmem:s16], [sflag:$0x4], $0x80, s7, s6, $0xb8;
	[tilespmem:$0x1CE00] =	vst v63  }
0x107: {  	_ =	swait.ge [sflag:s5], $0x80  }
0x108: {  	[sflag:s5] =	ssyncset.done $0x0  }
0x109: {  	[sflag:s5] =	ssyncadd.s32 $0xFFFFFF80  }
0x10a: {  	_ =	swait.ge [sflag:s5], $0x80  }
0x10b: {  	[sflag:s5] =	ssyncset.done $0x0  }
0x10c: {  	[sflag:s5] =	ssyncadd.s32 $0xFFFFFF80  }
0x10d: {  	[tilespmem:s28], [sflag:$0x1] =	stream.indirect.gather [hbm4b:s4+s6], $0x80, s2, s6, $0xb8;
	[tilespmem:$0x1CE00] =	vst v63  }
0x10e: {  	_ =	swait.ge [sflag:s19], $0x4000  }
0x10f: {  	[sflag:s19] =	ssyncset.done $0x0  }
0x110: {  	s0 =	sadd.s32 $0x9D0, s11;
	[sflag:s19] =	ssyncadd.s32 $0xFFFFC000  }
0x111: {  	[tilespmem:s6], [sflag:$0x6] =	stream.linear.gather [hbm4b:s0+s2], $0x80, $0x38;
	[tilespmem:$0x1CE00] =	vst v63  }
0x112: {  	s9 =	sadd.s32 $0x9D0, s10;
	s0 =	simm.s32 $0xFFFFF680  }
.LBB2_8:
0x113: {  	[tilespmem:s7], [sflag:$0x6] =	stream.linear.gather [hbm4b:s9+s2], $0x80, $0x38;
	[tilespmem:$0x1CE00] =	vst v63  }
0x114: {  	s9 =	smov.u32 s0  }
0x115: {  	p2 =	sne.s32 s0, $0xFFFFFFE0;
	s0 =	sadd.s32 $0x20, s0;
	_ =	swait.ge [sflag:s8], $0x4000  }
0x116: {  	[sflag:s8] =	ssyncset.done $0x0  }
0x117: {  	[sflag:s8] =	ssyncadd.s32 $0xFFFFC000  }
0x118: {  	[spmem:s1] =	stream.indirect.scatter.add.f32 [tilespmem:s28], [sflag:$0x3], $0x80, s30, s6, $0xb8;
	[tilespmem:$0x1CE00] =	vst v63  }
0x119: {  	_ =	swait.ge [sflag:s15], $0x80  }
0x11a: {  	[sflag:s15] =	ssyncset.done $0x0  }
0x11b: {  	[sflag:s15] =	ssyncadd.s32 $0xFFFFFF80  }
0x11c: {  	_ =	swait.ge [sflag:s15], $0x80  }
0x11d: {  	[sflag:s15] =	ssyncset.done $0x0  }
0x11e: {  	[sflag:s15] =	ssyncadd.s32 $0xFFFFFF80  }
0x11f: {  	[tilespmem:s16], [sflag:$0x2] =	stream.indirect.gather [hbm4b:s4+s6], $0x80, s6, s6, $0xb8;
	[tilespmem:$0x1CE00] =	vst v63  }
0x120: {  	_ =	swait.ge [sflag:s17], $0x4000  }
0x121: {  	s10 =	sadd.s32 s9, s25;
	[sflag:s17] =	ssyncset.done $0x0  }
0x122: {  	s9 =	sadd.s32 s9, s24;
	s20 =	sadd.s32 $0x9C0, s10;
	[sflag:s17] =	ssyncadd.s32 $0xFFFFC000  }
0x123: {  	[tilespmem:s2], [sflag:$0x5] =	stream.linear.gather [hbm4b:s20+s2], $0x80, $0x38;
	[tilespmem:$0x1CE00] =	vst v63  }
0x124: {  	s20 =	sadd.s32 $0x9C0, s9  }
0x125: {  	[tilespmem:s30], [sflag:$0x5] =	stream.linear.gather [hbm4b:s20+s2], $0x80, $0x38;
	[tilespmem:$0x1CE00] =	vst v63  }
0x126: {  	_ =	swait.ge [sflag:s18], $0x4000  }
0x127: {  	[sflag:s18] =	ssyncset.done $0x0  }
0x128: {  	[sflag:s18] =	ssyncadd.s32 $0xFFFFC000  }
0x129: {  	[spmem:s1] =	stream.indirect.scatter.add.f32 [tilespmem:s16], [sflag:$0x4], $0x80, s7, s6, $0xb8;
	[tilespmem:$0x1CE00] =	vst v63  }
0x12a: {  	_ =	swait.ge [sflag:s5], $0x80  }
0x12b: {  	[sflag:s5] =	ssyncset.done $0x0  }
0x12c: {  	[sflag:s5] =	ssyncadd.s32 $0xFFFFFF80  }
0x12d: {  	_ =	swait.ge [sflag:s5], $0x80  }
0x12e: {  	[sflag:s5] =	ssyncset.done $0x0  }
0x12f: {  	[sflag:s5] =	ssyncadd.s32 $0xFFFFFF80  }
0x130: {  	[tilespmem:s28], [sflag:$0x1] =	stream.indirect.gather [hbm4b:s4+s6], $0x80, s2, s6, $0xb8;
	[tilespmem:$0x1CE00] =	vst v63  }
.Ltmp4:
0x131: {  	_ =	swait.ge [sflag:s19], $0x4000;
	(pc) =	sbr.rel @p2 .LBB2_8-.Ltmp4, $4  }
0x132: {  	[sflag:s19] =	ssyncset.done $0x0  }
0x133: {  	s10 =	sadd.s32 $0x9D0, s10;
	[sflag:s19] =	ssyncadd.s32 $0xFFFFC000  }
0x134: {  	[tilespmem:s6], [sflag:$0x6] =	stream.linear.gather [hbm4b:s10+s2], $0x80, $0x38;
	[tilespmem:$0x1CE00] =	vst v63  }
0x135: {  	s9 =	sadd.s32 $0x9D0, s9  }
.Ltmp5:
0x136: {  	(pc) =	sbr.rel .LBB2_10-.Ltmp5, $4  }
0x137: {  	_ = 	snop  }
0x138: {  	[tilespmem:s7], [sflag:$0x6] =	stream.linear.gather [hbm4b:s9+s2], $0x80, $0x38;
	[tilespmem:$0x1CE00] =	vst v63  }
0x139: {  	s9 =	rddreg [dreg:$0x5]  }
0x13a: {  	s0 =	smov.u32 s4;
	s20 =	rddreg [dreg:$0x6]  }
.LBB2_4:
0x13b: {  	s0 =	rddreg [dreg:$0xf]  }
0x13c: {  	[tilespmem:s2], [sflag:$0x5] =	stream.linear.gather [hbm4b:s0+s2], $0x80, $0x38;
	[tilespmem:$0x1CE00] =	vst v63  }
0x13d: {  	s11 =	rddreg [dreg:$0x10]  }
0x13e: {  	[tilespmem:s30], [sflag:$0x5] =	stream.linear.gather [hbm4b:s11+s2], $0x80, $0x38;
	[tilespmem:$0x1CE00] =	vst v63  }
0x13f: {  	_ =	swait.ge [sflag:s5], $0x80  }
0x140: {  	[sflag:s5] =	ssyncset.done $0x0  }
0x141: {  	[sflag:s5] =	ssyncadd.s32 $0xFFFFFF80  }
0x142: {  	_ =	swait.ge [sflag:s5], $0x80  }
0x143: {  	[sflag:s5] =	ssyncset.done $0x0  }
0x144: {  	s20 =	rddreg [dreg:$0x13];
	[sflag:s5] =	ssyncadd.s32 $0xFFFFFF80  }
0x145: {  	[tilespmem:s6], [sflag:$0x6] =	stream.linear.gather [hbm4b:s20+s2], $0x80, $0x38;
	[tilespmem:$0x1CE00] =	vst v63  }
0x146: {  	s9 =	rddreg [dreg:$0x14]  }
0x147: {  	[tilespmem:s7], [sflag:$0x6] =	stream.linear.gather [hbm4b:s9+s2], $0x80, $0x38;
	[tilespmem:$0x1CE00] =	vst v63  }
0x148: {  	_ = 	snop  }
0x149: {  	[tilespmem:s28], [sflag:$0x1] =	stream.indirect.gather [hbm4b:s3+s6], $0x80, s2, s6, $0xb8;
	[tilespmem:$0x1CE00] =	vst v63  }
0x14a: {  	_ =	swait.ge [sflag:s8], $0x4000  }
0x14b: {  	[sflag:s8] =	ssyncset.done $0x0  }
0x14c: {  	[sflag:s8] =	ssyncadd.s32 $0xFFFFC000  }
0x14d: {  	[spmem:s1] =	stream.indirect.scatter.add.f32 [tilespmem:s28], [sflag:$0x3], $0x80, s30, s6, $0xb8;
	[tilespmem:$0x1CE00] =	vst v63  }
0x14e: {  	_ =	swait.ge [sflag:s15], $0x80  }
0x14f: {  	[sflag:s15] =	ssyncset.done $0x0  }
0x150: {  	[sflag:s15] =	ssyncadd.s32 $0xFFFFFF80  }
0x151: {  	_ =	swait.ge [sflag:s15], $0x80  }
0x152: {  	[sflag:s15] =	ssyncset.done $0x0  }
0x153: {  	[sflag:s15] =	ssyncadd.s32 $0xFFFFFF80  }
0x154: {  	[tilespmem:s16], [sflag:$0x2] =	stream.indirect.gather [hbm4b:s3+s6], $0x80, s6, s6, $0xb8;
	[tilespmem:$0x1CE00] =	vst v63  }
0x155: {  	_ =	swait.ge [sflag:s17], $0x4000  }
0x156: {  	s10 =	sadd.s32 $0xFFFFF660, s22;
	[sflag:s17] =	ssyncset.done $0x0  }
0x157: {  	s20 =	sadd.s32 $0xFFFFF660, s21;
	s9 =	sadd.s32 $0x9C0, s10;
	[sflag:s17] =	ssyncadd.s32 $0xFFFFC000  }
0x158: {  	[tilespmem:s2], [sflag:$0x5] =	stream.linear.gather [hbm4b:s9+s2], $0x80, $0x38;
	[tilespmem:$0x1CE00] =	vst v63  }
0x159: {  	s11 =	sadd.s32 $0x9C0, s20  }
0x15a: {  	[tilespmem:s30], [sflag:$0x5] =	stream.linear.gather [hbm4b:s11+s2], $0x80, $0x38;
	[tilespmem:$0x1CE00] =	vst v63  }
0x15b: {  	_ =	swait.ge [sflag:s18], $0x4000  }
0x15c: {  	[sflag:s18] =	ssyncset.done $0x0  }
0x15d: {  	[sflag:s18] =	ssyncadd.s32 $0xFFFFC000  }
0x15e: {  	[spmem:s1] =	stream.indirect.scatter.add.f32 [tilespmem:s16], [sflag:$0x4], $0x80, s7, s6, $0xb8;
	[tilespmem:$0x1CE00] =	vst v63  }
0x15f: {  	_ =	swait.ge [sflag:s5], $0x80  }
0x160: {  	[sflag:s5] =	ssyncset.done $0x0  }
0x161: {  	[sflag:s5] =	ssyncadd.s32 $0xFFFFFF80  }
0x162: {  	_ =	swait.ge [sflag:s5], $0x80  }
0x163: {  	[sflag:s5] =	ssyncset.done $0x0  }
0x164: {  	[sflag:s5] =	ssyncadd.s32 $0xFFFFFF80  }
0x165: {  	[tilespmem:s28], [sflag:$0x1] =	stream.indirect.gather [hbm4b:s3+s6], $0x80, s2, s6, $0xb8;
	[tilespmem:$0x1CE00] =	vst v63  }
0x166: {  	_ =	swait.ge [sflag:s19], $0x4000  }
0x167: {  	[sflag:s19] =	ssyncset.done $0x0  }
0x168: {  	s0 =	sadd.s32 $0x9D0, s10;
	[sflag:s19] =	ssyncadd.s32 $0xFFFFC000  }
0x169: {  	[tilespmem:s6], [sflag:$0x6] =	stream.linear.gather [hbm4b:s0+s2], $0x80, $0x38;
	[tilespmem:$0x1CE00] =	vst v63  }
0x16a: {  	s9 =	sadd.s32 $0x9D0, s20;
	s0 =	simm.s32 $0xFFFFF680  }
.LBB2_5:
0x16b: {  	[tilespmem:s7], [sflag:$0x6] =	stream.linear.gather [hbm4b:s9+s2], $0x80, $0x38;
	[tilespmem:$0x1CE00] =	vst v63  }
0x16c: {  	s9 =	smov.u32 s0  }
0x16d: {  	p2 =	seq.s32 s0, $0xFFFFFFE0;
	s0 =	sadd.s32 $0x20, s0;
	_ =	swait.ge [sflag:s8], $0x4000  }
0x16e: {  	[sflag:s8] =	ssyncset.done $0x0  }
0x16f: {  	[sflag:s8] =	ssyncadd.s32 $0xFFFFC000  }
0x170: {  	[spmem:s1] =	stream.indirect.scatter.add.f32 [tilespmem:s28], [sflag:$0x3], $0x80, s30, s6, $0xb8;
	[tilespmem:$0x1CE00] =	vst v63  }
0x171: {  	_ =	swait.ge [sflag:s15], $0x80  }
0x172: {  	[sflag:s15] =	ssyncset.done $0x0  }
0x173: {  	[sflag:s15] =	ssyncadd.s32 $0xFFFFFF80  }
0x174: {  	_ =	swait.ge [sflag:s15], $0x80  }
0x175: {  	[sflag:s15] =	ssyncset.done $0x0  }
0x176: {  	[sflag:s15] =	ssyncadd.s32 $0xFFFFFF80  }
0x177: {  	[tilespmem:s16], [sflag:$0x2] =	stream.indirect.gather [hbm4b:s3+s6], $0x80, s6, s6, $0xb8;
	[tilespmem:$0x1CE00] =	vst v63  }
0x178: {  	_ =	swait.ge [sflag:s17], $0x4000  }
0x179: {  	s20 =	sadd.s32 s9, s22;
	[sflag:s17] =	ssyncset.done $0x0  }
0x17a: {  	s9 =	sadd.s32 s9, s21;
	s10 =	sadd.s32 $0x9C0, s20;
	[sflag:s17] =	ssyncadd.s32 $0xFFFFC000  }
0x17b: {  	[tilespmem:s2], [sflag:$0x5] =	stream.linear.gather [hbm4b:s10+s2], $0x80, $0x38;
	[tilespmem:$0x1CE00] =	vst v63  }
0x17c: {  	s10 =	sadd.s32 $0x9C0, s9  }
0x17d: {  	[tilespmem:s30], [sflag:$0x5] =	stream.linear.gather [hbm4b:s10+s2], $0x80, $0x38;
	[tilespmem:$0x1CE00] =	vst v63  }
0x17e: {  	_ =	swait.ge [sflag:s18], $0x4000  }
0x17f: {  	[sflag:s18] =	ssyncset.done $0x0  }
0x180: {  	[sflag:s18] =	ssyncadd.s32 $0xFFFFC000  }
0x181: {  	[spmem:s1] =	stream.indirect.scatter.add.f32 [tilespmem:s16], [sflag:$0x4], $0x80, s7, s6, $0xb8;
	[tilespmem:$0x1CE00] =	vst v63  }
0x182: {  	_ =	swait.ge [sflag:s5], $0x80  }
0x183: {  	[sflag:s5] =	ssyncset.done $0x0  }
0x184: {  	[sflag:s5] =	ssyncadd.s32 $0xFFFFFF80  }
0x185: {  	_ =	swait.ge [sflag:s5], $0x80  }
0x186: {  	[sflag:s5] =	ssyncset.done $0x0  }
0x187: {  	[sflag:s5] =	ssyncadd.s32 $0xFFFFFF80  }
0x188: {  	[tilespmem:s28], [sflag:$0x1] =	stream.indirect.gather [hbm4b:s3+s6], $0x80, s2, s6, $0xb8;
	[tilespmem:$0x1CE00] =	vst v63  }
.Ltmp6:
0x189: {  	_ =	swait.ge [sflag:s19], $0x4000;
	(pc) =	sbr.rel @!p2 .LBB2_5-.Ltmp6, $4  }
0x18a: {  	[sflag:s19] =	ssyncset.done $0x0  }
0x18b: {  	s10 =	sadd.s32 $0x9D0, s20;
	[sflag:s19] =	ssyncadd.s32 $0xFFFFC000  }
0x18c: {  	[tilespmem:s6], [sflag:$0x6] =	stream.linear.gather [hbm4b:s10+s2], $0x80, $0x38;
	[tilespmem:$0x1CE00] =	vst v63  }
0x18d: {  	s9 =	sadd.s32 $0x9D0, s9  }
.Ltmp7:
0x18e: {  	_ = 	snop;
	(pc) =	sbr.rel .LBB2_6-.Ltmp7, $1  }
0x18f: {  	_ =	sdelay $0x3  }
.LBB2_11:
0x190: {  	_ =	sfence.sel $0x180000  }
0x191: {  	[bflag:$0x0] =	sbarrier.arrive $0xFFFF  }
0x192: {  	_ =	strace $0x9000004A  }
0x193: {  	[bflag:$0x2] =	sbarrier.arrive $0xFFFF  }
0x194: {  	s0 =	rddreg [dreg:$0x2]  }
0x195: {  	s0 =	sadd.s32 @!p1 $0x100000, s0  }
0x196: {  	[sflag:s0] =	ssyncadd.tile.s32 @!p1 $0x1;
	_ =	shalt  }
.Lfunc_end2:
_tile_overlayer_lowered:
.L_overlay_start_2:
0x197: {  	(tag) =	ssettag $0x2  }
0x198: {  	s0 =	rddreg [dreg:$0x0];
	s2 =	stileid.u32  }
0x199: {  	s1 =	rddreg [dreg:$0x1];
	p0 =	sne.s32 s2, $0x0  }
0x19a: {  	s3 =	rddreg [dreg:$0x2];
	[bflag:$0x3] =	sbarrier.arrive $0xFFFF;
	s2 =	simm.s32 @!p0 $0x1C07  }
0x19b: {  	[timem:s3], [sflag:s2] =	dma.local @!p0 [hbm:s0], s1  }
0x19c: {  	s0 =	simm.s32 @!p0 $0x7  }
0x19d: {  	_ =	swait.ge @!p0 [sflag:s0], s1  }
0x19e: {  	s1 =	ssub.s32 @!p0 $0x0, s1;
	[sflag:s0] =	ssyncset.done @!p0 $0x0  }
0x19f: {  	[sflag:s0] =	ssyncadd.s32 @!p0 s1  }
0x1a0: {  	[bflag:$0x3] =	sbarrier.arrive $0xFFFF  }
0x1a1: {  	_ =	shalt  }

</sc_bundles>
